<compile_context>
chip_gen: v7x
topology: tpu7x:2x2x1
jax: 0.10.2.dev20260603
libtpu: 0.0.44.dev20260713+nightly
codegen_flags: <defaults>
</compile_context>

<pallas_src>
import functools

import jax
import jax.numpy as jnp
from jax import lax
from jax.experimental import pallas as pl
from jax.experimental.pallas import tpu as pltpu
from jax.experimental.pallas import tpu_sc as plsc

_N = 10000
_E = 320000
_DIN = 128
_DOUT = 128
_DG = 64

_NS = 16
_NC = 2
_NW = _NS * _NC

_CH = 128
_CHS = 64
_EPT_A = 20480
_NCH_A = _EPT_A // _CH
_NCH_S = _EPT_A // _CHS
_EPAD_A = _NS * _EPT_A
_NACC = 10240

_RPT = 320
_NOUT_B = _NW * _RPT
_ICB = 8000
_WLCAP = 11264
_NEG = -1.0e30


def _bcast_last_(v):
    return lax.gather(
        v, jnp.full((16, 1), 15, jnp.int32),
        lax.GatherDimensionNumbers(offset_dims=(), collapsed_slice_dims=(0,),
                                   start_index_map=(0,)),
        (1,), mode=lax.GatherScatterMode.PROMISE_IN_BOUNDS)


def _leaky_(v):
    return jnp.where(v >= 0, v, 0.2 * v)


def _bn_(f, scale, offset):
    mean = jnp.mean(f, axis=1, keepdims=True)
    var = jnp.var(f, axis=1, keepdims=True) + 1e-09
    return (f - mean) * scale * lax.rsqrt(var) + offset


_BPRE = 2000


def _pre_body(x_ref, w0_ref, b0_ref, w1_ref, b1_ref, a1_ref, wpg_ref, wgm_ref,
              f0_ref, g0_ref, g1_ref, z_ref):
    xb = x_ref[...]
    f0 = jnp.maximum(jnp.dot(xb, w0_ref[...], preferred_element_type=jnp.float32)
                     + b0_ref[...], 0.0)
    f1 = jnp.maximum(jnp.dot(xb, w1_ref[...], preferred_element_type=jnp.float32)
                     + b1_ref[...], 0.0)
    an = _leaky_(jnp.dot(f1, a1_ref[...], preferred_element_type=jnp.float32))
    zj = jnp.dot(xb, wpg_ref[...], preferred_element_type=jnp.float32)
    p = jnp.dot(xb, wgm_ref[...], preferred_element_type=jnp.float32)
    f0_ref[...] = f0
    g0_ref[...] = f1
    g1_ref[...] = f1 * an
    z_ref[...] = jnp.concatenate(
        [zj, p, jnp.zeros((_BPRE, 128 - _DG - 1), jnp.float32)], axis=1)


def _tc_pre(x, w0, b0, w1, b1, a1, wpg, wgm):
    nblk = _N // _BPRE
    big = pl.BlockSpec((_BPRE, 128), lambda i: (i, 0))
    rep = lambda shp: pl.BlockSpec(shp, lambda i: (0, 0))
    return pl.pallas_call(
        _pre_body,
        grid=(nblk,),
        in_specs=[
            pl.BlockSpec((_BPRE, _DIN), lambda i: (i, 0)),
            rep((_DIN, _DOUT)), rep((1, _DOUT)),
            rep((_DIN, _DOUT)), rep((1, _DOUT)),
            rep((_DOUT, 1)), rep((_DIN, _DG)), rep((_DIN, 1)),
        ],
        out_specs=[big, big, big, big],
        out_shape=[jax.ShapeDtypeStruct((_N, 128), jnp.float32)] * 4,
    )(x, w0, b0, w1, b1, a1, wpg, wgm)


_MESH = plsc.VectorSubcoreMesh(core_axis_name="c", subcore_axis_name="s")


@functools.partial(
    pl.kernel,
    mesh=_MESH,
    compiler_params=pltpu.CompilerParams(needs_layout_passes=False),
    out_type=[jax.ShapeDtypeStruct((_N, 128), jnp.float32),
              jax.ShapeDtypeStruct((_N, 128), jnp.float32)],
    scratch_types=[
        pltpu.VMEM((8, _CH), jnp.int32),
        pltpu.VMEM((8, _CH), jnp.int32),
        pltpu.VMEM((_CH, 128), jnp.float32),
        pltpu.VMEM((_CH, 128), jnp.float32),
        pltpu.VMEM_SHARED((_NACC, 128), jnp.float32),
        pltpu.SemaphoreType.DMA,
        pltpu.SemaphoreType.DMA,
        pltpu.SemaphoreType.DMA,
        pltpu.SemaphoreType.DMA,
    ],
)
def _sc_sums(g0, g1, rowc, colc, zhbm, s1, s2, rows_v, cols_v, st0, st1, acc,
             gs0, gs1, ss0, ss1):
    c = lax.axis_index("c")
    s = lax.axis_index("s")

    if True:
        base = s * (_NACC // _NS)

        def _zacc(k, carry):
            pltpu.sync_copy(zhbm, acc.at[pl.ds(base + k * _CH, _CH)])
            return carry
        lax.fori_loop(0, _NACC // _NS // _CH, _zacc, 0)
        plsc.subcore_barrier()

        def _edge_loop(gsrc):
            sts = (st0, st1)
            gss = (gs0, gs1)
            sss = (ss0, ss1)

            def _blk(b, carry):
                pltpu.sync_copy(rowc.at[pl.ds(s * _NCH_A + b * 8, 8)], rows_v)
                pltpu.sync_copy(colc.at[pl.ds(s * _NCH_A + b * 8, 8)], cols_v)
                hg = [pltpu.async_copy(gsrc.at[cols_v.at[j]], sts[j], gss[j])
                      for j in range(2)]
                hs = [None, None]
                for j in range(8):
                    p = j % 2
                    hg[p].wait()
                    hs[p] = pltpu.async_copy(sts[p], acc.at[rows_v.at[j]],
                                             sss[p], add=True)
                    if j + 2 < 8:
                        hs[p].wait()
                        hg[p] = pltpu.async_copy(gsrc.at[cols_v.at[j + 2]],
                                                 sts[p], gss[p])
                hs[0].wait()
                hs[1].wait()
                return carry
            lax.fori_loop(0, _NCH_A // 8, _blk, 0)

        @pl.when(c == 0)
        def _():
            _edge_loop(g0)

        @pl.when(c == 1)
        def _():
            _edge_loop(g1)

        plsc.subcore_barrier()

        ob = s * 624

        @pl.when(c == 0)
        def _():
            pltpu.sync_copy(acc.at[pl.ds(ob, 624)], s1.at[pl.ds(ob, 624)])

            @pl.when(s == 0)
            def _():
                pltpu.sync_copy(acc.at[pl.ds(9984, 16)], s1.at[pl.ds(9984, 16)])

        @pl.when(c == 1)
        def _():
            pltpu.sync_copy(acc.at[pl.ds(ob, 624)], s2.at[pl.ds(ob, 624)])

            @pl.when(s == 0)
            def _():
                pltpu.sync_copy(acc.at[pl.ds(9984, 16)], s2.at[pl.ds(9984, 16)])



_NCH_C = _EPAD_A // _CH // _NW


@functools.partial(
    pl.kernel,
    mesh=_MESH,
    compiler_params=pltpu.CompilerParams(needs_layout_passes=False),
    out_type=[jax.ShapeDtypeStruct((_N, 128), jnp.float32),
              jax.ShapeDtypeStruct((_N, 128), jnp.float32)],
    scratch_types=[
        pltpu.VMEM((8, _CH), jnp.int32),
        pltpu.VMEM((8, _CH), jnp.int32),
        pltpu.VMEM((8, _CH), jnp.float32),
        pltpu.VMEM((_CH, 128), jnp.float32),
        pltpu.VMEM((_CH, 128), jnp.float32),
        pltpu.VMEM_SHARED((_NACC, 128), jnp.float32),
        pltpu.SemaphoreType.DMA,
        pltpu.SemaphoreType.DMA,
        pltpu.SemaphoreType.DMA,
        pltpu.SemaphoreType.DMA,
    ],
)
def _sc_nmean(xt, rowc, colc, evc, zhbm, nm0, nm1, rows_v, cols_v, ev_v,
              st0, st1, acc, gs0, gs1, ss0, ss1):
    c = lax.axis_index("c")
    s = lax.axis_index("s")
    w = c * _NS + s
    lane = lax.iota(jnp.int32, 16)

    base = s * (_NACC // _NS)

    def _zacc(k, carry):
        pltpu.sync_copy(zhbm, acc.at[pl.ds(base + k * _CH, _CH)])
        return carry
    lax.fori_loop(0, _NACC // _NS // _CH, _zacc, 0)
    plsc.subcore_barrier()

    sts = (st0, st1)
    gss = (gs0, gs1)
    sss = (ss0, ss1)

    def _blk(b, carry):
        off = w * _NCH_C + b * 8
        pltpu.sync_copy(rowc.at[pl.ds(off, 8)], rows_v)
        pltpu.sync_copy(colc.at[pl.ds(off, 8)], cols_v)
        pltpu.sync_copy(evc.at[pl.ds(off, 8)], ev_v)
        hg = [pltpu.async_copy(xt.at[cols_v.at[j]], sts[j], gss[j])
              for j in range(2)]
        hs = [None, None]
        for j in range(8):
            p = j % 2
            hg[p].wait()
            jsp = jnp.full((16,), j, jnp.int32)
            stp = sts[p]

            def _scale(e, carry2, _jsp=jsp, _stp=stp):
                esp = jnp.full((16,), e, jnp.int32)
                evsp = plsc.load_gather(ev_v, [_jsp, esp])
                for k in range(8):
                    v = plsc.load_gather(_stp, [esp, lane + k * 16])
                    plsc.store_scatter(_stp, [esp, lane + k * 16], v * evsp)
                return carry2

            lax.fori_loop(0, _CH, _scale, 0)
            hs[p] = pltpu.async_copy(stp, acc.at[rows_v.at[j]], sss[p],
                                     add=True)
            if j + 2 < 8:
                hs[p].wait()
                hg[p] = pltpu.async_copy(xt.at[cols_v.at[j + 2]], sts[p],
                                         gss[p])
        hs[0].wait()
        hs[1].wait()
        return carry

    lax.fori_loop(0, _NCH_C // 8, _blk, 0)
    plsc.subcore_barrier()

    ob = s * 624

    @pl.when(c == 0)
    def _():
        pltpu.sync_copy(acc.at[pl.ds(ob, 624)], nm0.at[pl.ds(ob, 624)])

        @pl.when(s == 0)
        def _():
            pltpu.sync_copy(acc.at[pl.ds(9984, 16)], nm0.at[pl.ds(9984, 16)])

    @pl.when(c == 1)
    def _():
        pltpu.sync_copy(acc.at[pl.ds(ob, 624)], nm1.at[pl.ds(ob, 624)])

        @pl.when(s == 0)
        def _():
            pltpu.sync_copy(acc.at[pl.ds(9984, 16)], nm1.at[pl.ds(9984, 16)])


@functools.partial(
    pl.kernel,
    mesh=_MESH,
    compiler_params=pltpu.CompilerParams(needs_layout_passes=False),
    out_type=jax.ShapeDtypeStruct((_NOUT_B, 128), jnp.float32),
    scratch_types=[
        pltpu.VMEM((_ICB,), jnp.int32),
        pltpu.VMEM((_ICB,), jnp.int32),
        pltpu.VMEM((_ICB,), jnp.float32),
        pltpu.SemaphoreType.DMA,
        pltpu.VMEM((_WLCAP,), jnp.int32),
        pltpu.VMEM((_WLCAP,), jnp.int32),
        pltpu.VMEM((_WLCAP,), jnp.float32),
        pltpu.VMEM((_CH, 128), jnp.float32),
        pltpu.VMEM((_RPT, 128), jnp.float32),
        pltpu.SemaphoreType.DMA,
    ],
)
def _sc_maxscal(z, rowh, colh, evh, inith, out, rowb, colb, evb, semin, wlc,
                wlr, wle, stage, acc, sem):
    c = lax.axis_index("c")
    s = lax.axis_index("s")
    w = s * _NC + c
    lo = w * _RPT
    lane = lax.iota(jnp.int32, 16)

    pltpu.sync_copy(inith, acc)

    zi = jnp.zeros((16,), jnp.int32)

    def _zw(i, carry):
        wlc[pl.ds(i * 16, 16)] = zi
        return carry
    lax.fori_loop(0, _WLCAP // 16, _zw, 0)

    def _chunk(t, offc):
        base = t * _ICB
        h1 = pltpu.async_copy(rowh.at[pl.ds(base, _ICB)], rowb, semin)
        h2 = pltpu.async_copy(colh.at[pl.ds(base, _ICB)], colb, semin)
        h3 = pltpu.async_copy(evh.at[pl.ds(base, _ICB)], evb, semin)
        h1.wait()
        h2.wait()
        h3.wait()

        def _scan(j, off):
            rva = rowb[pl.ds(j * 32, 16)]
            rvb = rowb[pl.ds(j * 32 + 16, 16)]
            ma = (rva >= lo) & (rva < lo + _RPT)
            mb = (rvb >= lo) & (rvb < lo + _RPT)
            ca = jnp.cumsum(ma.astype(jnp.int32))
            cb = jnp.cumsum(mb.astype(jnp.int32))
            cva = colb[pl.ds(j * 32, 16)]
            cvb = colb[pl.ds(j * 32 + 16, 16)]
            eva = evb[pl.ds(j * 32, 16)]
            evb2 = evb[pl.ds(j * 32 + 16, 16)]
            offb = off + _bcast_last_(ca)
            pa = off + ca - 1
            pb = offb + cb - 1
            mma = ma & (pa < _WLCAP)
            mmb = mb & (pb < _WLCAP)
            plsc.store_scatter(wlr, [pa], rva, mask=mma)
            plsc.store_scatter(wlc, [pa], cva, mask=mma)
            plsc.store_scatter(wle, [pa], eva, mask=mma)
            plsc.store_scatter(wlr, [pb], rvb, mask=mmb)
            plsc.store_scatter(wlc, [pb], cvb, mask=mmb)
            plsc.store_scatter(wle, [pb], evb2, mask=mmb)
            return offb + _bcast_last_(cb)

        return lax.fori_loop(0, _ICB // 32, _scan, offc)

    offs = lax.fori_loop(0, _E // _ICB, _chunk, jnp.zeros((16,), jnp.int32))
    plsc.subcore_barrier()
    cnt = jnp.max(offs)

    def _sub(sc, carry):
        pltpu.async_copy(z.at[wlc.at[pl.ds(sc * _CH, _CH)]], stage, sem).wait()

        def _edge(e, carry2):
            evec = jnp.full((16,), e, jnp.int32)
            rsp = plsc.load_gather(wlr, [evec]) - lo
            jsp = evec - sc * _CH
            for k in range(4):
                zv = plsc.load_gather(stage, [jsp, lane + k * 16])
                av = plsc.load_gather(acc, [rsp, lane + k * 16])
                plsc.store_scatter(acc, [rsp, lane + k * 16],
                                   jnp.maximum(av, zv))
            evv = plsc.load_gather(wle, [evec])
            pv = plsc.load_gather(stage, [jsp, lane + 64])
            contrib = jnp.where(lane == 0, evv * pv,
                                jnp.where(lane == 1, 1.0, 0.0))
            a5 = plsc.load_gather(acc, [rsp, lane + 64])
            plsc.store_scatter(acc, [rsp, lane + 64], a5 + contrib)
            return carry2

        lax.fori_loop(sc * _CH, jnp.minimum(cnt, (sc + 1) * _CH), _edge, 0)
        return carry

    lax.fori_loop(0, (cnt + _CH - 1) // _CH, _sub, 0)

    pltpu.sync_copy(acc, out.at[pl.ds(lo, _RPT)])


def _post_body(x_ref, f0_ref, s1_ref, s2_ref, mxp_ref, nm0_ref, nm1_ref,
               a0_ref, wgx_ref, wgz_ref, wgm_ref, sc0_ref, of0_ref, sc1_ref,
               of1_ref, out_ref):
    xb = x_ref[...]
    f0 = f0_ref[...]
    att_self = _leaky_(jnp.dot(f0, a0_ref[...], preferred_element_type=jnp.float32))
    q = jnp.dot(xb, wgx_ref[...], preferred_element_type=jnp.float32)
    mxp = mxp_ref[...]
    mx = mxp[:, :_DG]
    deg = mxp[:, _DG + 1:_DG + 2]
    nmean = nm0_ref[...] + nm1_ref[...]
    t = jnp.dot(mx, wgz_ref[...], preferred_element_type=jnp.float32)
    sm = jnp.dot(nmean, wgm_ref[...], preferred_element_type=jnp.float32)
    gate = q + jnp.where(deg > 0, t, 0.0) + sm
    f1agg = gate * (att_self * s1_ref[...] + s2_ref[...])
    out_ref[...] = (_bn_(f0, sc0_ref[...], of0_ref[...]) +
                    _bn_(f1agg, sc1_ref[...], of1_ref[...]))


def _tc_post(x, f0, s1, s2, mxp, nm0, nm1, a0, wgx, wgz, wgm, sc0, of0,
             sc1, of1):
    nblk = _N // _BPRE
    big = pl.BlockSpec((_BPRE, 128), lambda i: (i, 0))
    rep = lambda shp: pl.BlockSpec(shp, lambda i: (0, 0))
    return pl.pallas_call(
        _post_body,
        grid=(nblk,),
        in_specs=[big, big, big, big, big, big, big,
                  rep((_DOUT, 1)), rep((_DIN, 1)), rep((_DG, 1)), rep((_DIN, 1)),
                  rep((1, _DOUT)), rep((1, _DOUT)), rep((1, _DOUT)), rep((1, _DOUT))],
        out_specs=big,
        out_shape=jax.ShapeDtypeStruct((_N, _DOUT), jnp.float32),
    )(x, f0, s1, s2, mxp, nm0, nm1, a0, wgx, wgz, wgm, sc0, of0, sc1, of1)


def kernel(x, edge_index, edge_vals, W0, b0, W1, b1, att0, offset0, scale0,
           offset1, scale1, weight_gate, weight_pool_gate):
    row = edge_index[0]
    col = edge_index[1]

    a0 = att0[0, :_DOUT].reshape(_DOUT, 1)
    a1 = att0[0, _DOUT:].reshape(_DOUT, 1)
    wgx = weight_gate[:_DIN].reshape(_DIN, 1)
    wgz = weight_gate[_DIN:_DIN + _DG].reshape(_DG, 1)
    wgm = weight_gate[_DIN + _DG:].reshape(_DIN, 1)

    f0, g0, g1, zt = _tc_pre(x, W0, b0.reshape(1, _DOUT), W1,
                             b1.reshape(1, _DOUT), a1, weight_pool_gate, wgm)

    npad = _EPAD_A - _E
    rowp = jnp.concatenate([row, jnp.full((npad,), _N, jnp.int32)])
    colp = jnp.concatenate([col, jnp.zeros((npad,), jnp.int32)])
    rowc = rowp.reshape(_EPAD_A // _CH, _CH)
    colc = colp.reshape(_EPAD_A // _CH, _CH)
    rowcs = rowp.reshape(_EPAD_A // _CHS, _CHS)
    colcs = colp.reshape(_EPAD_A // _CHS, _CHS)

    zhbm = jnp.zeros((_CH, 128), jnp.float32)
    inith = jnp.broadcast_to(
        jnp.concatenate([jnp.full((_DG,), _NEG, jnp.float32),
                         jnp.zeros((128 - _DG,), jnp.float32)])[None, :],
        (_RPT, 128))
    evp = jnp.concatenate([edge_vals, jnp.zeros((npad,), jnp.float32)])
    evc = evp.reshape(_EPAD_A // _CH, _CH)

    s1, s2 = _sc_sums(g0, g1, rowc, colc, zhbm)
    nm0, nm1 = _sc_nmean(x, rowc, colc, evc, zhbm)
    mxp = _sc_maxscal(zt, row, col, edge_vals, inith)

    return _tc_post(x, f0, s1, s2, mxp, nm0, nm1, a0, wgx, wgz, wgm,
                    scale0.reshape(1, _DOUT), offset0.reshape(1, _DOUT),
                    scale1.reshape(1, _DOUT), offset1.reshape(1, _DOUT))

# --- scband reference (transcript-rebuilt; emitter-appended) ---
"""Pipeline reference for scband-gated-attention-aggregator-24893630447804 (READ-ONLY COPY).

The authoritative reference and input builder live on the scoring server;
editing this copy changes nothing except your own understanding.
"""

import jax, jax.numpy as jnp
import numpy as np

N = 10000
E = 320000
DIN = 128
DOUT = 128
DGATE = 64


def setup_inputs(seed: int = 0) -> dict:
    key = jax.random.key(seed)
    ks = jax.random.split(key, 16)
    x = jax.random.normal(ks[0], (N, DIN), dtype=jnp.float32)
    edge_index = jax.random.randint(ks[1], (2, E), 0, N, dtype=jnp.int32)
    edge_vals = jax.random.uniform(ks[2], (E,), dtype=jnp.float32)
    W0 = jax.random.normal(ks[3], (DIN, DOUT), dtype=jnp.float32) * 0.05
    b0 = jnp.zeros((DOUT,), dtype=jnp.float32)
    W1 = jax.random.normal(ks[4], (DIN, DOUT), dtype=jnp.float32) * 0.05
    b1 = jnp.zeros((DOUT,), dtype=jnp.float32)
    att0 = jax.random.normal(ks[5], (1, 2 * DOUT), dtype=jnp.float32) * 0.05
    offset0 = jnp.zeros((DOUT,), dtype=jnp.float32)
    scale0 = jnp.ones((DOUT,), dtype=jnp.float32)
    offset1 = jnp.zeros((DOUT,), dtype=jnp.float32)
    scale1 = jnp.ones((DOUT,), dtype=jnp.float32)
    weight_gate = jax.random.normal(ks[6], (2 * DIN + DGATE, 1), dtype=jnp.float32) * 0.05
    weight_pool_gate = jax.random.normal(ks[7], (DIN, DGATE), dtype=jnp.float32) * 0.05
    return {"x": x, "edge_index": edge_index, "edge_vals": edge_vals,
            "W0": W0, "b0": b0, "W1": W1, "b1": b1, "att0": att0,
            "offset0": offset0, "scale0": scale0, "offset1": offset1, "scale1": scale1,
            "weight_gate": weight_gate, "weight_pool_gate": weight_pool_gate}


def _leaky(v):
    return jnp.where(v >= 0, v, 0.2 * v)


def _bn(f, scale, offset):
    mean = jnp.mean(f, axis=1, keepdims=True)
    var = jnp.var(f, axis=1, keepdims=True) + 1e-09
    return (f - mean) * scale * jax.lax.rsqrt(var) + offset


def reference(x, edge_index, edge_vals, W0, b0, W1, b1, att0, offset0, scale0, offset1, scale1, weight_gate, weight_pool_gate):
    row = edge_index[0]
    col = edge_index[1]

    # gate value (GaAN eq. 3)
    zj = x @ weight_pool_gate                                   # [N, DGATE]
    neigh_zj = jax.ops.segment_max(zj[col], row, num_segments=N)
    deg = jax.ops.segment_sum(jnp.ones((E,), dtype=jnp.float32), row, num_segments=N)
    neigh_zj = jnp.where(deg[:, None] > 0, neigh_zj, 0.0)
    neigh_mean = jax.ops.segment_sum(edge_vals[:, None] * x[col], row, num_segments=N)
    gate_feat = jnp.concatenate([x, neigh_zj, neigh_mean], axis=1)
    gate_value = gate_feat @ weight_gate                        # [N, 1]

    # per-order feature transforms (order=1, mulhead=1)
    feat0 = jax.nn.relu(x @ W0 + b0)                            # [N, DOUT]
    feat1 = jax.nn.relu(x @ W1 + b1)                            # [N, DOUT]

    # attention aggregation: feat_self = feat0, feat_neigh = feat1
    att_self = _leaky(feat0 @ att0[0, :DOUT])                   # [N]
    att_neigh = _leaky(feat1 @ att0[0, DOUT:])                  # [N]
    edge_att = att_self[row] + att_neigh[col]                   # [E]
    feat1_agg = jax.ops.segment_sum(edge_att[:, None] * feat1[col], row, num_segments=N)
    feat1_agg = feat1_agg * gate_value[:, 0:1]

    # per-node (row-wise) norm with learned scale/offset
    f0 = _bn(feat0, scale0, offset0)
    f1 = _bn(feat1_agg, scale1, offset1)

    # aggr == 'mean': sum of partials
    feat_out = f0 + f1
    return feat_out

if __name__ == "__main__":
    import jax
    _d = setup_inputs()
    print(jax.jit(kernel)(*tuple(_d.values())))

</pallas_src>

<mosaic_0001>
#map = affine_map<(d0, d1) -> (0, 0)>
module attributes {stable_mosaic.version = 14 : i64} {
  func.func @_sc_sums(%arg0: i32, %arg1: i32, %arg2: memref<10000x128xf32, #tpu.memory_space<hbm>>, %arg3: memref<10000x128xf32, #tpu.memory_space<hbm>>, %arg4: memref<2560x128xi32, #tpu.memory_space<hbm>>, %arg5: memref<2560x128xi32, #tpu.memory_space<hbm>>, %arg6: memref<128x128xf32, #tpu.memory_space<hbm>>, %arg7: memref<10000x128xf32, #tpu.memory_space<hbm>>, %arg8: memref<10000x128xf32, #tpu.memory_space<hbm>>, %arg9: memref<8x128xi32, #tpu.memory_space<vmem>>, %arg10: memref<8x128xi32, #tpu.memory_space<vmem>>, %arg11: memref<128x128xf32, #tpu.memory_space<vmem>>, %arg12: memref<128x128xf32, #tpu.memory_space<vmem>>, %arg13: memref<10240x128xf32, #tpu.memory_space<vmem_shared>>, %arg14: memref<!tpu.dma_semaphore, #tpu.memory_space<semaphore_mem>>, %arg15: memref<!tpu.dma_semaphore, #tpu.memory_space<semaphore_mem>>, %arg16: memref<!tpu.dma_semaphore, #tpu.memory_space<semaphore_mem>>, %arg17: memref<!tpu.dma_semaphore, #tpu.memory_space<semaphore_mem>>) attributes {dimension_semantics = [#tpu.dimension_semantics<core_parallel>, #tpu.dimension_semantics<subcore_parallel>], iteration_bounds = array<i64: 2, 16>, scalar_prefetch = 0 : i64, scratch_operands = 9 : i64, tpu.core_type = #tpu.core_type<sc_vector_subcore>, window_params = [{transform_indices = #map}, {transform_indices = #map}, {transform_indices = #map}, {transform_indices = #map}, {transform_indices = #map}, {transform_indices = #map}, {transform_indices = #map}]} {
    %mul3A = arith.constant 640 : i32
    %mul3A_0 = arith.muli %arg1, %mul3A : i32
    %scan3A = arith.constant 0 : i32
    %scan3A_1 = arith.constant 0 : i32
    %scan3A_2 = arith.constant 5 : i32
    %scan3A_3 = arith.addi %scan3A_1, %scan3A_2 : i32
    %scan3A_4 = arith.constant 1 : i32
    scf.for %scan3A_26 = %scan3A_1 to %scan3A_3 step %scan3A_4  : i32 {
      %mul3A_27 = arith.constant 128 : i32
      %mul3A_28 = arith.muli %scan3A_26, %mul3A_27 : i32
      %add3A = arith.addi %mul3A_0, %mul3A_28 : i32
      "tpu.region"() ({
        %run_scoped3A = tpu.sem_alloc : memref<!tpu.dma_semaphore, #tpu.memory_space<semaphore_mem>>
        %dma_start3A = arith.constant 0 : i32
        %dma_start3A_29 = tpu.memref_slice %arg13[%add3A, %dma_start3A] : memref<10240x128xf32, #tpu.memory_space<vmem_shared>> -> memref<128x128xf32, #tpu.memory_space<vmem_shared>>
        tpu.enqueue_dma source(%arg6 : memref<128x128xf32, #tpu.memory_space<hbm>>) target(%dma_start3A_29 : memref<128x128xf32, #tpu.memory_space<vmem_shared>>) target_semaphore(%run_scoped3A : memref<!tpu.dma_semaphore, #tpu.memory_space<semaphore_mem>>)
        %dma_wait3A = arith.constant 0 : i32
        %dma_wait3A_30 = tpu.memref_slice %arg13[%add3A, %dma_wait3A] : memref<10240x128xf32, #tpu.memory_space<vmem_shared>> -> memref<128x128xf32, #tpu.memory_space<vmem_shared>>
        tpu.wait_dma2 semaphore(%run_scoped3A : memref<!tpu.dma_semaphore, #tpu.memory_space<semaphore_mem>>) src(%arg6 : memref<128x128xf32, #tpu.memory_space<hbm>>) dst(%dma_wait3A_30 : memref<128x128xf32, #tpu.memory_space<vmem_shared>>)
        tpu.yield
      }) : () -> ()
    }
    %scan3A_5 = arith.constant 5 : i32
    %barrier3A = arith.constant 0 : index
    tpu.barrier barrier_id(%barrier3A)
    %eq3A = arith.constant 0 : i32
    %eq3A_6 = arith.cmpi eq, %arg0, %eq3A : i32
    %convert_element_type3A = arith.extui %eq3A_6 : i1 to i32
    %cond3A = arith.constant 0 : i32
    %cond3A_7 = arith.cmpi ne, %convert_element_type3A, %cond3A : i32
    scf.if %cond3A_7 {
      %scan3A_26 = arith.constant 0 : i32
      %scan3A_27 = arith.constant 0 : i32
      %scan3A_28 = arith.constant 20 : i32
      %scan3A_29 = arith.addi %scan3A_27, %scan3A_28 : i32
      %scan3A_30 = arith.constant 1 : i32
      scf.for %scan3A_32 = %scan3A_27 to %scan3A_29 step %scan3A_30  : i32 {
        %mul3A_33 = arith.constant 160 : i32
        %mul3A_34 = arith.muli %arg1, %mul3A_33 : i32
        %mul3A_35 = arith.constant 8 : i32
        %mul3A_36 = arith.muli %scan3A_32, %mul3A_35 : i32
        %add3A = arith.addi %mul3A_34, %mul3A_36 : i32
        "tpu.region"() ({
          %run_scoped3A = tpu.sem_alloc : memref<!tpu.dma_semaphore, #tpu.memory_space<semaphore_mem>>
          %dma_start3A_264 = arith.constant 0 : i32
          %dma_start3A_265 = tpu.memref_slice %arg4[%add3A, %dma_start3A_264] : memref<2560x128xi32, #tpu.memory_space<hbm>> -> memref<8x128xi32, #tpu.memory_space<hbm>>
          %dma_start3A_266 = arith.constant 0 : i32
          %dma_start3A_267 = tpu.memref_slice %arg4[%add3A, %dma_start3A_266] : memref<2560x128xi32, #tpu.memory_space<hbm>> -> memref<8x128xi32, #tpu.memory_space<hbm>>
          tpu.enqueue_dma source(%dma_start3A_267 : memref<8x128xi32, #tpu.memory_space<hbm>>) target(%arg9 : memref<8x128xi32, #tpu.memory_space<vmem>>) target_semaphore(%run_scoped3A : memref<!tpu.dma_semaphore, #tpu.memory_space<semaphore_mem>>)
          %dma_wait3A_268 = arith.constant 0 : i32
          %dma_wait3A_269 = tpu.memref_slice %arg4[%add3A, %dma_wait3A_268] : memref<2560x128xi32, #tpu.memory_space<hbm>> -> memref<8x128xi32, #tpu.memory_space<hbm>>
          %dma_wait3A_270 = arith.constant 0 : i32
          %dma_wait3A_271 = tpu.memref_slice %arg4[%add3A, %dma_wait3A_270] : memref<2560x128xi32, #tpu.memory_space<hbm>> -> memref<8x128xi32, #tpu.memory_space<hbm>>
          tpu.wait_dma2 semaphore(%run_scoped3A : memref<!tpu.dma_semaphore, #tpu.memory_space<semaphore_mem>>) src(%dma_wait3A_271 : memref<8x128xi32, #tpu.memory_space<hbm>>) dst(%arg9 : memref<8x128xi32, #tpu.memory_space<vmem>>)
          tpu.yield
        }) : () -> ()
        %mul3A_37 = arith.constant 160 : i32
        %mul3A_38 = arith.muli %arg1, %mul3A_37 : i32
        %mul3A_39 = arith.constant 8 : i32
        %mul3A_40 = arith.muli %scan3A_32, %mul3A_39 : i32
        %add3A_41 = arith.addi %mul3A_38, %mul3A_40 : i32
        "tpu.region"() ({
          %run_scoped3A = tpu.sem_alloc : memref<!tpu.dma_semaphore, #tpu.memory_space<semaphore_mem>>
          %dma_start3A_264 = arith.constant 0 : i32
          %dma_start3A_265 = tpu.memref_slice %arg5[%add3A_41, %dma_start3A_264] : memref<2560x128xi32, #tpu.memory_space<hbm>> -> memref<8x128xi32, #tpu.memory_space<hbm>>
          %dma_start3A_266 = arith.constant 0 : i32
          %dma_start3A_267 = tpu.memref_slice %arg5[%add3A_41, %dma_start3A_266] : memref<2560x128xi32, #tpu.memory_space<hbm>> -> memref<8x128xi32, #tpu.memory_space<hbm>>
          tpu.enqueue_dma source(%dma_start3A_267 : memref<8x128xi32, #tpu.memory_space<hbm>>) target(%arg10 : memref<8x128xi32, #tpu.memory_space<vmem>>) target_semaphore(%run_scoped3A : memref<!tpu.dma_semaphore, #tpu.memory_space<semaphore_mem>>)
          %dma_wait3A_268 = arith.constant 0 : i32
          %dma_wait3A_269 = tpu.memref_slice %arg5[%add3A_41, %dma_wait3A_268] : memref<2560x128xi32, #tpu.memory_space<hbm>> -> memref<8x128xi32, #tpu.memory_space<hbm>>
          %dma_wait3A_270 = arith.constant 0 : i32
          %dma_wait3A_271 = tpu.memref_slice %arg5[%add3A_41, %dma_wait3A_270] : memref<2560x128xi32, #tpu.memory_space<hbm>> -> memref<8x128xi32, #tpu.memory_space<hbm>>
          tpu.wait_dma2 semaphore(%run_scoped3A : memref<!tpu.dma_semaphore, #tpu.memory_space<semaphore_mem>>) src(%dma_wait3A_271 : memref<8x128xi32, #tpu.memory_space<hbm>>) dst(%arg10 : memref<8x128xi32, #tpu.memory_space<vmem>>)
          tpu.yield
        }) : () -> ()
        %dma_start3A = arith.constant 0 : i32
        %dma_start3A_42 = arith.constant 0 : i32
        %dma_start3A_43 = tpu.memref_slice %arg10[%dma_start3A, %dma_start3A_42] : memref<8x128xi32, #tpu.memory_space<vmem>> -> memref<1x128xi32, #tpu.memory_space<vmem>>
        %dma_start3A_44 = tpu.memref_squeeze %dma_start3A_43 : memref<1x128xi32, #tpu.memory_space<vmem>> -> memref<128xi32, #tpu.memory_space<vmem>>
        %dma_start3A_45 = arith.constant 0 : i32
        %dma_start3A_46 = arith.constant 0 : i32
        %dma_start3A_47 = tpu.memref_slice %arg2[%dma_start3A_45, %dma_start3A_46] : memref<10000x128xf32, #tpu.memory_space<hbm>> -> memref<10000x128xf32, #tpu.memory_space<hbm>>
        tpu.enqueue_indirect_dma source(%dma_start3A_47 : memref<10000x128xf32, #tpu.memory_space<hbm>>) target(%arg11 : memref<128x128xf32, #tpu.memory_space<vmem>>) offsets(%dma_start3A_44 : memref<128xi32, #tpu.memory_space<vmem>>) semaphore(%arg14 : memref<!tpu.dma_semaphore, #tpu.memory_space<semaphore_mem>>)
        %dma_start3A_48 = arith.constant 1 : i32
        %dma_start3A_49 = arith.constant 0 : i32
        %dma_start3A_50 = tpu.memref_slice %arg10[%dma_start3A_48, %dma_start3A_49] : memref<8x128xi32, #tpu.memory_space<vmem>> -> memref<1x128xi32, #tpu.memory_space<vmem>>
        %dma_start3A_51 = tpu.memref_squeeze %dma_start3A_50 : memref<1x128xi32, #tpu.memory_space<vmem>> -> memref<128xi32, #tpu.memory_space<vmem>>
        %dma_start3A_52 = arith.constant 0 : i32
        %dma_start3A_53 = arith.constant 0 : i32
        %dma_start3A_54 = tpu.memref_slice %arg2[%dma_start3A_52, %dma_start3A_53] : memref<10000x128xf32, #tpu.memory_space<hbm>> -> memref<10000x128xf32, #tpu.memory_space<hbm>>
        tpu.enqueue_indirect_dma source(%dma_start3A_54 : memref<10000x128xf32, #tpu.memory_space<hbm>>) target(%arg12 : memref<128x128xf32, #tpu.memory_space<vmem>>) offsets(%dma_start3A_51 : memref<128xi32, #tpu.memory_space<vmem>>) semaphore(%arg15 : memref<!tpu.dma_semaphore, #tpu.memory_space<semaphore_mem>>)
        %dma_wait3A = arith.constant 0 : i32
        %dma_wait3A_55 = arith.constant 0 : i32
        %dma_wait3A_56 = tpu.memref_slice %arg10[%dma_wait3A, %dma_wait3A_55] : memref<8x128xi32, #tpu.memory_space<vmem>> -> memref<1x128xi32, #tpu.memory_space<vmem>>
        %dma_wait3A_57 = tpu.memref_squeeze %dma_wait3A_56 : memref<1x128xi32, #tpu.memory_space<vmem>> -> memref<128xi32, #tpu.memory_space<vmem>>
        %dma_wait3A_58 = arith.constant 0 : i32
        %dma_wait3A_59 = arith.constant 0 : i32
        %dma_wait3A_60 = tpu.memref_slice %arg2[%dma_wait3A_58, %dma_wait3A_59] : memref<10000x128xf32, #tpu.memory_space<hbm>> -> memref<10000x128xf32, #tpu.memory_space<hbm>>
        tpu.wait_indirect_dma semaphore(%arg14 : memref<!tpu.dma_semaphore, #tpu.memory_space<semaphore_mem>>) src(%dma_wait3A_60 : memref<10000x128xf32, #tpu.memory_space<hbm>>) dst(%arg11 : memref<128x128xf32, #tpu.memory_space<vmem>>)
        %dma_start3A_61 = arith.constant 0 : i32
        %dma_start3A_62 = arith.constant 0 : i32
        %dma_start3A_63 = tpu.memref_slice %arg9[%dma_start3A_61, %dma_start3A_62] : memref<8x128xi32, #tpu.memory_space<vmem>> -> memref<1x128xi32, #tpu.memory_space<vmem>>
        %dma_start3A_64 = tpu.memref_squeeze %dma_start3A_63 : memref<1x128xi32, #tpu.memory_space<vmem>> -> memref<128xi32, #tpu.memory_space<vmem>>
        %dma_start3A_65 = arith.constant 0 : i32
        %dma_start3A_66 = arith.constant 0 : i32
        %dma_start3A_67 = tpu.memref_slice %arg13[%dma_start3A_65, %dma_start3A_66] : memref<10240x128xf32, #tpu.memory_space<vmem_shared>> -> memref<10240x128xf32, #tpu.memory_space<vmem_shared>>
        tpu.enqueue_indirect_dma source(%arg11 : memref<128x128xf32, #tpu.memory_space<vmem>>) target(%dma_start3A_67 : memref<10240x128xf32, #tpu.memory_space<vmem_shared>>) offsets(%dma_start3A_64 : memref<128xi32, #tpu.memory_space<vmem>>) semaphore(%arg16 : memref<!tpu.dma_semaphore, #tpu.memory_space<semaphore_mem>>) {add = true}
        %dma_wait3A_68 = arith.constant 0 : i32
        %dma_wait3A_69 = arith.constant 0 : i32
        %dma_wait3A_70 = tpu.memref_slice %arg9[%dma_wait3A_68, %dma_wait3A_69] : memref<8x128xi32, #tpu.memory_space<vmem>> -> memref<1x128xi32, #tpu.memory_space<vmem>>
        %dma_wait3A_71 = tpu.memref_squeeze %dma_wait3A_70 : memref<1x128xi32, #tpu.memory_space<vmem>> -> memref<128xi32, #tpu.memory_space<vmem>>
        %dma_wait3A_72 = arith.constant 0 : i32
        %dma_wait3A_73 = arith.constant 0 : i32
        %dma_wait3A_74 = tpu.memref_slice %arg13[%dma_wait3A_72, %dma_wait3A_73] : memref<10240x128xf32, #tpu.memory_space<vmem_shared>> -> memref<10240x128xf32, #tpu.memory_space<vmem_shared>>
        tpu.wait_indirect_dma semaphore(%arg16 : memref<!tpu.dma_semaphore, #tpu.memory_space<semaphore_mem>>) src(%arg11 : memref<128x128xf32, #tpu.memory_space<vmem>>) dst(%dma_wait3A_74 : memref<10240x128xf32, #tpu.memory_space<vmem_shared>>)
        %dma_start3A_75 = arith.constant 2 : i32
        %dma_start3A_76 = arith.constant 0 : i32
        %dma_start3A_77 = tpu.memref_slice %arg10[%dma_start3A_75, %dma_start3A_76] : memref<8x128xi32, #tpu.memory_space<vmem>> -> memref<1x128xi32, #tpu.memory_space<vmem>>
        %dma_start3A_78 = tpu.memref_squeeze %dma_start3A_77 : memref<1x128xi32, #tpu.memory_space<vmem>> -> memref<128xi32, #tpu.memory_space<vmem>>
        %dma_start3A_79 = arith.constant 0 : i32
        %dma_start3A_80 = arith.constant 0 : i32
        %dma_start3A_81 = tpu.memref_slice %arg2[%dma_start3A_79, %dma_start3A_80] : memref<10000x128xf32, #tpu.memory_space<hbm>> -> memref<10000x128xf32, #tpu.memory_space<hbm>>
        tpu.enqueue_indirect_dma source(%dma_start3A_81 : memref<10000x128xf32, #tpu.memory_space<hbm>>) target(%arg11 : memref<128x128xf32, #tpu.memory_space<vmem>>) offsets(%dma_start3A_78 : memref<128xi32, #tpu.memory_space<vmem>>) semaphore(%arg14 : memref<!tpu.dma_semaphore, #tpu.memory_space<semaphore_mem>>)
        %dma_wait3A_82 = arith.constant 1 : i32
        %dma_wait3A_83 = arith.constant 0 : i32
        %dma_wait3A_84 = tpu.memref_slice %arg10[%dma_wait3A_82, %dma_wait3A_83] : memref<8x128xi32, #tpu.memory_space<vmem>> -> memref<1x128xi32, #tpu.memory_space<vmem>>
        %dma_wait3A_85 = tpu.memref_squeeze %dma_wait3A_84 : memref<1x128xi32, #tpu.memory_space<vmem>> -> memref<128xi32, #tpu.memory_space<vmem>>
        %dma_wait3A_86 = arith.constant 0 : i32
        %dma_wait3A_87 = arith.constant 0 : i32
        %dma_wait3A_88 = tpu.memref_slice %arg2[%dma_wait3A_86, %dma_wait3A_87] : memref<10000x128xf32, #tpu.memory_space<hbm>> -> memref<10000x128xf32, #tpu.memory_space<hbm>>
        tpu.wait_indirect_dma semaphore(%arg15 : memref<!tpu.dma_semaphore, #tpu.memory_space<semaphore_mem>>) src(%dma_wait3A_88 : memref<10000x128xf32, #tpu.memory_space<hbm>>) dst(%arg12 : memref<128x128xf32, #tpu.memory_space<vmem>>)
        %dma_start3A_89 = arith.constant 1 : i32
        %dma_start3A_90 = arith.constant 0 : i32
        %dma_start3A_91 = tpu.memref_slice %arg9[%dma_start3A_89, %dma_start3A_90] : memref<8x128xi32, #tpu.memory_space<vmem>> -> memref<1x128xi32, #tpu.memory_space<vmem>>
        %dma_start3A_92 = tpu.memref_squeeze %dma_start3A_91 : memref<1x128xi32, #tpu.memory_space<vmem>> -> memref<128xi32, #tpu.memory_space<vmem>>
        %dma_start3A_93 = arith.constant 0 : i32
        %dma_start3A_94 = arith.constant 0 : i32
        %dma_start3A_95 = tpu.memref_slice %arg13[%dma_start3A_93, %dma_start3A_94] : memref<10240x128xf32, #tpu.memory_space<vmem_shared>> -> memref<10240x128xf32, #tpu.memory_space<vmem_shared>>
        tpu.enqueue_indirect_dma source(%arg12 : memref<128x128xf32, #tpu.memory_space<vmem>>) target(%dma_start3A_95 : memref<10240x128xf32, #tpu.memory_space<vmem_shared>>) offsets(%dma_start3A_92 : memref<128xi32, #tpu.memory_space<vmem>>) semaphore(%arg17 : memref<!tpu.dma_semaphore, #tpu.memory_space<semaphore_mem>>) {add = true}
        %dma_wait3A_96 = arith.constant 1 : i32
        %dma_wait3A_97 = arith.constant 0 : i32
        %dma_wait3A_98 = tpu.memref_slice %arg9[%dma_wait3A_96, %dma_wait3A_97] : memref<8x128xi32, #tpu.memory_space<vmem>> -> memref<1x128xi32, #tpu.memory_space<vmem>>
        %dma_wait3A_99 = tpu.memref_squeeze %dma_wait3A_98 : memref<1x128xi32, #tpu.memory_space<vmem>> -> memref<128xi32, #tpu.memory_space<vmem>>
        %dma_wait3A_100 = arith.constant 0 : i32
        %dma_wait3A_101 = arith.constant 0 : i32
        %dma_wait3A_102 = tpu.memref_slice %arg13[%dma_wait3A_100, %dma_wait3A_101] : memref<10240x128xf32, #tpu.memory_space<vmem_shared>> -> memref<10240x128xf32, #tpu.memory_space<vmem_shared>>
        tpu.wait_indirect_dma semaphore(%arg17 : memref<!tpu.dma_semaphore, #tpu.memory_space<semaphore_mem>>) src(%arg12 : memref<128x128xf32, #tpu.memory_space<vmem>>) dst(%dma_wait3A_102 : memref<10240x128xf32, #tpu.memory_space<vmem_shared>>)
        %dma_start3A_103 = arith.constant 3 : i32
        %dma_start3A_104 = arith.constant 0 : i32
        %dma_start3A_105 = tpu.memref_slice %arg10[%dma_start3A_103, %dma_start3A_104] : memref<8x128xi32, #tpu.memory_space<vmem>> -> memref<1x128xi32, #tpu.memory_space<vmem>>
        %dma_start3A_106 = tpu.memref_squeeze %dma_start3A_105 : memref<1x128xi32, #tpu.memory_space<vmem>> -> memref<128xi32, #tpu.memory_space<vmem>>
        %dma_start3A_107 = arith.constant 0 : i32
        %dma_start3A_108 = arith.constant 0 : i32
        %dma_start3A_109 = tpu.memref_slice %arg2[%dma_start3A_107, %dma_start3A_108] : memref<10000x128xf32, #tpu.memory_space<hbm>> -> memref<10000x128xf32, #tpu.memory_space<hbm>>
        tpu.enqueue_indirect_dma source(%dma_start3A_109 : memref<10000x128xf32, #tpu.memory_space<hbm>>) target(%arg12 : memref<128x128xf32, #tpu.memory_space<vmem>>) offsets(%dma_start3A_106 : memref<128xi32, #tpu.memory_space<vmem>>) semaphore(%arg15 : memref<!tpu.dma_semaphore, #tpu.memory_space<semaphore_mem>>)
        %dma_wait3A_110 = arith.constant 2 : i32
        %dma_wait3A_111 = arith.constant 0 : i32
        %dma_wait3A_112 = tpu.memref_slice %arg10[%dma_wait3A_110, %dma_wait3A_111] : memref<8x128xi32, #tpu.memory_space<vmem>> -> memref<1x128xi32, #tpu.memory_space<vmem>>
        %dma_wait3A_113 = tpu.memref_squeeze %dma_wait3A_112 : memref<1x128xi32, #tpu.memory_space<vmem>> -> memref<128xi32, #tpu.memory_space<vmem>>
        %dma_wait3A_114 = arith.constant 0 : i32
        %dma_wait3A_115 = arith.constant 0 : i32
        %dma_wait3A_116 = tpu.memref_slice %arg2[%dma_wait3A_114, %dma_wait3A_115] : memref<10000x128xf32, #tpu.memory_space<hbm>> -> memref<10000x128xf32, #tpu.memory_space<hbm>>
        tpu.wait_indirect_dma semaphore(%arg14 : memref<!tpu.dma_semaphore, #tpu.memory_space<semaphore_mem>>) src(%dma_wait3A_116 : memref<10000x128xf32, #tpu.memory_space<hbm>>) dst(%arg11 : memref<128x128xf32, #tpu.memory_space<vmem>>)
        %dma_start3A_117 = arith.constant 2 : i32
        %dma_start3A_118 = arith.constant 0 : i32
        %dma_start3A_119 = tpu.memref_slice %arg9[%dma_start3A_117, %dma_start3A_118] : memref<8x128xi32, #tpu.memory_space<vmem>> -> memref<1x128xi32, #tpu.memory_space<vmem>>
        %dma_start3A_120 = tpu.memref_squeeze %dma_start3A_119 : memref<1x128xi32, #tpu.memory_space<vmem>> -> memref<128xi32, #tpu.memory_space<vmem>>
        %dma_start3A_121 = arith.constant 0 : i32
        %dma_start3A_122 = arith.constant 0 : i32
        %dma_start3A_123 = tpu.memref_slice %arg13[%dma_start3A_121, %dma_start3A_122] : memref<10240x128xf32, #tpu.memory_space<vmem_shared>> -> memref<10240x128xf32, #tpu.memory_space<vmem_shared>>
        tpu.enqueue_indirect_dma source(%arg11 : memref<128x128xf32, #tpu.memory_space<vmem>>) target(%dma_start3A_123 : memref<10240x128xf32, #tpu.memory_space<vmem_shared>>) offsets(%dma_start3A_120 : memref<128xi32, #tpu.memory_space<vmem>>) semaphore(%arg16 : memref<!tpu.dma_semaphore, #tpu.memory_space<semaphore_mem>>) {add = true}
        %dma_wait3A_124 = arith.constant 2 : i32
        %dma_wait3A_125 = arith.constant 0 : i32
        %dma_wait3A_126 = tpu.memref_slice %arg9[%dma_wait3A_124, %dma_wait3A_125] : memref<8x128xi32, #tpu.memory_space<vmem>> -> memref<1x128xi32, #tpu.memory_space<vmem>>
        %dma_wait3A_127 = tpu.memref_squeeze %dma_wait3A_126 : memref<1x128xi32, #tpu.memory_space<vmem>> -> memref<128xi32, #tpu.memory_space<vmem>>
        %dma_wait3A_128 = arith.constant 0 : i32
        %dma_wait3A_129 = arith.constant 0 : i32
        %dma_wait3A_130 = tpu.memref_slice %arg13[%dma_wait3A_128, %dma_wait3A_129] : memref<10240x128xf32, #tpu.memory_space<vmem_shared>> -> memref<10240x128xf32, #tpu.memory_space<vmem_shared>>
        tpu.wait_indirect_dma semaphore(%arg16 : memref<!tpu.dma_semaphore, #tpu.memory_space<semaphore_mem>>) src(%arg11 : memref<128x128xf32, #tpu.memory_space<vmem>>) dst(%dma_wait3A_130 : memref<10240x128xf32, #tpu.memory_space<vmem_shared>>)
        %dma_start3A_131 = arith.constant 4 : i32
        %dma_start3A_132 = arith.constant 0 : i32
        %dma_start3A_133 = tpu.memref_slice %arg10[%dma_start3A_131, %dma_start3A_132] : memref<8x128xi32, #tpu.memory_space<vmem>> -> memref<1x128xi32, #tpu.memory_space<vmem>>
        %dma_start3A_134 = tpu.memref_squeeze %dma_start3A_133 : memref<1x128xi32, #tpu.memory_space<vmem>> -> memref<128xi32, #tpu.memory_space<vmem>>
        %dma_start3A_135 = arith.constant 0 : i32
        %dma_start3A_136 = arith.constant 0 : i32
        %dma_start3A_137 = tpu.memref_slice %arg2[%dma_start3A_135, %dma_start3A_136] : memref<10000x128xf32, #tpu.memory_space<hbm>> -> memref<10000x128xf32, #tpu.memory_space<hbm>>
        tpu.enqueue_indirect_dma source(%dma_start3A_137 : memref<10000x128xf32, #tpu.memory_space<hbm>>) target(%arg11 : memref<128x128xf32, #tpu.memory_space<vmem>>) offsets(%dma_start3A_134 : memref<128xi32, #tpu.memory_space<vmem>>) semaphore(%arg14 : memref<!tpu.dma_semaphore, #tpu.memory_space<semaphore_mem>>)
        %dma_wait3A_138 = arith.constant 3 : i32
        %dma_wait3A_139 = arith.constant 0 : i32
        %dma_wait3A_140 = tpu.memref_slice %arg10[%dma_wait3A_138, %dma_wait3A_139] : memref<8x128xi32, #tpu.memory_space<vmem>> -> memref<1x128xi32, #tpu.memory_space<vmem>>
        %dma_wait3A_141 = tpu.memref_squeeze %dma_wait3A_140 : memref<1x128xi32, #tpu.memory_space<vmem>> -> memref<128xi32, #tpu.memory_space<vmem>>
        %dma_wait3A_142 = arith.constant 0 : i32
        %dma_wait3A_143 = arith.constant 0 : i32
        %dma_wait3A_144 = tpu.memref_slice %arg2[%dma_wait3A_142, %dma_wait3A_143] : memref<10000x128xf32, #tpu.memory_space<hbm>> -> memref<10000x128xf32, #tpu.memory_space<hbm>>
        tpu.wait_indirect_dma semaphore(%arg15 : memref<!tpu.dma_semaphore, #tpu.memory_space<semaphore_mem>>) src(%dma_wait3A_144 : memref<10000x128xf32, #tpu.memory_space<hbm>>) dst(%arg12 : memref<128x128xf32, #tpu.memory_space<vmem>>)
        %dma_start3A_145 = arith.constant 3 : i32
        %dma_start3A_146 = arith.constant 0 : i32
        %dma_start3A_147 = tpu.memref_slice %arg9[%dma_start3A_145, %dma_start3A_146] : memref<8x128xi32, #tpu.memory_space<vmem>> -> memref<1x128xi32, #tpu.memory_space<vmem>>
        %dma_start3A_148 = tpu.memref_squeeze %dma_start3A_147 : memref<1x128xi32, #tpu.memory_space<vmem>> -> memref<128xi32, #tpu.memory_space<vmem>>
        %dma_start3A_149 = arith.constant 0 : i32
        %dma_start3A_150 = arith.constant 0 : i32
        %dma_start3A_151 = tpu.memref_slice %arg13[%dma_start3A_149, %dma_start3A_150] : memref<10240x128xf32, #tpu.memory_space<vmem_shared>> -> memref<10240x128xf32, #tpu.memory_space<vmem_shared>>
        tpu.enqueue_indirect_dma source(%arg12 : memref<128x128xf32, #tpu.memory_space<vmem>>) target(%dma_start3A_151 : memref<10240x128xf32, #tpu.memory_space<vmem_shared>>) offsets(%dma_start3A_148 : memref<128xi32, #tpu.memory_space<vmem>>) semaphore(%arg17 : memref<!tpu.dma_semaphore, #tpu.memory_space<semaphore_mem>>) {add = true}
        %dma_wait3A_152 = arith.constant 3 : i32
        %dma_wait3A_153 = arith.constant 0 : i32
        %dma_wait3A_154 = tpu.memref_slice %arg9[%dma_wait3A_152, %dma_wait3A_153] : memref<8x128xi32, #tpu.memory_space<vmem>> -> memref<1x128xi32, #tpu.memory_space<vmem>>
        %dma_wait3A_155 = tpu.memref_squeeze %dma_wait3A_154 : memref<1x128xi32, #tpu.memory_space<vmem>> -> memref<128xi32, #tpu.memory_space<vmem>>
        %dma_wait3A_156 = arith.constant 0 : i32
        %dma_wait3A_157 = arith.constant 0 : i32
        %dma_wait3A_158 = tpu.memref_slice %arg13[%dma_wait3A_156, %dma_wait3A_157] : memref<10240x128xf32, #tpu.memory_space<vmem_shared>> -> memref<10240x128xf32, #tpu.memory_space<vmem_shared>>
        tpu.wait_indirect_dma semaphore(%arg17 : memref<!tpu.dma_semaphore, #tpu.memory_space<semaphore_mem>>) src(%arg12 : memref<128x128xf32, #tpu.memory_space<vmem>>) dst(%dma_wait3A_158 : memref<10240x128xf32, #tpu.memory_space<vmem_shared>>)
        %dma_start3A_159 = arith.constant 5 : i32
        %dma_start3A_160 = arith.constant 0 : i32
        %dma_start3A_161 = tpu.memref_slice %arg10[%dma_start3A_159, %dma_start3A_160] : memref<8x128xi32, #tpu.memory_space<vmem>> -> memref<1x128xi32, #tpu.memory_space<vmem>>
        %dma_start3A_162 = tpu.memref_squeeze %dma_start3A_161 : memref<1x128xi32, #tpu.memory_space<vmem>> -> memref<128xi32, #tpu.memory_space<vmem>>
        %dma_start3A_163 = arith.constant 0 : i32
        %dma_start3A_164 = arith.constant 0 : i32
        %dma_start3A_165 = tpu.memref_slice %arg2[%dma_start3A_163, %dma_start3A_164] : memref<10000x128xf32, #tpu.memory_space<hbm>> -> memref<10000x128xf32, #tpu.memory_space<hbm>>
        tpu.enqueue_indirect_dma source(%dma_start3A_165 : memref<10000x128xf32, #tpu.memory_space<hbm>>) target(%arg12 : memref<128x128xf32, #tpu.memory_space<vmem>>) offsets(%dma_start3A_162 : memref<128xi32, #tpu.memory_space<vmem>>) semaphore(%arg15 : memref<!tpu.dma_semaphore, #tpu.memory_space<semaphore_mem>>)
        %dma_wait3A_166 = arith.constant 4 : i32
        %dma_wait3A_167 = arith.constant 0 : i32
        %dma_wait3A_168 = tpu.memref_slice %arg10[%dma_wait3A_166, %dma_wait3A_167] : memref<8x128xi32, #tpu.memory_space<vmem>> -> memref<1x128xi32, #tpu.memory_space<vmem>>
        %dma_wait3A_169 = tpu.memref_squeeze %dma_wait3A_168 : memref<1x128xi32, #tpu.memory_space<vmem>> -> memref<128xi32, #tpu.memory_space<vmem>>
        %dma_wait3A_170 = arith.constant 0 : i32
        %dma_wait3A_171 = arith.constant 0 : i32
        %dma_wait3A_172 = tpu.memref_slice %arg2[%dma_wait3A_170, %dma_wait3A_171] : memref<10000x128xf32, #tpu.memory_space<hbm>> -> memref<10000x128xf32, #tpu.memory_space<hbm>>
        tpu.wait_indirect_dma semaphore(%arg14 : memref<!tpu.dma_semaphore, #tpu.memory_space<semaphore_mem>>) src(%dma_wait3A_172 : memref<10000x128xf32, #tpu.memory_space<hbm>>) dst(%arg11 : memref<128x128xf32, #tpu.memory_space<vmem>>)
        %dma_start3A_173 = arith.constant 4 : i32
        %dma_start3A_174 = arith.constant 0 : i32
        %dma_start3A_175 = tpu.memref_slice %arg9[%dma_start3A_173, %dma_start3A_174] : memref<8x128xi32, #tpu.memory_space<vmem>> -> memref<1x128xi32, #tpu.memory_space<vmem>>
        %dma_start3A_176 = tpu.memref_squeeze %dma_start3A_175 : memref<1x128xi32, #tpu.memory_space<vmem>> -> memref<128xi32, #tpu.memory_space<vmem>>
        %dma_start3A_177 = arith.constant 0 : i32
        %dma_start3A_178 = arith.constant 0 : i32
        %dma_start3A_179 = tpu.memref_slice %arg13[%dma_start3A_177, %dma_start3A_178] : memref<10240x128xf32, #tpu.memory_space<vmem_shared>> -> memref<10240x128xf32, #tpu.memory_space<vmem_shared>>
        tpu.enqueue_indirect_dma source(%arg11 : memref<128x128xf32, #tpu.memory_space<vmem>>) target(%dma_start3A_179 : memref<10240x128xf32, #tpu.memory_space<vmem_shared>>) offsets(%dma_start3A_176 : memref<128xi32, #tpu.memory_space<vmem>>) semaphore(%arg16 : memref<!tpu.dma_semaphore, #tpu.memory_space<semaphore_mem>>) {add = true}
        %dma_wait3A_180 = arith.constant 4 : i32
        %dma_wait3A_181 = arith.constant 0 : i32
        %dma_wait3A_182 = tpu.memref_slice %arg9[%dma_wait3A_180, %dma_wait3A_181] : memref<8x128xi32, #tpu.memory_space<vmem>> -> memref<1x128xi32, #tpu.memory_space<vmem>>
        %dma_wait3A_183 = tpu.memref_squeeze %dma_wait3A_182 : memref<1x128xi32, #tpu.memory_space<vmem>> -> memref<128xi32, #tpu.memory_space<vmem>>
        %dma_wait3A_184 = arith.constant 0 : i32
        %dma_wait3A_185 = arith.constant 0 : i32
        %dma_wait3A_186 = tpu.memref_slice %arg13[%dma_wait3A_184, %dma_wait3A_185] : memref<10240x128xf32, #tpu.memory_space<vmem_shared>> -> memref<10240x128xf32, #tpu.memory_space<vmem_shared>>
        tpu.wait_indirect_dma semaphore(%arg16 : memref<!tpu.dma_semaphore, #tpu.memory_space<semaphore_mem>>) src(%arg11 : memref<128x128xf32, #tpu.memory_space<vmem>>) dst(%dma_wait3A_186 : memref<10240x128xf32, #tpu.memory_space<vmem_shared>>)
        %dma_start3A_187 = arith.constant 6 : i32
        %dma_start3A_188 = arith.constant 0 : i32
        %dma_start3A_189 = tpu.memref_slice %arg10[%dma_start3A_187, %dma_start3A_188] : memref<8x128xi32, #tpu.memory_space<vmem>> -> memref<1x128xi32, #tpu.memory_space<vmem>>
        %dma_start3A_190 = tpu.memref_squeeze %dma_start3A_189 : memref<1x128xi32, #tpu.memory_space<vmem>> -> memref<128xi32, #tpu.memory_space<vmem>>
        %dma_start3A_191 = arith.constant 0 : i32
        %dma_start3A_192 = arith.constant 0 : i32
        %dma_start3A_193 = tpu.memref_slice %arg2[%dma_start3A_191, %dma_start3A_192] : memref<10000x128xf32, #tpu.memory_space<hbm>> -> memref<10000x128xf32, #tpu.memory_space<hbm>>
        tpu.enqueue_indirect_dma source(%dma_start3A_193 : memref<10000x128xf32, #tpu.memory_space<hbm>>) target(%arg11 : memref<128x128xf32, #tpu.memory_space<vmem>>) offsets(%dma_start3A_190 : memref<128xi32, #tpu.memory_space<vmem>>) semaphore(%arg14 : memref<!tpu.dma_semaphore, #tpu.memory_space<semaphore_mem>>)
        %dma_wait3A_194 = arith.constant 5 : i32
        %dma_wait3A_195 = arith.constant 0 : i32
        %dma_wait3A_196 = tpu.memref_slice %arg10[%dma_wait3A_194, %dma_wait3A_195] : memref<8x128xi32, #tpu.memory_space<vmem>> -> memref<1x128xi32, #tpu.memory_space<vmem>>
        %dma_wait3A_197 = tpu.memref_squeeze %dma_wait3A_196 : memref<1x128xi32, #tpu.memory_space<vmem>> -> memref<128xi32, #tpu.memory_space<vmem>>
        %dma_wait3A_198 = arith.constant 0 : i32
        %dma_wait3A_199 = arith.constant 0 : i32
        %dma_wait3A_200 = tpu.memref_slice %arg2[%dma_wait3A_198, %dma_wait3A_199] : memref<10000x128xf32, #tpu.memory_space<hbm>> -> memref<10000x128xf32, #tpu.memory_space<hbm>>
        tpu.wait_indirect_dma semaphore(%arg15 : memref<!tpu.dma_semaphore, #tpu.memory_space<semaphore_mem>>) src(%dma_wait3A_200 : memref<10000x128xf32, #tpu.memory_space<hbm>>) dst(%arg12 : memref<128x128xf32, #tpu.memory_space<vmem>>)
        %dma_start3A_201 = arith.constant 5 : i32
        %dma_start3A_202 = arith.constant 0 : i32
        %dma_start3A_203 = tpu.memref_slice %arg9[%dma_start3A_201, %dma_start3A_202] : memref<8x128xi32, #tpu.memory_space<vmem>> -> memref<1x128xi32, #tpu.memory_space<vmem>>
        %dma_start3A_204 = tpu.memref_squeeze %dma_start3A_203 : memref<1x128xi32, #tpu.memory_space<vmem>> -> memref<128xi32, #tpu.memory_space<vmem>>
        %dma_start3A_205 = arith.constant 0 : i32
        %dma_start3A_206 = arith.constant 0 : i32
        %dma_start3A_207 = tpu.memref_slice %arg13[%dma_start3A_205, %dma_start3A_206] : memref<10240x128xf32, #tpu.memory_space<vmem_shared>> -> memref<10240x128xf32, #tpu.memory_space<vmem_shared>>
        tpu.enqueue_indirect_dma source(%arg12 : memref<128x128xf32, #tpu.memory_space<vmem>>) target(%dma_start3A_207 : memref<10240x128xf32, #tpu.memory_space<vmem_shared>>) offsets(%dma_start3A_204 : memref<128xi32, #tpu.memory_space<vmem>>) semaphore(%arg17 : memref<!tpu.dma_semaphore, #tpu.memory_space<semaphore_mem>>) {add = true}
        %dma_wait3A_208 = arith.constant 5 : i32
        %dma_wait3A_209 = arith.constant 0 : i32
        %dma_wait3A_210 = tpu.memref_slice %arg9[%dma_wait3A_208, %dma_wait3A_209] : memref<8x128xi32, #tpu.memory_space<vmem>> -> memref<1x128xi32, #tpu.memory_space<vmem>>
        %dma_wait3A_211 = tpu.memref_squeeze %dma_wait3A_210 : memref<1x128xi32, #tpu.memory_space<vmem>> -> memref<128xi32, #tpu.memory_space<vmem>>
        %dma_wait3A_212 = arith.constant 0 : i32
        %dma_wait3A_213 = arith.constant 0 : i32
        %dma_wait3A_214 = tpu.memref_slice %arg13[%dma_wait3A_212, %dma_wait3A_213] : memref<10240x128xf32, #tpu.memory_space<vmem_shared>> -> memref<10240x128xf32, #tpu.memory_space<vmem_shared>>
        tpu.wait_indirect_dma semaphore(%arg17 : memref<!tpu.dma_semaphore, #tpu.memory_space<semaphore_mem>>) src(%arg12 : memref<128x128xf32, #tpu.memory_space<vmem>>) dst(%dma_wait3A_214 : memref<10240x128xf32, #tpu.memory_space<vmem_shared>>)
        %dma_start3A_215 = arith.constant 7 : i32
        %dma_start3A_216 = arith.constant 0 : i32
        %dma_start3A_217 = tpu.memref_slice %arg10[%dma_start3A_215, %dma_start3A_216] : memref<8x128xi32, #tpu.memory_space<vmem>> -> memref<1x128xi32, #tpu.memory_space<vmem>>
        %dma_start3A_218 = tpu.memref_squeeze %dma_start3A_217 : memref<1x128xi32, #tpu.memory_space<vmem>> -> memref<128xi32, #tpu.memory_space<vmem>>
        %dma_start3A_219 = arith.constant 0 : i32
        %dma_start3A_220 = arith.constant 0 : i32
        %dma_start3A_221 = tpu.memref_slice %arg2[%dma_start3A_219, %dma_start3A_220] : memref<10000x128xf32, #tpu.memory_space<hbm>> -> memref<10000x128xf32, #tpu.memory_space<hbm>>
        tpu.enqueue_indirect_dma source(%dma_start3A_221 : memref<10000x128xf32, #tpu.memory_space<hbm>>) target(%arg12 : memref<128x128xf32, #tpu.memory_space<vmem>>) offsets(%dma_start3A_218 : memref<128xi32, #tpu.memory_space<vmem>>) semaphore(%arg15 : memref<!tpu.dma_semaphore, #tpu.memory_space<semaphore_mem>>)
        %dma_wait3A_222 = arith.constant 6 : i32
        %dma_wait3A_223 = arith.constant 0 : i32
        %dma_wait3A_224 = tpu.memref_slice %arg10[%dma_wait3A_222, %dma_wait3A_223] : memref<8x128xi32, #tpu.memory_space<vmem>> -> memref<1x128xi32, #tpu.memory_space<vmem>>
        %dma_wait3A_225 = tpu.memref_squeeze %dma_wait3A_224 : memref<1x128xi32, #tpu.memory_space<vmem>> -> memref<128xi32, #tpu.memory_space<vmem>>
        %dma_wait3A_226 = arith.constant 0 : i32
        %dma_wait3A_227 = arith.constant 0 : i32
        %dma_wait3A_228 = tpu.memref_slice %arg2[%dma_wait3A_226, %dma_wait3A_227] : memref<10000x128xf32, #tpu.memory_space<hbm>> -> memref<10000x128xf32, #tpu.memory_space<hbm>>
        tpu.wait_indirect_dma semaphore(%arg14 : memref<!tpu.dma_semaphore, #tpu.memory_space<semaphore_mem>>) src(%dma_wait3A_228 : memref<10000x128xf32, #tpu.memory_space<hbm>>) dst(%arg11 : memref<128x128xf32, #tpu.memory_space<vmem>>)
        %dma_start3A_229 = arith.constant 6 : i32
        %dma_start3A_230 = arith.constant 0 : i32
        %dma_start3A_231 = tpu.memref_slice %arg9[%dma_start3A_229, %dma_start3A_230] : memref<8x128xi32, #tpu.memory_space<vmem>> -> memref<1x128xi32, #tpu.memory_space<vmem>>
        %dma_start3A_232 = tpu.memref_squeeze %dma_start3A_231 : memref<1x128xi32, #tpu.memory_space<vmem>> -> memref<128xi32, #tpu.memory_space<vmem>>
        %dma_start3A_233 = arith.constant 0 : i32
        %dma_start3A_234 = arith.constant 0 : i32
        %dma_start3A_235 = tpu.memref_slice %arg13[%dma_start3A_233, %dma_start3A_234] : memref<10240x128xf32, #tpu.memory_space<vmem_shared>> -> memref<10240x128xf32, #tpu.memory_space<vmem_shared>>
        tpu.enqueue_indirect_dma source(%arg11 : memref<128x128xf32, #tpu.memory_space<vmem>>) target(%dma_start3A_235 : memref<10240x128xf32, #tpu.memory_space<vmem_shared>>) offsets(%dma_start3A_232 : memref<128xi32, #tpu.memory_space<vmem>>) semaphore(%arg16 : memref<!tpu.dma_semaphore, #tpu.memory_space<semaphore_mem>>) {add = true}
        %dma_wait3A_236 = arith.constant 7 : i32
        %dma_wait3A_237 = arith.constant 0 : i32
        %dma_wait3A_238 = tpu.memref_slice %arg10[%dma_wait3A_236, %dma_wait3A_237] : memref<8x128xi32, #tpu.memory_space<vmem>> -> memref<1x128xi32, #tpu.memory_space<vmem>>
        %dma_wait3A_239 = tpu.memref_squeeze %dma_wait3A_238 : memref<1x128xi32, #tpu.memory_space<vmem>> -> memref<128xi32, #tpu.memory_space<vmem>>
        %dma_wait3A_240 = arith.constant 0 : i32
        %dma_wait3A_241 = arith.constant 0 : i32
        %dma_wait3A_242 = tpu.memref_slice %arg2[%dma_wait3A_240, %dma_wait3A_241] : memref<10000x128xf32, #tpu.memory_space<hbm>> -> memref<10000x128xf32, #tpu.memory_space<hbm>>
        tpu.wait_indirect_dma semaphore(%arg15 : memref<!tpu.dma_semaphore, #tpu.memory_space<semaphore_mem>>) src(%dma_wait3A_242 : memref<10000x128xf32, #tpu.memory_space<hbm>>) dst(%arg12 : memref<128x128xf32, #tpu.memory_space<vmem>>)
        %dma_start3A_243 = arith.constant 7 : i32
        %dma_start3A_244 = arith.constant 0 : i32
        %dma_start3A_245 = tpu.memref_slice %arg9[%dma_start3A_243, %dma_start3A_244] : memref<8x128xi32, #tpu.memory_space<vmem>> -> memref<1x128xi32, #tpu.memory_space<vmem>>
        %dma_start3A_246 = tpu.memref_squeeze %dma_start3A_245 : memref<1x128xi32, #tpu.memory_space<vmem>> -> memref<128xi32, #tpu.memory_space<vmem>>
        %dma_start3A_247 = arith.constant 0 : i32
        %dma_start3A_248 = arith.constant 0 : i32
        %dma_start3A_249 = tpu.memref_slice %arg13[%dma_start3A_247, %dma_start3A_248] : memref<10240x128xf32, #tpu.memory_space<vmem_shared>> -> memref<10240x128xf32, #tpu.memory_space<vmem_shared>>
        tpu.enqueue_indirect_dma source(%arg12 : memref<128x128xf32, #tpu.memory_space<vmem>>) target(%dma_start3A_249 : memref<10240x128xf32, #tpu.memory_space<vmem_shared>>) offsets(%dma_start3A_246 : memref<128xi32, #tpu.memory_space<vmem>>) semaphore(%arg17 : memref<!tpu.dma_semaphore, #tpu.memory_space<semaphore_mem>>) {add = true}
        %dma_wait3A_250 = arith.constant 6 : i32
        %dma_wait3A_251 = arith.constant 0 : i32
        %dma_wait3A_252 = tpu.memref_slice %arg9[%dma_wait3A_250, %dma_wait3A_251] : memref<8x128xi32, #tpu.memory_space<vmem>> -> memref<1x128xi32, #tpu.memory_space<vmem>>
        %dma_wait3A_253 = tpu.memref_squeeze %dma_wait3A_252 : memref<1x128xi32, #tpu.memory_space<vmem>> -> memref<128xi32, #tpu.memory_space<vmem>>
        %dma_wait3A_254 = arith.constant 0 : i32
        %dma_wait3A_255 = arith.constant 0 : i32
        %dma_wait3A_256 = tpu.memref_slice %arg13[%dma_wait3A_254, %dma_wait3A_255] : memref<10240x128xf32, #tpu.memory_space<vmem_shared>> -> memref<10240x128xf32, #tpu.memory_space<vmem_shared>>
        tpu.wait_indirect_dma semaphore(%arg16 : memref<!tpu.dma_semaphore, #tpu.memory_space<semaphore_mem>>) src(%arg11 : memref<128x128xf32, #tpu.memory_space<vmem>>) dst(%dma_wait3A_256 : memref<10240x128xf32, #tpu.memory_space<vmem_shared>>)
        %dma_wait3A_257 = arith.constant 7 : i32
        %dma_wait3A_258 = arith.constant 0 : i32
        %dma_wait3A_259 = tpu.memref_slice %arg9[%dma_wait3A_257, %dma_wait3A_258] : memref<8x128xi32, #tpu.memory_space<vmem>> -> memref<1x128xi32, #tpu.memory_space<vmem>>
        %dma_wait3A_260 = tpu.memref_squeeze %dma_wait3A_259 : memref<1x128xi32, #tpu.memory_space<vmem>> -> memref<128xi32, #tpu.memory_space<vmem>>
        %dma_wait3A_261 = arith.constant 0 : i32
        %dma_wait3A_262 = arith.constant 0 : i32
        %dma_wait3A_263 = tpu.memref_slice %arg13[%dma_wait3A_261, %dma_wait3A_262] : memref<10240x128xf32, #tpu.memory_space<vmem_shared>> -> memref<10240x128xf32, #tpu.memory_space<vmem_shared>>
        tpu.wait_indirect_dma semaphore(%arg17 : memref<!tpu.dma_semaphore, #tpu.memory_space<semaphore_mem>>) src(%arg12 : memref<128x128xf32, #tpu.memory_space<vmem>>) dst(%dma_wait3A_263 : memref<10240x128xf32, #tpu.memory_space<vmem_shared>>)
      }
      %scan3A_31 = arith.constant 20 : i32
    } else {
    }
    %eq3A_8 = arith.constant 1 : i32
    %eq3A_9 = arith.cmpi eq, %arg0, %eq3A_8 : i32
    %convert_element_type3A_10 = arith.extui %eq3A_9 : i1 to i32
    %cond3A_11 = arith.constant 0 : i32
    %cond3A_12 = arith.cmpi ne, %convert_element_type3A_10, %cond3A_11 : i32
    scf.if %cond3A_12 {
      %scan3A_26 = arith.constant 0 : i32
      %scan3A_27 = arith.constant 0 : i32
      %scan3A_28 = arith.constant 20 : i32
      %scan3A_29 = arith.addi %scan3A_27, %scan3A_28 : i32
      %scan3A_30 = arith.constant 1 : i32
      scf.for %scan3A_32 = %scan3A_27 to %scan3A_29 step %scan3A_30  : i32 {
        %mul3A_33 = arith.constant 160 : i32
        %mul3A_34 = arith.muli %arg1, %mul3A_33 : i32
        %mul3A_35 = arith.constant 8 : i32
        %mul3A_36 = arith.muli %scan3A_32, %mul3A_35 : i32
        %add3A = arith.addi %mul3A_34, %mul3A_36 : i32
        "tpu.region"() ({
          %run_scoped3A = tpu.sem_alloc : memref<!tpu.dma_semaphore, #tpu.memory_space<semaphore_mem>>
          %dma_start3A_264 = arith.constant 0 : i32
          %dma_start3A_265 = tpu.memref_slice %arg4[%add3A, %dma_start3A_264] : memref<2560x128xi32, #tpu.memory_space<hbm>> -> memref<8x128xi32, #tpu.memory_space<hbm>>
          %dma_start3A_266 = arith.constant 0 : i32
          %dma_start3A_267 = tpu.memref_slice %arg4[%add3A, %dma_start3A_266] : memref<2560x128xi32, #tpu.memory_space<hbm>> -> memref<8x128xi32, #tpu.memory_space<hbm>>
          tpu.enqueue_dma source(%dma_start3A_267 : memref<8x128xi32, #tpu.memory_space<hbm>>) target(%arg9 : memref<8x128xi32, #tpu.memory_space<vmem>>) target_semaphore(%run_scoped3A : memref<!tpu.dma_semaphore, #tpu.memory_space<semaphore_mem>>)
          %dma_wait3A_268 = arith.constant 0 : i32
          %dma_wait3A_269 = tpu.memref_slice %arg4[%add3A, %dma_wait3A_268] : memref<2560x128xi32, #tpu.memory_space<hbm>> -> memref<8x128xi32, #tpu.memory_space<hbm>>
          %dma_wait3A_270 = arith.constant 0 : i32
          %dma_wait3A_271 = tpu.memref_slice %arg4[%add3A, %dma_wait3A_270] : memref<2560x128xi32, #tpu.memory_space<hbm>> -> memref<8x128xi32, #tpu.memory_space<hbm>>
          tpu.wait_dma2 semaphore(%run_scoped3A : memref<!tpu.dma_semaphore, #tpu.memory_space<semaphore_mem>>) src(%dma_wait3A_271 : memref<8x128xi32, #tpu.memory_space<hbm>>) dst(%arg9 : memref<8x128xi32, #tpu.memory_space<vmem>>)
          tpu.yield
        }) : () -> ()
        %mul3A_37 = arith.constant 160 : i32
        %mul3A_38 = arith.muli %arg1, %mul3A_37 : i32
        %mul3A_39 = arith.constant 8 : i32
        %mul3A_40 = arith.muli %scan3A_32, %mul3A_39 : i32
        %add3A_41 = arith.addi %mul3A_38, %mul3A_40 : i32
        "tpu.region"() ({
          %run_scoped3A = tpu.sem_alloc : memref<!tpu.dma_semaphore, #tpu.memory_space<semaphore_mem>>
          %dma_start3A_264 = arith.constant 0 : i32
          %dma_start3A_265 = tpu.memref_slice %arg5[%add3A_41, %dma_start3A_264] : memref<2560x128xi32, #tpu.memory_space<hbm>> -> memref<8x128xi32, #tpu.memory_space<hbm>>
          %dma_start3A_266 = arith.constant 0 : i32
          %dma_start3A_267 = tpu.memref_slice %arg5[%add3A_41, %dma_start3A_266] : memref<2560x128xi32, #tpu.memory_space<hbm>> -> memref<8x128xi32, #tpu.memory_space<hbm>>
          tpu.enqueue_dma source(%dma_start3A_267 : memref<8x128xi32, #tpu.memory_space<hbm>>) target(%arg10 : memref<8x128xi32, #tpu.memory_space<vmem>>) target_semaphore(%run_scoped3A : memref<!tpu.dma_semaphore, #tpu.memory_space<semaphore_mem>>)
          %dma_wait3A_268 = arith.constant 0 : i32
          %dma_wait3A_269 = tpu.memref_slice %arg5[%add3A_41, %dma_wait3A_268] : memref<2560x128xi32, #tpu.memory_space<hbm>> -> memref<8x128xi32, #tpu.memory_space<hbm>>
          %dma_wait3A_270 = arith.constant 0 : i32
          %dma_wait3A_271 = tpu.memref_slice %arg5[%add3A_41, %dma_wait3A_270] : memref<2560x128xi32, #tpu.memory_space<hbm>> -> memref<8x128xi32, #tpu.memory_space<hbm>>
          tpu.wait_dma2 semaphore(%run_scoped3A : memref<!tpu.dma_semaphore, #tpu.memory_space<semaphore_mem>>) src(%dma_wait3A_271 : memref<8x128xi32, #tpu.memory_space<hbm>>) dst(%arg10 : memref<8x128xi32, #tpu.memory_space<vmem>>)
          tpu.yield
        }) : () -> ()
        %dma_start3A = arith.constant 0 : i32
        %dma_start3A_42 = arith.constant 0 : i32
        %dma_start3A_43 = tpu.memref_slice %arg10[%dma_start3A, %dma_start3A_42] : memref<8x128xi32, #tpu.memory_space<vmem>> -> memref<1x128xi32, #tpu.memory_space<vmem>>
        %dma_start3A_44 = tpu.memref_squeeze %dma_start3A_43 : memref<1x128xi32, #tpu.memory_space<vmem>> -> memref<128xi32, #tpu.memory_space<vmem>>
        %dma_start3A_45 = arith.constant 0 : i32
        %dma_start3A_46 = arith.constant 0 : i32
        %dma_start3A_47 = tpu.memref_slice %arg3[%dma_start3A_45, %dma_start3A_46] : memref<10000x128xf32, #tpu.memory_space<hbm>> -> memref<10000x128xf32, #tpu.memory_space<hbm>>
        tpu.enqueue_indirect_dma source(%dma_start3A_47 : memref<10000x128xf32, #tpu.memory_space<hbm>>) target(%arg11 : memref<128x128xf32, #tpu.memory_space<vmem>>) offsets(%dma_start3A_44 : memref<128xi32, #tpu.memory_space<vmem>>) semaphore(%arg14 : memref<!tpu.dma_semaphore, #tpu.memory_space<semaphore_mem>>)
        %dma_start3A_48 = arith.constant 1 : i32
        %dma_start3A_49 = arith.constant 0 : i32
        %dma_start3A_50 = tpu.memref_slice %arg10[%dma_start3A_48, %dma_start3A_49] : memref<8x128xi32, #tpu.memory_space<vmem>> -> memref<1x128xi32, #tpu.memory_space<vmem>>
        %dma_start3A_51 = tpu.memref_squeeze %dma_start3A_50 : memref<1x128xi32, #tpu.memory_space<vmem>> -> memref<128xi32, #tpu.memory_space<vmem>>
        %dma_start3A_52 = arith.constant 0 : i32
        %dma_start3A_53 = arith.constant 0 : i32
        %dma_start3A_54 = tpu.memref_slice %arg3[%dma_start3A_52, %dma_start3A_53] : memref<10000x128xf32, #tpu.memory_space<hbm>> -> memref<10000x128xf32, #tpu.memory_space<hbm>>
        tpu.enqueue_indirect_dma source(%dma_start3A_54 : memref<10000x128xf32, #tpu.memory_space<hbm>>) target(%arg12 : memref<128x128xf32, #tpu.memory_space<vmem>>) offsets(%dma_start3A_51 : memref<128xi32, #tpu.memory_space<vmem>>) semaphore(%arg15 : memref<!tpu.dma_semaphore, #tpu.memory_space<semaphore_mem>>)
        %dma_wait3A = arith.constant 0 : i32
        %dma_wait3A_55 = arith.constant 0 : i32
        %dma_wait3A_56 = tpu.memref_slice %arg10[%dma_wait3A, %dma_wait3A_55] : memref<8x128xi32, #tpu.memory_space<vmem>> -> memref<1x128xi32, #tpu.memory_space<vmem>>
        %dma_wait3A_57 = tpu.memref_squeeze %dma_wait3A_56 : memref<1x128xi32, #tpu.memory_space<vmem>> -> memref<128xi32, #tpu.memory_space<vmem>>
        %dma_wait3A_58 = arith.constant 0 : i32
        %dma_wait3A_59 = arith.constant 0 : i32
        %dma_wait3A_60 = tpu.memref_slice %arg3[%dma_wait3A_58, %dma_wait3A_59] : memref<10000x128xf32, #tpu.memory_space<hbm>> -> memref<10000x128xf32, #tpu.memory_space<hbm>>
        tpu.wait_indirect_dma semaphore(%arg14 : memref<!tpu.dma_semaphore, #tpu.memory_space<semaphore_mem>>) src(%dma_wait3A_60 : memref<10000x128xf32, #tpu.memory_space<hbm>>) dst(%arg11 : memref<128x128xf32, #tpu.memory_space<vmem>>)
        %dma_start3A_61 = arith.constant 0 : i32
        %dma_start3A_62 = arith.constant 0 : i32
        %dma_start3A_63 = tpu.memref_slice %arg9[%dma_start3A_61, %dma_start3A_62] : memref<8x128xi32, #tpu.memory_space<vmem>> -> memref<1x128xi32, #tpu.memory_space<vmem>>
        %dma_start3A_64 = tpu.memref_squeeze %dma_start3A_63 : memref<1x128xi32, #tpu.memory_space<vmem>> -> memref<128xi32, #tpu.memory_space<vmem>>
        %dma_start3A_65 = arith.constant 0 : i32
        %dma_start3A_66 = arith.constant 0 : i32
        %dma_start3A_67 = tpu.memref_slice %arg13[%dma_start3A_65, %dma_start3A_66] : memref<10240x128xf32, #tpu.memory_space<vmem_shared>> -> memref<10240x128xf32, #tpu.memory_space<vmem_shared>>
        tpu.enqueue_indirect_dma source(%arg11 : memref<128x128xf32, #tpu.memory_space<vmem>>) target(%dma_start3A_67 : memref<10240x128xf32, #tpu.memory_space<vmem_shared>>) offsets(%dma_start3A_64 : memref<128xi32, #tpu.memory_space<vmem>>) semaphore(%arg16 : memref<!tpu.dma_semaphore, #tpu.memory_space<semaphore_mem>>) {add = true}
        %dma_wait3A_68 = arith.constant 0 : i32
        %dma_wait3A_69 = arith.constant 0 : i32
        %dma_wait3A_70 = tpu.memref_slice %arg9[%dma_wait3A_68, %dma_wait3A_69] : memref<8x128xi32, #tpu.memory_space<vmem>> -> memref<1x128xi32, #tpu.memory_space<vmem>>
        %dma_wait3A_71 = tpu.memref_squeeze %dma_wait3A_70 : memref<1x128xi32, #tpu.memory_space<vmem>> -> memref<128xi32, #tpu.memory_space<vmem>>
        %dma_wait3A_72 = arith.constant 0 : i32
        %dma_wait3A_73 = arith.constant 0 : i32
        %dma_wait3A_74 = tpu.memref_slice %arg13[%dma_wait3A_72, %dma_wait3A_73] : memref<10240x128xf32, #tpu.memory_space<vmem_shared>> -> memref<10240x128xf32, #tpu.memory_space<vmem_shared>>
        tpu.wait_indirect_dma semaphore(%arg16 : memref<!tpu.dma_semaphore, #tpu.memory_space<semaphore_mem>>) src(%arg11 : memref<128x128xf32, #tpu.memory_space<vmem>>) dst(%dma_wait3A_74 : memref<10240x128xf32, #tpu.memory_space<vmem_shared>>)
        %dma_start3A_75 = arith.constant 2 : i32
        %dma_start3A_76 = arith.constant 0 : i32
        %dma_start3A_77 = tpu.memref_slice %arg10[%dma_start3A_75, %dma_start3A_76] : memref<8x128xi32, #tpu.memory_space<vmem>> -> memref<1x128xi32, #tpu.memory_space<vmem>>
        %dma_start3A_78 = tpu.memref_squeeze %dma_start3A_77 : memref<1x128xi32, #tpu.memory_space<vmem>> -> memref<128xi32, #tpu.memory_space<vmem>>
        %dma_start3A_79 = arith.constant 0 : i32
        %dma_start3A_80 = arith.constant 0 : i32
        %dma_start3A_81 = tpu.memref_slice %arg3[%dma_start3A_79, %dma_start3A_80] : memref<10000x128xf32, #tpu.memory_space<hbm>> -> memref<10000x128xf32, #tpu.memory_space<hbm>>
        tpu.enqueue_indirect_dma source(%dma_start3A_81 : memref<10000x128xf32, #tpu.memory_space<hbm>>) target(%arg11 : memref<128x128xf32, #tpu.memory_space<vmem>>) offsets(%dma_start3A_78 : memref<128xi32, #tpu.memory_space<vmem>>) semaphore(%arg14 : memref<!tpu.dma_semaphore, #tpu.memory_space<semaphore_mem>>)
        %dma_wait3A_82 = arith.constant 1 : i32
        %dma_wait3A_83 = arith.constant 0 : i32
        %dma_wait3A_84 = tpu.memref_slice %arg10[%dma_wait3A_82, %dma_wait3A_83] : memref<8x128xi32, #tpu.memory_space<vmem>> -> memref<1x128xi32, #tpu.memory_space<vmem>>
        %dma_wait3A_85 = tpu.memref_squeeze %dma_wait3A_84 : memref<1x128xi32, #tpu.memory_space<vmem>> -> memref<128xi32, #tpu.memory_space<vmem>>
        %dma_wait3A_86 = arith.constant 0 : i32
        %dma_wait3A_87 = arith.constant 0 : i32
        %dma_wait3A_88 = tpu.memref_slice %arg3[%dma_wait3A_86, %dma_wait3A_87] : memref<10000x128xf32, #tpu.memory_space<hbm>> -> memref<10000x128xf32, #tpu.memory_space<hbm>>
        tpu.wait_indirect_dma semaphore(%arg15 : memref<!tpu.dma_semaphore, #tpu.memory_space<semaphore_mem>>) src(%dma_wait3A_88 : memref<10000x128xf32, #tpu.memory_space<hbm>>) dst(%arg12 : memref<128x128xf32, #tpu.memory_space<vmem>>)
        %dma_start3A_89 = arith.constant 1 : i32
        %dma_start3A_90 = arith.constant 0 : i32
        %dma_start3A_91 = tpu.memref_slice %arg9[%dma_start3A_89, %dma_start3A_90] : memref<8x128xi32, #tpu.memory_space<vmem>> -> memref<1x128xi32, #tpu.memory_space<vmem>>
        %dma_start3A_92 = tpu.memref_squeeze %dma_start3A_91 : memref<1x128xi32, #tpu.memory_space<vmem>> -> memref<128xi32, #tpu.memory_space<vmem>>
        %dma_start3A_93 = arith.constant 0 : i32
        %dma_start3A_94 = arith.constant 0 : i32
        %dma_start3A_95 = tpu.memref_slice %arg13[%dma_start3A_93, %dma_start3A_94] : memref<10240x128xf32, #tpu.memory_space<vmem_shared>> -> memref<10240x128xf32, #tpu.memory_space<vmem_shared>>
        tpu.enqueue_indirect_dma source(%arg12 : memref<128x128xf32, #tpu.memory_space<vmem>>) target(%dma_start3A_95 : memref<10240x128xf32, #tpu.memory_space<vmem_shared>>) offsets(%dma_start3A_92 : memref<128xi32, #tpu.memory_space<vmem>>) semaphore(%arg17 : memref<!tpu.dma_semaphore, #tpu.memory_space<semaphore_mem>>) {add = true}
        %dma_wait3A_96 = arith.constant 1 : i32
        %dma_wait3A_97 = arith.constant 0 : i32
        %dma_wait3A_98 = tpu.memref_slice %arg9[%dma_wait3A_96, %dma_wait3A_97] : memref<8x128xi32, #tpu.memory_space<vmem>> -> memref<1x128xi32, #tpu.memory_space<vmem>>
        %dma_wait3A_99 = tpu.memref_squeeze %dma_wait3A_98 : memref<1x128xi32, #tpu.memory_space<vmem>> -> memref<128xi32, #tpu.memory_space<vmem>>
        %dma_wait3A_100 = arith.constant 0 : i32
        %dma_wait3A_101 = arith.constant 0 : i32
        %dma_wait3A_102 = tpu.memref_slice %arg13[%dma_wait3A_100, %dma_wait3A_101] : memref<10240x128xf32, #tpu.memory_space<vmem_shared>> -> memref<10240x128xf32, #tpu.memory_space<vmem_shared>>
        tpu.wait_indirect_dma semaphore(%arg17 : memref<!tpu.dma_semaphore, #tpu.memory_space<semaphore_mem>>) src(%arg12 : memref<128x128xf32, #tpu.memory_space<vmem>>) dst(%dma_wait3A_102 : memref<10240x128xf32, #tpu.memory_space<vmem_shared>>)
        %dma_start3A_103 = arith.constant 3 : i32
        %dma_start3A_104 = arith.constant 0 : i32
        %dma_start3A_105 = tpu.memref_slice %arg10[%dma_start3A_103, %dma_start3A_104] : memref<8x128xi32, #tpu.memory_space<vmem>> -> memref<1x128xi32, #tpu.memory_space<vmem>>
        %dma_start3A_106 = tpu.memref_squeeze %dma_start3A_105 : memref<1x128xi32, #tpu.memory_space<vmem>> -> memref<128xi32, #tpu.memory_space<vmem>>
        %dma_start3A_107 = arith.constant 0 : i32
        %dma_start3A_108 = arith.constant 0 : i32
        %dma_start3A_109 = tpu.memref_slice %arg3[%dma_start3A_107, %dma_start3A_108] : memref<10000x128xf32, #tpu.memory_space<hbm>> -> memref<10000x128xf32, #tpu.memory_space<hbm>>
        tpu.enqueue_indirect_dma source(%dma_start3A_109 : memref<10000x128xf32, #tpu.memory_space<hbm>>) target(%arg12 : memref<128x128xf32, #tpu.memory_space<vmem>>) offsets(%dma_start3A_106 : memref<128xi32, #tpu.memory_space<vmem>>) semaphore(%arg15 : memref<!tpu.dma_semaphore, #tpu.memory_space<semaphore_mem>>)
        %dma_wait3A_110 = arith.constant 2 : i32
        %dma_wait3A_111 = arith.constant 0 : i32
        %dma_wait3A_112 = tpu.memref_slice %arg10[%dma_wait3A_110, %dma_wait3A_111] : memref<8x128xi32, #tpu.memory_space<vmem>> -> memref<1x128xi32, #tpu.memory_space<vmem>>
        %dma_wait3A_113 = tpu.memref_squeeze %dma_wait3A_112 : memref<1x128xi32, #tpu.memory_space<vmem>> -> memref<128xi32, #tpu.memory_space<vmem>>
        %dma_wait3A_114 = arith.constant 0 : i32
        %dma_wait3A_115 = arith.constant 0 : i32
        %dma_wait3A_116 = tpu.memref_slice %arg3[%dma_wait3A_114, %dma_wait3A_115] : memref<10000x128xf32, #tpu.memory_space<hbm>> -> memref<10000x128xf32, #tpu.memory_space<hbm>>
        tpu.wait_indirect_dma semaphore(%arg14 : memref<!tpu.dma_semaphore, #tpu.memory_space<semaphore_mem>>) src(%dma_wait3A_116 : memref<10000x128xf32, #tpu.memory_space<hbm>>) dst(%arg11 : memref<128x128xf32, #tpu.memory_space<vmem>>)
        %dma_start3A_117 = arith.constant 2 : i32
        %dma_start3A_118 = arith.constant 0 : i32
        %dma_start3A_119 = tpu.memref_slice %arg9[%dma_start3A_117, %dma_start3A_118] : memref<8x128xi32, #tpu.memory_space<vmem>> -> memref<1x128xi32, #tpu.memory_space<vmem>>
        %dma_start3A_120 = tpu.memref_squeeze %dma_start3A_119 : memref<1x128xi32, #tpu.memory_space<vmem>> -> memref<128xi32, #tpu.memory_space<vmem>>
        %dma_start3A_121 = arith.constant 0 : i32
        %dma_start3A_122 = arith.constant 0 : i32
        %dma_start3A_123 = tpu.memref_slice %arg13[%dma_start3A_121, %dma_start3A_122] : memref<10240x128xf32, #tpu.memory_space<vmem_shared>> -> memref<10240x128xf32, #tpu.memory_space<vmem_shared>>
        tpu.enqueue_indirect_dma source(%arg11 : memref<128x128xf32, #tpu.memory_space<vmem>>) target(%dma_start3A_123 : memref<10240x128xf32, #tpu.memory_space<vmem_shared>>) offsets(%dma_start3A_120 : memref<128xi32, #tpu.memory_space<vmem>>) semaphore(%arg16 : memref<!tpu.dma_semaphore, #tpu.memory_space<semaphore_mem>>) {add = true}
        %dma_wait3A_124 = arith.constant 2 : i32
        %dma_wait3A_125 = arith.constant 0 : i32
        %dma_wait3A_126 = tpu.memref_slice %arg9[%dma_wait3A_124, %dma_wait3A_125] : memref<8x128xi32, #tpu.memory_space<vmem>> -> memref<1x128xi32, #tpu.memory_space<vmem>>
        %dma_wait3A_127 = tpu.memref_squeeze %dma_wait3A_126 : memref<1x128xi32, #tpu.memory_space<vmem>> -> memref<128xi32, #tpu.memory_space<vmem>>
        %dma_wait3A_128 = arith.constant 0 : i32
        %dma_wait3A_129 = arith.constant 0 : i32
        %dma_wait3A_130 = tpu.memref_slice %arg13[%dma_wait3A_128, %dma_wait3A_129] : memref<10240x128xf32, #tpu.memory_space<vmem_shared>> -> memref<10240x128xf32, #tpu.memory_space<vmem_shared>>
        tpu.wait_indirect_dma semaphore(%arg16 : memref<!tpu.dma_semaphore, #tpu.memory_space<semaphore_mem>>) src(%arg11 : memref<128x128xf32, #tpu.memory_space<vmem>>) dst(%dma_wait3A_130 : memref<10240x128xf32, #tpu.memory_space<vmem_shared>>)
        %dma_start3A_131 = arith.constant 4 : i32
        %dma_start3A_132 = arith.constant 0 : i32
        %dma_start3A_133 = tpu.memref_slice %arg10[%dma_start3A_131, %dma_start3A_132] : memref<8x128xi32, #tpu.memory_space<vmem>> -> memref<1x128xi32, #tpu.memory_space<vmem>>
        %dma_start3A_134 = tpu.memref_squeeze %dma_start3A_133 : memref<1x128xi32, #tpu.memory_space<vmem>> -> memref<128xi32, #tpu.memory_space<vmem>>
        %dma_start3A_135 = arith.constant 0 : i32
        %dma_start3A_136 = arith.constant 0 : i32
        %dma_start3A_137 = tpu.memref_slice %arg3[%dma_start3A_135, %dma_start3A_136] : memref<10000x128xf32, #tpu.memory_space<hbm>> -> memref<10000x128xf32, #tpu.memory_space<hbm>>
        tpu.enqueue_indirect_dma source(%dma_start3A_137 : memref<10000x128xf32, #tpu.memory_space<hbm>>) target(%arg11 : memref<128x128xf32, #tpu.memory_space<vmem>>) offsets(%dma_start3A_134 : memref<128xi32, #tpu.memory_space<vmem>>) semaphore(%arg14 : memref<!tpu.dma_semaphore, #tpu.memory_space<semaphore_mem>>)
        %dma_wait3A_138 = arith.constant 3 : i32
        %dma_wait3A_139 = arith.constant 0 : i32
        %dma_wait3A_140 = tpu.memref_slice %arg10[%dma_wait3A_138, %dma_wait3A_139] : memref<8x128xi32, #tpu.memory_space<vmem>> -> memref<1x128xi32, #tpu.memory_space<vmem>>
        %dma_wait3A_141 = tpu.memref_squeeze %dma_wait3A_140 : memref<1x128xi32, #tpu.memory_space<vmem>> -> memref<128xi32, #tpu.memory_space<vmem>>
        %dma_wait3A_142 = arith.constant 0 : i32
        %dma_wait3A_143 = arith.constant 0 : i32
        %dma_wait3A_144 = tpu.memref_slice %arg3[%dma_wait3A_142, %dma_wait3A_143] : memref<10000x128xf32, #tpu.memory_space<hbm>> -> memref<10000x128xf32, #tpu.memory_space<hbm>>
        tpu.wait_indirect_dma semaphore(%arg15 : memref<!tpu.dma_semaphore, #tpu.memory_space<semaphore_mem>>) src(%dma_wait3A_144 : memref<10000x128xf32, #tpu.memory_space<hbm>>) dst(%arg12 : memref<128x128xf32, #tpu.memory_space<vmem>>)
        %dma_start3A_145 = arith.constant 3 : i32
        %dma_start3A_146 = arith.constant 0 : i32
        %dma_start3A_147 = tpu.memref_slice %arg9[%dma_start3A_145, %dma_start3A_146] : memref<8x128xi32, #tpu.memory_space<vmem>> -> memref<1x128xi32, #tpu.memory_space<vmem>>
        %dma_start3A_148 = tpu.memref_squeeze %dma_start3A_147 : memref<1x128xi32, #tpu.memory_space<vmem>> -> memref<128xi32, #tpu.memory_space<vmem>>
        %dma_start3A_149 = arith.constant 0 : i32
        %dma_start3A_150 = arith.constant 0 : i32
        %dma_start3A_151 = tpu.memref_slice %arg13[%dma_start3A_149, %dma_start3A_150] : memref<10240x128xf32, #tpu.memory_space<vmem_shared>> -> memref<10240x128xf32, #tpu.memory_space<vmem_shared>>
        tpu.enqueue_indirect_dma source(%arg12 : memref<128x128xf32, #tpu.memory_space<vmem>>) target(%dma_start3A_151 : memref<10240x128xf32, #tpu.memory_space<vmem_shared>>) offsets(%dma_start3A_148 : memref<128xi32, #tpu.memory_space<vmem>>) semaphore(%arg17 : memref<!tpu.dma_semaphore, #tpu.memory_space<semaphore_mem>>) {add = true}
        %dma_wait3A_152 = arith.constant 3 : i32
        %dma_wait3A_153 = arith.constant 0 : i32
        %dma_wait3A_154 = tpu.memref_slice %arg9[%dma_wait3A_152, %dma_wait3A_153] : memref<8x128xi32, #tpu.memory_space<vmem>> -> memref<1x128xi32, #tpu.memory_space<vmem>>
        %dma_wait3A_155 = tpu.memref_squeeze %dma_wait3A_154 : memref<1x128xi32, #tpu.memory_space<vmem>> -> memref<128xi32, #tpu.memory_space<vmem>>
        %dma_wait3A_156 = arith.constant 0 : i32
        %dma_wait3A_157 = arith.constant 0 : i32
        %dma_wait3A_158 = tpu.memref_slice %arg13[%dma_wait3A_156, %dma_wait3A_157] : memref<10240x128xf32, #tpu.memory_space<vmem_shared>> -> memref<10240x128xf32, #tpu.memory_space<vmem_shared>>
        tpu.wait_indirect_dma semaphore(%arg17 : memref<!tpu.dma_semaphore, #tpu.memory_space<semaphore_mem>>) src(%arg12 : memref<128x128xf32, #tpu.memory_space<vmem>>) dst(%dma_wait3A_158 : memref<10240x128xf32, #tpu.memory_space<vmem_shared>>)
        %dma_start3A_159 = arith.constant 5 : i32
        %dma_start3A_160 = arith.constant 0 : i32
        %dma_start3A_161 = tpu.memref_slice %arg10[%dma_start3A_159, %dma_start3A_160] : memref<8x128xi32, #tpu.memory_space<vmem>> -> memref<1x128xi32, #tpu.memory_space<vmem>>
        %dma_start3A_162 = tpu.memref_squeeze %dma_start3A_161 : memref<1x128xi32, #tpu.memory_space<vmem>> -> memref<128xi32, #tpu.memory_space<vmem>>
        %dma_start3A_163 = arith.constant 0 : i32
        %dma_start3A_164 = arith.constant 0 : i32
        %dma_start3A_165 = tpu.memref_slice %arg3[%dma_start3A_163, %dma_start3A_164] : memref<10000x128xf32, #tpu.memory_space<hbm>> -> memref<10000x128xf32, #tpu.memory_space<hbm>>
        tpu.enqueue_indirect_dma source(%dma_start3A_165 : memref<10000x128xf32, #tpu.memory_space<hbm>>) target(%arg12 : memref<128x128xf32, #tpu.memory_space<vmem>>) offsets(%dma_start3A_162 : memref<128xi32, #tpu.memory_space<vmem>>) semaphore(%arg15 : memref<!tpu.dma_semaphore, #tpu.memory_space<semaphore_mem>>)
        %dma_wait3A_166 = arith.constant 4 : i32
        %dma_wait3A_167 = arith.constant 0 : i32
        %dma_wait3A_168 = tpu.memref_slice %arg10[%dma_wait3A_166, %dma_wait3A_167] : memref<8x128xi32, #tpu.memory_space<vmem>> -> memref<1x128xi32, #tpu.memory_space<vmem>>
        %dma_wait3A_169 = tpu.memref_squeeze %dma_wait3A_168 : memref<1x128xi32, #tpu.memory_space<vmem>> -> memref<128xi32, #tpu.memory_space<vmem>>
        %dma_wait3A_170 = arith.constant 0 : i32
        %dma_wait3A_171 = arith.constant 0 : i32
        %dma_wait3A_172 = tpu.memref_slice %arg3[%dma_wait3A_170, %dma_wait3A_171] : memref<10000x128xf32, #tpu.memory_space<hbm>> -> memref<10000x128xf32, #tpu.memory_space<hbm>>
        tpu.wait_indirect_dma semaphore(%arg14 : memref<!tpu.dma_semaphore, #tpu.memory_space<semaphore_mem>>) src(%dma_wait3A_172 : memref<10000x128xf32, #tpu.memory_space<hbm>>) dst(%arg11 : memref<128x128xf32, #tpu.memory_space<vmem>>)
        %dma_start3A_173 = arith.constant 4 : i32
        %dma_start3A_174 = arith.constant 0 : i32
        %dma_start3A_175 = tpu.memref_slice %arg9[%dma_start3A_173, %dma_start3A_174] : memref<8x128xi32, #tpu.memory_space<vmem>> -> memref<1x128xi32, #tpu.memory_space<vmem>>
        %dma_start3A_176 = tpu.memref_squeeze %dma_start3A_175 : memref<1x128xi32, #tpu.memory_space<vmem>> -> memref<128xi32, #tpu.memory_space<vmem>>
        %dma_start3A_177 = arith.constant 0 : i32
        %dma_start3A_178 = arith.constant 0 : i32
        %dma_start3A_179 = tpu.memref_slice %arg13[%dma_start3A_177, %dma_start3A_178] : memref<10240x128xf32, #tpu.memory_space<vmem_shared>> -> memref<10240x128xf32, #tpu.memory_space<vmem_shared>>
        tpu.enqueue_indirect_dma source(%arg11 : memref<128x128xf32, #tpu.memory_space<vmem>>) target(%dma_start3A_179 : memref<10240x128xf32, #tpu.memory_space<vmem_shared>>) offsets(%dma_start3A_176 : memref<128xi32, #tpu.memory_space<vmem>>) semaphore(%arg16 : memref<!tpu.dma_semaphore, #tpu.memory_space<semaphore_mem>>) {add = true}
        %dma_wait3A_180 = arith.constant 4 : i32
        %dma_wait3A_181 = arith.constant 0 : i32
        %dma_wait3A_182 = tpu.memref_slice %arg9[%dma_wait3A_180, %dma_wait3A_181] : memref<8x128xi32, #tpu.memory_space<vmem>> -> memref<1x128xi32, #tpu.memory_space<vmem>>
        %dma_wait3A_183 = tpu.memref_squeeze %dma_wait3A_182 : memref<1x128xi32, #tpu.memory_space<vmem>> -> memref<128xi32, #tpu.memory_space<vmem>>
        %dma_wait3A_184 = arith.constant 0 : i32
        %dma_wait3A_185 = arith.constant 0 : i32
        %dma_wait3A_186 = tpu.memref_slice %arg13[%dma_wait3A_184, %dma_wait3A_185] : memref<10240x128xf32, #tpu.memory_space<vmem_shared>> -> memref<10240x128xf32, #tpu.memory_space<vmem_shared>>
        tpu.wait_indirect_dma semaphore(%arg16 : memref<!tpu.dma_semaphore, #tpu.memory_space<semaphore_mem>>) src(%arg11 : memref<128x128xf32, #tpu.memory_space<vmem>>) dst(%dma_wait3A_186 : memref<10240x128xf32, #tpu.memory_space<vmem_shared>>)
        %dma_start3A_187 = arith.constant 6 : i32
        %dma_start3A_188 = arith.constant 0 : i32
        %dma_start3A_189 = tpu.memref_slice %arg10[%dma_start3A_187, %dma_start3A_188] : memref<8x128xi32, #tpu.memory_space<vmem>> -> memref<1x128xi32, #tpu.memory_space<vmem>>
        %dma_start3A_190 = tpu.memref_squeeze %dma_start3A_189 : memref<1x128xi32, #tpu.memory_space<vmem>> -> memref<128xi32, #tpu.memory_space<vmem>>
        %dma_start3A_191 = arith.constant 0 : i32
        %dma_start3A_192 = arith.constant 0 : i32
        %dma_start3A_193 = tpu.memref_slice %arg3[%dma_start3A_191, %dma_start3A_192] : memref<10000x128xf32, #tpu.memory_space<hbm>> -> memref<10000x128xf32, #tpu.memory_space<hbm>>
        tpu.enqueue_indirect_dma source(%dma_start3A_193 : memref<10000x128xf32, #tpu.memory_space<hbm>>) target(%arg11 : memref<128x128xf32, #tpu.memory_space<vmem>>) offsets(%dma_start3A_190 : memref<128xi32, #tpu.memory_space<vmem>>) semaphore(%arg14 : memref<!tpu.dma_semaphore, #tpu.memory_space<semaphore_mem>>)
        %dma_wait3A_194 = arith.constant 5 : i32
        %dma_wait3A_195 = arith.constant 0 : i32
        %dma_wait3A_196 = tpu.memref_slice %arg10[%dma_wait3A_194, %dma_wait3A_195] : memref<8x128xi32, #tpu.memory_space<vmem>> -> memref<1x128xi32, #tpu.memory_space<vmem>>
        %dma_wait3A_197 = tpu.memref_squeeze %dma_wait3A_196 : memref<1x128xi32, #tpu.memory_space<vmem>> -> memref<128xi32, #tpu.memory_space<vmem>>
        %dma_wait3A_198 = arith.constant 0 : i32
        %dma_wait3A_199 = arith.constant 0 : i32
        %dma_wait3A_200 = tpu.memref_slice %arg3[%dma_wait3A_198, %dma_wait3A_199] : memref<10000x128xf32, #tpu.memory_space<hbm>> -> memref<10000x128xf32, #tpu.memory_space<hbm>>
        tpu.wait_indirect_dma semaphore(%arg15 : memref<!tpu.dma_semaphore, #tpu.memory_space<semaphore_mem>>) src(%dma_wait3A_200 : memref<10000x128xf32, #tpu.memory_space<hbm>>) dst(%arg12 : memref<128x128xf32, #tpu.memory_space<vmem>>)
        %dma_start3A_201 = arith.constant 5 : i32
        %dma_start3A_202 = arith.constant 0 : i32
        %dma_start3A_203 = tpu.memref_slice %arg9[%dma_start3A_201, %dma_start3A_202] : memref<8x128xi32, #tpu.memory_space<vmem>> -> memref<1x128xi32, #tpu.memory_space<vmem>>
        %dma_start3A_204 = tpu.memref_squeeze %dma_start3A_203 : memref<1x128xi32, #tpu.memory_space<vmem>> -> memref<128xi32, #tpu.memory_space<vmem>>
        %dma_start3A_205 = arith.constant 0 : i32
        %dma_start3A_206 = arith.constant 0 : i32
        %dma_start3A_207 = tpu.memref_slice %arg13[%dma_start3A_205, %dma_start3A_206] : memref<10240x128xf32, #tpu.memory_space<vmem_shared>> -> memref<10240x128xf32, #tpu.memory_space<vmem_shared>>
        tpu.enqueue_indirect_dma source(%arg12 : memref<128x128xf32, #tpu.memory_space<vmem>>) target(%dma_start3A_207 : memref<10240x128xf32, #tpu.memory_space<vmem_shared>>) offsets(%dma_start3A_204 : memref<128xi32, #tpu.memory_space<vmem>>) semaphore(%arg17 : memref<!tpu.dma_semaphore, #tpu.memory_space<semaphore_mem>>) {add = true}
        %dma_wait3A_208 = arith.constant 5 : i32
        %dma_wait3A_209 = arith.constant 0 : i32
        %dma_wait3A_210 = tpu.memref_slice %arg9[%dma_wait3A_208, %dma_wait3A_209] : memref<8x128xi32, #tpu.memory_space<vmem>> -> memref<1x128xi32, #tpu.memory_space<vmem>>
        %dma_wait3A_211 = tpu.memref_squeeze %dma_wait3A_210 : memref<1x128xi32, #tpu.memory_space<vmem>> -> memref<128xi32, #tpu.memory_space<vmem>>
        %dma_wait3A_212 = arith.constant 0 : i32
        %dma_wait3A_213 = arith.constant 0 : i32
        %dma_wait3A_214 = tpu.memref_slice %arg13[%dma_wait3A_212, %dma_wait3A_213] : memref<10240x128xf32, #tpu.memory_space<vmem_shared>> -> memref<10240x128xf32, #tpu.memory_space<vmem_shared>>
        tpu.wait_indirect_dma semaphore(%arg17 : memref<!tpu.dma_semaphore, #tpu.memory_space<semaphore_mem>>) src(%arg12 : memref<128x128xf32, #tpu.memory_space<vmem>>) dst(%dma_wait3A_214 : memref<10240x128xf32, #tpu.memory_space<vmem_shared>>)
        %dma_start3A_215 = arith.constant 7 : i32
        %dma_start3A_216 = arith.constant 0 : i32
        %dma_start3A_217 = tpu.memref_slice %arg10[%dma_start3A_215, %dma_start3A_216] : memref<8x128xi32, #tpu.memory_space<vmem>> -> memref<1x128xi32, #tpu.memory_space<vmem>>
        %dma_start3A_218 = tpu.memref_squeeze %dma_start3A_217 : memref<1x128xi32, #tpu.memory_space<vmem>> -> memref<128xi32, #tpu.memory_space<vmem>>
        %dma_start3A_219 = arith.constant 0 : i32
        %dma_start3A_220 = arith.constant 0 : i32
        %dma_start3A_221 = tpu.memref_slice %arg3[%dma_start3A_219, %dma_start3A_220] : memref<10000x128xf32, #tpu.memory_space<hbm>> -> memref<10000x128xf32, #tpu.memory_space<hbm>>
        tpu.enqueue_indirect_dma source(%dma_start3A_221 : memref<10000x128xf32, #tpu.memory_space<hbm>>) target(%arg12 : memref<128x128xf32, #tpu.memory_space<vmem>>) offsets(%dma_start3A_218 : memref<128xi32, #tpu.memory_space<vmem>>) semaphore(%arg15 : memref<!tpu.dma_semaphore, #tpu.memory_space<semaphore_mem>>)
        %dma_wait3A_222 = arith.constant 6 : i32
        %dma_wait3A_223 = arith.constant 0 : i32
        %dma_wait3A_224 = tpu.memref_slice %arg10[%dma_wait3A_222, %dma_wait3A_223] : memref<8x128xi32, #tpu.memory_space<vmem>> -> memref<1x128xi32, #tpu.memory_space<vmem>>
        %dma_wait3A_225 = tpu.memref_squeeze %dma_wait3A_224 : memref<1x128xi32, #tpu.memory_space<vmem>> -> memref<128xi32, #tpu.memory_space<vmem>>
        %dma_wait3A_226 = arith.constant 0 : i32
        %dma_wait3A_227 = arith.constant 0 : i32
        %dma_wait3A_228 = tpu.memref_slice %arg3[%dma_wait3A_226, %dma_wait3A_227] : memref<10000x128xf32, #tpu.memory_space<hbm>> -> memref<10000x128xf32, #tpu.memory_space<hbm>>
        tpu.wait_indirect_dma semaphore(%arg14 : memref<!tpu.dma_semaphore, #tpu.memory_space<semaphore_mem>>) src(%dma_wait3A_228 : memref<10000x128xf32, #tpu.memory_space<hbm>>) dst(%arg11 : memref<128x128xf32, #tpu.memory_space<vmem>>)
        %dma_start3A_229 = arith.constant 6 : i32
        %dma_start3A_230 = arith.constant 0 : i32
        %dma_start3A_231 = tpu.memref_slice %arg9[%dma_start3A_229, %dma_start3A_230] : memref<8x128xi32, #tpu.memory_space<vmem>> -> memref<1x128xi32, #tpu.memory_space<vmem>>
        %dma_start3A_232 = tpu.memref_squeeze %dma_start3A_231 : memref<1x128xi32, #tpu.memory_space<vmem>> -> memref<128xi32, #tpu.memory_space<vmem>>
        %dma_start3A_233 = arith.constant 0 : i32
        %dma_start3A_234 = arith.constant 0 : i32
        %dma_start3A_235 = tpu.memref_slice %arg13[%dma_start3A_233, %dma_start3A_234] : memref<10240x128xf32, #tpu.memory_space<vmem_shared>> -> memref<10240x128xf32, #tpu.memory_space<vmem_shared>>
        tpu.enqueue_indirect_dma source(%arg11 : memref<128x128xf32, #tpu.memory_space<vmem>>) target(%dma_start3A_235 : memref<10240x128xf32, #tpu.memory_space<vmem_shared>>) offsets(%dma_start3A_232 : memref<128xi32, #tpu.memory_space<vmem>>) semaphore(%arg16 : memref<!tpu.dma_semaphore, #tpu.memory_space<semaphore_mem>>) {add = true}
        %dma_wait3A_236 = arith.constant 7 : i32
        %dma_wait3A_237 = arith.constant 0 : i32
        %dma_wait3A_238 = tpu.memref_slice %arg10[%dma_wait3A_236, %dma_wait3A_237] : memref<8x128xi32, #tpu.memory_space<vmem>> -> memref<1x128xi32, #tpu.memory_space<vmem>>
        %dma_wait3A_239 = tpu.memref_squeeze %dma_wait3A_238 : memref<1x128xi32, #tpu.memory_space<vmem>> -> memref<128xi32, #tpu.memory_space<vmem>>
        %dma_wait3A_240 = arith.constant 0 : i32
        %dma_wait3A_241 = arith.constant 0 : i32
        %dma_wait3A_242 = tpu.memref_slice %arg3[%dma_wait3A_240, %dma_wait3A_241] : memref<10000x128xf32, #tpu.memory_space<hbm>> -> memref<10000x128xf32, #tpu.memory_space<hbm>>
        tpu.wait_indirect_dma semaphore(%arg15 : memref<!tpu.dma_semaphore, #tpu.memory_space<semaphore_mem>>) src(%dma_wait3A_242 : memref<10000x128xf32, #tpu.memory_space<hbm>>) dst(%arg12 : memref<128x128xf32, #tpu.memory_space<vmem>>)
        %dma_start3A_243 = arith.constant 7 : i32
        %dma_start3A_244 = arith.constant 0 : i32
        %dma_start3A_245 = tpu.memref_slice %arg9[%dma_start3A_243, %dma_start3A_244] : memref<8x128xi32, #tpu.memory_space<vmem>> -> memref<1x128xi32, #tpu.memory_space<vmem>>
        %dma_start3A_246 = tpu.memref_squeeze %dma_start3A_245 : memref<1x128xi32, #tpu.memory_space<vmem>> -> memref<128xi32, #tpu.memory_space<vmem>>
        %dma_start3A_247 = arith.constant 0 : i32
        %dma_start3A_248 = arith.constant 0 : i32
        %dma_start3A_249 = tpu.memref_slice %arg13[%dma_start3A_247, %dma_start3A_248] : memref<10240x128xf32, #tpu.memory_space<vmem_shared>> -> memref<10240x128xf32, #tpu.memory_space<vmem_shared>>
        tpu.enqueue_indirect_dma source(%arg12 : memref<128x128xf32, #tpu.memory_space<vmem>>) target(%dma_start3A_249 : memref<10240x128xf32, #tpu.memory_space<vmem_shared>>) offsets(%dma_start3A_246 : memref<128xi32, #tpu.memory_space<vmem>>) semaphore(%arg17 : memref<!tpu.dma_semaphore, #tpu.memory_space<semaphore_mem>>) {add = true}
        %dma_wait3A_250 = arith.constant 6 : i32
        %dma_wait3A_251 = arith.constant 0 : i32
        %dma_wait3A_252 = tpu.memref_slice %arg9[%dma_wait3A_250, %dma_wait3A_251] : memref<8x128xi32, #tpu.memory_space<vmem>> -> memref<1x128xi32, #tpu.memory_space<vmem>>
        %dma_wait3A_253 = tpu.memref_squeeze %dma_wait3A_252 : memref<1x128xi32, #tpu.memory_space<vmem>> -> memref<128xi32, #tpu.memory_space<vmem>>
        %dma_wait3A_254 = arith.constant 0 : i32
        %dma_wait3A_255 = arith.constant 0 : i32
        %dma_wait3A_256 = tpu.memref_slice %arg13[%dma_wait3A_254, %dma_wait3A_255] : memref<10240x128xf32, #tpu.memory_space<vmem_shared>> -> memref<10240x128xf32, #tpu.memory_space<vmem_shared>>
        tpu.wait_indirect_dma semaphore(%arg16 : memref<!tpu.dma_semaphore, #tpu.memory_space<semaphore_mem>>) src(%arg11 : memref<128x128xf32, #tpu.memory_space<vmem>>) dst(%dma_wait3A_256 : memref<10240x128xf32, #tpu.memory_space<vmem_shared>>)
        %dma_wait3A_257 = arith.constant 7 : i32
        %dma_wait3A_258 = arith.constant 0 : i32
        %dma_wait3A_259 = tpu.memref_slice %arg9[%dma_wait3A_257, %dma_wait3A_258] : memref<8x128xi32, #tpu.memory_space<vmem>> -> memref<1x128xi32, #tpu.memory_space<vmem>>
        %dma_wait3A_260 = tpu.memref_squeeze %dma_wait3A_259 : memref<1x128xi32, #tpu.memory_space<vmem>> -> memref<128xi32, #tpu.memory_space<vmem>>
        %dma_wait3A_261 = arith.constant 0 : i32
        %dma_wait3A_262 = arith.constant 0 : i32
        %dma_wait3A_263 = tpu.memref_slice %arg13[%dma_wait3A_261, %dma_wait3A_262] : memref<10240x128xf32, #tpu.memory_space<vmem_shared>> -> memref<10240x128xf32, #tpu.memory_space<vmem_shared>>
        tpu.wait_indirect_dma semaphore(%arg17 : memref<!tpu.dma_semaphore, #tpu.memory_space<semaphore_mem>>) src(%arg12 : memref<128x128xf32, #tpu.memory_space<vmem>>) dst(%dma_wait3A_263 : memref<10240x128xf32, #tpu.memory_space<vmem_shared>>)
      }
      %scan3A_31 = arith.constant 20 : i32
    } else {
    }
    %barrier3A_13 = arith.constant 0 : index
    tpu.barrier barrier_id(%barrier3A_13)
    %mul3A_14 = arith.constant 624 : i32
    %mul3A_15 = arith.muli %arg1, %mul3A_14 : i32
    %eq3A_16 = arith.constant 0 : i32
    %eq3A_17 = arith.cmpi eq, %arg0, %eq3A_16 : i32
    %convert_element_type3A_18 = arith.extui %eq3A_17 : i1 to i32
    %cond3A_19 = arith.constant 0 : i32
    %cond3A_20 = arith.cmpi ne, %convert_element_type3A_18, %cond3A_19 : i32
    scf.if %cond3A_20 {
      "tpu.region"() ({
        %run_scoped3A = tpu.sem_alloc : memref<!tpu.dma_semaphore, #tpu.memory_space<semaphore_mem>>
        %dma_start3A = arith.constant 0 : i32
        %dma_start3A_31 = tpu.memref_slice %arg7[%mul3A_15, %dma_start3A] : memref<10000x128xf32, #tpu.memory_space<hbm>> -> memref<624x128xf32, #tpu.memory_space<hbm>>
        %dma_start3A_32 = arith.constant 0 : i32
        %dma_start3A_33 = tpu.memref_slice %arg13[%mul3A_15, %dma_start3A_32] : memref<10240x128xf32, #tpu.memory_space<vmem_shared>> -> memref<624x128xf32, #tpu.memory_space<vmem_shared>>
        tpu.enqueue_dma source(%dma_start3A_33 : memref<624x128xf32, #tpu.memory_space<vmem_shared>>) target(%dma_start3A_31 : memref<624x128xf32, #tpu.memory_space<hbm>>) target_semaphore(%run_scoped3A : memref<!tpu.dma_semaphore, #tpu.memory_space<semaphore_mem>>)
        %dma_wait3A = arith.constant 0 : i32
        %dma_wait3A_34 = tpu.memref_slice %arg7[%mul3A_15, %dma_wait3A] : memref<10000x128xf32, #tpu.memory_space<hbm>> -> memref<624x128xf32, #tpu.memory_space<hbm>>
        %dma_wait3A_35 = arith.constant 0 : i32
        %dma_wait3A_36 = tpu.memref_slice %arg13[%mul3A_15, %dma_wait3A_35] : memref<10240x128xf32, #tpu.memory_space<vmem_shared>> -> memref<624x128xf32, #tpu.memory_space<vmem_shared>>
        tpu.wait_dma2 semaphore(%run_scoped3A : memref<!tpu.dma_semaphore, #tpu.memory_space<semaphore_mem>>) src(%dma_wait3A_36 : memref<624x128xf32, #tpu.memory_space<vmem_shared>>) dst(%dma_wait3A_34 : memref<624x128xf32, #tpu.memory_space<hbm>>)
        tpu.yield
      }) : () -> ()
      %eq3A_26 = arith.constant 0 : i32
      %eq3A_27 = arith.cmpi eq, %arg1, %eq3A_26 : i32
      %convert_element_type3A_28 = arith.extui %eq3A_27 : i1 to i32
      %cond3A_29 = arith.constant 0 : i32
      %cond3A_30 = arith.cmpi ne, %convert_element_type3A_28, %cond3A_29 : i32
      scf.if %cond3A_30 {
        "tpu.region"() ({
          %run_scoped3A = tpu.sem_alloc : memref<!tpu.dma_semaphore, #tpu.memory_space<semaphore_mem>>
          %dma_start3A = arith.constant 9984 : i32
          %dma_start3A_31 = arith.constant 0 : i32
          %dma_start3A_32 = tpu.memref_slice %arg7[%dma_start3A, %dma_start3A_31] : memref<10000x128xf32, #tpu.memory_space<hbm>> -> memref<16x128xf32, #tpu.memory_space<hbm>>
          %dma_start3A_33 = arith.constant 9984 : i32
          %dma_start3A_34 = arith.constant 0 : i32
          %dma_start3A_35 = tpu.memref_slice %arg13[%dma_start3A_33, %dma_start3A_34] : memref<10240x128xf32, #tpu.memory_space<vmem_shared>> -> memref<16x128xf32, #tpu.memory_space<vmem_shared>>
          tpu.enqueue_dma source(%dma_start3A_35 : memref<16x128xf32, #tpu.memory_space<vmem_shared>>) target(%dma_start3A_32 : memref<16x128xf32, #tpu.memory_space<hbm>>) target_semaphore(%run_scoped3A : memref<!tpu.dma_semaphore, #tpu.memory_space<semaphore_mem>>)
          %dma_wait3A = arith.constant 9984 : i32
          %dma_wait3A_36 = arith.constant 0 : i32
          %dma_wait3A_37 = tpu.memref_slice %arg7[%dma_wait3A, %dma_wait3A_36] : memref<10000x128xf32, #tpu.memory_space<hbm>> -> memref<16x128xf32, #tpu.memory_space<hbm>>
          %dma_wait3A_38 = arith.constant 9984 : i32
          %dma_wait3A_39 = arith.constant 0 : i32
          %dma_wait3A_40 = tpu.memref_slice %arg13[%dma_wait3A_38, %dma_wait3A_39] : memref<10240x128xf32, #tpu.memory_space<vmem_shared>> -> memref<16x128xf32, #tpu.memory_space<vmem_shared>>
          tpu.wait_dma2 semaphore(%run_scoped3A : memref<!tpu.dma_semaphore, #tpu.memory_space<semaphore_mem>>) src(%dma_wait3A_40 : memref<16x128xf32, #tpu.memory_space<vmem_shared>>) dst(%dma_wait3A_37 : memref<16x128xf32, #tpu.memory_space<hbm>>)
          tpu.yield
        }) : () -> ()
      } else {
      }
    } else {
    }
    %eq3A_21 = arith.constant 1 : i32
    %eq3A_22 = arith.cmpi eq, %arg0, %eq3A_21 : i32
    %convert_element_type3A_23 = arith.extui %eq3A_22 : i1 to i32
    %cond3A_24 = arith.constant 0 : i32
    %cond3A_25 = arith.cmpi ne, %convert_element_type3A_23, %cond3A_24 : i32
    scf.if %cond3A_25 {
      "tpu.region"() ({
        %run_scoped3A = tpu.sem_alloc : memref<!tpu.dma_semaphore, #tpu.memory_space<semaphore_mem>>
        %dma_start3A = arith.constant 0 : i32
        %dma_start3A_31 = tpu.memref_slice %arg8[%mul3A_15, %dma_start3A] : memref<10000x128xf32, #tpu.memory_space<hbm>> -> memref<624x128xf32, #tpu.memory_space<hbm>>
        %dma_start3A_32 = arith.constant 0 : i32
        %dma_start3A_33 = tpu.memref_slice %arg13[%mul3A_15, %dma_start3A_32] : memref<10240x128xf32, #tpu.memory_space<vmem_shared>> -> memref<624x128xf32, #tpu.memory_space<vmem_shared>>
        tpu.enqueue_dma source(%dma_start3A_33 : memref<624x128xf32, #tpu.memory_space<vmem_shared>>) target(%dma_start3A_31 : memref<624x128xf32, #tpu.memory_space<hbm>>) target_semaphore(%run_scoped3A : memref<!tpu.dma_semaphore, #tpu.memory_space<semaphore_mem>>)
        %dma_wait3A = arith.constant 0 : i32
        %dma_wait3A_34 = tpu.memref_slice %arg8[%mul3A_15, %dma_wait3A] : memref<10000x128xf32, #tpu.memory_space<hbm>> -> memref<624x128xf32, #tpu.memory_space<hbm>>
        %dma_wait3A_35 = arith.constant 0 : i32
        %dma_wait3A_36 = tpu.memref_slice %arg13[%mul3A_15, %dma_wait3A_35] : memref<10240x128xf32, #tpu.memory_space<vmem_shared>> -> memref<624x128xf32, #tpu.memory_space<vmem_shared>>
        tpu.wait_dma2 semaphore(%run_scoped3A : memref<!tpu.dma_semaphore, #tpu.memory_space<semaphore_mem>>) src(%dma_wait3A_36 : memref<624x128xf32, #tpu.memory_space<vmem_shared>>) dst(%dma_wait3A_34 : memref<624x128xf32, #tpu.memory_space<hbm>>)
        tpu.yield
      }) : () -> ()
      %eq3A_26 = arith.constant 0 : i32
      %eq3A_27 = arith.cmpi eq, %arg1, %eq3A_26 : i32
      %convert_element_type3A_28 = arith.extui %eq3A_27 : i1 to i32
      %cond3A_29 = arith.constant 0 : i32
      %cond3A_30 = arith.cmpi ne, %convert_element_type3A_28, %cond3A_29 : i32
      scf.if %cond3A_30 {
        "tpu.region"() ({
          %run_scoped3A = tpu.sem_alloc : memref<!tpu.dma_semaphore, #tpu.memory_space<semaphore_mem>>
          %dma_start3A = arith.constant 9984 : i32
          %dma_start3A_31 = arith.constant 0 : i32
          %dma_start3A_32 = tpu.memref_slice %arg8[%dma_start3A, %dma_start3A_31] : memref<10000x128xf32, #tpu.memory_space<hbm>> -> memref<16x128xf32, #tpu.memory_space<hbm>>
          %dma_start3A_33 = arith.constant 9984 : i32
          %dma_start3A_34 = arith.constant 0 : i32
          %dma_start3A_35 = tpu.memref_slice %arg13[%dma_start3A_33, %dma_start3A_34] : memref<10240x128xf32, #tpu.memory_space<vmem_shared>> -> memref<16x128xf32, #tpu.memory_space<vmem_shared>>
          tpu.enqueue_dma source(%dma_start3A_35 : memref<16x128xf32, #tpu.memory_space<vmem_shared>>) target(%dma_start3A_32 : memref<16x128xf32, #tpu.memory_space<hbm>>) target_semaphore(%run_scoped3A : memref<!tpu.dma_semaphore, #tpu.memory_space<semaphore_mem>>)
          %dma_wait3A = arith.constant 9984 : i32
          %dma_wait3A_36 = arith.constant 0 : i32
          %dma_wait3A_37 = tpu.memref_slice %arg8[%dma_wait3A, %dma_wait3A_36] : memref<10000x128xf32, #tpu.memory_space<hbm>> -> memref<16x128xf32, #tpu.memory_space<hbm>>
          %dma_wait3A_38 = arith.constant 9984 : i32
          %dma_wait3A_39 = arith.constant 0 : i32
          %dma_wait3A_40 = tpu.memref_slice %arg13[%dma_wait3A_38, %dma_wait3A_39] : memref<10240x128xf32, #tpu.memory_space<vmem_shared>> -> memref<16x128xf32, #tpu.memory_space<vmem_shared>>
          tpu.wait_dma2 semaphore(%run_scoped3A : memref<!tpu.dma_semaphore, #tpu.memory_space<semaphore_mem>>) src(%dma_wait3A_40 : memref<16x128xf32, #tpu.memory_space<vmem_shared>>) dst(%dma_wait3A_37 : memref<16x128xf32, #tpu.memory_space<hbm>>)
          tpu.yield
        }) : () -> ()
      } else {
      }
    } else {
    }
    return
  }
}

#map = affine_map<(d0, d1) -> (0, 0)>
module attributes {stable_mosaic.version = 14 : i64} {
  func.func @_sc_nmean(%arg0: i32, %arg1: i32, %arg2: memref<10000x128xf32, #tpu.memory_space<hbm>>, %arg3: memref<2560x128xi32, #tpu.memory_space<hbm>>, %arg4: memref<2560x128xi32, #tpu.memory_space<hbm>>, %arg5: memref<2560x128xf32, #tpu.memory_space<hbm>>, %arg6: memref<128x128xf32, #tpu.memory_space<hbm>>, %arg7: memref<10000x128xf32, #tpu.memory_space<hbm>>, %arg8: memref<10000x128xf32, #tpu.memory_space<hbm>>, %arg9: memref<8x128xi32, #tpu.memory_space<vmem>>, %arg10: memref<8x128xi32, #tpu.memory_space<vmem>>, %arg11: memref<8x128xf32, #tpu.memory_space<vmem>>, %arg12: memref<128x128xf32, #tpu.memory_space<vmem>>, %arg13: memref<128x128xf32, #tpu.memory_space<vmem>>, %arg14: memref<10240x128xf32, #tpu.memory_space<vmem_shared>>, %arg15: memref<!tpu.dma_semaphore, #tpu.memory_space<semaphore_mem>>, %arg16: memref<!tpu.dma_semaphore, #tpu.memory_space<semaphore_mem>>, %arg17: memref<!tpu.dma_semaphore, #tpu.memory_space<semaphore_mem>>, %arg18: memref<!tpu.dma_semaphore, #tpu.memory_space<semaphore_mem>>) attributes {dimension_semantics = [#tpu.dimension_semantics<core_parallel>, #tpu.dimension_semantics<subcore_parallel>], iteration_bounds = array<i64: 2, 16>, scalar_prefetch = 0 : i64, scratch_operands = 10 : i64, tpu.core_type = #tpu.core_type<sc_vector_subcore>, window_params = [{transform_indices = #map}, {transform_indices = #map}, {transform_indices = #map}, {transform_indices = #map}, {transform_indices = #map}, {transform_indices = #map}, {transform_indices = #map}]} {
    %mul3A = arith.constant 16 : i32
    %mul3A_0 = arith.muli %arg0, %mul3A : i32
    %add3A = arith.addi %mul3A_0, %arg1 : i32
    %iota3A = tpu.iota {dimensions = array<i32: 0>} : vector<16xi32>
    %mul3A_1 = arith.constant 640 : i32
    %mul3A_2 = arith.muli %arg1, %mul3A_1 : i32
    %scan3A = arith.constant 0 : i32
    %scan3A_3 = arith.constant 0 : i32
    %scan3A_4 = arith.constant 5 : i32
    %scan3A_5 = arith.addi %scan3A_3, %scan3A_4 : i32
    %scan3A_6 = arith.constant 1 : i32
    scf.for %scan3A_24 = %scan3A_3 to %scan3A_5 step %scan3A_6  : i32 {
      %mul3A_25 = arith.constant 128 : i32
      %mul3A_26 = arith.muli %scan3A_24, %mul3A_25 : i32
      %add3A_27 = arith.addi %mul3A_2, %mul3A_26 : i32
      "tpu.region"() ({
        %run_scoped3A = tpu.sem_alloc : memref<!tpu.dma_semaphore, #tpu.memory_space<semaphore_mem>>
        %dma_start3A = arith.constant 0 : i32
        %dma_start3A_28 = tpu.memref_slice %arg14[%add3A_27, %dma_start3A] : memref<10240x128xf32, #tpu.memory_space<vmem_shared>> -> memref<128x128xf32, #tpu.memory_space<vmem_shared>>
        tpu.enqueue_dma source(%arg6 : memref<128x128xf32, #tpu.memory_space<hbm>>) target(%dma_start3A_28 : memref<128x128xf32, #tpu.memory_space<vmem_shared>>) target_semaphore(%run_scoped3A : memref<!tpu.dma_semaphore, #tpu.memory_space<semaphore_mem>>)
        %dma_wait3A = arith.constant 0 : i32
        %dma_wait3A_29 = tpu.memref_slice %arg14[%add3A_27, %dma_wait3A] : memref<10240x128xf32, #tpu.memory_space<vmem_shared>> -> memref<128x128xf32, #tpu.memory_space<vmem_shared>>
        tpu.wait_dma2 semaphore(%run_scoped3A : memref<!tpu.dma_semaphore, #tpu.memory_space<semaphore_mem>>) src(%arg6 : memref<128x128xf32, #tpu.memory_space<hbm>>) dst(%dma_wait3A_29 : memref<128x128xf32, #tpu.memory_space<vmem_shared>>)
        tpu.yield
      }) : () -> ()
    }
    %scan3A_7 = arith.constant 5 : i32
    %barrier3A = arith.constant 0 : index
    tpu.barrier barrier_id(%barrier3A)
    %scan3A_8 = arith.constant 0 : i32
    %scan3A_9 = arith.constant 0 : i32
    %scan3A_10 = arith.constant 10 : i32
    %scan3A_11 = arith.addi %scan3A_9, %scan3A_10 : i32
    %scan3A_12 = arith.constant 1 : i32
    scf.for %scan3A_24 = %scan3A_9 to %scan3A_11 step %scan3A_12  : i32 {
      %mul3A_25 = arith.constant 80 : i32
      %mul3A_26 = arith.muli %add3A, %mul3A_25 : i32
      %mul3A_27 = arith.constant 8 : i32
      %mul3A_28 = arith.muli %scan3A_24, %mul3A_27 : i32
      %add3A_29 = arith.addi %mul3A_26, %mul3A_28 : i32
      "tpu.region"() ({
        %run_scoped3A = tpu.sem_alloc : memref<!tpu.dma_semaphore, #tpu.memory_space<semaphore_mem>>
        %dma_start3A_315 = arith.constant 0 : i32
        %dma_start3A_316 = tpu.memref_slice %arg3[%add3A_29, %dma_start3A_315] : memref<2560x128xi32, #tpu.memory_space<hbm>> -> memref<8x128xi32, #tpu.memory_space<hbm>>
        %dma_start3A_317 = arith.constant 0 : i32
        %dma_start3A_318 = tpu.memref_slice %arg3[%add3A_29, %dma_start3A_317] : memref<2560x128xi32, #tpu.memory_space<hbm>> -> memref<8x128xi32, #tpu.memory_space<hbm>>
        tpu.enqueue_dma source(%dma_start3A_318 : memref<8x128xi32, #tpu.memory_space<hbm>>) target(%arg9 : memref<8x128xi32, #tpu.memory_space<vmem>>) target_semaphore(%run_scoped3A : memref<!tpu.dma_semaphore, #tpu.memory_space<semaphore_mem>>)
        %dma_wait3A_319 = arith.constant 0 : i32
        %dma_wait3A_320 = tpu.memref_slice %arg3[%add3A_29, %dma_wait3A_319] : memref<2560x128xi32, #tpu.memory_space<hbm>> -> memref<8x128xi32, #tpu.memory_space<hbm>>
        %dma_wait3A_321 = arith.constant 0 : i32
        %dma_wait3A_322 = tpu.memref_slice %arg3[%add3A_29, %dma_wait3A_321] : memref<2560x128xi32, #tpu.memory_space<hbm>> -> memref<8x128xi32, #tpu.memory_space<hbm>>
        tpu.wait_dma2 semaphore(%run_scoped3A : memref<!tpu.dma_semaphore, #tpu.memory_space<semaphore_mem>>) src(%dma_wait3A_322 : memref<8x128xi32, #tpu.memory_space<hbm>>) dst(%arg9 : memref<8x128xi32, #tpu.memory_space<vmem>>)
        tpu.yield
      }) : () -> ()
      "tpu.region"() ({
        %run_scoped3A = tpu.sem_alloc : memref<!tpu.dma_semaphore, #tpu.memory_space<semaphore_mem>>
        %dma_start3A_315 = arith.constant 0 : i32
        %dma_start3A_316 = tpu.memref_slice %arg4[%add3A_29, %dma_start3A_315] : memref<2560x128xi32, #tpu.memory_space<hbm>> -> memref<8x128xi32, #tpu.memory_space<hbm>>
        %dma_start3A_317 = arith.constant 0 : i32
        %dma_start3A_318 = tpu.memref_slice %arg4[%add3A_29, %dma_start3A_317] : memref<2560x128xi32, #tpu.memory_space<hbm>> -> memref<8x128xi32, #tpu.memory_space<hbm>>
        tpu.enqueue_dma source(%dma_start3A_318 : memref<8x128xi32, #tpu.memory_space<hbm>>) target(%arg10 : memref<8x128xi32, #tpu.memory_space<vmem>>) target_semaphore(%run_scoped3A : memref<!tpu.dma_semaphore, #tpu.memory_space<semaphore_mem>>)
        %dma_wait3A_319 = arith.constant 0 : i32
        %dma_wait3A_320 = tpu.memref_slice %arg4[%add3A_29, %dma_wait3A_319] : memref<2560x128xi32, #tpu.memory_space<hbm>> -> memref<8x128xi32, #tpu.memory_space<hbm>>
        %dma_wait3A_321 = arith.constant 0 : i32
        %dma_wait3A_322 = tpu.memref_slice %arg4[%add3A_29, %dma_wait3A_321] : memref<2560x128xi32, #tpu.memory_space<hbm>> -> memref<8x128xi32, #tpu.memory_space<hbm>>
        tpu.wait_dma2 semaphore(%run_scoped3A : memref<!tpu.dma_semaphore, #tpu.memory_space<semaphore_mem>>) src(%dma_wait3A_322 : memref<8x128xi32, #tpu.memory_space<hbm>>) dst(%arg10 : memref<8x128xi32, #tpu.memory_space<vmem>>)
        tpu.yield
      }) : () -> ()
      "tpu.region"() ({
        %run_scoped3A = tpu.sem_alloc : memref<!tpu.dma_semaphore, #tpu.memory_space<semaphore_mem>>
        %dma_start3A_315 = arith.constant 0 : i32
        %dma_start3A_316 = tpu.memref_slice %arg5[%add3A_29, %dma_start3A_315] : memref<2560x128xf32, #tpu.memory_space<hbm>> -> memref<8x128xf32, #tpu.memory_space<hbm>>
        %dma_start3A_317 = arith.constant 0 : i32
        %dma_start3A_318 = tpu.memref_slice %arg5[%add3A_29, %dma_start3A_317] : memref<2560x128xf32, #tpu.memory_space<hbm>> -> memref<8x128xf32, #tpu.memory_space<hbm>>
        tpu.enqueue_dma source(%dma_start3A_318 : memref<8x128xf32, #tpu.memory_space<hbm>>) target(%arg11 : memref<8x128xf32, #tpu.memory_space<vmem>>) target_semaphore(%run_scoped3A : memref<!tpu.dma_semaphore, #tpu.memory_space<semaphore_mem>>)
        %dma_wait3A_319 = arith.constant 0 : i32
        %dma_wait3A_320 = tpu.memref_slice %arg5[%add3A_29, %dma_wait3A_319] : memref<2560x128xf32, #tpu.memory_space<hbm>> -> memref<8x128xf32, #tpu.memory_space<hbm>>
        %dma_wait3A_321 = arith.constant 0 : i32
        %dma_wait3A_322 = tpu.memref_slice %arg5[%add3A_29, %dma_wait3A_321] : memref<2560x128xf32, #tpu.memory_space<hbm>> -> memref<8x128xf32, #tpu.memory_space<hbm>>
        tpu.wait_dma2 semaphore(%run_scoped3A : memref<!tpu.dma_semaphore, #tpu.memory_space<semaphore_mem>>) src(%dma_wait3A_322 : memref<8x128xf32, #tpu.memory_space<hbm>>) dst(%arg11 : memref<8x128xf32, #tpu.memory_space<vmem>>)
        tpu.yield
      }) : () -> ()
      %dma_start3A = arith.constant 0 : i32
      %dma_start3A_30 = arith.constant 0 : i32
      %dma_start3A_31 = tpu.memref_slice %arg10[%dma_start3A, %dma_start3A_30] : memref<8x128xi32, #tpu.memory_space<vmem>> -> memref<1x128xi32, #tpu.memory_space<vmem>>
      %dma_start3A_32 = tpu.memref_squeeze %dma_start3A_31 : memref<1x128xi32, #tpu.memory_space<vmem>> -> memref<128xi32, #tpu.memory_space<vmem>>
      %dma_start3A_33 = arith.constant 0 : i32
      %dma_start3A_34 = arith.constant 0 : i32
      %dma_start3A_35 = tpu.memref_slice %arg2[%dma_start3A_33, %dma_start3A_34] : memref<10000x128xf32, #tpu.memory_space<hbm>> -> memref<10000x128xf32, #tpu.memory_space<hbm>>
      tpu.enqueue_indirect_dma source(%dma_start3A_35 : memref<10000x128xf32, #tpu.memory_space<hbm>>) target(%arg12 : memref<128x128xf32, #tpu.memory_space<vmem>>) offsets(%dma_start3A_32 : memref<128xi32, #tpu.memory_space<vmem>>) semaphore(%arg15 : memref<!tpu.dma_semaphore, #tpu.memory_space<semaphore_mem>>)
      %dma_start3A_36 = arith.constant 1 : i32
      %dma_start3A_37 = arith.constant 0 : i32
      %dma_start3A_38 = tpu.memref_slice %arg10[%dma_start3A_36, %dma_start3A_37] : memref<8x128xi32, #tpu.memory_space<vmem>> -> memref<1x128xi32, #tpu.memory_space<vmem>>
      %dma_start3A_39 = tpu.memref_squeeze %dma_start3A_38 : memref<1x128xi32, #tpu.memory_space<vmem>> -> memref<128xi32, #tpu.memory_space<vmem>>
      %dma_start3A_40 = arith.constant 0 : i32
      %dma_start3A_41 = arith.constant 0 : i32
      %dma_start3A_42 = tpu.memref_slice %arg2[%dma_start3A_40, %dma_start3A_41] : memref<10000x128xf32, #tpu.memory_space<hbm>> -> memref<10000x128xf32, #tpu.memory_space<hbm>>
      tpu.enqueue_indirect_dma source(%dma_start3A_42 : memref<10000x128xf32, #tpu.memory_space<hbm>>) target(%arg13 : memref<128x128xf32, #tpu.memory_space<vmem>>) offsets(%dma_start3A_39 : memref<128xi32, #tpu.memory_space<vmem>>) semaphore(%arg16 : memref<!tpu.dma_semaphore, #tpu.memory_space<semaphore_mem>>)
      %dma_wait3A = arith.constant 0 : i32
      %dma_wait3A_43 = arith.constant 0 : i32
      %dma_wait3A_44 = tpu.memref_slice %arg10[%dma_wait3A, %dma_wait3A_43] : memref<8x128xi32, #tpu.memory_space<vmem>> -> memref<1x128xi32, #tpu.memory_space<vmem>>
      %dma_wait3A_45 = tpu.memref_squeeze %dma_wait3A_44 : memref<1x128xi32, #tpu.memory_space<vmem>> -> memref<128xi32, #tpu.memory_space<vmem>>
      %dma_wait3A_46 = arith.constant 0 : i32
      %dma_wait3A_47 = arith.constant 0 : i32
      %dma_wait3A_48 = tpu.memref_slice %arg2[%dma_wait3A_46, %dma_wait3A_47] : memref<10000x128xf32, #tpu.memory_space<hbm>> -> memref<10000x128xf32, #tpu.memory_space<hbm>>
      tpu.wait_indirect_dma semaphore(%arg15 : memref<!tpu.dma_semaphore, #tpu.memory_space<semaphore_mem>>) src(%dma_wait3A_48 : memref<10000x128xf32, #tpu.memory_space<hbm>>) dst(%arg12 : memref<128x128xf32, #tpu.memory_space<vmem>>)
      %broadcast_in_dim3A = arith.constant 0 : i32
      %broadcast_in_dim3A_49 = vector.broadcast %broadcast_in_dim3A : i32 to vector<16xi32>
      %scan3A_50 = arith.constant 0 : i32
      %scan3A_51 = arith.constant 0 : i32
      %scan3A_52 = arith.constant 128 : i32
      %scan3A_53 = arith.addi %scan3A_51, %scan3A_52 : i32
      %scan3A_54 = arith.constant 1 : i32
      scf.for %scan3A_315 = %scan3A_51 to %scan3A_53 step %scan3A_54  : i32 {
        %broadcast_in_dim3A_316 = vector.broadcast %scan3A_315 : i32 to vector<16xi32>
        %gather3A = tpu.vector_load_idx %arg11[%broadcast_in_dim3A_49, %broadcast_in_dim3A_316] : memref<8x128xf32, #tpu.memory_space<vmem>>[vector<16xi32>, vector<16xi32>], vector<16xf32>,
        %add3A_317 = arith.constant 0 : i32
        %add3A_318 = vector.broadcast %add3A_317 : i32 to vector<16xi32>
        %add3A_319 = arith.addi %iota3A, %add3A_318 : vector<16xi32>
        %gather3A_320 = tpu.vector_load_idx %arg12[%broadcast_in_dim3A_316, %add3A_319] : memref<128x128xf32, #tpu.memory_space<vmem>>[vector<16xi32>, vector<16xi32>], vector<16xf32>,
        %add3A_321 = arith.constant 0 : i32
        %add3A_322 = vector.broadcast %add3A_321 : i32 to vector<16xi32>
        %add3A_323 = arith.addi %iota3A, %add3A_322 : vector<16xi32>
        %mul3A_324 = arith.mulf %gather3A_320, %gather3A : vector<16xf32>
        tpu.vector_store_idx %arg12[%broadcast_in_dim3A_316, %add3A_323], %mul3A_324 : memref<128x128xf32, #tpu.memory_space<vmem>>[vector<16xi32>, vector<16xi32>], vector<16xf32>,
        %add3A_325 = arith.constant 16 : i32
        %add3A_326 = vector.broadcast %add3A_325 : i32 to vector<16xi32>
        %add3A_327 = arith.addi %iota3A, %add3A_326 : vector<16xi32>
        %gather3A_328 = tpu.vector_load_idx %arg12[%broadcast_in_dim3A_316, %add3A_327] : memref<128x128xf32, #tpu.memory_space<vmem>>[vector<16xi32>, vector<16xi32>], vector<16xf32>,
        %add3A_329 = arith.constant 16 : i32
        %add3A_330 = vector.broadcast %add3A_329 : i32 to vector<16xi32>
        %add3A_331 = arith.addi %iota3A, %add3A_330 : vector<16xi32>
        %mul3A_332 = arith.mulf %gather3A_328, %gather3A : vector<16xf32>
        tpu.vector_store_idx %arg12[%broadcast_in_dim3A_316, %add3A_331], %mul3A_332 : memref<128x128xf32, #tpu.memory_space<vmem>>[vector<16xi32>, vector<16xi32>], vector<16xf32>,
        %add3A_333 = arith.constant 32 : i32
        %add3A_334 = vector.broadcast %add3A_333 : i32 to vector<16xi32>
        %add3A_335 = arith.addi %iota3A, %add3A_334 : vector<16xi32>
        %gather3A_336 = tpu.vector_load_idx %arg12[%broadcast_in_dim3A_316, %add3A_335] : memref<128x128xf32, #tpu.memory_space<vmem>>[vector<16xi32>, vector<16xi32>], vector<16xf32>,
        %add3A_337 = arith.constant 32 : i32
        %add3A_338 = vector.broadcast %add3A_337 : i32 to vector<16xi32>
        %add3A_339 = arith.addi %iota3A, %add3A_338 : vector<16xi32>
        %mul3A_340 = arith.mulf %gather3A_336, %gather3A : vector<16xf32>
        tpu.vector_store_idx %arg12[%broadcast_in_dim3A_316, %add3A_339], %mul3A_340 : memref<128x128xf32, #tpu.memory_space<vmem>>[vector<16xi32>, vector<16xi32>], vector<16xf32>,
        %add3A_341 = arith.constant 48 : i32
        %add3A_342 = vector.broadcast %add3A_341 : i32 to vector<16xi32>
        %add3A_343 = arith.addi %iota3A, %add3A_342 : vector<16xi32>
        %gather3A_344 = tpu.vector_load_idx %arg12[%broadcast_in_dim3A_316, %add3A_343] : memref<128x128xf32, #tpu.memory_space<vmem>>[vector<16xi32>, vector<16xi32>], vector<16xf32>,
        %add3A_345 = arith.constant 48 : i32
        %add3A_346 = vector.broadcast %add3A_345 : i32 to vector<16xi32>
        %add3A_347 = arith.addi %iota3A, %add3A_346 : vector<16xi32>
        %mul3A_348 = arith.mulf %gather3A_344, %gather3A : vector<16xf32>
        tpu.vector_store_idx %arg12[%broadcast_in_dim3A_316, %add3A_347], %mul3A_348 : memref<128x128xf32, #tpu.memory_space<vmem>>[vector<16xi32>, vector<16xi32>], vector<16xf32>,
        %add3A_349 = arith.constant 64 : i32
        %add3A_350 = vector.broadcast %add3A_349 : i32 to vector<16xi32>
        %add3A_351 = arith.addi %iota3A, %add3A_350 : vector<16xi32>
        %gather3A_352 = tpu.vector_load_idx %arg12[%broadcast_in_dim3A_316, %add3A_351] : memref<128x128xf32, #tpu.memory_space<vmem>>[vector<16xi32>, vector<16xi32>], vector<16xf32>,
        %add3A_353 = arith.constant 64 : i32
        %add3A_354 = vector.broadcast %add3A_353 : i32 to vector<16xi32>
        %add3A_355 = arith.addi %iota3A, %add3A_354 : vector<16xi32>
        %mul3A_356 = arith.mulf %gather3A_352, %gather3A : vector<16xf32>
        tpu.vector_store_idx %arg12[%broadcast_in_dim3A_316, %add3A_355], %mul3A_356 : memref<128x128xf32, #tpu.memory_space<vmem>>[vector<16xi32>, vector<16xi32>], vector<16xf32>,
        %add3A_357 = arith.constant 80 : i32
        %add3A_358 = vector.broadcast %add3A_357 : i32 to vector<16xi32>
        %add3A_359 = arith.addi %iota3A, %add3A_358 : vector<16xi32>
        %gather3A_360 = tpu.vector_load_idx %arg12[%broadcast_in_dim3A_316, %add3A_359] : memref<128x128xf32, #tpu.memory_space<vmem>>[vector<16xi32>, vector<16xi32>], vector<16xf32>,
        %add3A_361 = arith.constant 80 : i32
        %add3A_362 = vector.broadcast %add3A_361 : i32 to vector<16xi32>
        %add3A_363 = arith.addi %iota3A, %add3A_362 : vector<16xi32>
        %mul3A_364 = arith.mulf %gather3A_360, %gather3A : vector<16xf32>
        tpu.vector_store_idx %arg12[%broadcast_in_dim3A_316, %add3A_363], %mul3A_364 : memref<128x128xf32, #tpu.memory_space<vmem>>[vector<16xi32>, vector<16xi32>], vector<16xf32>,
        %add3A_365 = arith.constant 96 : i32
        %add3A_366 = vector.broadcast %add3A_365 : i32 to vector<16xi32>
        %add3A_367 = arith.addi %iota3A, %add3A_366 : vector<16xi32>
        %gather3A_368 = tpu.vector_load_idx %arg12[%broadcast_in_dim3A_316, %add3A_367] : memref<128x128xf32, #tpu.memory_space<vmem>>[vector<16xi32>, vector<16xi32>], vector<16xf32>,
        %add3A_369 = arith.constant 96 : i32
        %add3A_370 = vector.broadcast %add3A_369 : i32 to vector<16xi32>
        %add3A_371 = arith.addi %iota3A, %add3A_370 : vector<16xi32>
        %mul3A_372 = arith.mulf %gather3A_368, %gather3A : vector<16xf32>
        tpu.vector_store_idx %arg12[%broadcast_in_dim3A_316, %add3A_371], %mul3A_372 : memref<128x128xf32, #tpu.memory_space<vmem>>[vector<16xi32>, vector<16xi32>], vector<16xf32>,
        %add3A_373 = arith.constant 112 : i32
        %add3A_374 = vector.broadcast %add3A_373 : i32 to vector<16xi32>
        %add3A_375 = arith.addi %iota3A, %add3A_374 : vector<16xi32>
        %gather3A_376 = tpu.vector_load_idx %arg12[%broadcast_in_dim3A_316, %add3A_375] : memref<128x128xf32, #tpu.memory_space<vmem>>[vector<16xi32>, vector<16xi32>], vector<16xf32>,
        %add3A_377 = arith.constant 112 : i32
        %add3A_378 = vector.broadcast %add3A_377 : i32 to vector<16xi32>
        %add3A_379 = arith.addi %iota3A, %add3A_378 : vector<16xi32>
        %mul3A_380 = arith.mulf %gather3A_376, %gather3A : vector<16xf32>
        tpu.vector_store_idx %arg12[%broadcast_in_dim3A_316, %add3A_379], %mul3A_380 : memref<128x128xf32, #tpu.memory_space<vmem>>[vector<16xi32>, vector<16xi32>], vector<16xf32>,
      }
      %scan3A_55 = arith.constant 128 : i32
      %dma_start3A_56 = arith.constant 0 : i32
      %dma_start3A_57 = arith.constant 0 : i32
      %dma_start3A_58 = tpu.memref_slice %arg9[%dma_start3A_56, %dma_start3A_57] : memref<8x128xi32, #tpu.memory_space<vmem>> -> memref<1x128xi32, #tpu.memory_space<vmem>>
      %dma_start3A_59 = tpu.memref_squeeze %dma_start3A_58 : memref<1x128xi32, #tpu.memory_space<vmem>> -> memref<128xi32, #tpu.memory_space<vmem>>
      %dma_start3A_60 = arith.constant 0 : i32
      %dma_start3A_61 = arith.constant 0 : i32
      %dma_start3A_62 = tpu.memref_slice %arg14[%dma_start3A_60, %dma_start3A_61] : memref<10240x128xf32, #tpu.memory_space<vmem_shared>> -> memref<10240x128xf32, #tpu.memory_space<vmem_shared>>
      tpu.enqueue_indirect_dma source(%arg12 : memref<128x128xf32, #tpu.memory_space<vmem>>) target(%dma_start3A_62 : memref<10240x128xf32, #tpu.memory_space<vmem_shared>>) offsets(%dma_start3A_59 : memref<128xi32, #tpu.memory_space<vmem>>) semaphore(%arg17 : memref<!tpu.dma_semaphore, #tpu.memory_space<semaphore_mem>>) {add = true}
      %dma_wait3A_63 = arith.constant 0 : i32
      %dma_wait3A_64 = arith.constant 0 : i32
      %dma_wait3A_65 = tpu.memref_slice %arg9[%dma_wait3A_63, %dma_wait3A_64] : memref<8x128xi32, #tpu.memory_space<vmem>> -> memref<1x128xi32, #tpu.memory_space<vmem>>
      %dma_wait3A_66 = tpu.memref_squeeze %dma_wait3A_65 : memref<1x128xi32, #tpu.memory_space<vmem>> -> memref<128xi32, #tpu.memory_space<vmem>>
      %dma_wait3A_67 = arith.constant 0 : i32
      %dma_wait3A_68 = arith.constant 0 : i32
      %dma_wait3A_69 = tpu.memref_slice %arg14[%dma_wait3A_67, %dma_wait3A_68] : memref<10240x128xf32, #tpu.memory_space<vmem_shared>> -> memref<10240x128xf32, #tpu.memory_space<vmem_shared>>
      tpu.wait_indirect_dma semaphore(%arg17 : memref<!tpu.dma_semaphore, #tpu.memory_space<semaphore_mem>>) src(%arg12 : memref<128x128xf32, #tpu.memory_space<vmem>>) dst(%dma_wait3A_69 : memref<10240x128xf32, #tpu.memory_space<vmem_shared>>)
      %dma_start3A_70 = arith.constant 2 : i32
      %dma_start3A_71 = arith.constant 0 : i32
      %dma_start3A_72 = tpu.memref_slice %arg10[%dma_start3A_70, %dma_start3A_71] : memref<8x128xi32, #tpu.memory_space<vmem>> -> memref<1x128xi32, #tpu.memory_space<vmem>>
      %dma_start3A_73 = tpu.memref_squeeze %dma_start3A_72 : memref<1x128xi32, #tpu.memory_space<vmem>> -> memref<128xi32, #tpu.memory_space<vmem>>
      %dma_start3A_74 = arith.constant 0 : i32
      %dma_start3A_75 = arith.constant 0 : i32
      %dma_start3A_76 = tpu.memref_slice %arg2[%dma_start3A_74, %dma_start3A_75] : memref<10000x128xf32, #tpu.memory_space<hbm>> -> memref<10000x128xf32, #tpu.memory_space<hbm>>
      tpu.enqueue_indirect_dma source(%dma_start3A_76 : memref<10000x128xf32, #tpu.memory_space<hbm>>) target(%arg12 : memref<128x128xf32, #tpu.memory_space<vmem>>) offsets(%dma_start3A_73 : memref<128xi32, #tpu.memory_space<vmem>>) semaphore(%arg15 : memref<!tpu.dma_semaphore, #tpu.memory_space<semaphore_mem>>)
      %dma_wait3A_77 = arith.constant 1 : i32
      %dma_wait3A_78 = arith.constant 0 : i32
      %dma_wait3A_79 = tpu.memref_slice %arg10[%dma_wait3A_77, %dma_wait3A_78] : memref<8x128xi32, #tpu.memory_space<vmem>> -> memref<1x128xi32, #tpu.memory_space<vmem>>
      %dma_wait3A_80 = tpu.memref_squeeze %dma_wait3A_79 : memref<1x128xi32, #tpu.memory_space<vmem>> -> memref<128xi32, #tpu.memory_space<vmem>>
      %dma_wait3A_81 = arith.constant 0 : i32
      %dma_wait3A_82 = arith.constant 0 : i32
      %dma_wait3A_83 = tpu.memref_slice %arg2[%dma_wait3A_81, %dma_wait3A_82] : memref<10000x128xf32, #tpu.memory_space<hbm>> -> memref<10000x128xf32, #tpu.memory_space<hbm>>
      tpu.wait_indirect_dma semaphore(%arg16 : memref<!tpu.dma_semaphore, #tpu.memory_space<semaphore_mem>>) src(%dma_wait3A_83 : memref<10000x128xf32, #tpu.memory_space<hbm>>) dst(%arg13 : memref<128x128xf32, #tpu.memory_space<vmem>>)
      %broadcast_in_dim3A_84 = arith.constant 1 : i32
      %broadcast_in_dim3A_85 = vector.broadcast %broadcast_in_dim3A_84 : i32 to vector<16xi32>
      %scan3A_86 = arith.constant 0 : i32
      %scan3A_87 = arith.constant 0 : i32
      %scan3A_88 = arith.constant 128 : i32
      %scan3A_89 = arith.addi %scan3A_87, %scan3A_88 : i32
      %scan3A_90 = arith.constant 1 : i32
      scf.for %scan3A_315 = %scan3A_87 to %scan3A_89 step %scan3A_90  : i32 {
        %broadcast_in_dim3A_316 = vector.broadcast %scan3A_315 : i32 to vector<16xi32>
        %gather3A = tpu.vector_load_idx %arg11[%broadcast_in_dim3A_85, %broadcast_in_dim3A_316] : memref<8x128xf32, #tpu.memory_space<vmem>>[vector<16xi32>, vector<16xi32>], vector<16xf32>,
        %add3A_317 = arith.constant 0 : i32
        %add3A_318 = vector.broadcast %add3A_317 : i32 to vector<16xi32>
        %add3A_319 = arith.addi %iota3A, %add3A_318 : vector<16xi32>
        %gather3A_320 = tpu.vector_load_idx %arg13[%broadcast_in_dim3A_316, %add3A_319] : memref<128x128xf32, #tpu.memory_space<vmem>>[vector<16xi32>, vector<16xi32>], vector<16xf32>,
        %add3A_321 = arith.constant 0 : i32
        %add3A_322 = vector.broadcast %add3A_321 : i32 to vector<16xi32>
        %add3A_323 = arith.addi %iota3A, %add3A_322 : vector<16xi32>
        %mul3A_324 = arith.mulf %gather3A_320, %gather3A : vector<16xf32>
        tpu.vector_store_idx %arg13[%broadcast_in_dim3A_316, %add3A_323], %mul3A_324 : memref<128x128xf32, #tpu.memory_space<vmem>>[vector<16xi32>, vector<16xi32>], vector<16xf32>,
        %add3A_325 = arith.constant 16 : i32
        %add3A_326 = vector.broadcast %add3A_325 : i32 to vector<16xi32>
        %add3A_327 = arith.addi %iota3A, %add3A_326 : vector<16xi32>
        %gather3A_328 = tpu.vector_load_idx %arg13[%broadcast_in_dim3A_316, %add3A_327] : memref<128x128xf32, #tpu.memory_space<vmem>>[vector<16xi32>, vector<16xi32>], vector<16xf32>,
        %add3A_329 = arith.constant 16 : i32
        %add3A_330 = vector.broadcast %add3A_329 : i32 to vector<16xi32>
        %add3A_331 = arith.addi %iota3A, %add3A_330 : vector<16xi32>
        %mul3A_332 = arith.mulf %gather3A_328, %gather3A : vector<16xf32>
        tpu.vector_store_idx %arg13[%broadcast_in_dim3A_316, %add3A_331], %mul3A_332 : memref<128x128xf32, #tpu.memory_space<vmem>>[vector<16xi32>, vector<16xi32>], vector<16xf32>,
        %add3A_333 = arith.constant 32 : i32
        %add3A_334 = vector.broadcast %add3A_333 : i32 to vector<16xi32>
        %add3A_335 = arith.addi %iota3A, %add3A_334 : vector<16xi32>
        %gather3A_336 = tpu.vector_load_idx %arg13[%broadcast_in_dim3A_316, %add3A_335] : memref<128x128xf32, #tpu.memory_space<vmem>>[vector<16xi32>, vector<16xi32>], vector<16xf32>,
        %add3A_337 = arith.constant 32 : i32
        %add3A_338 = vector.broadcast %add3A_337 : i32 to vector<16xi32>
        %add3A_339 = arith.addi %iota3A, %add3A_338 : vector<16xi32>
        %mul3A_340 = arith.mulf %gather3A_336, %gather3A : vector<16xf32>
        tpu.vector_store_idx %arg13[%broadcast_in_dim3A_316, %add3A_339], %mul3A_340 : memref<128x128xf32, #tpu.memory_space<vmem>>[vector<16xi32>, vector<16xi32>], vector<16xf32>,
        %add3A_341 = arith.constant 48 : i32
        %add3A_342 = vector.broadcast %add3A_341 : i32 to vector<16xi32>
        %add3A_343 = arith.addi %iota3A, %add3A_342 : vector<16xi32>
        %gather3A_344 = tpu.vector_load_idx %arg13[%broadcast_in_dim3A_316, %add3A_343] : memref<128x128xf32, #tpu.memory_space<vmem>>[vector<16xi32>, vector<16xi32>], vector<16xf32>,
        %add3A_345 = arith.constant 48 : i32
        %add3A_346 = vector.broadcast %add3A_345 : i32 to vector<16xi32>
        %add3A_347 = arith.addi %iota3A, %add3A_346 : vector<16xi32>
        %mul3A_348 = arith.mulf %gather3A_344, %gather3A : vector<16xf32>
        tpu.vector_store_idx %arg13[%broadcast_in_dim3A_316, %add3A_347], %mul3A_348 : memref<128x128xf32, #tpu.memory_space<vmem>>[vector<16xi32>, vector<16xi32>], vector<16xf32>,
        %add3A_349 = arith.constant 64 : i32
        %add3A_350 = vector.broadcast %add3A_349 : i32 to vector<16xi32>
        %add3A_351 = arith.addi %iota3A, %add3A_350 : vector<16xi32>
        %gather3A_352 = tpu.vector_load_idx %arg13[%broadcast_in_dim3A_316, %add3A_351] : memref<128x128xf32, #tpu.memory_space<vmem>>[vector<16xi32>, vector<16xi32>], vector<16xf32>,
        %add3A_353 = arith.constant 64 : i32
        %add3A_354 = vector.broadcast %add3A_353 : i32 to vector<16xi32>
        %add3A_355 = arith.addi %iota3A, %add3A_354 : vector<16xi32>
        %mul3A_356 = arith.mulf %gather3A_352, %gather3A : vector<16xf32>
        tpu.vector_store_idx %arg13[%broadcast_in_dim3A_316, %add3A_355], %mul3A_356 : memref<128x128xf32, #tpu.memory_space<vmem>>[vector<16xi32>, vector<16xi32>], vector<16xf32>,
        %add3A_357 = arith.constant 80 : i32
        %add3A_358 = vector.broadcast %add3A_357 : i32 to vector<16xi32>
        %add3A_359 = arith.addi %iota3A, %add3A_358 : vector<16xi32>
        %gather3A_360 = tpu.vector_load_idx %arg13[%broadcast_in_dim3A_316, %add3A_359] : memref<128x128xf32, #tpu.memory_space<vmem>>[vector<16xi32>, vector<16xi32>], vector<16xf32>,
        %add3A_361 = arith.constant 80 : i32
        %add3A_362 = vector.broadcast %add3A_361 : i32 to vector<16xi32>
        %add3A_363 = arith.addi %iota3A, %add3A_362 : vector<16xi32>
        %mul3A_364 = arith.mulf %gather3A_360, %gather3A : vector<16xf32>
        tpu.vector_store_idx %arg13[%broadcast_in_dim3A_316, %add3A_363], %mul3A_364 : memref<128x128xf32, #tpu.memory_space<vmem>>[vector<16xi32>, vector<16xi32>], vector<16xf32>,
        %add3A_365 = arith.constant 96 : i32
        %add3A_366 = vector.broadcast %add3A_365 : i32 to vector<16xi32>
        %add3A_367 = arith.addi %iota3A, %add3A_366 : vector<16xi32>
        %gather3A_368 = tpu.vector_load_idx %arg13[%broadcast_in_dim3A_316, %add3A_367] : memref<128x128xf32, #tpu.memory_space<vmem>>[vector<16xi32>, vector<16xi32>], vector<16xf32>,
        %add3A_369 = arith.constant 96 : i32
        %add3A_370 = vector.broadcast %add3A_369 : i32 to vector<16xi32>
        %add3A_371 = arith.addi %iota3A, %add3A_370 : vector<16xi32>
        %mul3A_372 = arith.mulf %gather3A_368, %gather3A : vector<16xf32>
        tpu.vector_store_idx %arg13[%broadcast_in_dim3A_316, %add3A_371], %mul3A_372 : memref<128x128xf32, #tpu.memory_space<vmem>>[vector<16xi32>, vector<16xi32>], vector<16xf32>,
        %add3A_373 = arith.constant 112 : i32
        %add3A_374 = vector.broadcast %add3A_373 : i32 to vector<16xi32>
        %add3A_375 = arith.addi %iota3A, %add3A_374 : vector<16xi32>
        %gather3A_376 = tpu.vector_load_idx %arg13[%broadcast_in_dim3A_316, %add3A_375] : memref<128x128xf32, #tpu.memory_space<vmem>>[vector<16xi32>, vector<16xi32>], vector<16xf32>,
        %add3A_377 = arith.constant 112 : i32
        %add3A_378 = vector.broadcast %add3A_377 : i32 to vector<16xi32>
        %add3A_379 = arith.addi %iota3A, %add3A_378 : vector<16xi32>
        %mul3A_380 = arith.mulf %gather3A_376, %gather3A : vector<16xf32>
        tpu.vector_store_idx %arg13[%broadcast_in_dim3A_316, %add3A_379], %mul3A_380 : memref<128x128xf32, #tpu.memory_space<vmem>>[vector<16xi32>, vector<16xi32>], vector<16xf32>,
      }
      %scan3A_91 = arith.constant 128 : i32
      %dma_start3A_92 = arith.constant 1 : i32
      %dma_start3A_93 = arith.constant 0 : i32
      %dma_start3A_94 = tpu.memref_slice %arg9[%dma_start3A_92, %dma_start3A_93] : memref<8x128xi32, #tpu.memory_space<vmem>> -> memref<1x128xi32, #tpu.memory_space<vmem>>
      %dma_start3A_95 = tpu.memref_squeeze %dma_start3A_94 : memref<1x128xi32, #tpu.memory_space<vmem>> -> memref<128xi32, #tpu.memory_space<vmem>>
      %dma_start3A_96 = arith.constant 0 : i32
      %dma_start3A_97 = arith.constant 0 : i32
      %dma_start3A_98 = tpu.memref_slice %arg14[%dma_start3A_96, %dma_start3A_97] : memref<10240x128xf32, #tpu.memory_space<vmem_shared>> -> memref<10240x128xf32, #tpu.memory_space<vmem_shared>>
      tpu.enqueue_indirect_dma source(%arg13 : memref<128x128xf32, #tpu.memory_space<vmem>>) target(%dma_start3A_98 : memref<10240x128xf32, #tpu.memory_space<vmem_shared>>) offsets(%dma_start3A_95 : memref<128xi32, #tpu.memory_space<vmem>>) semaphore(%arg18 : memref<!tpu.dma_semaphore, #tpu.memory_space<semaphore_mem>>) {add = true}
      %dma_wait3A_99 = arith.constant 1 : i32
      %dma_wait3A_100 = arith.constant 0 : i32
      %dma_wait3A_101 = tpu.memref_slice %arg9[%dma_wait3A_99, %dma_wait3A_100] : memref<8x128xi32, #tpu.memory_space<vmem>> -> memref<1x128xi32, #tpu.memory_space<vmem>>
      %dma_wait3A_102 = tpu.memref_squeeze %dma_wait3A_101 : memref<1x128xi32, #tpu.memory_space<vmem>> -> memref<128xi32, #tpu.memory_space<vmem>>
      %dma_wait3A_103 = arith.constant 0 : i32
      %dma_wait3A_104 = arith.constant 0 : i32
      %dma_wait3A_105 = tpu.memref_slice %arg14[%dma_wait3A_103, %dma_wait3A_104] : memref<10240x128xf32, #tpu.memory_space<vmem_shared>> -> memref<10240x128xf32, #tpu.memory_space<vmem_shared>>
      tpu.wait_indirect_dma semaphore(%arg18 : memref<!tpu.dma_semaphore, #tpu.memory_space<semaphore_mem>>) src(%arg13 : memref<128x128xf32, #tpu.memory_space<vmem>>) dst(%dma_wait3A_105 : memref<10240x128xf32, #tpu.memory_space<vmem_shared>>)
      %dma_start3A_106 = arith.constant 3 : i32
      %dma_start3A_107 = arith.constant 0 : i32
      %dma_start3A_108 = tpu.memref_slice %arg10[%dma_start3A_106, %dma_start3A_107] : memref<8x128xi32, #tpu.memory_space<vmem>> -> memref<1x128xi32, #tpu.memory_space<vmem>>
      %dma_start3A_109 = tpu.memref_squeeze %dma_start3A_108 : memref<1x128xi32, #tpu.memory_space<vmem>> -> memref<128xi32, #tpu.memory_space<vmem>>
      %dma_start3A_110 = arith.constant 0 : i32
      %dma_start3A_111 = arith.constant 0 : i32
      %dma_start3A_112 = tpu.memref_slice %arg2[%dma_start3A_110, %dma_start3A_111] : memref<10000x128xf32, #tpu.memory_space<hbm>> -> memref<10000x128xf32, #tpu.memory_space<hbm>>
      tpu.enqueue_indirect_dma source(%dma_start3A_112 : memref<10000x128xf32, #tpu.memory_space<hbm>>) target(%arg13 : memref<128x128xf32, #tpu.memory_space<vmem>>) offsets(%dma_start3A_109 : memref<128xi32, #tpu.memory_space<vmem>>) semaphore(%arg16 : memref<!tpu.dma_semaphore, #tpu.memory_space<semaphore_mem>>)
      %dma_wait3A_113 = arith.constant 2 : i32
      %dma_wait3A_114 = arith.constant 0 : i32
      %dma_wait3A_115 = tpu.memref_slice %arg10[%dma_wait3A_113, %dma_wait3A_114] : memref<8x128xi32, #tpu.memory_space<vmem>> -> memref<1x128xi32, #tpu.memory_space<vmem>>
      %dma_wait3A_116 = tpu.memref_squeeze %dma_wait3A_115 : memref<1x128xi32, #tpu.memory_space<vmem>> -> memref<128xi32, #tpu.memory_space<vmem>>
      %dma_wait3A_117 = arith.constant 0 : i32
      %dma_wait3A_118 = arith.constant 0 : i32
      %dma_wait3A_119 = tpu.memref_slice %arg2[%dma_wait3A_117, %dma_wait3A_118] : memref<10000x128xf32, #tpu.memory_space<hbm>> -> memref<10000x128xf32, #tpu.memory_space<hbm>>
      tpu.wait_indirect_dma semaphore(%arg15 : memref<!tpu.dma_semaphore, #tpu.memory_space<semaphore_mem>>) src(%dma_wait3A_119 : memref<10000x128xf32, #tpu.memory_space<hbm>>) dst(%arg12 : memref<128x128xf32, #tpu.memory_space<vmem>>)
      %broadcast_in_dim3A_120 = arith.constant 2 : i32
      %broadcast_in_dim3A_121 = vector.broadcast %broadcast_in_dim3A_120 : i32 to vector<16xi32>
      %scan3A_122 = arith.constant 0 : i32
      %scan3A_123 = arith.constant 0 : i32
      %scan3A_124 = arith.constant 128 : i32
      %scan3A_125 = arith.addi %scan3A_123, %scan3A_124 : i32
      %scan3A_126 = arith.constant 1 : i32
      scf.for %scan3A_315 = %scan3A_123 to %scan3A_125 step %scan3A_126  : i32 {
        %broadcast_in_dim3A_316 = vector.broadcast %scan3A_315 : i32 to vector<16xi32>
        %gather3A = tpu.vector_load_idx %arg11[%broadcast_in_dim3A_121, %broadcast_in_dim3A_316] : memref<8x128xf32, #tpu.memory_space<vmem>>[vector<16xi32>, vector<16xi32>], vector<16xf32>,
        %add3A_317 = arith.constant 0 : i32
        %add3A_318 = vector.broadcast %add3A_317 : i32 to vector<16xi32>
        %add3A_319 = arith.addi %iota3A, %add3A_318 : vector<16xi32>
        %gather3A_320 = tpu.vector_load_idx %arg12[%broadcast_in_dim3A_316, %add3A_319] : memref<128x128xf32, #tpu.memory_space<vmem>>[vector<16xi32>, vector<16xi32>], vector<16xf32>,
        %add3A_321 = arith.constant 0 : i32
        %add3A_322 = vector.broadcast %add3A_321 : i32 to vector<16xi32>
        %add3A_323 = arith.addi %iota3A, %add3A_322 : vector<16xi32>
        %mul3A_324 = arith.mulf %gather3A_320, %gather3A : vector<16xf32>
        tpu.vector_store_idx %arg12[%broadcast_in_dim3A_316, %add3A_323], %mul3A_324 : memref<128x128xf32, #tpu.memory_space<vmem>>[vector<16xi32>, vector<16xi32>], vector<16xf32>,
        %add3A_325 = arith.constant 16 : i32
        %add3A_326 = vector.broadcast %add3A_325 : i32 to vector<16xi32>
        %add3A_327 = arith.addi %iota3A, %add3A_326 : vector<16xi32>
        %gather3A_328 = tpu.vector_load_idx %arg12[%broadcast_in_dim3A_316, %add3A_327] : memref<128x128xf32, #tpu.memory_space<vmem>>[vector<16xi32>, vector<16xi32>], vector<16xf32>,
        %add3A_329 = arith.constant 16 : i32
        %add3A_330 = vector.broadcast %add3A_329 : i32 to vector<16xi32>
        %add3A_331 = arith.addi %iota3A, %add3A_330 : vector<16xi32>
        %mul3A_332 = arith.mulf %gather3A_328, %gather3A : vector<16xf32>
        tpu.vector_store_idx %arg12[%broadcast_in_dim3A_316, %add3A_331], %mul3A_332 : memref<128x128xf32, #tpu.memory_space<vmem>>[vector<16xi32>, vector<16xi32>], vector<16xf32>,
        %add3A_333 = arith.constant 32 : i32
        %add3A_334 = vector.broadcast %add3A_333 : i32 to vector<16xi32>
        %add3A_335 = arith.addi %iota3A, %add3A_334 : vector<16xi32>
        %gather3A_336 = tpu.vector_load_idx %arg12[%broadcast_in_dim3A_316, %add3A_335] : memref<128x128xf32, #tpu.memory_space<vmem>>[vector<16xi32>, vector<16xi32>], vector<16xf32>,
        %add3A_337 = arith.constant 32 : i32
        %add3A_338 = vector.broadcast %add3A_337 : i32 to vector<16xi32>
        %add3A_339 = arith.addi %iota3A, %add3A_338 : vector<16xi32>
        %mul3A_340 = arith.mulf %gather3A_336, %gather3A : vector<16xf32>
        tpu.vector_store_idx %arg12[%broadcast_in_dim3A_316, %add3A_339], %mul3A_340 : memref<128x128xf32, #tpu.memory_space<vmem>>[vector<16xi32>, vector<16xi32>], vector<16xf32>,
        %add3A_341 = arith.constant 48 : i32
        %add3A_342 = vector.broadcast %add3A_341 : i32 to vector<16xi32>
        %add3A_343 = arith.addi %iota3A, %add3A_342 : vector<16xi32>
        %gather3A_344 = tpu.vector_load_idx %arg12[%broadcast_in_dim3A_316, %add3A_343] : memref<128x128xf32, #tpu.memory_space<vmem>>[vector<16xi32>, vector<16xi32>], vector<16xf32>,
        %add3A_345 = arith.constant 48 : i32
        %add3A_346 = vector.broadcast %add3A_345 : i32 to vector<16xi32>
        %add3A_347 = arith.addi %iota3A, %add3A_346 : vector<16xi32>
        %mul3A_348 = arith.mulf %gather3A_344, %gather3A : vector<16xf32>
        tpu.vector_store_idx %arg12[%broadcast_in_dim3A_316, %add3A_347], %mul3A_348 : memref<128x128xf32, #tpu.memory_space<vmem>>[vector<16xi32>, vector<16xi32>], vector<16xf32>,
        %add3A_349 = arith.constant 64 : i32
        %add3A_350 = vector.broadcast %add3A_349 : i32 to vector<16xi32>
        %add3A_351 = arith.addi %iota3A, %add3A_350 : vector<16xi32>
        %gather3A_352 = tpu.vector_load_idx %arg12[%broadcast_in_dim3A_316, %add3A_351] : memref<128x128xf32, #tpu.memory_space<vmem>>[vector<16xi32>, vector<16xi32>], vector<16xf32>,
        %add3A_353 = arith.constant 64 : i32
        %add3A_354 = vector.broadcast %add3A_353 : i32 to vector<16xi32>
        %add3A_355 = arith.addi %iota3A, %add3A_354 : vector<16xi32>
        %mul3A_356 = arith.mulf %gather3A_352, %gather3A : vector<16xf32>
        tpu.vector_store_idx %arg12[%broadcast_in_dim3A_316, %add3A_355], %mul3A_356 : memref<128x128xf32, #tpu.memory_space<vmem>>[vector<16xi32>, vector<16xi32>], vector<16xf32>,
        %add3A_357 = arith.constant 80 : i32
        %add3A_358 = vector.broadcast %add3A_357 : i32 to vector<16xi32>
        %add3A_359 = arith.addi %iota3A, %add3A_358 : vector<16xi32>
        %gather3A_360 = tpu.vector_load_idx %arg12[%broadcast_in_dim3A_316, %add3A_359] : memref<128x128xf32, #tpu.memory_space<vmem>>[vector<16xi32>, vector<16xi32>], vector<16xf32>,
        %add3A_361 = arith.constant 80 : i32
        %add3A_362 = vector.broadcast %add3A_361 : i32 to vector<16xi32>
        %add3A_363 = arith.addi %iota3A, %add3A_362 : vector<16xi32>
        %mul3A_364 = arith.mulf %gather3A_360, %gather3A : vector<16xf32>
        tpu.vector_store_idx %arg12[%broadcast_in_dim3A_316, %add3A_363], %mul3A_364 : memref<128x128xf32, #tpu.memory_space<vmem>>[vector<16xi32>, vector<16xi32>], vector<16xf32>,
        %add3A_365 = arith.constant 96 : i32
        %add3A_366 = vector.broadcast %add3A_365 : i32 to vector<16xi32>
        %add3A_367 = arith.addi %iota3A, %add3A_366 : vector<16xi32>
        %gather3A_368 = tpu.vector_load_idx %arg12[%broadcast_in_dim3A_316, %add3A_367] : memref<128x128xf32, #tpu.memory_space<vmem>>[vector<16xi32>, vector<16xi32>], vector<16xf32>,
        %add3A_369 = arith.constant 96 : i32
        %add3A_370 = vector.broadcast %add3A_369 : i32 to vector<16xi32>
        %add3A_371 = arith.addi %iota3A, %add3A_370 : vector<16xi32>
        %mul3A_372 = arith.mulf %gather3A_368, %gather3A : vector<16xf32>
        tpu.vector_store_idx %arg12[%broadcast_in_dim3A_316, %add3A_371], %mul3A_372 : memref<128x128xf32, #tpu.memory_space<vmem>>[vector<16xi32>, vector<16xi32>], vector<16xf32>,
        %add3A_373 = arith.constant 112 : i32
        %add3A_374 = vector.broadcast %add3A_373 : i32 to vector<16xi32>
        %add3A_375 = arith.addi %iota3A, %add3A_374 : vector<16xi32>
        %gather3A_376 = tpu.vector_load_idx %arg12[%broadcast_in_dim3A_316, %add3A_375] : memref<128x128xf32, #tpu.memory_space<vmem>>[vector<16xi32>, vector<16xi32>], vector<16xf32>,
        %add3A_377 = arith.constant 112 : i32
        %add3A_378 = vector.broadcast %add3A_377 : i32 to vector<16xi32>
        %add3A_379 = arith.addi %iota3A, %add3A_378 : vector<16xi32>
        %mul3A_380 = arith.mulf %gather3A_376, %gather3A : vector<16xf32>
        tpu.vector_store_idx %arg12[%broadcast_in_dim3A_316, %add3A_379], %mul3A_380 : memref<128x128xf32, #tpu.memory_space<vmem>>[vector<16xi32>, vector<16xi32>], vector<16xf32>,
      }
      %scan3A_127 = arith.constant 128 : i32
      %dma_start3A_128 = arith.constant 2 : i32
      %dma_start3A_129 = arith.constant 0 : i32
      %dma_start3A_130 = tpu.memref_slice %arg9[%dma_start3A_128, %dma_start3A_129] : memref<8x128xi32, #tpu.memory_space<vmem>> -> memref<1x128xi32, #tpu.memory_space<vmem>>
      %dma_start3A_131 = tpu.memref_squeeze %dma_start3A_130 : memref<1x128xi32, #tpu.memory_space<vmem>> -> memref<128xi32, #tpu.memory_space<vmem>>
      %dma_start3A_132 = arith.constant 0 : i32
      %dma_start3A_133 = arith.constant 0 : i32
      %dma_start3A_134 = tpu.memref_slice %arg14[%dma_start3A_132, %dma_start3A_133] : memref<10240x128xf32, #tpu.memory_space<vmem_shared>> -> memref<10240x128xf32, #tpu.memory_space<vmem_shared>>
      tpu.enqueue_indirect_dma source(%arg12 : memref<128x128xf32, #tpu.memory_space<vmem>>) target(%dma_start3A_134 : memref<10240x128xf32, #tpu.memory_space<vmem_shared>>) offsets(%dma_start3A_131 : memref<128xi32, #tpu.memory_space<vmem>>) semaphore(%arg17 : memref<!tpu.dma_semaphore, #tpu.memory_space<semaphore_mem>>) {add = true}
      %dma_wait3A_135 = arith.constant 2 : i32
      %dma_wait3A_136 = arith.constant 0 : i32
      %dma_wait3A_137 = tpu.memref_slice %arg9[%dma_wait3A_135, %dma_wait3A_136] : memref<8x128xi32, #tpu.memory_space<vmem>> -> memref<1x128xi32, #tpu.memory_space<vmem>>
      %dma_wait3A_138 = tpu.memref_squeeze %dma_wait3A_137 : memref<1x128xi32, #tpu.memory_space<vmem>> -> memref<128xi32, #tpu.memory_space<vmem>>
      %dma_wait3A_139 = arith.constant 0 : i32
      %dma_wait3A_140 = arith.constant 0 : i32
      %dma_wait3A_141 = tpu.memref_slice %arg14[%dma_wait3A_139, %dma_wait3A_140] : memref<10240x128xf32, #tpu.memory_space<vmem_shared>> -> memref<10240x128xf32, #tpu.memory_space<vmem_shared>>
      tpu.wait_indirect_dma semaphore(%arg17 : memref<!tpu.dma_semaphore, #tpu.memory_space<semaphore_mem>>) src(%arg12 : memref<128x128xf32, #tpu.memory_space<vmem>>) dst(%dma_wait3A_141 : memref<10240x128xf32, #tpu.memory_space<vmem_shared>>)
      %dma_start3A_142 = arith.constant 4 : i32
      %dma_start3A_143 = arith.constant 0 : i32
      %dma_start3A_144 = tpu.memref_slice %arg10[%dma_start3A_142, %dma_start3A_143] : memref<8x128xi32, #tpu.memory_space<vmem>> -> memref<1x128xi32, #tpu.memory_space<vmem>>
      %dma_start3A_145 = tpu.memref_squeeze %dma_start3A_144 : memref<1x128xi32, #tpu.memory_space<vmem>> -> memref<128xi32, #tpu.memory_space<vmem>>
      %dma_start3A_146 = arith.constant 0 : i32
      %dma_start3A_147 = arith.constant 0 : i32
      %dma_start3A_148 = tpu.memref_slice %arg2[%dma_start3A_146, %dma_start3A_147] : memref<10000x128xf32, #tpu.memory_space<hbm>> -> memref<10000x128xf32, #tpu.memory_space<hbm>>
      tpu.enqueue_indirect_dma source(%dma_start3A_148 : memref<10000x128xf32, #tpu.memory_space<hbm>>) target(%arg12 : memref<128x128xf32, #tpu.memory_space<vmem>>) offsets(%dma_start3A_145 : memref<128xi32, #tpu.memory_space<vmem>>) semaphore(%arg15 : memref<!tpu.dma_semaphore, #tpu.memory_space<semaphore_mem>>)
      %dma_wait3A_149 = arith.constant 3 : i32
      %dma_wait3A_150 = arith.constant 0 : i32
      %dma_wait3A_151 = tpu.memref_slice %arg10[%dma_wait3A_149, %dma_wait3A_150] : memref<8x128xi32, #tpu.memory_space<vmem>> -> memref<1x128xi32, #tpu.memory_space<vmem>>
      %dma_wait3A_152 = tpu.memref_squeeze %dma_wait3A_151 : memref<1x128xi32, #tpu.memory_space<vmem>> -> memref<128xi32, #tpu.memory_space<vmem>>
      %dma_wait3A_153 = arith.constant 0 : i32
      %dma_wait3A_154 = arith.constant 0 : i32
      %dma_wait3A_155 = tpu.memref_slice %arg2[%dma_wait3A_153, %dma_wait3A_154] : memref<10000x128xf32, #tpu.memory_space<hbm>> -> memref<10000x128xf32, #tpu.memory_space<hbm>>
      tpu.wait_indirect_dma semaphore(%arg16 : memref<!tpu.dma_semaphore, #tpu.memory_space<semaphore_mem>>) src(%dma_wait3A_155 : memref<10000x128xf32, #tpu.memory_space<hbm>>) dst(%arg13 : memref<128x128xf32, #tpu.memory_space<vmem>>)
      %broadcast_in_dim3A_156 = arith.constant 3 : i32
      %broadcast_in_dim3A_157 = vector.broadcast %broadcast_in_dim3A_156 : i32 to vector<16xi32>
      %scan3A_158 = arith.constant 0 : i32
      %scan3A_159 = arith.constant 0 : i32
      %scan3A_160 = arith.constant 128 : i32
      %scan3A_161 = arith.addi %scan3A_159, %scan3A_160 : i32
      %scan3A_162 = arith.constant 1 : i32
      scf.for %scan3A_315 = %scan3A_159 to %scan3A_161 step %scan3A_162  : i32 {
        %broadcast_in_dim3A_316 = vector.broadcast %scan3A_315 : i32 to vector<16xi32>
        %gather3A = tpu.vector_load_idx %arg11[%broadcast_in_dim3A_157, %broadcast_in_dim3A_316] : memref<8x128xf32, #tpu.memory_space<vmem>>[vector<16xi32>, vector<16xi32>], vector<16xf32>,
        %add3A_317 = arith.constant 0 : i32
        %add3A_318 = vector.broadcast %add3A_317 : i32 to vector<16xi32>
        %add3A_319 = arith.addi %iota3A, %add3A_318 : vector<16xi32>
        %gather3A_320 = tpu.vector_load_idx %arg13[%broadcast_in_dim3A_316, %add3A_319] : memref<128x128xf32, #tpu.memory_space<vmem>>[vector<16xi32>, vector<16xi32>], vector<16xf32>,
        %add3A_321 = arith.constant 0 : i32
        %add3A_322 = vector.broadcast %add3A_321 : i32 to vector<16xi32>
        %add3A_323 = arith.addi %iota3A, %add3A_322 : vector<16xi32>
        %mul3A_324 = arith.mulf %gather3A_320, %gather3A : vector<16xf32>
        tpu.vector_store_idx %arg13[%broadcast_in_dim3A_316, %add3A_323], %mul3A_324 : memref<128x128xf32, #tpu.memory_space<vmem>>[vector<16xi32>, vector<16xi32>], vector<16xf32>,
        %add3A_325 = arith.constant 16 : i32
        %add3A_326 = vector.broadcast %add3A_325 : i32 to vector<16xi32>
        %add3A_327 = arith.addi %iota3A, %add3A_326 : vector<16xi32>
        %gather3A_328 = tpu.vector_load_idx %arg13[%broadcast_in_dim3A_316, %add3A_327] : memref<128x128xf32, #tpu.memory_space<vmem>>[vector<16xi32>, vector<16xi32>], vector<16xf32>,
        %add3A_329 = arith.constant 16 : i32
        %add3A_330 = vector.broadcast %add3A_329 : i32 to vector<16xi32>
        %add3A_331 = arith.addi %iota3A, %add3A_330 : vector<16xi32>
        %mul3A_332 = arith.mulf %gather3A_328, %gather3A : vector<16xf32>
        tpu.vector_store_idx %arg13[%broadcast_in_dim3A_316, %add3A_331], %mul3A_332 : memref<128x128xf32, #tpu.memory_space<vmem>>[vector<16xi32>, vector<16xi32>], vector<16xf32>,
        %add3A_333 = arith.constant 32 : i32
        %add3A_334 = vector.broadcast %add3A_333 : i32 to vector<16xi32>
        %add3A_335 = arith.addi %iota3A, %add3A_334 : vector<16xi32>
        %gather3A_336 = tpu.vector_load_idx %arg13[%broadcast_in_dim3A_316, %add3A_335] : memref<128x128xf32, #tpu.memory_space<vmem>>[vector<16xi32>, vector<16xi32>], vector<16xf32>,
        %add3A_337 = arith.constant 32 : i32
        %add3A_338 = vector.broadcast %add3A_337 : i32 to vector<16xi32>
        %add3A_339 = arith.addi %iota3A, %add3A_338 : vector<16xi32>
        %mul3A_340 = arith.mulf %gather3A_336, %gather3A : vector<16xf32>
        tpu.vector_store_idx %arg13[%broadcast_in_dim3A_316, %add3A_339], %mul3A_340 : memref<128x128xf32, #tpu.memory_space<vmem>>[vector<16xi32>, vector<16xi32>], vector<16xf32>,
        %add3A_341 = arith.constant 48 : i32
        %add3A_342 = vector.broadcast %add3A_341 : i32 to vector<16xi32>
        %add3A_343 = arith.addi %iota3A, %add3A_342 : vector<16xi32>
        %gather3A_344 = tpu.vector_load_idx %arg13[%broadcast_in_dim3A_316, %add3A_343] : memref<128x128xf32, #tpu.memory_space<vmem>>[vector<16xi32>, vector<16xi32>], vector<16xf32>,
        %add3A_345 = arith.constant 48 : i32
        %add3A_346 = vector.broadcast %add3A_345 : i32 to vector<16xi32>
        %add3A_347 = arith.addi %iota3A, %add3A_346 : vector<16xi32>
        %mul3A_348 = arith.mulf %gather3A_344, %gather3A : vector<16xf32>
        tpu.vector_store_idx %arg13[%broadcast_in_dim3A_316, %add3A_347], %mul3A_348 : memref<128x128xf32, #tpu.memory_space<vmem>>[vector<16xi32>, vector<16xi32>], vector<16xf32>,
        %add3A_349 = arith.constant 64 : i32
        %add3A_350 = vector.broadcast %add3A_349 : i32 to vector<16xi32>
        %add3A_351 = arith.addi %iota3A, %add3A_350 : vector<16xi32>
        %gather3A_352 = tpu.vector_load_idx %arg13[%broadcast_in_dim3A_316, %add3A_351] : memref<128x128xf32, #tpu.memory_space<vmem>>[vector<16xi32>, vector<16xi32>], vector<16xf32>,
        %add3A_353 = arith.constant 64 : i32
        %add3A_354 = vector.broadcast %add3A_353 : i32 to vector<16xi32>
        %add3A_355 = arith.addi %iota3A, %add3A_354 : vector<16xi32>
        %mul3A_356 = arith.mulf %gather3A_352, %gather3A : vector<16xf32>
        tpu.vector_store_idx %arg13[%broadcast_in_dim3A_316, %add3A_355], %mul3A_356 : memref<128x128xf32, #tpu.memory_space<vmem>>[vector<16xi32>, vector<16xi32>], vector<16xf32>,
        %add3A_357 = arith.constant 80 : i32
        %add3A_358 = vector.broadcast %add3A_357 : i32 to vector<16xi32>
        %add3A_359 = arith.addi %iota3A, %add3A_358 : vector<16xi32>
        %gather3A_360 = tpu.vector_load_idx %arg13[%broadcast_in_dim3A_316, %add3A_359] : memref<128x128xf32, #tpu.memory_space<vmem>>[vector<16xi32>, vector<16xi32>], vector<16xf32>,
        %add3A_361 = arith.constant 80 : i32
        %add3A_362 = vector.broadcast %add3A_361 : i32 to vector<16xi32>
        %add3A_363 = arith.addi %iota3A, %add3A_362 : vector<16xi32>
        %mul3A_364 = arith.mulf %gather3A_360, %gather3A : vector<16xf32>
        tpu.vector_store_idx %arg13[%broadcast_in_dim3A_316, %add3A_363], %mul3A_364 : memref<128x128xf32, #tpu.memory_space<vmem>>[vector<16xi32>, vector<16xi32>], vector<16xf32>,
        %add3A_365 = arith.constant 96 : i32
        %add3A_366 = vector.broadcast %add3A_365 : i32 to vector<16xi32>
        %add3A_367 = arith.addi %iota3A, %add3A_366 : vector<16xi32>
        %gather3A_368 = tpu.vector_load_idx %arg13[%broadcast_in_dim3A_316, %add3A_367] : memref<128x128xf32, #tpu.memory_space<vmem>>[vector<16xi32>, vector<16xi32>], vector<16xf32>,
        %add3A_369 = arith.constant 96 : i32
        %add3A_370 = vector.broadcast %add3A_369 : i32 to vector<16xi32>
        %add3A_371 = arith.addi %iota3A, %add3A_370 : vector<16xi32>
        %mul3A_372 = arith.mulf %gather3A_368, %gather3A : vector<16xf32>
        tpu.vector_store_idx %arg13[%broadcast_in_dim3A_316, %add3A_371], %mul3A_372 : memref<128x128xf32, #tpu.memory_space<vmem>>[vector<16xi32>, vector<16xi32>], vector<16xf32>,
        %add3A_373 = arith.constant 112 : i32
        %add3A_374 = vector.broadcast %add3A_373 : i32 to vector<16xi32>
        %add3A_375 = arith.addi %iota3A, %add3A_374 : vector<16xi32>
        %gather3A_376 = tpu.vector_load_idx %arg13[%broadcast_in_dim3A_316, %add3A_375] : memref<128x128xf32, #tpu.memory_space<vmem>>[vector<16xi32>, vector<16xi32>], vector<16xf32>,
        %add3A_377 = arith.constant 112 : i32
        %add3A_378 = vector.broadcast %add3A_377 : i32 to vector<16xi32>
        %add3A_379 = arith.addi %iota3A, %add3A_378 : vector<16xi32>
        %mul3A_380 = arith.mulf %gather3A_376, %gather3A : vector<16xf32>
        tpu.vector_store_idx %arg13[%broadcast_in_dim3A_316, %add3A_379], %mul3A_380 : memref<128x128xf32, #tpu.memory_space<vmem>>[vector<16xi32>, vector<16xi32>], vector<16xf32>,
      }
      %scan3A_163 = arith.constant 128 : i32
      %dma_start3A_164 = arith.constant 3 : i32
      %dma_start3A_165 = arith.constant 0 : i32
      %dma_start3A_166 = tpu.memref_slice %arg9[%dma_start3A_164, %dma_start3A_165] : memref<8x128xi32, #tpu.memory_space<vmem>> -> memref<1x128xi32, #tpu.memory_space<vmem>>
      %dma_start3A_167 = tpu.memref_squeeze %dma_start3A_166 : memref<1x128xi32, #tpu.memory_space<vmem>> -> memref<128xi32, #tpu.memory_space<vmem>>
      %dma_start3A_168 = arith.constant 0 : i32
      %dma_start3A_169 = arith.constant 0 : i32
      %dma_start3A_170 = tpu.memref_slice %arg14[%dma_start3A_168, %dma_start3A_169] : memref<10240x128xf32, #tpu.memory_space<vmem_shared>> -> memref<10240x128xf32, #tpu.memory_space<vmem_shared>>
      tpu.enqueue_indirect_dma source(%arg13 : memref<128x128xf32, #tpu.memory_space<vmem>>) target(%dma_start3A_170 : memref<10240x128xf32, #tpu.memory_space<vmem_shared>>) offsets(%dma_start3A_167 : memref<128xi32, #tpu.memory_space<vmem>>) semaphore(%arg18 : memref<!tpu.dma_semaphore, #tpu.memory_space<semaphore_mem>>) {add = true}
      %dma_wait3A_171 = arith.constant 3 : i32
      %dma_wait3A_172 = arith.constant 0 : i32
      %dma_wait3A_173 = tpu.memref_slice %arg9[%dma_wait3A_171, %dma_wait3A_172] : memref<8x128xi32, #tpu.memory_space<vmem>> -> memref<1x128xi32, #tpu.memory_space<vmem>>
      %dma_wait3A_174 = tpu.memref_squeeze %dma_wait3A_173 : memref<1x128xi32, #tpu.memory_space<vmem>> -> memref<128xi32, #tpu.memory_space<vmem>>
      %dma_wait3A_175 = arith.constant 0 : i32
      %dma_wait3A_176 = arith.constant 0 : i32
      %dma_wait3A_177 = tpu.memref_slice %arg14[%dma_wait3A_175, %dma_wait3A_176] : memref<10240x128xf32, #tpu.memory_space<vmem_shared>> -> memref<10240x128xf32, #tpu.memory_space<vmem_shared>>
      tpu.wait_indirect_dma semaphore(%arg18 : memref<!tpu.dma_semaphore, #tpu.memory_space<semaphore_mem>>) src(%arg13 : memref<128x128xf32, #tpu.memory_space<vmem>>) dst(%dma_wait3A_177 : memref<10240x128xf32, #tpu.memory_space<vmem_shared>>)
      %dma_start3A_178 = arith.constant 5 : i32
      %dma_start3A_179 = arith.constant 0 : i32
      %dma_start3A_180 = tpu.memref_slice %arg10[%dma_start3A_178, %dma_start3A_179] : memref<8x128xi32, #tpu.memory_space<vmem>> -> memref<1x128xi32, #tpu.memory_space<vmem>>
      %dma_start3A_181 = tpu.memref_squeeze %dma_start3A_180 : memref<1x128xi32, #tpu.memory_space<vmem>> -> memref<128xi32, #tpu.memory_space<vmem>>
      %dma_start3A_182 = arith.constant 0 : i32
      %dma_start3A_183 = arith.constant 0 : i32
      %dma_start3A_184 = tpu.memref_slice %arg2[%dma_start3A_182, %dma_start3A_183] : memref<10000x128xf32, #tpu.memory_space<hbm>> -> memref<10000x128xf32, #tpu.memory_space<hbm>>
      tpu.enqueue_indirect_dma source(%dma_start3A_184 : memref<10000x128xf32, #tpu.memory_space<hbm>>) target(%arg13 : memref<128x128xf32, #tpu.memory_space<vmem>>) offsets(%dma_start3A_181 : memref<128xi32, #tpu.memory_space<vmem>>) semaphore(%arg16 : memref<!tpu.dma_semaphore, #tpu.memory_space<semaphore_mem>>)
      %dma_wait3A_185 = arith.constant 4 : i32
      %dma_wait3A_186 = arith.constant 0 : i32
      %dma_wait3A_187 = tpu.memref_slice %arg10[%dma_wait3A_185, %dma_wait3A_186] : memref<8x128xi32, #tpu.memory_space<vmem>> -> memref<1x128xi32, #tpu.memory_space<vmem>>
      %dma_wait3A_188 = tpu.memref_squeeze %dma_wait3A_187 : memref<1x128xi32, #tpu.memory_space<vmem>> -> memref<128xi32, #tpu.memory_space<vmem>>
      %dma_wait3A_189 = arith.constant 0 : i32
      %dma_wait3A_190 = arith.constant 0 : i32
      %dma_wait3A_191 = tpu.memref_slice %arg2[%dma_wait3A_189, %dma_wait3A_190] : memref<10000x128xf32, #tpu.memory_space<hbm>> -> memref<10000x128xf32, #tpu.memory_space<hbm>>
      tpu.wait_indirect_dma semaphore(%arg15 : memref<!tpu.dma_semaphore, #tpu.memory_space<semaphore_mem>>) src(%dma_wait3A_191 : memref<10000x128xf32, #tpu.memory_space<hbm>>) dst(%arg12 : memref<128x128xf32, #tpu.memory_space<vmem>>)
      %broadcast_in_dim3A_192 = arith.constant 4 : i32
      %broadcast_in_dim3A_193 = vector.broadcast %broadcast_in_dim3A_192 : i32 to vector<16xi32>
      %scan3A_194 = arith.constant 0 : i32
      %scan3A_195 = arith.constant 0 : i32
      %scan3A_196 = arith.constant 128 : i32
      %scan3A_197 = arith.addi %scan3A_195, %scan3A_196 : i32
      %scan3A_198 = arith.constant 1 : i32
      scf.for %scan3A_315 = %scan3A_195 to %scan3A_197 step %scan3A_198  : i32 {
        %broadcast_in_dim3A_316 = vector.broadcast %scan3A_315 : i32 to vector<16xi32>
        %gather3A = tpu.vector_load_idx %arg11[%broadcast_in_dim3A_193, %broadcast_in_dim3A_316] : memref<8x128xf32, #tpu.memory_space<vmem>>[vector<16xi32>, vector<16xi32>], vector<16xf32>,
        %add3A_317 = arith.constant 0 : i32
        %add3A_318 = vector.broadcast %add3A_317 : i32 to vector<16xi32>
        %add3A_319 = arith.addi %iota3A, %add3A_318 : vector<16xi32>
        %gather3A_320 = tpu.vector_load_idx %arg12[%broadcast_in_dim3A_316, %add3A_319] : memref<128x128xf32, #tpu.memory_space<vmem>>[vector<16xi32>, vector<16xi32>], vector<16xf32>,
        %add3A_321 = arith.constant 0 : i32
        %add3A_322 = vector.broadcast %add3A_321 : i32 to vector<16xi32>
        %add3A_323 = arith.addi %iota3A, %add3A_322 : vector<16xi32>
        %mul3A_324 = arith.mulf %gather3A_320, %gather3A : vector<16xf32>
        tpu.vector_store_idx %arg12[%broadcast_in_dim3A_316, %add3A_323], %mul3A_324 : memref<128x128xf32, #tpu.memory_space<vmem>>[vector<16xi32>, vector<16xi32>], vector<16xf32>,
        %add3A_325 = arith.constant 16 : i32
        %add3A_326 = vector.broadcast %add3A_325 : i32 to vector<16xi32>
        %add3A_327 = arith.addi %iota3A, %add3A_326 : vector<16xi32>
        %gather3A_328 = tpu.vector_load_idx %arg12[%broadcast_in_dim3A_316, %add3A_327] : memref<128x128xf32, #tpu.memory_space<vmem>>[vector<16xi32>, vector<16xi32>], vector<16xf32>,
        %add3A_329 = arith.constant 16 : i32
        %add3A_330 = vector.broadcast %add3A_329 : i32 to vector<16xi32>
        %add3A_331 = arith.addi %iota3A, %add3A_330 : vector<16xi32>
        %mul3A_332 = arith.mulf %gather3A_328, %gather3A : vector<16xf32>
        tpu.vector_store_idx %arg12[%broadcast_in_dim3A_316, %add3A_331], %mul3A_332 : memref<128x128xf32, #tpu.memory_space<vmem>>[vector<16xi32>, vector<16xi32>], vector<16xf32>,
        %add3A_333 = arith.constant 32 : i32
        %add3A_334 = vector.broadcast %add3A_333 : i32 to vector<16xi32>
        %add3A_335 = arith.addi %iota3A, %add3A_334 : vector<16xi32>
        %gather3A_336 = tpu.vector_load_idx %arg12[%broadcast_in_dim3A_316, %add3A_335] : memref<128x128xf32, #tpu.memory_space<vmem>>[vector<16xi32>, vector<16xi32>], vector<16xf32>,
        %add3A_337 = arith.constant 32 : i32
        %add3A_338 = vector.broadcast %add3A_337 : i32 to vector<16xi32>
        %add3A_339 = arith.addi %iota3A, %add3A_338 : vector<16xi32>
        %mul3A_340 = arith.mulf %gather3A_336, %gather3A : vector<16xf32>
        tpu.vector_store_idx %arg12[%broadcast_in_dim3A_316, %add3A_339], %mul3A_340 : memref<128x128xf32, #tpu.memory_space<vmem>>[vector<16xi32>, vector<16xi32>], vector<16xf32>,
        %add3A_341 = arith.constant 48 : i32
        %add3A_342 = vector.broadcast %add3A_341 : i32 to vector<16xi32>
        %add3A_343 = arith.addi %iota3A, %add3A_342 : vector<16xi32>
        %gather3A_344 = tpu.vector_load_idx %arg12[%broadcast_in_dim3A_316, %add3A_343] : memref<128x128xf32, #tpu.memory_space<vmem>>[vector<16xi32>, vector<16xi32>], vector<16xf32>,
        %add3A_345 = arith.constant 48 : i32
        %add3A_346 = vector.broadcast %add3A_345 : i32 to vector<16xi32>
        %add3A_347 = arith.addi %iota3A, %add3A_346 : vector<16xi32>
        %mul3A_348 = arith.mulf %gather3A_344, %gather3A : vector<16xf32>
        tpu.vector_store_idx %arg12[%broadcast_in_dim3A_316, %add3A_347], %mul3A_348 : memref<128x128xf32, #tpu.memory_space<vmem>>[vector<16xi32>, vector<16xi32>], vector<16xf32>,
        %add3A_349 = arith.constant 64 : i32
        %add3A_350 = vector.broadcast %add3A_349 : i32 to vector<16xi32>
        %add3A_351 = arith.addi %iota3A, %add3A_350 : vector<16xi32>
        %gather3A_352 = tpu.vector_load_idx %arg12[%broadcast_in_dim3A_316, %add3A_351] : memref<128x128xf32, #tpu.memory_space<vmem>>[vector<16xi32>, vector<16xi32>], vector<16xf32>,
        %add3A_353 = arith.constant 64 : i32
        %add3A_354 = vector.broadcast %add3A_353 : i32 to vector<16xi32>
        %add3A_355 = arith.addi %iota3A, %add3A_354 : vector<16xi32>
        %mul3A_356 = arith.mulf %gather3A_352, %gather3A : vector<16xf32>
        tpu.vector_store_idx %arg12[%broadcast_in_dim3A_316, %add3A_355], %mul3A_356 : memref<128x128xf32, #tpu.memory_space<vmem>>[vector<16xi32>, vector<16xi32>], vector<16xf32>,
        %add3A_357 = arith.constant 80 : i32
        %add3A_358 = vector.broadcast %add3A_357 : i32 to vector<16xi32>
        %add3A_359 = arith.addi %iota3A, %add3A_358 : vector<16xi32>
        %gather3A_360 = tpu.vector_load_idx %arg12[%broadcast_in_dim3A_316, %add3A_359] : memref<128x128xf32, #tpu.memory_space<vmem>>[vector<16xi32>, vector<16xi32>], vector<16xf32>,
        %add3A_361 = arith.constant 80 : i32
        %add3A_362 = vector.broadcast %add3A_361 : i32 to vector<16xi32>
        %add3A_363 = arith.addi %iota3A, %add3A_362 : vector<16xi32>
        %mul3A_364 = arith.mulf %gather3A_360, %gather3A : vector<16xf32>
        tpu.vector_store_idx %arg12[%broadcast_in_dim3A_316, %add3A_363], %mul3A_364 : memref<128x128xf32, #tpu.memory_space<vmem>>[vector<16xi32>, vector<16xi32>], vector<16xf32>,
        %add3A_365 = arith.constant 96 : i32
        %add3A_366 = vector.broadcast %add3A_365 : i32 to vector<16xi32>
        %add3A_367 = arith.addi %iota3A, %add3A_366 : vector<16xi32>
        %gather3A_368 = tpu.vector_load_idx %arg12[%broadcast_in_dim3A_316, %add3A_367] : memref<128x128xf32, #tpu.memory_space<vmem>>[vector<16xi32>, vector<16xi32>], vector<16xf32>,
        %add3A_369 = arith.constant 96 : i32
        %add3A_370 = vector.broadcast %add3A_369 : i32 to vector<16xi32>
        %add3A_371 = arith.addi %iota3A, %add3A_370 : vector<16xi32>
        %mul3A_372 = arith.mulf %gather3A_368, %gather3A : vector<16xf32>
        tpu.vector_store_idx %arg12[%broadcast_in_dim3A_316, %add3A_371], %mul3A_372 : memref<128x128xf32, #tpu.memory_space<vmem>>[vector<16xi32>, vector<16xi32>], vector<16xf32>,
        %add3A_373 = arith.constant 112 : i32
        %add3A_374 = vector.broadcast %add3A_373 : i32 to vector<16xi32>
        %add3A_375 = arith.addi %iota3A, %add3A_374 : vector<16xi32>
        %gather3A_376 = tpu.vector_load_idx %arg12[%broadcast_in_dim3A_316, %add3A_375] : memref<128x128xf32, #tpu.memory_space<vmem>>[vector<16xi32>, vector<16xi32>], vector<16xf32>,
        %add3A_377 = arith.constant 112 : i32
        %add3A_378 = vector.broadcast %add3A_377 : i32 to vector<16xi32>
        %add3A_379 = arith.addi %iota3A, %add3A_378 : vector<16xi32>
        %mul3A_380 = arith.mulf %gather3A_376, %gather3A : vector<16xf32>
        tpu.vector_store_idx %arg12[%broadcast_in_dim3A_316, %add3A_379], %mul3A_380 : memref<128x128xf32, #tpu.memory_space<vmem>>[vector<16xi32>, vector<16xi32>], vector<16xf32>,
      }
      %scan3A_199 = arith.constant 128 : i32
      %dma_start3A_200 = arith.constant 4 : i32
      %dma_start3A_201 = arith.constant 0 : i32
      %dma_start3A_202 = tpu.memref_slice %arg9[%dma_start3A_200, %dma_start3A_201] : memref<8x128xi32, #tpu.memory_space<vmem>> -> memref<1x128xi32, #tpu.memory_space<vmem>>
      %dma_start3A_203 = tpu.memref_squeeze %dma_start3A_202 : memref<1x128xi32, #tpu.memory_space<vmem>> -> memref<128xi32, #tpu.memory_space<vmem>>
      %dma_start3A_204 = arith.constant 0 : i32
      %dma_start3A_205 = arith.constant 0 : i32
      %dma_start3A_206 = tpu.memref_slice %arg14[%dma_start3A_204, %dma_start3A_205] : memref<10240x128xf32, #tpu.memory_space<vmem_shared>> -> memref<10240x128xf32, #tpu.memory_space<vmem_shared>>
      tpu.enqueue_indirect_dma source(%arg12 : memref<128x128xf32, #tpu.memory_space<vmem>>) target(%dma_start3A_206 : memref<10240x128xf32, #tpu.memory_space<vmem_shared>>) offsets(%dma_start3A_203 : memref<128xi32, #tpu.memory_space<vmem>>) semaphore(%arg17 : memref<!tpu.dma_semaphore, #tpu.memory_space<semaphore_mem>>) {add = true}
      %dma_wait3A_207 = arith.constant 4 : i32
      %dma_wait3A_208 = arith.constant 0 : i32
      %dma_wait3A_209 = tpu.memref_slice %arg9[%dma_wait3A_207, %dma_wait3A_208] : memref<8x128xi32, #tpu.memory_space<vmem>> -> memref<1x128xi32, #tpu.memory_space<vmem>>
      %dma_wait3A_210 = tpu.memref_squeeze %dma_wait3A_209 : memref<1x128xi32, #tpu.memory_space<vmem>> -> memref<128xi32, #tpu.memory_space<vmem>>
      %dma_wait3A_211 = arith.constant 0 : i32
      %dma_wait3A_212 = arith.constant 0 : i32
      %dma_wait3A_213 = tpu.memref_slice %arg14[%dma_wait3A_211, %dma_wait3A_212] : memref<10240x128xf32, #tpu.memory_space<vmem_shared>> -> memref<10240x128xf32, #tpu.memory_space<vmem_shared>>
      tpu.wait_indirect_dma semaphore(%arg17 : memref<!tpu.dma_semaphore, #tpu.memory_space<semaphore_mem>>) src(%arg12 : memref<128x128xf32, #tpu.memory_space<vmem>>) dst(%dma_wait3A_213 : memref<10240x128xf32, #tpu.memory_space<vmem_shared>>)
      %dma_start3A_214 = arith.constant 6 : i32
      %dma_start3A_215 = arith.constant 0 : i32
      %dma_start3A_216 = tpu.memref_slice %arg10[%dma_start3A_214, %dma_start3A_215] : memref<8x128xi32, #tpu.memory_space<vmem>> -> memref<1x128xi32, #tpu.memory_space<vmem>>
      %dma_start3A_217 = tpu.memref_squeeze %dma_start3A_216 : memref<1x128xi32, #tpu.memory_space<vmem>> -> memref<128xi32, #tpu.memory_space<vmem>>
      %dma_start3A_218 = arith.constant 0 : i32
      %dma_start3A_219 = arith.constant 0 : i32
      %dma_start3A_220 = tpu.memref_slice %arg2[%dma_start3A_218, %dma_start3A_219] : memref<10000x128xf32, #tpu.memory_space<hbm>> -> memref<10000x128xf32, #tpu.memory_space<hbm>>
      tpu.enqueue_indirect_dma source(%dma_start3A_220 : memref<10000x128xf32, #tpu.memory_space<hbm>>) target(%arg12 : memref<128x128xf32, #tpu.memory_space<vmem>>) offsets(%dma_start3A_217 : memref<128xi32, #tpu.memory_space<vmem>>) semaphore(%arg15 : memref<!tpu.dma_semaphore, #tpu.memory_space<semaphore_mem>>)
      %dma_wait3A_221 = arith.constant 5 : i32
      %dma_wait3A_222 = arith.constant 0 : i32
      %dma_wait3A_223 = tpu.memref_slice %arg10[%dma_wait3A_221, %dma_wait3A_222] : memref<8x128xi32, #tpu.memory_space<vmem>> -> memref<1x128xi32, #tpu.memory_space<vmem>>
      %dma_wait3A_224 = tpu.memref_squeeze %dma_wait3A_223 : memref<1x128xi32, #tpu.memory_space<vmem>> -> memref<128xi32, #tpu.memory_space<vmem>>
      %dma_wait3A_225 = arith.constant 0 : i32
      %dma_wait3A_226 = arith.constant 0 : i32
      %dma_wait3A_227 = tpu.memref_slice %arg2[%dma_wait3A_225, %dma_wait3A_226] : memref<10000x128xf32, #tpu.memory_space<hbm>> -> memref<10000x128xf32, #tpu.memory_space<hbm>>
      tpu.wait_indirect_dma semaphore(%arg16 : memref<!tpu.dma_semaphore, #tpu.memory_space<semaphore_mem>>) src(%dma_wait3A_227 : memref<10000x128xf32, #tpu.memory_space<hbm>>) dst(%arg13 : memref<128x128xf32, #tpu.memory_space<vmem>>)
      %broadcast_in_dim3A_228 = arith.constant 5 : i32
      %broadcast_in_dim3A_229 = vector.broadcast %broadcast_in_dim3A_228 : i32 to vector<16xi32>
      %scan3A_230 = arith.constant 0 : i32
      %scan3A_231 = arith.constant 0 : i32
      %scan3A_232 = arith.constant 128 : i32
      %scan3A_233 = arith.addi %scan3A_231, %scan3A_232 : i32
      %scan3A_234 = arith.constant 1 : i32
      scf.for %scan3A_315 = %scan3A_231 to %scan3A_233 step %scan3A_234  : i32 {
        %broadcast_in_dim3A_316 = vector.broadcast %scan3A_315 : i32 to vector<16xi32>
        %gather3A = tpu.vector_load_idx %arg11[%broadcast_in_dim3A_229, %broadcast_in_dim3A_316] : memref<8x128xf32, #tpu.memory_space<vmem>>[vector<16xi32>, vector<16xi32>], vector<16xf32>,
        %add3A_317 = arith.constant 0 : i32
        %add3A_318 = vector.broadcast %add3A_317 : i32 to vector<16xi32>
        %add3A_319 = arith.addi %iota3A, %add3A_318 : vector<16xi32>
        %gather3A_320 = tpu.vector_load_idx %arg13[%broadcast_in_dim3A_316, %add3A_319] : memref<128x128xf32, #tpu.memory_space<vmem>>[vector<16xi32>, vector<16xi32>], vector<16xf32>,
        %add3A_321 = arith.constant 0 : i32
        %add3A_322 = vector.broadcast %add3A_321 : i32 to vector<16xi32>
        %add3A_323 = arith.addi %iota3A, %add3A_322 : vector<16xi32>
        %mul3A_324 = arith.mulf %gather3A_320, %gather3A : vector<16xf32>
        tpu.vector_store_idx %arg13[%broadcast_in_dim3A_316, %add3A_323], %mul3A_324 : memref<128x128xf32, #tpu.memory_space<vmem>>[vector<16xi32>, vector<16xi32>], vector<16xf32>,
        %add3A_325 = arith.constant 16 : i32
        %add3A_326 = vector.broadcast %add3A_325 : i32 to vector<16xi32>
        %add3A_327 = arith.addi %iota3A, %add3A_326 : vector<16xi32>
        %gather3A_328 = tpu.vector_load_idx %arg13[%broadcast_in_dim3A_316, %add3A_327] : memref<128x128xf32, #tpu.memory_space<vmem>>[vector<16xi32>, vector<16xi32>], vector<16xf32>,
        %add3A_329 = arith.constant 16 : i32
        %add3A_330 = vector.broadcast %add3A_329 : i32 to vector<16xi32>
        %add3A_331 = arith.addi %iota3A, %add3A_330 : vector<16xi32>
        %mul3A_332 = arith.mulf %gather3A_328, %gather3A : vector<16xf32>
        tpu.vector_store_idx %arg13[%broadcast_in_dim3A_316, %add3A_331], %mul3A_332 : memref<128x128xf32, #tpu.memory_space<vmem>>[vector<16xi32>, vector<16xi32>], vector<16xf32>,
        %add3A_333 = arith.constant 32 : i32
        %add3A_334 = vector.broadcast %add3A_333 : i32 to vector<16xi32>
        %add3A_335 = arith.addi %iota3A, %add3A_334 : vector<16xi32>
        %gather3A_336 = tpu.vector_load_idx %arg13[%broadcast_in_dim3A_316, %add3A_335] : memref<128x128xf32, #tpu.memory_space<vmem>>[vector<16xi32>, vector<16xi32>], vector<16xf32>,
        %add3A_337 = arith.constant 32 : i32
        %add3A_338 = vector.broadcast %add3A_337 : i32 to vector<16xi32>
        %add3A_339 = arith.addi %iota3A, %add3A_338 : vector<16xi32>
        %mul3A_340 = arith.mulf %gather3A_336, %gather3A : vector<16xf32>
        tpu.vector_store_idx %arg13[%broadcast_in_dim3A_316, %add3A_339], %mul3A_340 : memref<128x128xf32, #tpu.memory_space<vmem>>[vector<16xi32>, vector<16xi32>], vector<16xf32>,
        %add3A_341 = arith.constant 48 : i32
        %add3A_342 = vector.broadcast %add3A_341 : i32 to vector<16xi32>
        %add3A_343 = arith.addi %iota3A, %add3A_342 : vector<16xi32>
        %gather3A_344 = tpu.vector_load_idx %arg13[%broadcast_in_dim3A_316, %add3A_343] : memref<128x128xf32, #tpu.memory_space<vmem>>[vector<16xi32>, vector<16xi32>], vector<16xf32>,
        %add3A_345 = arith.constant 48 : i32
        %add3A_346 = vector.broadcast %add3A_345 : i32 to vector<16xi32>
        %add3A_347 = arith.addi %iota3A, %add3A_346 : vector<16xi32>
        %mul3A_348 = arith.mulf %gather3A_344, %gather3A : vector<16xf32>
        tpu.vector_store_idx %arg13[%broadcast_in_dim3A_316, %add3A_347], %mul3A_348 : memref<128x128xf32, #tpu.memory_space<vmem>>[vector<16xi32>, vector<16xi32>], vector<16xf32>,
        %add3A_349 = arith.constant 64 : i32
        %add3A_350 = vector.broadcast %add3A_349 : i32 to vector<16xi32>
        %add3A_351 = arith.addi %iota3A, %add3A_350 : vector<16xi32>
        %gather3A_352 = tpu.vector_load_idx %arg13[%broadcast_in_dim3A_316, %add3A_351] : memref<128x128xf32, #tpu.memory_space<vmem>>[vector<16xi32>, vector<16xi32>], vector<16xf32>,
        %add3A_353 = arith.constant 64 : i32
        %add3A_354 = vector.broadcast %add3A_353 : i32 to vector<16xi32>
        %add3A_355 = arith.addi %iota3A, %add3A_354 : vector<16xi32>
        %mul3A_356 = arith.mulf %gather3A_352, %gather3A : vector<16xf32>
        tpu.vector_store_idx %arg13[%broadcast_in_dim3A_316, %add3A_355], %mul3A_356 : memref<128x128xf32, #tpu.memory_space<vmem>>[vector<16xi32>, vector<16xi32>], vector<16xf32>,
        %add3A_357 = arith.constant 80 : i32
        %add3A_358 = vector.broadcast %add3A_357 : i32 to vector<16xi32>
        %add3A_359 = arith.addi %iota3A, %add3A_358 : vector<16xi32>
        %gather3A_360 = tpu.vector_load_idx %arg13[%broadcast_in_dim3A_316, %add3A_359] : memref<128x128xf32, #tpu.memory_space<vmem>>[vector<16xi32>, vector<16xi32>], vector<16xf32>,
        %add3A_361 = arith.constant 80 : i32
        %add3A_362 = vector.broadcast %add3A_361 : i32 to vector<16xi32>
        %add3A_363 = arith.addi %iota3A, %add3A_362 : vector<16xi32>
        %mul3A_364 = arith.mulf %gather3A_360, %gather3A : vector<16xf32>
        tpu.vector_store_idx %arg13[%broadcast_in_dim3A_316, %add3A_363], %mul3A_364 : memref<128x128xf32, #tpu.memory_space<vmem>>[vector<16xi32>, vector<16xi32>], vector<16xf32>,
        %add3A_365 = arith.constant 96 : i32
        %add3A_366 = vector.broadcast %add3A_365 : i32 to vector<16xi32>
        %add3A_367 = arith.addi %iota3A, %add3A_366 : vector<16xi32>
        %gather3A_368 = tpu.vector_load_idx %arg13[%broadcast_in_dim3A_316, %add3A_367] : memref<128x128xf32, #tpu.memory_space<vmem>>[vector<16xi32>, vector<16xi32>], vector<16xf32>,
        %add3A_369 = arith.constant 96 : i32
        %add3A_370 = vector.broadcast %add3A_369 : i32 to vector<16xi32>
        %add3A_371 = arith.addi %iota3A, %add3A_370 : vector<16xi32>
        %mul3A_372 = arith.mulf %gather3A_368, %gather3A : vector<16xf32>
        tpu.vector_store_idx %arg13[%broadcast_in_dim3A_316, %add3A_371], %mul3A_372 : memref<128x128xf32, #tpu.memory_space<vmem>>[vector<16xi32>, vector<16xi32>], vector<16xf32>,
        %add3A_373 = arith.constant 112 : i32
        %add3A_374 = vector.broadcast %add3A_373 : i32 to vector<16xi32>
        %add3A_375 = arith.addi %iota3A, %add3A_374 : vector<16xi32>
        %gather3A_376 = tpu.vector_load_idx %arg13[%broadcast_in_dim3A_316, %add3A_375] : memref<128x128xf32, #tpu.memory_space<vmem>>[vector<16xi32>, vector<16xi32>], vector<16xf32>,
        %add3A_377 = arith.constant 112 : i32
        %add3A_378 = vector.broadcast %add3A_377 : i32 to vector<16xi32>
        %add3A_379 = arith.addi %iota3A, %add3A_378 : vector<16xi32>
        %mul3A_380 = arith.mulf %gather3A_376, %gather3A : vector<16xf32>
        tpu.vector_store_idx %arg13[%broadcast_in_dim3A_316, %add3A_379], %mul3A_380 : memref<128x128xf32, #tpu.memory_space<vmem>>[vector<16xi32>, vector<16xi32>], vector<16xf32>,
      }
      %scan3A_235 = arith.constant 128 : i32
      %dma_start3A_236 = arith.constant 5 : i32
      %dma_start3A_237 = arith.constant 0 : i32
      %dma_start3A_238 = tpu.memref_slice %arg9[%dma_start3A_236, %dma_start3A_237] : memref<8x128xi32, #tpu.memory_space<vmem>> -> memref<1x128xi32, #tpu.memory_space<vmem>>
      %dma_start3A_239 = tpu.memref_squeeze %dma_start3A_238 : memref<1x128xi32, #tpu.memory_space<vmem>> -> memref<128xi32, #tpu.memory_space<vmem>>
      %dma_start3A_240 = arith.constant 0 : i32
      %dma_start3A_241 = arith.constant 0 : i32
      %dma_start3A_242 = tpu.memref_slice %arg14[%dma_start3A_240, %dma_start3A_241] : memref<10240x128xf32, #tpu.memory_space<vmem_shared>> -> memref<10240x128xf32, #tpu.memory_space<vmem_shared>>
      tpu.enqueue_indirect_dma source(%arg13 : memref<128x128xf32, #tpu.memory_space<vmem>>) target(%dma_start3A_242 : memref<10240x128xf32, #tpu.memory_space<vmem_shared>>) offsets(%dma_start3A_239 : memref<128xi32, #tpu.memory_space<vmem>>) semaphore(%arg18 : memref<!tpu.dma_semaphore, #tpu.memory_space<semaphore_mem>>) {add = true}
      %dma_wait3A_243 = arith.constant 5 : i32
      %dma_wait3A_244 = arith.constant 0 : i32
      %dma_wait3A_245 = tpu.memref_slice %arg9[%dma_wait3A_243, %dma_wait3A_244] : memref<8x128xi32, #tpu.memory_space<vmem>> -> memref<1x128xi32, #tpu.memory_space<vmem>>
      %dma_wait3A_246 = tpu.memref_squeeze %dma_wait3A_245 : memref<1x128xi32, #tpu.memory_space<vmem>> -> memref<128xi32, #tpu.memory_space<vmem>>
      %dma_wait3A_247 = arith.constant 0 : i32
      %dma_wait3A_248 = arith.constant 0 : i32
      %dma_wait3A_249 = tpu.memref_slice %arg14[%dma_wait3A_247, %dma_wait3A_248] : memref<10240x128xf32, #tpu.memory_space<vmem_shared>> -> memref<10240x128xf32, #tpu.memory_space<vmem_shared>>
      tpu.wait_indirect_dma semaphore(%arg18 : memref<!tpu.dma_semaphore, #tpu.memory_space<semaphore_mem>>) src(%arg13 : memref<128x128xf32, #tpu.memory_space<vmem>>) dst(%dma_wait3A_249 : memref<10240x128xf32, #tpu.memory_space<vmem_shared>>)
      %dma_start3A_250 = arith.constant 7 : i32
      %dma_start3A_251 = arith.constant 0 : i32
      %dma_start3A_252 = tpu.memref_slice %arg10[%dma_start3A_250, %dma_start3A_251] : memref<8x128xi32, #tpu.memory_space<vmem>> -> memref<1x128xi32, #tpu.memory_space<vmem>>
      %dma_start3A_253 = tpu.memref_squeeze %dma_start3A_252 : memref<1x128xi32, #tpu.memory_space<vmem>> -> memref<128xi32, #tpu.memory_space<vmem>>
      %dma_start3A_254 = arith.constant 0 : i32
      %dma_start3A_255 = arith.constant 0 : i32
      %dma_start3A_256 = tpu.memref_slice %arg2[%dma_start3A_254, %dma_start3A_255] : memref<10000x128xf32, #tpu.memory_space<hbm>> -> memref<10000x128xf32, #tpu.memory_space<hbm>>
      tpu.enqueue_indirect_dma source(%dma_start3A_256 : memref<10000x128xf32, #tpu.memory_space<hbm>>) target(%arg13 : memref<128x128xf32, #tpu.memory_space<vmem>>) offsets(%dma_start3A_253 : memref<128xi32, #tpu.memory_space<vmem>>) semaphore(%arg16 : memref<!tpu.dma_semaphore, #tpu.memory_space<semaphore_mem>>)
      %dma_wait3A_257 = arith.constant 6 : i32
      %dma_wait3A_258 = arith.constant 0 : i32
      %dma_wait3A_259 = tpu.memref_slice %arg10[%dma_wait3A_257, %dma_wait3A_258] : memref<8x128xi32, #tpu.memory_space<vmem>> -> memref<1x128xi32, #tpu.memory_space<vmem>>
      %dma_wait3A_260 = tpu.memref_squeeze %dma_wait3A_259 : memref<1x128xi32, #tpu.memory_space<vmem>> -> memref<128xi32, #tpu.memory_space<vmem>>
      %dma_wait3A_261 = arith.constant 0 : i32
      %dma_wait3A_262 = arith.constant 0 : i32
      %dma_wait3A_263 = tpu.memref_slice %arg2[%dma_wait3A_261, %dma_wait3A_262] : memref<10000x128xf32, #tpu.memory_space<hbm>> -> memref<10000x128xf32, #tpu.memory_space<hbm>>
      tpu.wait_indirect_dma semaphore(%arg15 : memref<!tpu.dma_semaphore, #tpu.memory_space<semaphore_mem>>) src(%dma_wait3A_263 : memref<10000x128xf32, #tpu.memory_space<hbm>>) dst(%arg12 : memref<128x128xf32, #tpu.memory_space<vmem>>)
      %broadcast_in_dim3A_264 = arith.constant 6 : i32
      %broadcast_in_dim3A_265 = vector.broadcast %broadcast_in_dim3A_264 : i32 to vector<16xi32>
      %scan3A_266 = arith.constant 0 : i32
      %scan3A_267 = arith.constant 0 : i32
      %scan3A_268 = arith.constant 128 : i32
      %scan3A_269 = arith.addi %scan3A_267, %scan3A_268 : i32
      %scan3A_270 = arith.constant 1 : i32
      scf.for %scan3A_315 = %scan3A_267 to %scan3A_269 step %scan3A_270  : i32 {
        %broadcast_in_dim3A_316 = vector.broadcast %scan3A_315 : i32 to vector<16xi32>
        %gather3A = tpu.vector_load_idx %arg11[%broadcast_in_dim3A_265, %broadcast_in_dim3A_316] : memref<8x128xf32, #tpu.memory_space<vmem>>[vector<16xi32>, vector<16xi32>], vector<16xf32>,
        %add3A_317 = arith.constant 0 : i32
        %add3A_318 = vector.broadcast %add3A_317 : i32 to vector<16xi32>
        %add3A_319 = arith.addi %iota3A, %add3A_318 : vector<16xi32>
        %gather3A_320 = tpu.vector_load_idx %arg12[%broadcast_in_dim3A_316, %add3A_319] : memref<128x128xf32, #tpu.memory_space<vmem>>[vector<16xi32>, vector<16xi32>], vector<16xf32>,
        %add3A_321 = arith.constant 0 : i32
        %add3A_322 = vector.broadcast %add3A_321 : i32 to vector<16xi32>
        %add3A_323 = arith.addi %iota3A, %add3A_322 : vector<16xi32>
        %mul3A_324 = arith.mulf %gather3A_320, %gather3A : vector<16xf32>
        tpu.vector_store_idx %arg12[%broadcast_in_dim3A_316, %add3A_323], %mul3A_324 : memref<128x128xf32, #tpu.memory_space<vmem>>[vector<16xi32>, vector<16xi32>], vector<16xf32>,
        %add3A_325 = arith.constant 16 : i32
        %add3A_326 = vector.broadcast %add3A_325 : i32 to vector<16xi32>
        %add3A_327 = arith.addi %iota3A, %add3A_326 : vector<16xi32>
        %gather3A_328 = tpu.vector_load_idx %arg12[%broadcast_in_dim3A_316, %add3A_327] : memref<128x128xf32, #tpu.memory_space<vmem>>[vector<16xi32>, vector<16xi32>], vector<16xf32>,
        %add3A_329 = arith.constant 16 : i32
        %add3A_330 = vector.broadcast %add3A_329 : i32 to vector<16xi32>
        %add3A_331 = arith.addi %iota3A, %add3A_330 : vector<16xi32>
        %mul3A_332 = arith.mulf %gather3A_328, %gather3A : vector<16xf32>
        tpu.vector_store_idx %arg12[%broadcast_in_dim3A_316, %add3A_331], %mul3A_332 : memref<128x128xf32, #tpu.memory_space<vmem>>[vector<16xi32>, vector<16xi32>], vector<16xf32>,
        %add3A_333 = arith.constant 32 : i32
        %add3A_334 = vector.broadcast %add3A_333 : i32 to vector<16xi32>
        %add3A_335 = arith.addi %iota3A, %add3A_334 : vector<16xi32>
        %gather3A_336 = tpu.vector_load_idx %arg12[%broadcast_in_dim3A_316, %add3A_335] : memref<128x128xf32, #tpu.memory_space<vmem>>[vector<16xi32>, vector<16xi32>], vector<16xf32>,
        %add3A_337 = arith.constant 32 : i32
        %add3A_338 = vector.broadcast %add3A_337 : i32 to vector<16xi32>
        %add3A_339 = arith.addi %iota3A, %add3A_338 : vector<16xi32>
        %mul3A_340 = arith.mulf %gather3A_336, %gather3A : vector<16xf32>
        tpu.vector_store_idx %arg12[%broadcast_in_dim3A_316, %add3A_339], %mul3A_340 : memref<128x128xf32, #tpu.memory_space<vmem>>[vector<16xi32>, vector<16xi32>], vector<16xf32>,
        %add3A_341 = arith.constant 48 : i32
        %add3A_342 = vector.broadcast %add3A_341 : i32 to vector<16xi32>
        %add3A_343 = arith.addi %iota3A, %add3A_342 : vector<16xi32>
        %gather3A_344 = tpu.vector_load_idx %arg12[%broadcast_in_dim3A_316, %add3A_343] : memref<128x128xf32, #tpu.memory_space<vmem>>[vector<16xi32>, vector<16xi32>], vector<16xf32>,
        %add3A_345 = arith.constant 48 : i32
        %add3A_346 = vector.broadcast %add3A_345 : i32 to vector<16xi32>
        %add3A_347 = arith.addi %iota3A, %add3A_346 : vector<16xi32>
        %mul3A_348 = arith.mulf %gather3A_344, %gather3A : vector<16xf32>
        tpu.vector_store_idx %arg12[%broadcast_in_dim3A_316, %add3A_347], %mul3A_348 : memref<128x128xf32, #tpu.memory_space<vmem>>[vector<16xi32>, vector<16xi32>], vector<16xf32>,
        %add3A_349 = arith.constant 64 : i32
        %add3A_350 = vector.broadcast %add3A_349 : i32 to vector<16xi32>
        %add3A_351 = arith.addi %iota3A, %add3A_350 : vector<16xi32>
        %gather3A_352 = tpu.vector_load_idx %arg12[%broadcast_in_dim3A_316, %add3A_351] : memref<128x128xf32, #tpu.memory_space<vmem>>[vector<16xi32>, vector<16xi32>], vector<16xf32>,
        %add3A_353 = arith.constant 64 : i32
        %add3A_354 = vector.broadcast %add3A_353 : i32 to vector<16xi32>
        %add3A_355 = arith.addi %iota3A, %add3A_354 : vector<16xi32>
        %mul3A_356 = arith.mulf %gather3A_352, %gather3A : vector<16xf32>
        tpu.vector_store_idx %arg12[%broadcast_in_dim3A_316, %add3A_355], %mul3A_356 : memref<128x128xf32, #tpu.memory_space<vmem>>[vector<16xi32>, vector<16xi32>], vector<16xf32>,
        %add3A_357 = arith.constant 80 : i32
        %add3A_358 = vector.broadcast %add3A_357 : i32 to vector<16xi32>
        %add3A_359 = arith.addi %iota3A, %add3A_358 : vector<16xi32>
        %gather3A_360 = tpu.vector_load_idx %arg12[%broadcast_in_dim3A_316, %add3A_359] : memref<128x128xf32, #tpu.memory_space<vmem>>[vector<16xi32>, vector<16xi32>], vector<16xf32>,
        %add3A_361 = arith.constant 80 : i32
        %add3A_362 = vector.broadcast %add3A_361 : i32 to vector<16xi32>
        %add3A_363 = arith.addi %iota3A, %add3A_362 : vector<16xi32>
        %mul3A_364 = arith.mulf %gather3A_360, %gather3A : vector<16xf32>
        tpu.vector_store_idx %arg12[%broadcast_in_dim3A_316, %add3A_363], %mul3A_364 : memref<128x128xf32, #tpu.memory_space<vmem>>[vector<16xi32>, vector<16xi32>], vector<16xf32>,
        %add3A_365 = arith.constant 96 : i32
        %add3A_366 = vector.broadcast %add3A_365 : i32 to vector<16xi32>
        %add3A_367 = arith.addi %iota3A, %add3A_366 : vector<16xi32>
        %gather3A_368 = tpu.vector_load_idx %arg12[%broadcast_in_dim3A_316, %add3A_367] : memref<128x128xf32, #tpu.memory_space<vmem>>[vector<16xi32>, vector<16xi32>], vector<16xf32>,
        %add3A_369 = arith.constant 96 : i32
        %add3A_370 = vector.broadcast %add3A_369 : i32 to vector<16xi32>
        %add3A_371 = arith.addi %iota3A, %add3A_370 : vector<16xi32>
        %mul3A_372 = arith.mulf %gather3A_368, %gather3A : vector<16xf32>
        tpu.vector_store_idx %arg12[%broadcast_in_dim3A_316, %add3A_371], %mul3A_372 : memref<128x128xf32, #tpu.memory_space<vmem>>[vector<16xi32>, vector<16xi32>], vector<16xf32>,
        %add3A_373 = arith.constant 112 : i32
        %add3A_374 = vector.broadcast %add3A_373 : i32 to vector<16xi32>
        %add3A_375 = arith.addi %iota3A, %add3A_374 : vector<16xi32>
        %gather3A_376 = tpu.vector_load_idx %arg12[%broadcast_in_dim3A_316, %add3A_375] : memref<128x128xf32, #tpu.memory_space<vmem>>[vector<16xi32>, vector<16xi32>], vector<16xf32>,
        %add3A_377 = arith.constant 112 : i32
        %add3A_378 = vector.broadcast %add3A_377 : i32 to vector<16xi32>
        %add3A_379 = arith.addi %iota3A, %add3A_378 : vector<16xi32>
        %mul3A_380 = arith.mulf %gather3A_376, %gather3A : vector<16xf32>
        tpu.vector_store_idx %arg12[%broadcast_in_dim3A_316, %add3A_379], %mul3A_380 : memref<128x128xf32, #tpu.memory_space<vmem>>[vector<16xi32>, vector<16xi32>], vector<16xf32>,
      }
      %scan3A_271 = arith.constant 128 : i32
      %dma_start3A_272 = arith.constant 6 : i32
      %dma_start3A_273 = arith.constant 0 : i32
      %dma_start3A_274 = tpu.memref_slice %arg9[%dma_start3A_272, %dma_start3A_273] : memref<8x128xi32, #tpu.memory_space<vmem>> -> memref<1x128xi32, #tpu.memory_space<vmem>>
      %dma_start3A_275 = tpu.memref_squeeze %dma_start3A_274 : memref<1x128xi32, #tpu.memory_space<vmem>> -> memref<128xi32, #tpu.memory_space<vmem>>
      %dma_start3A_276 = arith.constant 0 : i32
      %dma_start3A_277 = arith.constant 0 : i32
      %dma_start3A_278 = tpu.memref_slice %arg14[%dma_start3A_276, %dma_start3A_277] : memref<10240x128xf32, #tpu.memory_space<vmem_shared>> -> memref<10240x128xf32, #tpu.memory_space<vmem_shared>>
      tpu.enqueue_indirect_dma source(%arg12 : memref<128x128xf32, #tpu.memory_space<vmem>>) target(%dma_start3A_278 : memref<10240x128xf32, #tpu.memory_space<vmem_shared>>) offsets(%dma_start3A_275 : memref<128xi32, #tpu.memory_space<vmem>>) semaphore(%arg17 : memref<!tpu.dma_semaphore, #tpu.memory_space<semaphore_mem>>) {add = true}
      %dma_wait3A_279 = arith.constant 7 : i32
      %dma_wait3A_280 = arith.constant 0 : i32
      %dma_wait3A_281 = tpu.memref_slice %arg10[%dma_wait3A_279, %dma_wait3A_280] : memref<8x128xi32, #tpu.memory_space<vmem>> -> memref<1x128xi32, #tpu.memory_space<vmem>>
      %dma_wait3A_282 = tpu.memref_squeeze %dma_wait3A_281 : memref<1x128xi32, #tpu.memory_space<vmem>> -> memref<128xi32, #tpu.memory_space<vmem>>
      %dma_wait3A_283 = arith.constant 0 : i32
      %dma_wait3A_284 = arith.constant 0 : i32
      %dma_wait3A_285 = tpu.memref_slice %arg2[%dma_wait3A_283, %dma_wait3A_284] : memref<10000x128xf32, #tpu.memory_space<hbm>> -> memref<10000x128xf32, #tpu.memory_space<hbm>>
      tpu.wait_indirect_dma semaphore(%arg16 : memref<!tpu.dma_semaphore, #tpu.memory_space<semaphore_mem>>) src(%dma_wait3A_285 : memref<10000x128xf32, #tpu.memory_space<hbm>>) dst(%arg13 : memref<128x128xf32, #tpu.memory_space<vmem>>)
      %broadcast_in_dim3A_286 = arith.constant 7 : i32
      %broadcast_in_dim3A_287 = vector.broadcast %broadcast_in_dim3A_286 : i32 to vector<16xi32>
      %scan3A_288 = arith.constant 0 : i32
      %scan3A_289 = arith.constant 0 : i32
      %scan3A_290 = arith.constant 128 : i32
      %scan3A_291 = arith.addi %scan3A_289, %scan3A_290 : i32
      %scan3A_292 = arith.constant 1 : i32
      scf.for %scan3A_315 = %scan3A_289 to %scan3A_291 step %scan3A_292  : i32 {
        %broadcast_in_dim3A_316 = vector.broadcast %scan3A_315 : i32 to vector<16xi32>
        %gather3A = tpu.vector_load_idx %arg11[%broadcast_in_dim3A_287, %broadcast_in_dim3A_316] : memref<8x128xf32, #tpu.memory_space<vmem>>[vector<16xi32>, vector<16xi32>], vector<16xf32>,
        %add3A_317 = arith.constant 0 : i32
        %add3A_318 = vector.broadcast %add3A_317 : i32 to vector<16xi32>
        %add3A_319 = arith.addi %iota3A, %add3A_318 : vector<16xi32>
        %gather3A_320 = tpu.vector_load_idx %arg13[%broadcast_in_dim3A_316, %add3A_319] : memref<128x128xf32, #tpu.memory_space<vmem>>[vector<16xi32>, vector<16xi32>], vector<16xf32>,
        %add3A_321 = arith.constant 0 : i32
        %add3A_322 = vector.broadcast %add3A_321 : i32 to vector<16xi32>
        %add3A_323 = arith.addi %iota3A, %add3A_322 : vector<16xi32>
        %mul3A_324 = arith.mulf %gather3A_320, %gather3A : vector<16xf32>
        tpu.vector_store_idx %arg13[%broadcast_in_dim3A_316, %add3A_323], %mul3A_324 : memref<128x128xf32, #tpu.memory_space<vmem>>[vector<16xi32>, vector<16xi32>], vector<16xf32>,
        %add3A_325 = arith.constant 16 : i32
        %add3A_326 = vector.broadcast %add3A_325 : i32 to vector<16xi32>
        %add3A_327 = arith.addi %iota3A, %add3A_326 : vector<16xi32>
        %gather3A_328 = tpu.vector_load_idx %arg13[%broadcast_in_dim3A_316, %add3A_327] : memref<128x128xf32, #tpu.memory_space<vmem>>[vector<16xi32>, vector<16xi32>], vector<16xf32>,
        %add3A_329 = arith.constant 16 : i32
        %add3A_330 = vector.broadcast %add3A_329 : i32 to vector<16xi32>
        %add3A_331 = arith.addi %iota3A, %add3A_330 : vector<16xi32>
        %mul3A_332 = arith.mulf %gather3A_328, %gather3A : vector<16xf32>
        tpu.vector_store_idx %arg13[%broadcast_in_dim3A_316, %add3A_331], %mul3A_332 : memref<128x128xf32, #tpu.memory_space<vmem>>[vector<16xi32>, vector<16xi32>], vector<16xf32>,
        %add3A_333 = arith.constant 32 : i32
        %add3A_334 = vector.broadcast %add3A_333 : i32 to vector<16xi32>
        %add3A_335 = arith.addi %iota3A, %add3A_334 : vector<16xi32>
        %gather3A_336 = tpu.vector_load_idx %arg13[%broadcast_in_dim3A_316, %add3A_335] : memref<128x128xf32, #tpu.memory_space<vmem>>[vector<16xi32>, vector<16xi32>], vector<16xf32>,
        %add3A_337 = arith.constant 32 : i32
        %add3A_338 = vector.broadcast %add3A_337 : i32 to vector<16xi32>
        %add3A_339 = arith.addi %iota3A, %add3A_338 : vector<16xi32>
        %mul3A_340 = arith.mulf %gather3A_336, %gather3A : vector<16xf32>
        tpu.vector_store_idx %arg13[%broadcast_in_dim3A_316, %add3A_339], %mul3A_340 : memref<128x128xf32, #tpu.memory_space<vmem>>[vector<16xi32>, vector<16xi32>], vector<16xf32>,
        %add3A_341 = arith.constant 48 : i32
        %add3A_342 = vector.broadcast %add3A_341 : i32 to vector<16xi32>
        %add3A_343 = arith.addi %iota3A, %add3A_342 : vector<16xi32>
        %gather3A_344 = tpu.vector_load_idx %arg13[%broadcast_in_dim3A_316, %add3A_343] : memref<128x128xf32, #tpu.memory_space<vmem>>[vector<16xi32>, vector<16xi32>], vector<16xf32>,
        %add3A_345 = arith.constant 48 : i32
        %add3A_346 = vector.broadcast %add3A_345 : i32 to vector<16xi32>
        %add3A_347 = arith.addi %iota3A, %add3A_346 : vector<16xi32>
        %mul3A_348 = arith.mulf %gather3A_344, %gather3A : vector<16xf32>
        tpu.vector_store_idx %arg13[%broadcast_in_dim3A_316, %add3A_347], %mul3A_348 : memref<128x128xf32, #tpu.memory_space<vmem>>[vector<16xi32>, vector<16xi32>], vector<16xf32>,
        %add3A_349 = arith.constant 64 : i32
        %add3A_350 = vector.broadcast %add3A_349 : i32 to vector<16xi32>
        %add3A_351 = arith.addi %iota3A, %add3A_350 : vector<16xi32>
        %gather3A_352 = tpu.vector_load_idx %arg13[%broadcast_in_dim3A_316, %add3A_351] : memref<128x128xf32, #tpu.memory_space<vmem>>[vector<16xi32>, vector<16xi32>], vector<16xf32>,
        %add3A_353 = arith.constant 64 : i32
        %add3A_354 = vector.broadcast %add3A_353 : i32 to vector<16xi32>
        %add3A_355 = arith.addi %iota3A, %add3A_354 : vector<16xi32>
        %mul3A_356 = arith.mulf %gather3A_352, %gather3A : vector<16xf32>
        tpu.vector_store_idx %arg13[%broadcast_in_dim3A_316, %add3A_355], %mul3A_356 : memref<128x128xf32, #tpu.memory_space<vmem>>[vector<16xi32>, vector<16xi32>], vector<16xf32>,
        %add3A_357 = arith.constant 80 : i32
        %add3A_358 = vector.broadcast %add3A_357 : i32 to vector<16xi32>
        %add3A_359 = arith.addi %iota3A, %add3A_358 : vector<16xi32>
        %gather3A_360 = tpu.vector_load_idx %arg13[%broadcast_in_dim3A_316, %add3A_359] : memref<128x128xf32, #tpu.memory_space<vmem>>[vector<16xi32>, vector<16xi32>], vector<16xf32>,
        %add3A_361 = arith.constant 80 : i32
        %add3A_362 = vector.broadcast %add3A_361 : i32 to vector<16xi32>
        %add3A_363 = arith.addi %iota3A, %add3A_362 : vector<16xi32>
        %mul3A_364 = arith.mulf %gather3A_360, %gather3A : vector<16xf32>
        tpu.vector_store_idx %arg13[%broadcast_in_dim3A_316, %add3A_363], %mul3A_364 : memref<128x128xf32, #tpu.memory_space<vmem>>[vector<16xi32>, vector<16xi32>], vector<16xf32>,
        %add3A_365 = arith.constant 96 : i32
        %add3A_366 = vector.broadcast %add3A_365 : i32 to vector<16xi32>
        %add3A_367 = arith.addi %iota3A, %add3A_366 : vector<16xi32>
        %gather3A_368 = tpu.vector_load_idx %arg13[%broadcast_in_dim3A_316, %add3A_367] : memref<128x128xf32, #tpu.memory_space<vmem>>[vector<16xi32>, vector<16xi32>], vector<16xf32>,
        %add3A_369 = arith.constant 96 : i32
        %add3A_370 = vector.broadcast %add3A_369 : i32 to vector<16xi32>
        %add3A_371 = arith.addi %iota3A, %add3A_370 : vector<16xi32>
        %mul3A_372 = arith.mulf %gather3A_368, %gather3A : vector<16xf32>
        tpu.vector_store_idx %arg13[%broadcast_in_dim3A_316, %add3A_371], %mul3A_372 : memref<128x128xf32, #tpu.memory_space<vmem>>[vector<16xi32>, vector<16xi32>], vector<16xf32>,
        %add3A_373 = arith.constant 112 : i32
        %add3A_374 = vector.broadcast %add3A_373 : i32 to vector<16xi32>
        %add3A_375 = arith.addi %iota3A, %add3A_374 : vector<16xi32>
        %gather3A_376 = tpu.vector_load_idx %arg13[%broadcast_in_dim3A_316, %add3A_375] : memref<128x128xf32, #tpu.memory_space<vmem>>[vector<16xi32>, vector<16xi32>], vector<16xf32>,
        %add3A_377 = arith.constant 112 : i32
        %add3A_378 = vector.broadcast %add3A_377 : i32 to vector<16xi32>
        %add3A_379 = arith.addi %iota3A, %add3A_378 : vector<16xi32>
        %mul3A_380 = arith.mulf %gather3A_376, %gather3A : vector<16xf32>
        tpu.vector_store_idx %arg13[%broadcast_in_dim3A_316, %add3A_379], %mul3A_380 : memref<128x128xf32, #tpu.memory_space<vmem>>[vector<16xi32>, vector<16xi32>], vector<16xf32>,
      }
      %scan3A_293 = arith.constant 128 : i32
      %dma_start3A_294 = arith.constant 7 : i32
      %dma_start3A_295 = arith.constant 0 : i32
      %dma_start3A_296 = tpu.memref_slice %arg9[%dma_start3A_294, %dma_start3A_295] : memref<8x128xi32, #tpu.memory_space<vmem>> -> memref<1x128xi32, #tpu.memory_space<vmem>>
      %dma_start3A_297 = tpu.memref_squeeze %dma_start3A_296 : memref<1x128xi32, #tpu.memory_space<vmem>> -> memref<128xi32, #tpu.memory_space<vmem>>
      %dma_start3A_298 = arith.constant 0 : i32
      %dma_start3A_299 = arith.constant 0 : i32
      %dma_start3A_300 = tpu.memref_slice %arg14[%dma_start3A_298, %dma_start3A_299] : memref<10240x128xf32, #tpu.memory_space<vmem_shared>> -> memref<10240x128xf32, #tpu.memory_space<vmem_shared>>
      tpu.enqueue_indirect_dma source(%arg13 : memref<128x128xf32, #tpu.memory_space<vmem>>) target(%dma_start3A_300 : memref<10240x128xf32, #tpu.memory_space<vmem_shared>>) offsets(%dma_start3A_297 : memref<128xi32, #tpu.memory_space<vmem>>) semaphore(%arg18 : memref<!tpu.dma_semaphore, #tpu.memory_space<semaphore_mem>>) {add = true}
      %dma_wait3A_301 = arith.constant 6 : i32
      %dma_wait3A_302 = arith.constant 0 : i32
      %dma_wait3A_303 = tpu.memref_slice %arg9[%dma_wait3A_301, %dma_wait3A_302] : memref<8x128xi32, #tpu.memory_space<vmem>> -> memref<1x128xi32, #tpu.memory_space<vmem>>
      %dma_wait3A_304 = tpu.memref_squeeze %dma_wait3A_303 : memref<1x128xi32, #tpu.memory_space<vmem>> -> memref<128xi32, #tpu.memory_space<vmem>>
      %dma_wait3A_305 = arith.constant 0 : i32
      %dma_wait3A_306 = arith.constant 0 : i32
      %dma_wait3A_307 = tpu.memref_slice %arg14[%dma_wait3A_305, %dma_wait3A_306] : memref<10240x128xf32, #tpu.memory_space<vmem_shared>> -> memref<10240x128xf32, #tpu.memory_space<vmem_shared>>
      tpu.wait_indirect_dma semaphore(%arg17 : memref<!tpu.dma_semaphore, #tpu.memory_space<semaphore_mem>>) src(%arg12 : memref<128x128xf32, #tpu.memory_space<vmem>>) dst(%dma_wait3A_307 : memref<10240x128xf32, #tpu.memory_space<vmem_shared>>)
      %dma_wait3A_308 = arith.constant 7 : i32
      %dma_wait3A_309 = arith.constant 0 : i32
      %dma_wait3A_310 = tpu.memref_slice %arg9[%dma_wait3A_308, %dma_wait3A_309] : memref<8x128xi32, #tpu.memory_space<vmem>> -> memref<1x128xi32, #tpu.memory_space<vmem>>
      %dma_wait3A_311 = tpu.memref_squeeze %dma_wait3A_310 : memref<1x128xi32, #tpu.memory_space<vmem>> -> memref<128xi32, #tpu.memory_space<vmem>>
      %dma_wait3A_312 = arith.constant 0 : i32
      %dma_wait3A_313 = arith.constant 0 : i32
      %dma_wait3A_314 = tpu.memref_slice %arg14[%dma_wait3A_312, %dma_wait3A_313] : memref<10240x128xf32, #tpu.memory_space<vmem_shared>> -> memref<10240x128xf32, #tpu.memory_space<vmem_shared>>
      tpu.wait_indirect_dma semaphore(%arg18 : memref<!tpu.dma_semaphore, #tpu.memory_space<semaphore_mem>>) src(%arg13 : memref<128x128xf32, #tpu.memory_space<vmem>>) dst(%dma_wait3A_314 : memref<10240x128xf32, #tpu.memory_space<vmem_shared>>)
    }
    %scan3A_13 = arith.constant 10 : i32
    %barrier3A_14 = arith.constant 0 : index
    tpu.barrier barrier_id(%barrier3A_14)
    %mul3A_15 = arith.constant 624 : i32
    %mul3A_16 = arith.muli %arg1, %mul3A_15 : i32
    %eq3A = arith.constant 0 : i32
    %eq3A_17 = arith.cmpi eq, %arg0, %eq3A : i32
    %convert_element_type3A = arith.extui %eq3A_17 : i1 to i32
    %cond3A = arith.constant 0 : i32
    %cond3A_18 = arith.cmpi ne, %convert_element_type3A, %cond3A : i32
    scf.if %cond3A_18 {
      "tpu.region"() ({
        %run_scoped3A = tpu.sem_alloc : memref<!tpu.dma_semaphore, #tpu.memory_space<semaphore_mem>>
        %dma_start3A = arith.constant 0 : i32
        %dma_start3A_29 = tpu.memref_slice %arg7[%mul3A_16, %dma_start3A] : memref<10000x128xf32, #tpu.memory_space<hbm>> -> memref<624x128xf32, #tpu.memory_space<hbm>>
        %dma_start3A_30 = arith.constant 0 : i32
        %dma_start3A_31 = tpu.memref_slice %arg14[%mul3A_16, %dma_start3A_30] : memref<10240x128xf32, #tpu.memory_space<vmem_shared>> -> memref<624x128xf32, #tpu.memory_space<vmem_shared>>
        tpu.enqueue_dma source(%dma_start3A_31 : memref<624x128xf32, #tpu.memory_space<vmem_shared>>) target(%dma_start3A_29 : memref<624x128xf32, #tpu.memory_space<hbm>>) target_semaphore(%run_scoped3A : memref<!tpu.dma_semaphore, #tpu.memory_space<semaphore_mem>>)
        %dma_wait3A = arith.constant 0 : i32
        %dma_wait3A_32 = tpu.memref_slice %arg7[%mul3A_16, %dma_wait3A] : memref<10000x128xf32, #tpu.memory_space<hbm>> -> memref<624x128xf32, #tpu.memory_space<hbm>>
        %dma_wait3A_33 = arith.constant 0 : i32
        %dma_wait3A_34 = tpu.memref_slice %arg14[%mul3A_16, %dma_wait3A_33] : memref<10240x128xf32, #tpu.memory_space<vmem_shared>> -> memref<624x128xf32, #tpu.memory_space<vmem_shared>>
        tpu.wait_dma2 semaphore(%run_scoped3A : memref<!tpu.dma_semaphore, #tpu.memory_space<semaphore_mem>>) src(%dma_wait3A_34 : memref<624x128xf32, #tpu.memory_space<vmem_shared>>) dst(%dma_wait3A_32 : memref<624x128xf32, #tpu.memory_space<hbm>>)
        tpu.yield
      }) : () -> ()
      %eq3A_24 = arith.constant 0 : i32
      %eq3A_25 = arith.cmpi eq, %arg1, %eq3A_24 : i32
      %convert_element_type3A_26 = arith.extui %eq3A_25 : i1 to i32
      %cond3A_27 = arith.constant 0 : i32
      %cond3A_28 = arith.cmpi ne, %convert_element_type3A_26, %cond3A_27 : i32
      scf.if %cond3A_28 {
        "tpu.region"() ({
          %run_scoped3A = tpu.sem_alloc : memref<!tpu.dma_semaphore, #tpu.memory_space<semaphore_mem>>
          %dma_start3A = arith.constant 9984 : i32
          %dma_start3A_29 = arith.constant 0 : i32
          %dma_start3A_30 = tpu.memref_slice %arg7[%dma_start3A, %dma_start3A_29] : memref<10000x128xf32, #tpu.memory_space<hbm>> -> memref<16x128xf32, #tpu.memory_space<hbm>>
          %dma_start3A_31 = arith.constant 9984 : i32
          %dma_start3A_32 = arith.constant 0 : i32
          %dma_start3A_33 = tpu.memref_slice %arg14[%dma_start3A_31, %dma_start3A_32] : memref<10240x128xf32, #tpu.memory_space<vmem_shared>> -> memref<16x128xf32, #tpu.memory_space<vmem_shared>>
          tpu.enqueue_dma source(%dma_start3A_33 : memref<16x128xf32, #tpu.memory_space<vmem_shared>>) target(%dma_start3A_30 : memref<16x128xf32, #tpu.memory_space<hbm>>) target_semaphore(%run_scoped3A : memref<!tpu.dma_semaphore, #tpu.memory_space<semaphore_mem>>)
          %dma_wait3A = arith.constant 9984 : i32
          %dma_wait3A_34 = arith.constant 0 : i32
          %dma_wait3A_35 = tpu.memref_slice %arg7[%dma_wait3A, %dma_wait3A_34] : memref<10000x128xf32, #tpu.memory_space<hbm>> -> memref<16x128xf32, #tpu.memory_space<hbm>>
          %dma_wait3A_36 = arith.constant 9984 : i32
          %dma_wait3A_37 = arith.constant 0 : i32
          %dma_wait3A_38 = tpu.memref_slice %arg14[%dma_wait3A_36, %dma_wait3A_37] : memref<10240x128xf32, #tpu.memory_space<vmem_shared>> -> memref<16x128xf32, #tpu.memory_space<vmem_shared>>
          tpu.wait_dma2 semaphore(%run_scoped3A : memref<!tpu.dma_semaphore, #tpu.memory_space<semaphore_mem>>) src(%dma_wait3A_38 : memref<16x128xf32, #tpu.memory_space<vmem_shared>>) dst(%dma_wait3A_35 : memref<16x128xf32, #tpu.memory_space<hbm>>)
          tpu.yield
        }) : () -> ()
      } else {
      }
    } else {
    }
    %eq3A_19 = arith.constant 1 : i32
    %eq3A_20 = arith.cmpi eq, %arg0, %eq3A_19 : i32
    %convert_element_type3A_21 = arith.extui %eq3A_20 : i1 to i32
    %cond3A_22 = arith.constant 0 : i32
    %cond3A_23 = arith.cmpi ne, %convert_element_type3A_21, %cond3A_22 : i32
    scf.if %cond3A_23 {
      "tpu.region"() ({
        %run_scoped3A = tpu.sem_alloc : memref<!tpu.dma_semaphore, #tpu.memory_space<semaphore_mem>>
        %dma_start3A = arith.constant 0 : i32
        %dma_start3A_29 = tpu.memref_slice %arg8[%mul3A_16, %dma_start3A] : memref<10000x128xf32, #tpu.memory_space<hbm>> -> memref<624x128xf32, #tpu.memory_space<hbm>>
        %dma_start3A_30 = arith.constant 0 : i32
        %dma_start3A_31 = tpu.memref_slice %arg14[%mul3A_16, %dma_start3A_30] : memref<10240x128xf32, #tpu.memory_space<vmem_shared>> -> memref<624x128xf32, #tpu.memory_space<vmem_shared>>
        tpu.enqueue_dma source(%dma_start3A_31 : memref<624x128xf32, #tpu.memory_space<vmem_shared>>) target(%dma_start3A_29 : memref<624x128xf32, #tpu.memory_space<hbm>>) target_semaphore(%run_scoped3A : memref<!tpu.dma_semaphore, #tpu.memory_space<semaphore_mem>>)
        %dma_wait3A = arith.constant 0 : i32
        %dma_wait3A_32 = tpu.memref_slice %arg8[%mul3A_16, %dma_wait3A] : memref<10000x128xf32, #tpu.memory_space<hbm>> -> memref<624x128xf32, #tpu.memory_space<hbm>>
        %dma_wait3A_33 = arith.constant 0 : i32
        %dma_wait3A_34 = tpu.memref_slice %arg14[%mul3A_16, %dma_wait3A_33] : memref<10240x128xf32, #tpu.memory_space<vmem_shared>> -> memref<624x128xf32, #tpu.memory_space<vmem_shared>>
        tpu.wait_dma2 semaphore(%run_scoped3A : memref<!tpu.dma_semaphore, #tpu.memory_space<semaphore_mem>>) src(%dma_wait3A_34 : memref<624x128xf32, #tpu.memory_space<vmem_shared>>) dst(%dma_wait3A_32 : memref<624x128xf32, #tpu.memory_space<hbm>>)
        tpu.yield
      }) : () -> ()
      %eq3A_24 = arith.constant 0 : i32
      %eq3A_25 = arith.cmpi eq, %arg1, %eq3A_24 : i32
      %convert_element_type3A_26 = arith.extui %eq3A_25 : i1 to i32
      %cond3A_27 = arith.constant 0 : i32
      %cond3A_28 = arith.cmpi ne, %convert_element_type3A_26, %cond3A_27 : i32
      scf.if %cond3A_28 {
        "tpu.region"() ({
          %run_scoped3A = tpu.sem_alloc : memref<!tpu.dma_semaphore, #tpu.memory_space<semaphore_mem>>
          %dma_start3A = arith.constant 9984 : i32
          %dma_start3A_29 = arith.constant 0 : i32
          %dma_start3A_30 = tpu.memref_slice %arg8[%dma_start3A, %dma_start3A_29] : memref<10000x128xf32, #tpu.memory_space<hbm>> -> memref<16x128xf32, #tpu.memory_space<hbm>>
          %dma_start3A_31 = arith.constant 9984 : i32
          %dma_start3A_32 = arith.constant 0 : i32
          %dma_start3A_33 = tpu.memref_slice %arg14[%dma_start3A_31, %dma_start3A_32] : memref<10240x128xf32, #tpu.memory_space<vmem_shared>> -> memref<16x128xf32, #tpu.memory_space<vmem_shared>>
          tpu.enqueue_dma source(%dma_start3A_33 : memref<16x128xf32, #tpu.memory_space<vmem_shared>>) target(%dma_start3A_30 : memref<16x128xf32, #tpu.memory_space<hbm>>) target_semaphore(%run_scoped3A : memref<!tpu.dma_semaphore, #tpu.memory_space<semaphore_mem>>)
          %dma_wait3A = arith.constant 9984 : i32
          %dma_wait3A_34 = arith.constant 0 : i32
          %dma_wait3A_35 = tpu.memref_slice %arg8[%dma_wait3A, %dma_wait3A_34] : memref<10000x128xf32, #tpu.memory_space<hbm>> -> memref<16x128xf32, #tpu.memory_space<hbm>>
          %dma_wait3A_36 = arith.constant 9984 : i32
          %dma_wait3A_37 = arith.constant 0 : i32
          %dma_wait3A_38 = tpu.memref_slice %arg14[%dma_wait3A_36, %dma_wait3A_37] : memref<10240x128xf32, #tpu.memory_space<vmem_shared>> -> memref<16x128xf32, #tpu.memory_space<vmem_shared>>
          tpu.wait_dma2 semaphore(%run_scoped3A : memref<!tpu.dma_semaphore, #tpu.memory_space<semaphore_mem>>) src(%dma_wait3A_38 : memref<16x128xf32, #tpu.memory_space<vmem_shared>>) dst(%dma_wait3A_35 : memref<16x128xf32, #tpu.memory_space<hbm>>)
          tpu.yield
        }) : () -> ()
      } else {
      }
    } else {
    }
    return
  }
}

#map = affine_map<(d0, d1) -> (0, 0)>
#map1 = affine_map<(d0, d1) -> (0)>
module attributes {stable_mosaic.version = 14 : i64} {
  func.func @_sc_maxscal(%arg0: i32, %arg1: i32, %arg2: memref<10000x128xf32, #tpu.memory_space<hbm>>, %arg3: memref<320000xi32, #tpu.memory_space<hbm>>, %arg4: memref<320000xi32, #tpu.memory_space<hbm>>, %arg5: memref<320000xf32, #tpu.memory_space<hbm>>, %arg6: memref<320x128xf32, #tpu.memory_space<hbm>>, %arg7: memref<10240x128xf32, #tpu.memory_space<hbm>>, %arg8: memref<8000xi32, #tpu.memory_space<vmem>>, %arg9: memref<8000xi32, #tpu.memory_space<vmem>>, %arg10: memref<8000xf32, #tpu.memory_space<vmem>>, %arg11: memref<!tpu.dma_semaphore, #tpu.memory_space<semaphore_mem>>, %arg12: memref<11264xi32, #tpu.memory_space<vmem>>, %arg13: memref<11264xi32, #tpu.memory_space<vmem>>, %arg14: memref<11264xf32, #tpu.memory_space<vmem>>, %arg15: memref<128x128xf32, #tpu.memory_space<vmem>>, %arg16: memref<320x128xf32, #tpu.memory_space<vmem>>, %arg17: memref<!tpu.dma_semaphore, #tpu.memory_space<semaphore_mem>>) attributes {dimension_semantics = [#tpu.dimension_semantics<core_parallel>, #tpu.dimension_semantics<subcore_parallel>], iteration_bounds = array<i64: 2, 16>, scalar_prefetch = 0 : i64, scratch_operands = 10 : i64, tpu.core_type = #tpu.core_type<sc_vector_subcore>, window_params = [{transform_indices = #map}, {transform_indices = #map1}, {transform_indices = #map1}, {transform_indices = #map1}, {transform_indices = #map}, {transform_indices = #map}]} {
    %mul3A = arith.constant 2 : i32
    %mul3A_0 = arith.muli %arg1, %mul3A : i32
    %add3A = arith.addi %mul3A_0, %arg0 : i32
    %mul3A_1 = arith.constant 320 : i32
    %mul3A_2 = arith.muli %add3A, %mul3A_1 : i32
    %iota3A = tpu.iota {dimensions = array<i32: 0>} : vector<16xi32>
    "tpu.region"() ({
      %run_scoped3A = tpu.sem_alloc : memref<!tpu.dma_semaphore, #tpu.memory_space<semaphore_mem>>
      tpu.enqueue_dma source(%arg6 : memref<320x128xf32, #tpu.memory_space<hbm>>) target(%arg16 : memref<320x128xf32, #tpu.memory_space<vmem>>) target_semaphore(%run_scoped3A : memref<!tpu.dma_semaphore, #tpu.memory_space<semaphore_mem>>)
      tpu.wait_dma2 semaphore(%run_scoped3A : memref<!tpu.dma_semaphore, #tpu.memory_space<semaphore_mem>>) src(%arg6 : memref<320x128xf32, #tpu.memory_space<hbm>>) dst(%arg16 : memref<320x128xf32, #tpu.memory_space<vmem>>)
      tpu.yield
    }) : () -> ()
    %broadcast_in_dim3A = arith.constant 0 : i32
    %broadcast_in_dim3A_3 = vector.broadcast %broadcast_in_dim3A : i32 to vector<16xi32>
    %scan3A = arith.constant 0 : i32
    %scan3A_4 = arith.constant 0 : i32
    %scan3A_5 = arith.constant 704 : i32
    %scan3A_6 = arith.addi %scan3A_4, %scan3A_5 : i32
    %scan3A_7 = arith.constant 1 : i32
    scf.for %scan3A_53 = %scan3A_4 to %scan3A_6 step %scan3A_7  : i32 {
      %mul3A_54 = arith.constant 16 : i32
      %mul3A_55 = arith.muli %scan3A_53, %mul3A_54 : i32
      %swap3A = arith.index_cast %mul3A_55 : i32 to index
      %swap3A_56 = tpu.vector_load %arg12[%swap3A] {strides = array<i32>} : memref<11264xi32, #tpu.memory_space<vmem>>, vector<16xi32>,
      tpu.vector_store %arg12[%swap3A], %broadcast_in_dim3A_3 {strides = array<i32>} : memref<11264xi32, #tpu.memory_space<vmem>>, vector<16xi32>,
    }
    %scan3A_8 = arith.constant 704 : i32
    %broadcast_in_dim3A_9 = arith.constant 0 : i32
    %broadcast_in_dim3A_10 = vector.broadcast %broadcast_in_dim3A_9 : i32 to vector<16xi32>
    %scan3A_11 = arith.constant 0 : i32
    %scan3A_12 = arith.constant 40 : i32
    %scan3A_13 = arith.addi %scan3A_11, %scan3A_12 : i32
    %scan3A_14 = arith.constant 1 : i32
    %scan3A_15 = scf.for %scan3A_53 = %scan3A_11 to %scan3A_13 step %scan3A_14 iter_args(%scan3A_54 = %broadcast_in_dim3A_10) -> (vector<16xi32>)  : i32 {
      %mul3A_55 = arith.constant 8000 : i32
      %mul3A_56 = arith.muli %scan3A_53, %mul3A_55 : i32
      %dma_start3A = tpu.memref_slice %arg3[%mul3A_56] : memref<320000xi32, #tpu.memory_space<hbm>> -> memref<8000xi32, #tpu.memory_space<hbm>>
      %dma_start3A_57 = tpu.memref_slice %arg3[%mul3A_56] : memref<320000xi32, #tpu.memory_space<hbm>> -> memref<8000xi32, #tpu.memory_space<hbm>>
      tpu.enqueue_dma source(%dma_start3A_57 : memref<8000xi32, #tpu.memory_space<hbm>>) target(%arg8 : memref<8000xi32, #tpu.memory_space<vmem>>) target_semaphore(%arg11 : memref<!tpu.dma_semaphore, #tpu.memory_space<semaphore_mem>>)
      %dma_start3A_58 = tpu.memref_slice %arg4[%mul3A_56] : memref<320000xi32, #tpu.memory_space<hbm>> -> memref<8000xi32, #tpu.memory_space<hbm>>
      %dma_start3A_59 = tpu.memref_slice %arg4[%mul3A_56] : memref<320000xi32, #tpu.memory_space<hbm>> -> memref<8000xi32, #tpu.memory_space<hbm>>
      tpu.enqueue_dma source(%dma_start3A_59 : memref<8000xi32, #tpu.memory_space<hbm>>) target(%arg9 : memref<8000xi32, #tpu.memory_space<vmem>>) target_semaphore(%arg11 : memref<!tpu.dma_semaphore, #tpu.memory_space<semaphore_mem>>)
      %dma_start3A_60 = tpu.memref_slice %arg5[%mul3A_56] : memref<320000xf32, #tpu.memory_space<hbm>> -> memref<8000xf32, #tpu.memory_space<hbm>>
      %dma_start3A_61 = tpu.memref_slice %arg5[%mul3A_56] : memref<320000xf32, #tpu.memory_space<hbm>> -> memref<8000xf32, #tpu.memory_space<hbm>>
      tpu.enqueue_dma source(%dma_start3A_61 : memref<8000xf32, #tpu.memory_space<hbm>>) target(%arg10 : memref<8000xf32, #tpu.memory_space<vmem>>) target_semaphore(%arg11 : memref<!tpu.dma_semaphore, #tpu.memory_space<semaphore_mem>>)
      %dma_wait3A = tpu.memref_slice %arg3[%mul3A_56] : memref<320000xi32, #tpu.memory_space<hbm>> -> memref<8000xi32, #tpu.memory_space<hbm>>
      %dma_wait3A_62 = tpu.memref_slice %arg3[%mul3A_56] : memref<320000xi32, #tpu.memory_space<hbm>> -> memref<8000xi32, #tpu.memory_space<hbm>>
      tpu.wait_dma2 semaphore(%arg11 : memref<!tpu.dma_semaphore, #tpu.memory_space<semaphore_mem>>) src(%dma_wait3A_62 : memref<8000xi32, #tpu.memory_space<hbm>>) dst(%arg8 : memref<8000xi32, #tpu.memory_space<vmem>>)
      %dma_wait3A_63 = tpu.memref_slice %arg4[%mul3A_56] : memref<320000xi32, #tpu.memory_space<hbm>> -> memref<8000xi32, #tpu.memory_space<hbm>>
      %dma_wait3A_64 = tpu.memref_slice %arg4[%mul3A_56] : memref<320000xi32, #tpu.memory_space<hbm>> -> memref<8000xi32, #tpu.memory_space<hbm>>
      tpu.wait_dma2 semaphore(%arg11 : memref<!tpu.dma_semaphore, #tpu.memory_space<semaphore_mem>>) src(%dma_wait3A_64 : memref<8000xi32, #tpu.memory_space<hbm>>) dst(%arg9 : memref<8000xi32, #tpu.memory_space<vmem>>)
      %dma_wait3A_65 = tpu.memref_slice %arg5[%mul3A_56] : memref<320000xf32, #tpu.memory_space<hbm>> -> memref<8000xf32, #tpu.memory_space<hbm>>
      %dma_wait3A_66 = tpu.memref_slice %arg5[%mul3A_56] : memref<320000xf32, #tpu.memory_space<hbm>> -> memref<8000xf32, #tpu.memory_space<hbm>>
      tpu.wait_dma2 semaphore(%arg11 : memref<!tpu.dma_semaphore, #tpu.memory_space<semaphore_mem>>) src(%dma_wait3A_66 : memref<8000xf32, #tpu.memory_space<hbm>>) dst(%arg10 : memref<8000xf32, #tpu.memory_space<vmem>>)
      %scan3A_67 = arith.constant 0 : i32
      %scan3A_68 = arith.constant 250 : i32
      %scan3A_69 = arith.addi %scan3A_67, %scan3A_68 : i32
      %scan3A_70 = arith.constant 1 : i32
      %scan3A_71 = scf.for %scan3A_73 = %scan3A_67 to %scan3A_69 step %scan3A_70 iter_args(%scan3A_74 = %scan3A_54) -> (vector<16xi32>)  : i32 {
        %mul3A_75 = arith.constant 32 : i32
        %mul3A_76 = arith.muli %scan3A_73, %mul3A_75 : i32
        %get3A = arith.index_cast %mul3A_76 : i32 to index
        %get3A_77 = tpu.vector_load %arg8[%get3A] {strides = array<i32>} : memref<8000xi32, #tpu.memory_space<vmem>>, vector<16xi32>,
        %mul3A_78 = arith.constant 32 : i32
        %mul3A_79 = arith.muli %scan3A_73, %mul3A_78 : i32
        %add3A_80 = arith.constant 16 : i32
        %add3A_81 = arith.addi %mul3A_79, %add3A_80 : i32
        %get3A_82 = arith.index_cast %add3A_81 : i32 to index
        %get3A_83 = tpu.vector_load %arg8[%get3A_82] {strides = array<i32>} : memref<8000xi32, #tpu.memory_space<vmem>>, vector<16xi32>,
        %ge3A = vector.broadcast %mul3A_2 : i32 to vector<16xi32>
        %ge3A_84 = arith.cmpi sge, %get3A_77, %ge3A : vector<16xi32>
        %add3A_85 = arith.constant 320 : i32
        %add3A_86 = arith.addi %mul3A_2, %add3A_85 : i32
        %lt3A = vector.broadcast %add3A_86 : i32 to vector<16xi32>
        %lt3A_87 = arith.cmpi slt, %get3A_77, %lt3A : vector<16xi32>
        %and3A_88 = arith.andi %ge3A_84, %lt3A_87 : vector<16xi1>
        %ge3A_89 = vector.broadcast %mul3A_2 : i32 to vector<16xi32>
        %ge3A_90 = arith.cmpi sge, %get3A_83, %ge3A_89 : vector<16xi32>
        %add3A_91 = arith.constant 320 : i32
        %add3A_92 = arith.addi %mul3A_2, %add3A_91 : i32
        %lt3A_93 = vector.broadcast %add3A_92 : i32 to vector<16xi32>
        %lt3A_94 = arith.cmpi slt, %get3A_83, %lt3A_93 : vector<16xi32>
        %and3A_95 = arith.andi %ge3A_90, %lt3A_94 : vector<16xi1>
        %convert_element_type3A = arith.extui %and3A_88 : vector<16xi1> to vector<16xi32>
        %cumsum3A = arith.constant true
        %cumsum3A_96 = vector.broadcast %cumsum3A : i1 to vector<16xi1>
        %cumsum3A_97 = tpu.scan <sum>, %convert_element_type3A masked %cumsum3A_96 : vector<16xi32>, vector<16xi1> -> vector<16xi32>
        %convert_element_type3A_98 = arith.extui %and3A_95 : vector<16xi1> to vector<16xi32>
        %cumsum3A_99 = arith.constant true
        %cumsum3A_100 = vector.broadcast %cumsum3A_99 : i1 to vector<16xi1>
        %cumsum3A_101 = tpu.scan <sum>, %convert_element_type3A_98 masked %cumsum3A_100 : vector<16xi32>, vector<16xi1> -> vector<16xi32>
        %mul3A_102 = arith.constant 32 : i32
        %mul3A_103 = arith.muli %scan3A_73, %mul3A_102 : i32
        %get3A_104 = arith.index_cast %mul3A_103 : i32 to index
        %get3A_105 = tpu.vector_load %arg9[%get3A_104] {strides = array<i32>} : memref<8000xi32, #tpu.memory_space<vmem>>, vector<16xi32>,
        %mul3A_106 = arith.constant 32 : i32
        %mul3A_107 = arith.muli %scan3A_73, %mul3A_106 : i32
        %add3A_108 = arith.constant 16 : i32
        %add3A_109 = arith.addi %mul3A_107, %add3A_108 : i32
        %get3A_110 = arith.index_cast %add3A_109 : i32 to index
        %get3A_111 = tpu.vector_load %arg9[%get3A_110] {strides = array<i32>} : memref<8000xi32, #tpu.memory_space<vmem>>, vector<16xi32>,
        %mul3A_112 = arith.constant 32 : i32
        %mul3A_113 = arith.muli %scan3A_73, %mul3A_112 : i32
        %get3A_114 = arith.index_cast %mul3A_113 : i32 to index
        %get3A_115 = tpu.vector_load %arg10[%get3A_114] {strides = array<i32>} : memref<8000xf32, #tpu.memory_space<vmem>>, vector<16xf32>,
        %mul3A_116 = arith.constant 32 : i32
        %mul3A_117 = arith.muli %scan3A_73, %mul3A_116 : i32
        %add3A_118 = arith.constant 16 : i32
        %add3A_119 = arith.addi %mul3A_117, %add3A_118 : i32
        %get3A_120 = arith.index_cast %add3A_119 : i32 to index
        %get3A_121 = tpu.vector_load %arg10[%get3A_120] {strides = array<i32>} : memref<8000xf32, #tpu.memory_space<vmem>>, vector<16xf32>,
        %broadcast_in_dim3A_122 = arith.constant 15 : i32
        %broadcast_in_dim3A_123 = vector.broadcast %broadcast_in_dim3A_122 : i32 to vector<16x1xi32>
        %gather3A = vector.shape_cast %broadcast_in_dim3A_123 : vector<16x1xi32> to vector<16xi32>
        %gather3A_124 = tpu.dynamic_gather %cumsum3A_97[%gather3A] in [0] : vector<16xi32>, vector<16xi32> -> vector<16xi32>
        %add3A_125 = arith.addi %scan3A_74, %gather3A_124 : vector<16xi32>
        %add3A_126 = arith.addi %scan3A_74, %cumsum3A_97 : vector<16xi32>
        %sub3A_127 = arith.constant 1 : i32
        %sub3A_128 = vector.broadcast %sub3A_127 : i32 to vector<16xi32>
        %sub3A_129 = arith.subi %add3A_126, %sub3A_128 : vector<16xi32>
        %add3A_130 = arith.addi %add3A_125, %cumsum3A_101 : vector<16xi32>
        %sub3A_131 = arith.constant 1 : i32
        %sub3A_132 = vector.broadcast %sub3A_131 : i32 to vector<16xi32>
        %sub3A_133 = arith.subi %add3A_130, %sub3A_132 : vector<16xi32>
        %lt3A_134 = arith.constant 11264 : i32
        %lt3A_135 = vector.broadcast %lt3A_134 : i32 to vector<16xi32>
        %lt3A_136 = arith.cmpi slt, %sub3A_129, %lt3A_135 : vector<16xi32>
        %and3A_137 = arith.andi %and3A_88, %lt3A_136 : vector<16xi1>
        %lt3A_138 = arith.constant 11264 : i32
        %lt3A_139 = vector.broadcast %lt3A_138 : i32 to vector<16xi32>
        %lt3A_140 = arith.cmpi slt, %sub3A_133, %lt3A_139 : vector<16xi32>
        %and3A_141 = arith.andi %and3A_95, %lt3A_140 : vector<16xi1>
        tpu.vector_store_idx %arg13[%sub3A_129], %get3A_77 masked %and3A_137 : memref<11264xi32, #tpu.memory_space<vmem>>[vector<16xi32>], vector<16xi32>, vector<16xi1>
        tpu.vector_store_idx %arg12[%sub3A_129], %get3A_105 masked %and3A_137 : memref<11264xi32, #tpu.memory_space<vmem>>[vector<16xi32>], vector<16xi32>, vector<16xi1>
        tpu.vector_store_idx %arg14[%sub3A_129], %get3A_115 masked %and3A_137 : memref<11264xf32, #tpu.memory_space<vmem>>[vector<16xi32>], vector<16xf32>, vector<16xi1>
        tpu.vector_store_idx %arg13[%sub3A_133], %get3A_83 masked %and3A_141 : memref<11264xi32, #tpu.memory_space<vmem>>[vector<16xi32>], vector<16xi32>, vector<16xi1>
        tpu.vector_store_idx %arg12[%sub3A_133], %get3A_111 masked %and3A_141 : memref<11264xi32, #tpu.memory_space<vmem>>[vector<16xi32>], vector<16xi32>, vector<16xi1>
        tpu.vector_store_idx %arg14[%sub3A_133], %get3A_121 masked %and3A_141 : memref<11264xf32, #tpu.memory_space<vmem>>[vector<16xi32>], vector<16xf32>, vector<16xi1>
        %broadcast_in_dim3A_142 = arith.constant 15 : i32
        %broadcast_in_dim3A_143 = vector.broadcast %broadcast_in_dim3A_142 : i32 to vector<16x1xi32>
        %gather3A_144 = vector.shape_cast %broadcast_in_dim3A_143 : vector<16x1xi32> to vector<16xi32>
        %gather3A_145 = tpu.dynamic_gather %cumsum3A_101[%gather3A_144] in [0] : vector<16xi32>, vector<16xi32> -> vector<16xi32>
        %add3A_146 = arith.addi %add3A_125, %gather3A_145 : vector<16xi32>
        scf.yield %add3A_146 : vector<16xi32>
      }
      %scan3A_72 = arith.constant 250 : i32
      scf.yield %scan3A_71 : vector<16xi32>
    }
    %scan3A_16 = arith.constant 40 : i32
    %barrier3A = arith.constant 0 : index
    tpu.barrier barrier_id(%barrier3A)
    %reduce_max3A = arith.constant true
    %reduce_max3A_17 = vector.broadcast %reduce_max3A : i1 to vector<16xi1>
    %reduce_max3A_18 = arith.constant -2147483648 : i32
    %reduce_max3A_19 = vector.broadcast %reduce_max3A_18 : i32 to vector<16xi32>
    %reduce_max3A_20 = arith.xori %scan3A_15, %reduce_max3A_19 : vector<16xi32>
    %reduce_max3A_21 = tpu.scan <max>, %reduce_max3A_20 masked %reduce_max3A_17 : vector<16xi32>, vector<16xi1> -> vector<16xi32>
    %reduce_max3A_22 = arith.xori %reduce_max3A_21, %reduce_max3A_19 : vector<16xi32>
    %reduce_max3A_23 = vector.extract %reduce_max3A_22[15] : i32 from vector<16xi32>
    %add3A_24 = arith.constant 128 : i32
    %add3A_25 = arith.addi %reduce_max3A_23, %add3A_24 : i32
    %sub3A = arith.constant 1 : i32
    %sub3A_26 = arith.subi %add3A_25, %sub3A : i32
    %jit3A = arith.constant 128 : i32
    %div3A = arith.divsi %sub3A_26, %jit3A : i32
    %sign3A = arith.constant 0 : i32
    %sign3A_27 = arith.cmpi sgt, %sub3A_26, %sign3A : i32
    %sign3A_28 = arith.extui %sign3A_27 : i1 to i32
    %sign3A_29 = arith.constant 0 : i32
    %sign3A_30 = arith.cmpi slt, %sub3A_26, %sign3A_29 : i32
    %sign3A_31 = arith.extui %sign3A_30 : i1 to i32
    %sign3A_32 = arith.subi %sign3A_28, %sign3A_31 : i32
    %sign3A_33 = arith.constant 0 : i32
    %sign3A_34 = arith.cmpi sgt, %jit3A, %sign3A_33 : i32
    %sign3A_35 = arith.extui %sign3A_34 : i1 to i32
    %sign3A_36 = arith.constant 0 : i32
    %sign3A_37 = arith.cmpi slt, %jit3A, %sign3A_36 : i32
    %sign3A_38 = arith.extui %sign3A_37 : i1 to i32
    %sign3A_39 = arith.subi %sign3A_35, %sign3A_38 : i32
    %ne3A = arith.cmpi ne, %sign3A_32, %sign3A_39 : i32
    %rem3A = arith.remsi %sub3A_26, %jit3A : i32
    %ne3A_40 = arith.constant 0 : i32
    %ne3A_41 = arith.cmpi ne, %rem3A, %ne3A_40 : i32
    %and3A = arith.andi %ne3A, %ne3A_41 : i1
    %sub3A_42 = arith.constant 1 : i32
    %sub3A_43 = arith.subi %div3A, %sub3A_42 : i32
    %select_n3A = arith.select %and3A, %sub3A_43, %div3A : i32
    %while3A = arith.constant 0 : i32
    %while3A_44 = arith.constant 0 : i32
    %while3A_45 = arith.subi %select_n3A, %while3A_44 : i32
    %while3A_46 = arith.addi %while3A_44, %while3A_45 : i32
    %while3A_47 = arith.constant 1 : i32
    %while3A_48 = arith.divsi %while3A_45, %while3A_47 : i32
    %while3A_49 = arith.muli %while3A_48, %while3A_47 : i32
    %while3A_50 = arith.addi %while3A_44, %while3A_49 : i32
    %while3A_51 = arith.constant 1 : i32
    scf.for %while3A_53 = %while3A_44 to %while3A_50 step %while3A_51  : i32 {
      %mul3A_54 = arith.constant 128 : i32
      %mul3A_55 = arith.muli %while3A_53, %mul3A_54 : i32
      %dma_start3A = tpu.memref_slice %arg12[%mul3A_55] : memref<11264xi32, #tpu.memory_space<vmem>> -> memref<128xi32, #tpu.memory_space<vmem>>
      %dma_start3A_56 = arith.constant 0 : i32
      %dma_start3A_57 = arith.constant 0 : i32
      %dma_start3A_58 = tpu.memref_slice %arg2[%dma_start3A_56, %dma_start3A_57] : memref<10000x128xf32, #tpu.memory_space<hbm>> -> memref<10000x128xf32, #tpu.memory_space<hbm>>
      tpu.enqueue_indirect_dma source(%dma_start3A_58 : memref<10000x128xf32, #tpu.memory_space<hbm>>) target(%arg15 : memref<128x128xf32, #tpu.memory_space<vmem>>) offsets(%dma_start3A : memref<128xi32, #tpu.memory_space<vmem>>) semaphore(%arg17 : memref<!tpu.dma_semaphore, #tpu.memory_space<semaphore_mem>>)
      %dma_wait3A = tpu.memref_slice %arg12[%mul3A_55] : memref<11264xi32, #tpu.memory_space<vmem>> -> memref<128xi32, #tpu.memory_space<vmem>>
      %dma_wait3A_59 = arith.constant 0 : i32
      %dma_wait3A_60 = arith.constant 0 : i32
      %dma_wait3A_61 = tpu.memref_slice %arg2[%dma_wait3A_59, %dma_wait3A_60] : memref<10000x128xf32, #tpu.memory_space<hbm>> -> memref<10000x128xf32, #tpu.memory_space<hbm>>
      tpu.wait_indirect_dma semaphore(%arg17 : memref<!tpu.dma_semaphore, #tpu.memory_space<semaphore_mem>>) src(%dma_wait3A_61 : memref<10000x128xf32, #tpu.memory_space<hbm>>) dst(%arg15 : memref<128x128xf32, #tpu.memory_space<vmem>>)
      %mul3A_62 = arith.constant 128 : i32
      %mul3A_63 = arith.muli %while3A_53, %mul3A_62 : i32
      %add3A_64 = arith.constant 1 : i32
      %add3A_65 = arith.addi %while3A_53, %add3A_64 : i32
      %mul3A_66 = arith.constant 128 : i32
      %mul3A_67 = arith.muli %add3A_65, %mul3A_66 : i32
      %min3A = arith.minsi %reduce_max3A_23, %mul3A_67 : i32
      %while3A_68 = arith.constant 0 : i32
      %while3A_69 = arith.subi %min3A, %mul3A_63 : i32
      %while3A_70 = arith.addi %mul3A_63, %while3A_69 : i32
      %while3A_71 = arith.constant 1 : i32
      %while3A_72 = arith.divsi %while3A_69, %while3A_71 : i32
      %while3A_73 = arith.muli %while3A_72, %while3A_71 : i32
      %while3A_74 = arith.addi %mul3A_63, %while3A_73 : i32
      %while3A_75 = arith.constant 1 : i32
      scf.for %while3A_77 = %mul3A_63 to %while3A_74 step %while3A_75  : i32 {
        %broadcast_in_dim3A_78 = vector.broadcast %while3A_77 : i32 to vector<16xi32>
        %gather3A = tpu.vector_load_idx %arg13[%broadcast_in_dim3A_78] : memref<11264xi32, #tpu.memory_space<vmem>>[vector<16xi32>], vector<16xi32>,
        %sub3A_79 = vector.broadcast %mul3A_2 : i32 to vector<16xi32>
        %sub3A_80 = arith.subi %gather3A, %sub3A_79 : vector<16xi32>
        %mul3A_81 = arith.constant 128 : i32
        %mul3A_82 = arith.muli %while3A_53, %mul3A_81 : i32
        %sub3A_83 = vector.broadcast %mul3A_82 : i32 to vector<16xi32>
        %sub3A_84 = arith.subi %broadcast_in_dim3A_78, %sub3A_83 : vector<16xi32>
        %add3A_85 = arith.constant 0 : i32
        %add3A_86 = vector.broadcast %add3A_85 : i32 to vector<16xi32>
        %add3A_87 = arith.addi %iota3A, %add3A_86 : vector<16xi32>
        %gather3A_88 = tpu.vector_load_idx %arg15[%sub3A_84, %add3A_87] : memref<128x128xf32, #tpu.memory_space<vmem>>[vector<16xi32>, vector<16xi32>], vector<16xf32>,
        %add3A_89 = arith.constant 0 : i32
        %add3A_90 = vector.broadcast %add3A_89 : i32 to vector<16xi32>
        %add3A_91 = arith.addi %iota3A, %add3A_90 : vector<16xi32>
        %gather3A_92 = tpu.vector_load_idx %arg16[%sub3A_80, %add3A_91] : memref<320x128xf32, #tpu.memory_space<vmem>>[vector<16xi32>, vector<16xi32>], vector<16xf32>,
        %add3A_93 = arith.constant 0 : i32
        %add3A_94 = vector.broadcast %add3A_93 : i32 to vector<16xi32>
        %add3A_95 = arith.addi %iota3A, %add3A_94 : vector<16xi32>
        %max3A = arith.maximumf %gather3A_92, %gather3A_88 : vector<16xf32>
        tpu.vector_store_idx %arg16[%sub3A_80, %add3A_95], %max3A : memref<320x128xf32, #tpu.memory_space<vmem>>[vector<16xi32>, vector<16xi32>], vector<16xf32>,
        %add3A_96 = arith.constant 16 : i32
        %add3A_97 = vector.broadcast %add3A_96 : i32 to vector<16xi32>
        %add3A_98 = arith.addi %iota3A, %add3A_97 : vector<16xi32>
        %gather3A_99 = tpu.vector_load_idx %arg15[%sub3A_84, %add3A_98] : memref<128x128xf32, #tpu.memory_space<vmem>>[vector<16xi32>, vector<16xi32>], vector<16xf32>,
        %add3A_100 = arith.constant 16 : i32
        %add3A_101 = vector.broadcast %add3A_100 : i32 to vector<16xi32>
        %add3A_102 = arith.addi %iota3A, %add3A_101 : vector<16xi32>
        %gather3A_103 = tpu.vector_load_idx %arg16[%sub3A_80, %add3A_102] : memref<320x128xf32, #tpu.memory_space<vmem>>[vector<16xi32>, vector<16xi32>], vector<16xf32>,
        %add3A_104 = arith.constant 16 : i32
        %add3A_105 = vector.broadcast %add3A_104 : i32 to vector<16xi32>
        %add3A_106 = arith.addi %iota3A, %add3A_105 : vector<16xi32>
        %max3A_107 = arith.maximumf %gather3A_103, %gather3A_99 : vector<16xf32>
        tpu.vector_store_idx %arg16[%sub3A_80, %add3A_106], %max3A_107 : memref<320x128xf32, #tpu.memory_space<vmem>>[vector<16xi32>, vector<16xi32>], vector<16xf32>,
        %add3A_108 = arith.constant 32 : i32
        %add3A_109 = vector.broadcast %add3A_108 : i32 to vector<16xi32>
        %add3A_110 = arith.addi %iota3A, %add3A_109 : vector<16xi32>
        %gather3A_111 = tpu.vector_load_idx %arg15[%sub3A_84, %add3A_110] : memref<128x128xf32, #tpu.memory_space<vmem>>[vector<16xi32>, vector<16xi32>], vector<16xf32>,
        %add3A_112 = arith.constant 32 : i32
        %add3A_113 = vector.broadcast %add3A_112 : i32 to vector<16xi32>
        %add3A_114 = arith.addi %iota3A, %add3A_113 : vector<16xi32>
        %gather3A_115 = tpu.vector_load_idx %arg16[%sub3A_80, %add3A_114] : memref<320x128xf32, #tpu.memory_space<vmem>>[vector<16xi32>, vector<16xi32>], vector<16xf32>,
        %add3A_116 = arith.constant 32 : i32
        %add3A_117 = vector.broadcast %add3A_116 : i32 to vector<16xi32>
        %add3A_118 = arith.addi %iota3A, %add3A_117 : vector<16xi32>
        %max3A_119 = arith.maximumf %gather3A_115, %gather3A_111 : vector<16xf32>
        tpu.vector_store_idx %arg16[%sub3A_80, %add3A_118], %max3A_119 : memref<320x128xf32, #tpu.memory_space<vmem>>[vector<16xi32>, vector<16xi32>], vector<16xf32>,
        %add3A_120 = arith.constant 48 : i32
        %add3A_121 = vector.broadcast %add3A_120 : i32 to vector<16xi32>
        %add3A_122 = arith.addi %iota3A, %add3A_121 : vector<16xi32>
        %gather3A_123 = tpu.vector_load_idx %arg15[%sub3A_84, %add3A_122] : memref<128x128xf32, #tpu.memory_space<vmem>>[vector<16xi32>, vector<16xi32>], vector<16xf32>,
        %add3A_124 = arith.constant 48 : i32
        %add3A_125 = vector.broadcast %add3A_124 : i32 to vector<16xi32>
        %add3A_126 = arith.addi %iota3A, %add3A_125 : vector<16xi32>
        %gather3A_127 = tpu.vector_load_idx %arg16[%sub3A_80, %add3A_126] : memref<320x128xf32, #tpu.memory_space<vmem>>[vector<16xi32>, vector<16xi32>], vector<16xf32>,
        %add3A_128 = arith.constant 48 : i32
        %add3A_129 = vector.broadcast %add3A_128 : i32 to vector<16xi32>
        %add3A_130 = arith.addi %iota3A, %add3A_129 : vector<16xi32>
        %max3A_131 = arith.maximumf %gather3A_127, %gather3A_123 : vector<16xf32>
        tpu.vector_store_idx %arg16[%sub3A_80, %add3A_130], %max3A_131 : memref<320x128xf32, #tpu.memory_space<vmem>>[vector<16xi32>, vector<16xi32>], vector<16xf32>,
        %gather3A_132 = tpu.vector_load_idx %arg14[%broadcast_in_dim3A_78] : memref<11264xf32, #tpu.memory_space<vmem>>[vector<16xi32>], vector<16xf32>,
        %add3A_133 = arith.constant 64 : i32
        %add3A_134 = vector.broadcast %add3A_133 : i32 to vector<16xi32>
        %add3A_135 = arith.addi %iota3A, %add3A_134 : vector<16xi32>
        %gather3A_136 = tpu.vector_load_idx %arg15[%sub3A_84, %add3A_135] : memref<128x128xf32, #tpu.memory_space<vmem>>[vector<16xi32>, vector<16xi32>], vector<16xf32>,
        %eq3A = arith.constant 0 : i32
        %eq3A_137 = vector.broadcast %eq3A : i32 to vector<16xi32>
        %eq3A_138 = arith.cmpi eq, %iota3A, %eq3A_137 : vector<16xi32>
        %mul3A_139 = arith.mulf %gather3A_132, %gather3A_136 : vector<16xf32>
        %eq3A_140 = arith.constant 1 : i32
        %eq3A_141 = vector.broadcast %eq3A_140 : i32 to vector<16xi32>
        %eq3A_142 = arith.cmpi eq, %iota3A, %eq3A_141 : vector<16xi32>
        %jit3A_143 = arith.constant 1.000000e+00 : f32
        %jit3A_144 = arith.constant 0.000000e+00 : f32
        %broadcast_in_dim3A_145 = vector.broadcast %jit3A_143 : f32 to vector<16xf32>
        %broadcast_in_dim3A_146 = vector.broadcast %jit3A_144 : f32 to vector<16xf32>
        %select_n3A_147 = arith.select %eq3A_142, %broadcast_in_dim3A_145, %broadcast_in_dim3A_146 : vector<16xi1>, vector<16xf32>
        %select_n3A_148 = arith.select %eq3A_138, %mul3A_139, %select_n3A_147 : vector<16xi1>, vector<16xf32>
        %add3A_149 = arith.constant 64 : i32
        %add3A_150 = vector.broadcast %add3A_149 : i32 to vector<16xi32>
        %add3A_151 = arith.addi %iota3A, %add3A_150 : vector<16xi32>
        %gather3A_152 = tpu.vector_load_idx %arg16[%sub3A_80, %add3A_151] : memref<320x128xf32, #tpu.memory_space<vmem>>[vector<16xi32>, vector<16xi32>], vector<16xf32>,
        %add3A_153 = arith.constant 64 : i32
        %add3A_154 = vector.broadcast %add3A_153 : i32 to vector<16xi32>
        %add3A_155 = arith.addi %iota3A, %add3A_154 : vector<16xi32>
        %add3A_156 = arith.addf %gather3A_152, %select_n3A_148 : vector<16xf32>
        tpu.vector_store_idx %arg16[%sub3A_80, %add3A_155], %add3A_156 : memref<320x128xf32, #tpu.memory_space<vmem>>[vector<16xi32>, vector<16xi32>], vector<16xf32>,
      }
      %while3A_76 = arith.constant 1 : i32
      scf.for %while3A_77 = %while3A_74 to %while3A_70 step %while3A_76  : i32 {
        %broadcast_in_dim3A_78 = vector.broadcast %while3A_77 : i32 to vector<16xi32>
        %gather3A = tpu.vector_load_idx %arg13[%broadcast_in_dim3A_78] : memref<11264xi32, #tpu.memory_space<vmem>>[vector<16xi32>], vector<16xi32>,
        %sub3A_79 = vector.broadcast %mul3A_2 : i32 to vector<16xi32>
        %sub3A_80 = arith.subi %gather3A, %sub3A_79 : vector<16xi32>
        %mul3A_81 = arith.constant 128 : i32
        %mul3A_82 = arith.muli %while3A_53, %mul3A_81 : i32
        %sub3A_83 = vector.broadcast %mul3A_82 : i32 to vector<16xi32>
        %sub3A_84 = arith.subi %broadcast_in_dim3A_78, %sub3A_83 : vector<16xi32>
        %add3A_85 = arith.constant 0 : i32
        %add3A_86 = vector.broadcast %add3A_85 : i32 to vector<16xi32>
        %add3A_87 = arith.addi %iota3A, %add3A_86 : vector<16xi32>
        %gather3A_88 = tpu.vector_load_idx %arg15[%sub3A_84, %add3A_87] : memref<128x128xf32, #tpu.memory_space<vmem>>[vector<16xi32>, vector<16xi32>], vector<16xf32>,
        %add3A_89 = arith.constant 0 : i32
        %add3A_90 = vector.broadcast %add3A_89 : i32 to vector<16xi32>
        %add3A_91 = arith.addi %iota3A, %add3A_90 : vector<16xi32>
        %gather3A_92 = tpu.vector_load_idx %arg16[%sub3A_80, %add3A_91] : memref<320x128xf32, #tpu.memory_space<vmem>>[vector<16xi32>, vector<16xi32>], vector<16xf32>,
        %add3A_93 = arith.constant 0 : i32
        %add3A_94 = vector.broadcast %add3A_93 : i32 to vector<16xi32>
        %add3A_95 = arith.addi %iota3A, %add3A_94 : vector<16xi32>
        %max3A = arith.maximumf %gather3A_92, %gather3A_88 : vector<16xf32>
        tpu.vector_store_idx %arg16[%sub3A_80, %add3A_95], %max3A : memref<320x128xf32, #tpu.memory_space<vmem>>[vector<16xi32>, vector<16xi32>], vector<16xf32>,
        %add3A_96 = arith.constant 16 : i32
        %add3A_97 = vector.broadcast %add3A_96 : i32 to vector<16xi32>
        %add3A_98 = arith.addi %iota3A, %add3A_97 : vector<16xi32>
        %gather3A_99 = tpu.vector_load_idx %arg15[%sub3A_84, %add3A_98] : memref<128x128xf32, #tpu.memory_space<vmem>>[vector<16xi32>, vector<16xi32>], vector<16xf32>,
        %add3A_100 = arith.constant 16 : i32
        %add3A_101 = vector.broadcast %add3A_100 : i32 to vector<16xi32>
        %add3A_102 = arith.addi %iota3A, %add3A_101 : vector<16xi32>
        %gather3A_103 = tpu.vector_load_idx %arg16[%sub3A_80, %add3A_102] : memref<320x128xf32, #tpu.memory_space<vmem>>[vector<16xi32>, vector<16xi32>], vector<16xf32>,
        %add3A_104 = arith.constant 16 : i32
        %add3A_105 = vector.broadcast %add3A_104 : i32 to vector<16xi32>
        %add3A_106 = arith.addi %iota3A, %add3A_105 : vector<16xi32>
        %max3A_107 = arith.maximumf %gather3A_103, %gather3A_99 : vector<16xf32>
        tpu.vector_store_idx %arg16[%sub3A_80, %add3A_106], %max3A_107 : memref<320x128xf32, #tpu.memory_space<vmem>>[vector<16xi32>, vector<16xi32>], vector<16xf32>,
        %add3A_108 = arith.constant 32 : i32
        %add3A_109 = vector.broadcast %add3A_108 : i32 to vector<16xi32>
        %add3A_110 = arith.addi %iota3A, %add3A_109 : vector<16xi32>
        %gather3A_111 = tpu.vector_load_idx %arg15[%sub3A_84, %add3A_110] : memref<128x128xf32, #tpu.memory_space<vmem>>[vector<16xi32>, vector<16xi32>], vector<16xf32>,
        %add3A_112 = arith.constant 32 : i32
        %add3A_113 = vector.broadcast %add3A_112 : i32 to vector<16xi32>
        %add3A_114 = arith.addi %iota3A, %add3A_113 : vector<16xi32>
        %gather3A_115 = tpu.vector_load_idx %arg16[%sub3A_80, %add3A_114] : memref<320x128xf32, #tpu.memory_space<vmem>>[vector<16xi32>, vector<16xi32>], vector<16xf32>,
        %add3A_116 = arith.constant 32 : i32
        %add3A_117 = vector.broadcast %add3A_116 : i32 to vector<16xi32>
        %add3A_118 = arith.addi %iota3A, %add3A_117 : vector<16xi32>
        %max3A_119 = arith.maximumf %gather3A_115, %gather3A_111 : vector<16xf32>
        tpu.vector_store_idx %arg16[%sub3A_80, %add3A_118], %max3A_119 : memref<320x128xf32, #tpu.memory_space<vmem>>[vector<16xi32>, vector<16xi32>], vector<16xf32>,
        %add3A_120 = arith.constant 48 : i32
        %add3A_121 = vector.broadcast %add3A_120 : i32 to vector<16xi32>
        %add3A_122 = arith.addi %iota3A, %add3A_121 : vector<16xi32>
        %gather3A_123 = tpu.vector_load_idx %arg15[%sub3A_84, %add3A_122] : memref<128x128xf32, #tpu.memory_space<vmem>>[vector<16xi32>, vector<16xi32>], vector<16xf32>,
        %add3A_124 = arith.constant 48 : i32
        %add3A_125 = vector.broadcast %add3A_124 : i32 to vector<16xi32>
        %add3A_126 = arith.addi %iota3A, %add3A_125 : vector<16xi32>
        %gather3A_127 = tpu.vector_load_idx %arg16[%sub3A_80, %add3A_126] : memref<320x128xf32, #tpu.memory_space<vmem>>[vector<16xi32>, vector<16xi32>], vector<16xf32>,
        %add3A_128 = arith.constant 48 : i32
        %add3A_129 = vector.broadcast %add3A_128 : i32 to vector<16xi32>
        %add3A_130 = arith.addi %iota3A, %add3A_129 : vector<16xi32>
        %max3A_131 = arith.maximumf %gather3A_127, %gather3A_123 : vector<16xf32>
        tpu.vector_store_idx %arg16[%sub3A_80, %add3A_130], %max3A_131 : memref<320x128xf32, #tpu.memory_space<vmem>>[vector<16xi32>, vector<16xi32>], vector<16xf32>,
        %gather3A_132 = tpu.vector_load_idx %arg14[%broadcast_in_dim3A_78] : memref<11264xf32, #tpu.memory_space<vmem>>[vector<16xi32>], vector<16xf32>,
        %add3A_133 = arith.constant 64 : i32
        %add3A_134 = vector.broadcast %add3A_133 : i32 to vector<16xi32>
        %add3A_135 = arith.addi %iota3A, %add3A_134 : vector<16xi32>
        %gather3A_136 = tpu.vector_load_idx %arg15[%sub3A_84, %add3A_135] : memref<128x128xf32, #tpu.memory_space<vmem>>[vector<16xi32>, vector<16xi32>], vector<16xf32>,
        %eq3A = arith.constant 0 : i32
        %eq3A_137 = vector.broadcast %eq3A : i32 to vector<16xi32>
        %eq3A_138 = arith.cmpi eq, %iota3A, %eq3A_137 : vector<16xi32>
        %mul3A_139 = arith.mulf %gather3A_132, %gather3A_136 : vector<16xf32>
        %eq3A_140 = arith.constant 1 : i32
        %eq3A_141 = vector.broadcast %eq3A_140 : i32 to vector<16xi32>
        %eq3A_142 = arith.cmpi eq, %iota3A, %eq3A_141 : vector<16xi32>
        %jit3A_143 = arith.constant 1.000000e+00 : f32
        %jit3A_144 = arith.constant 0.000000e+00 : f32
        %broadcast_in_dim3A_145 = vector.broadcast %jit3A_143 : f32 to vector<16xf32>
        %broadcast_in_dim3A_146 = vector.broadcast %jit3A_144 : f32 to vector<16xf32>
        %select_n3A_147 = arith.select %eq3A_142, %broadcast_in_dim3A_145, %broadcast_in_dim3A_146 : vector<16xi1>, vector<16xf32>
        %select_n3A_148 = arith.select %eq3A_138, %mul3A_139, %select_n3A_147 : vector<16xi1>, vector<16xf32>
        %add3A_149 = arith.constant 64 : i32
        %add3A_150 = vector.broadcast %add3A_149 : i32 to vector<16xi32>
        %add3A_151 = arith.addi %iota3A, %add3A_150 : vector<16xi32>
        %gather3A_152 = tpu.vector_load_idx %arg16[%sub3A_80, %add3A_151] : memref<320x128xf32, #tpu.memory_space<vmem>>[vector<16xi32>, vector<16xi32>], vector<16xf32>,
        %add3A_153 = arith.constant 64 : i32
        %add3A_154 = vector.broadcast %add3A_153 : i32 to vector<16xi32>
        %add3A_155 = arith.addi %iota3A, %add3A_154 : vector<16xi32>
        %add3A_156 = arith.addf %gather3A_152, %select_n3A_148 : vector<16xf32>
        tpu.vector_store_idx %arg16[%sub3A_80, %add3A_155], %add3A_156 : memref<320x128xf32, #tpu.memory_space<vmem>>[vector<16xi32>, vector<16xi32>], vector<16xf32>,
      }
    }
    %while3A_52 = arith.constant 1 : i32
    scf.for %while3A_53 = %while3A_50 to %while3A_46 step %while3A_52  : i32 {
      %mul3A_54 = arith.constant 128 : i32
      %mul3A_55 = arith.muli %while3A_53, %mul3A_54 : i32
      %dma_start3A = tpu.memref_slice %arg12[%mul3A_55] : memref<11264xi32, #tpu.memory_space<vmem>> -> memref<128xi32, #tpu.memory_space<vmem>>
      %dma_start3A_56 = arith.constant 0 : i32
      %dma_start3A_57 = arith.constant 0 : i32
      %dma_start3A_58 = tpu.memref_slice %arg2[%dma_start3A_56, %dma_start3A_57] : memref<10000x128xf32, #tpu.memory_space<hbm>> -> memref<10000x128xf32, #tpu.memory_space<hbm>>
      tpu.enqueue_indirect_dma source(%dma_start3A_58 : memref<10000x128xf32, #tpu.memory_space<hbm>>) target(%arg15 : memref<128x128xf32, #tpu.memory_space<vmem>>) offsets(%dma_start3A : memref<128xi32, #tpu.memory_space<vmem>>) semaphore(%arg17 : memref<!tpu.dma_semaphore, #tpu.memory_space<semaphore_mem>>)
      %dma_wait3A = tpu.memref_slice %arg12[%mul3A_55] : memref<11264xi32, #tpu.memory_space<vmem>> -> memref<128xi32, #tpu.memory_space<vmem>>
      %dma_wait3A_59 = arith.constant 0 : i32
      %dma_wait3A_60 = arith.constant 0 : i32
      %dma_wait3A_61 = tpu.memref_slice %arg2[%dma_wait3A_59, %dma_wait3A_60] : memref<10000x128xf32, #tpu.memory_space<hbm>> -> memref<10000x128xf32, #tpu.memory_space<hbm>>
      tpu.wait_indirect_dma semaphore(%arg17 : memref<!tpu.dma_semaphore, #tpu.memory_space<semaphore_mem>>) src(%dma_wait3A_61 : memref<10000x128xf32, #tpu.memory_space<hbm>>) dst(%arg15 : memref<128x128xf32, #tpu.memory_space<vmem>>)
      %mul3A_62 = arith.constant 128 : i32
      %mul3A_63 = arith.muli %while3A_53, %mul3A_62 : i32
      %add3A_64 = arith.constant 1 : i32
      %add3A_65 = arith.addi %while3A_53, %add3A_64 : i32
      %mul3A_66 = arith.constant 128 : i32
      %mul3A_67 = arith.muli %add3A_65, %mul3A_66 : i32
      %min3A = arith.minsi %reduce_max3A_23, %mul3A_67 : i32
      %while3A_68 = arith.constant 0 : i32
      %while3A_69 = arith.subi %min3A, %mul3A_63 : i32
      %while3A_70 = arith.addi %mul3A_63, %while3A_69 : i32
      %while3A_71 = arith.constant 1 : i32
      %while3A_72 = arith.divsi %while3A_69, %while3A_71 : i32
      %while3A_73 = arith.muli %while3A_72, %while3A_71 : i32
      %while3A_74 = arith.addi %mul3A_63, %while3A_73 : i32
      %while3A_75 = arith.constant 1 : i32
      scf.for %while3A_77 = %mul3A_63 to %while3A_74 step %while3A_75  : i32 {
        %broadcast_in_dim3A_78 = vector.broadcast %while3A_77 : i32 to vector<16xi32>
        %gather3A = tpu.vector_load_idx %arg13[%broadcast_in_dim3A_78] : memref<11264xi32, #tpu.memory_space<vmem>>[vector<16xi32>], vector<16xi32>,
        %sub3A_79 = vector.broadcast %mul3A_2 : i32 to vector<16xi32>
        %sub3A_80 = arith.subi %gather3A, %sub3A_79 : vector<16xi32>
        %mul3A_81 = arith.constant 128 : i32
        %mul3A_82 = arith.muli %while3A_53, %mul3A_81 : i32
        %sub3A_83 = vector.broadcast %mul3A_82 : i32 to vector<16xi32>
        %sub3A_84 = arith.subi %broadcast_in_dim3A_78, %sub3A_83 : vector<16xi32>
        %add3A_85 = arith.constant 0 : i32
        %add3A_86 = vector.broadcast %add3A_85 : i32 to vector<16xi32>
        %add3A_87 = arith.addi %iota3A, %add3A_86 : vector<16xi32>
        %gather3A_88 = tpu.vector_load_idx %arg15[%sub3A_84, %add3A_87] : memref<128x128xf32, #tpu.memory_space<vmem>>[vector<16xi32>, vector<16xi32>], vector<16xf32>,
        %add3A_89 = arith.constant 0 : i32
        %add3A_90 = vector.broadcast %add3A_89 : i32 to vector<16xi32>
        %add3A_91 = arith.addi %iota3A, %add3A_90 : vector<16xi32>
        %gather3A_92 = tpu.vector_load_idx %arg16[%sub3A_80, %add3A_91] : memref<320x128xf32, #tpu.memory_space<vmem>>[vector<16xi32>, vector<16xi32>], vector<16xf32>,
        %add3A_93 = arith.constant 0 : i32
        %add3A_94 = vector.broadcast %add3A_93 : i32 to vector<16xi32>
        %add3A_95 = arith.addi %iota3A, %add3A_94 : vector<16xi32>
        %max3A = arith.maximumf %gather3A_92, %gather3A_88 : vector<16xf32>
        tpu.vector_store_idx %arg16[%sub3A_80, %add3A_95], %max3A : memref<320x128xf32, #tpu.memory_space<vmem>>[vector<16xi32>, vector<16xi32>], vector<16xf32>,
        %add3A_96 = arith.constant 16 : i32
        %add3A_97 = vector.broadcast %add3A_96 : i32 to vector<16xi32>
        %add3A_98 = arith.addi %iota3A, %add3A_97 : vector<16xi32>
        %gather3A_99 = tpu.vector_load_idx %arg15[%sub3A_84, %add3A_98] : memref<128x128xf32, #tpu.memory_space<vmem>>[vector<16xi32>, vector<16xi32>], vector<16xf32>,
        %add3A_100 = arith.constant 16 : i32
        %add3A_101 = vector.broadcast %add3A_100 : i32 to vector<16xi32>
        %add3A_102 = arith.addi %iota3A, %add3A_101 : vector<16xi32>
        %gather3A_103 = tpu.vector_load_idx %arg16[%sub3A_80, %add3A_102] : memref<320x128xf32, #tpu.memory_space<vmem>>[vector<16xi32>, vector<16xi32>], vector<16xf32>,
        %add3A_104 = arith.constant 16 : i32
        %add3A_105 = vector.broadcast %add3A_104 : i32 to vector<16xi32>
        %add3A_106 = arith.addi %iota3A, %add3A_105 : vector<16xi32>
        %max3A_107 = arith.maximumf %gather3A_103, %gather3A_99 : vector<16xf32>
        tpu.vector_store_idx %arg16[%sub3A_80, %add3A_106], %max3A_107 : memref<320x128xf32, #tpu.memory_space<vmem>>[vector<16xi32>, vector<16xi32>], vector<16xf32>,
        %add3A_108 = arith.constant 32 : i32
        %add3A_109 = vector.broadcast %add3A_108 : i32 to vector<16xi32>
        %add3A_110 = arith.addi %iota3A, %add3A_109 : vector<16xi32>
        %gather3A_111 = tpu.vector_load_idx %arg15[%sub3A_84, %add3A_110] : memref<128x128xf32, #tpu.memory_space<vmem>>[vector<16xi32>, vector<16xi32>], vector<16xf32>,
        %add3A_112 = arith.constant 32 : i32
        %add3A_113 = vector.broadcast %add3A_112 : i32 to vector<16xi32>
        %add3A_114 = arith.addi %iota3A, %add3A_113 : vector<16xi32>
        %gather3A_115 = tpu.vector_load_idx %arg16[%sub3A_80, %add3A_114] : memref<320x128xf32, #tpu.memory_space<vmem>>[vector<16xi32>, vector<16xi32>], vector<16xf32>,
        %add3A_116 = arith.constant 32 : i32
        %add3A_117 = vector.broadcast %add3A_116 : i32 to vector<16xi32>
        %add3A_118 = arith.addi %iota3A, %add3A_117 : vector<16xi32>
        %max3A_119 = arith.maximumf %gather3A_115, %gather3A_111 : vector<16xf32>
        tpu.vector_store_idx %arg16[%sub3A_80, %add3A_118], %max3A_119 : memref<320x128xf32, #tpu.memory_space<vmem>>[vector<16xi32>, vector<16xi32>], vector<16xf32>,
        %add3A_120 = arith.constant 48 : i32
        %add3A_121 = vector.broadcast %add3A_120 : i32 to vector<16xi32>
        %add3A_122 = arith.addi %iota3A, %add3A_121 : vector<16xi32>
        %gather3A_123 = tpu.vector_load_idx %arg15[%sub3A_84, %add3A_122] : memref<128x128xf32, #tpu.memory_space<vmem>>[vector<16xi32>, vector<16xi32>], vector<16xf32>,
        %add3A_124 = arith.constant 48 : i32
        %add3A_125 = vector.broadcast %add3A_124 : i32 to vector<16xi32>
        %add3A_126 = arith.addi %iota3A, %add3A_125 : vector<16xi32>
        %gather3A_127 = tpu.vector_load_idx %arg16[%sub3A_80, %add3A_126] : memref<320x128xf32, #tpu.memory_space<vmem>>[vector<16xi32>, vector<16xi32>], vector<16xf32>,
        %add3A_128 = arith.constant 48 : i32
        %add3A_129 = vector.broadcast %add3A_128 : i32 to vector<16xi32>
        %add3A_130 = arith.addi %iota3A, %add3A_129 : vector<16xi32>
        %max3A_131 = arith.maximumf %gather3A_127, %gather3A_123 : vector<16xf32>
        tpu.vector_store_idx %arg16[%sub3A_80, %add3A_130], %max3A_131 : memref<320x128xf32, #tpu.memory_space<vmem>>[vector<16xi32>, vector<16xi32>], vector<16xf32>,
        %gather3A_132 = tpu.vector_load_idx %arg14[%broadcast_in_dim3A_78] : memref<11264xf32, #tpu.memory_space<vmem>>[vector<16xi32>], vector<16xf32>,
        %add3A_133 = arith.constant 64 : i32
        %add3A_134 = vector.broadcast %add3A_133 : i32 to vector<16xi32>
        %add3A_135 = arith.addi %iota3A, %add3A_134 : vector<16xi32>
        %gather3A_136 = tpu.vector_load_idx %arg15[%sub3A_84, %add3A_135] : memref<128x128xf32, #tpu.memory_space<vmem>>[vector<16xi32>, vector<16xi32>], vector<16xf32>,
        %eq3A = arith.constant 0 : i32
        %eq3A_137 = vector.broadcast %eq3A : i32 to vector<16xi32>
        %eq3A_138 = arith.cmpi eq, %iota3A, %eq3A_137 : vector<16xi32>
        %mul3A_139 = arith.mulf %gather3A_132, %gather3A_136 : vector<16xf32>
        %eq3A_140 = arith.constant 1 : i32
        %eq3A_141 = vector.broadcast %eq3A_140 : i32 to vector<16xi32>
        %eq3A_142 = arith.cmpi eq, %iota3A, %eq3A_141 : vector<16xi32>
        %jit3A_143 = arith.constant 1.000000e+00 : f32
        %jit3A_144 = arith.constant 0.000000e+00 : f32
        %broadcast_in_dim3A_145 = vector.broadcast %jit3A_143 : f32 to vector<16xf32>
        %broadcast_in_dim3A_146 = vector.broadcast %jit3A_144 : f32 to vector<16xf32>
        %select_n3A_147 = arith.select %eq3A_142, %broadcast_in_dim3A_145, %broadcast_in_dim3A_146 : vector<16xi1>, vector<16xf32>
        %select_n3A_148 = arith.select %eq3A_138, %mul3A_139, %select_n3A_147 : vector<16xi1>, vector<16xf32>
        %add3A_149 = arith.constant 64 : i32
        %add3A_150 = vector.broadcast %add3A_149 : i32 to vector<16xi32>
        %add3A_151 = arith.addi %iota3A, %add3A_150 : vector<16xi32>
        %gather3A_152 = tpu.vector_load_idx %arg16[%sub3A_80, %add3A_151] : memref<320x128xf32, #tpu.memory_space<vmem>>[vector<16xi32>, vector<16xi32>], vector<16xf32>,
        %add3A_153 = arith.constant 64 : i32
        %add3A_154 = vector.broadcast %add3A_153 : i32 to vector<16xi32>
        %add3A_155 = arith.addi %iota3A, %add3A_154 : vector<16xi32>
        %add3A_156 = arith.addf %gather3A_152, %select_n3A_148 : vector<16xf32>
        tpu.vector_store_idx %arg16[%sub3A_80, %add3A_155], %add3A_156 : memref<320x128xf32, #tpu.memory_space<vmem>>[vector<16xi32>, vector<16xi32>], vector<16xf32>,
      }
      %while3A_76 = arith.constant 1 : i32
      scf.for %while3A_77 = %while3A_74 to %while3A_70 step %while3A_76  : i32 {
        %broadcast_in_dim3A_78 = vector.broadcast %while3A_77 : i32 to vector<16xi32>
        %gather3A = tpu.vector_load_idx %arg13[%broadcast_in_dim3A_78] : memref<11264xi32, #tpu.memory_space<vmem>>[vector<16xi32>], vector<16xi32>,
        %sub3A_79 = vector.broadcast %mul3A_2 : i32 to vector<16xi32>
        %sub3A_80 = arith.subi %gather3A, %sub3A_79 : vector<16xi32>
        %mul3A_81 = arith.constant 128 : i32
        %mul3A_82 = arith.muli %while3A_53, %mul3A_81 : i32
        %sub3A_83 = vector.broadcast %mul3A_82 : i32 to vector<16xi32>
        %sub3A_84 = arith.subi %broadcast_in_dim3A_78, %sub3A_83 : vector<16xi32>
        %add3A_85 = arith.constant 0 : i32
        %add3A_86 = vector.broadcast %add3A_85 : i32 to vector<16xi32>
        %add3A_87 = arith.addi %iota3A, %add3A_86 : vector<16xi32>
        %gather3A_88 = tpu.vector_load_idx %arg15[%sub3A_84, %add3A_87] : memref<128x128xf32, #tpu.memory_space<vmem>>[vector<16xi32>, vector<16xi32>], vector<16xf32>,
        %add3A_89 = arith.constant 0 : i32
        %add3A_90 = vector.broadcast %add3A_89 : i32 to vector<16xi32>
        %add3A_91 = arith.addi %iota3A, %add3A_90 : vector<16xi32>
        %gather3A_92 = tpu.vector_load_idx %arg16[%sub3A_80, %add3A_91] : memref<320x128xf32, #tpu.memory_space<vmem>>[vector<16xi32>, vector<16xi32>], vector<16xf32>,
        %add3A_93 = arith.constant 0 : i32
        %add3A_94 = vector.broadcast %add3A_93 : i32 to vector<16xi32>
        %add3A_95 = arith.addi %iota3A, %add3A_94 : vector<16xi32>
        %max3A = arith.maximumf %gather3A_92, %gather3A_88 : vector<16xf32>
        tpu.vector_store_idx %arg16[%sub3A_80, %add3A_95], %max3A : memref<320x128xf32, #tpu.memory_space<vmem>>[vector<16xi32>, vector<16xi32>], vector<16xf32>,
        %add3A_96 = arith.constant 16 : i32
        %add3A_97 = vector.broadcast %add3A_96 : i32 to vector<16xi32>
        %add3A_98 = arith.addi %iota3A, %add3A_97 : vector<16xi32>
        %gather3A_99 = tpu.vector_load_idx %arg15[%sub3A_84, %add3A_98] : memref<128x128xf32, #tpu.memory_space<vmem>>[vector<16xi32>, vector<16xi32>], vector<16xf32>,
        %add3A_100 = arith.constant 16 : i32
        %add3A_101 = vector.broadcast %add3A_100 : i32 to vector<16xi32>
        %add3A_102 = arith.addi %iota3A, %add3A_101 : vector<16xi32>
        %gather3A_103 = tpu.vector_load_idx %arg16[%sub3A_80, %add3A_102] : memref<320x128xf32, #tpu.memory_space<vmem>>[vector<16xi32>, vector<16xi32>], vector<16xf32>,
        %add3A_104 = arith.constant 16 : i32
        %add3A_105 = vector.broadcast %add3A_104 : i32 to vector<16xi32>
        %add3A_106 = arith.addi %iota3A, %add3A_105 : vector<16xi32>
        %max3A_107 = arith.maximumf %gather3A_103, %gather3A_99 : vector<16xf32>
        tpu.vector_store_idx %arg16[%sub3A_80, %add3A_106], %max3A_107 : memref<320x128xf32, #tpu.memory_space<vmem>>[vector<16xi32>, vector<16xi32>], vector<16xf32>,
        %add3A_108 = arith.constant 32 : i32
        %add3A_109 = vector.broadcast %add3A_108 : i32 to vector<16xi32>
        %add3A_110 = arith.addi %iota3A, %add3A_109 : vector<16xi32>
        %gather3A_111 = tpu.vector_load_idx %arg15[%sub3A_84, %add3A_110] : memref<128x128xf32, #tpu.memory_space<vmem>>[vector<16xi32>, vector<16xi32>], vector<16xf32>,
        %add3A_112 = arith.constant 32 : i32
        %add3A_113 = vector.broadcast %add3A_112 : i32 to vector<16xi32>
        %add3A_114 = arith.addi %iota3A, %add3A_113 : vector<16xi32>
        %gather3A_115 = tpu.vector_load_idx %arg16[%sub3A_80, %add3A_114] : memref<320x128xf32, #tpu.memory_space<vmem>>[vector<16xi32>, vector<16xi32>], vector<16xf32>,
        %add3A_116 = arith.constant 32 : i32
        %add3A_117 = vector.broadcast %add3A_116 : i32 to vector<16xi32>
        %add3A_118 = arith.addi %iota3A, %add3A_117 : vector<16xi32>
        %max3A_119 = arith.maximumf %gather3A_115, %gather3A_111 : vector<16xf32>
        tpu.vector_store_idx %arg16[%sub3A_80, %add3A_118], %max3A_119 : memref<320x128xf32, #tpu.memory_space<vmem>>[vector<16xi32>, vector<16xi32>], vector<16xf32>,
        %add3A_120 = arith.constant 48 : i32
        %add3A_121 = vector.broadcast %add3A_120 : i32 to vector<16xi32>
        %add3A_122 = arith.addi %iota3A, %add3A_121 : vector<16xi32>
        %gather3A_123 = tpu.vector_load_idx %arg15[%sub3A_84, %add3A_122] : memref<128x128xf32, #tpu.memory_space<vmem>>[vector<16xi32>, vector<16xi32>], vector<16xf32>,
        %add3A_124 = arith.constant 48 : i32
        %add3A_125 = vector.broadcast %add3A_124 : i32 to vector<16xi32>
        %add3A_126 = arith.addi %iota3A, %add3A_125 : vector<16xi32>
        %gather3A_127 = tpu.vector_load_idx %arg16[%sub3A_80, %add3A_126] : memref<320x128xf32, #tpu.memory_space<vmem>>[vector<16xi32>, vector<16xi32>], vector<16xf32>,
        %add3A_128 = arith.constant 48 : i32
        %add3A_129 = vector.broadcast %add3A_128 : i32 to vector<16xi32>
        %add3A_130 = arith.addi %iota3A, %add3A_129 : vector<16xi32>
        %max3A_131 = arith.maximumf %gather3A_127, %gather3A_123 : vector<16xf32>
        tpu.vector_store_idx %arg16[%sub3A_80, %add3A_130], %max3A_131 : memref<320x128xf32, #tpu.memory_space<vmem>>[vector<16xi32>, vector<16xi32>], vector<16xf32>,
        %gather3A_132 = tpu.vector_load_idx %arg14[%broadcast_in_dim3A_78] : memref<11264xf32, #tpu.memory_space<vmem>>[vector<16xi32>], vector<16xf32>,
        %add3A_133 = arith.constant 64 : i32
        %add3A_134 = vector.broadcast %add3A_133 : i32 to vector<16xi32>
        %add3A_135 = arith.addi %iota3A, %add3A_134 : vector<16xi32>
        %gather3A_136 = tpu.vector_load_idx %arg15[%sub3A_84, %add3A_135] : memref<128x128xf32, #tpu.memory_space<vmem>>[vector<16xi32>, vector<16xi32>], vector<16xf32>,
        %eq3A = arith.constant 0 : i32
        %eq3A_137 = vector.broadcast %eq3A : i32 to vector<16xi32>
        %eq3A_138 = arith.cmpi eq, %iota3A, %eq3A_137 : vector<16xi32>
        %mul3A_139 = arith.mulf %gather3A_132, %gather3A_136 : vector<16xf32>
        %eq3A_140 = arith.constant 1 : i32
        %eq3A_141 = vector.broadcast %eq3A_140 : i32 to vector<16xi32>
        %eq3A_142 = arith.cmpi eq, %iota3A, %eq3A_141 : vector<16xi32>
        %jit3A_143 = arith.constant 1.000000e+00 : f32
        %jit3A_144 = arith.constant 0.000000e+00 : f32
        %broadcast_in_dim3A_145 = vector.broadcast %jit3A_143 : f32 to vector<16xf32>
        %broadcast_in_dim3A_146 = vector.broadcast %jit3A_144 : f32 to vector<16xf32>
        %select_n3A_147 = arith.select %eq3A_142, %broadcast_in_dim3A_145, %broadcast_in_dim3A_146 : vector<16xi1>, vector<16xf32>
        %select_n3A_148 = arith.select %eq3A_138, %mul3A_139, %select_n3A_147 : vector<16xi1>, vector<16xf32>
        %add3A_149 = arith.constant 64 : i32
        %add3A_150 = vector.broadcast %add3A_149 : i32 to vector<16xi32>
        %add3A_151 = arith.addi %iota3A, %add3A_150 : vector<16xi32>
        %gather3A_152 = tpu.vector_load_idx %arg16[%sub3A_80, %add3A_151] : memref<320x128xf32, #tpu.memory_space<vmem>>[vector<16xi32>, vector<16xi32>], vector<16xf32>,
        %add3A_153 = arith.constant 64 : i32
        %add3A_154 = vector.broadcast %add3A_153 : i32 to vector<16xi32>
        %add3A_155 = arith.addi %iota3A, %add3A_154 : vector<16xi32>
        %add3A_156 = arith.addf %gather3A_152, %select_n3A_148 : vector<16xf32>
        tpu.vector_store_idx %arg16[%sub3A_80, %add3A_155], %add3A_156 : memref<320x128xf32, #tpu.memory_space<vmem>>[vector<16xi32>, vector<16xi32>], vector<16xf32>,
      }
    }
    "tpu.region"() ({
      %run_scoped3A = tpu.sem_alloc : memref<!tpu.dma_semaphore, #tpu.memory_space<semaphore_mem>>
      %dma_start3A = arith.constant 0 : i32
      %dma_start3A_53 = tpu.memref_slice %arg7[%mul3A_2, %dma_start3A] : memref<10240x128xf32, #tpu.memory_space<hbm>> -> memref<320x128xf32, #tpu.memory_space<hbm>>
      %dma_start3A_54 = arith.constant 0 : i32
      %dma_start3A_55 = tpu.memref_slice %arg7[%mul3A_2, %dma_start3A_54] : memref<10240x128xf32, #tpu.memory_space<hbm>> -> memref<320x128xf32, #tpu.memory_space<hbm>>
      tpu.enqueue_dma source(%arg16 : memref<320x128xf32, #tpu.memory_space<vmem>>) target(%dma_start3A_55 : memref<320x128xf32, #tpu.memory_space<hbm>>) target_semaphore(%run_scoped3A : memref<!tpu.dma_semaphore, #tpu.memory_space<semaphore_mem>>)
      %dma_wait3A = arith.constant 0 : i32
      %dma_wait3A_56 = tpu.memref_slice %arg7[%mul3A_2, %dma_wait3A] : memref<10240x128xf32, #tpu.memory_space<hbm>> -> memref<320x128xf32, #tpu.memory_space<hbm>>
      %dma_wait3A_57 = arith.constant 0 : i32
      %dma_wait3A_58 = tpu.memref_slice %arg7[%mul3A_2, %dma_wait3A_57] : memref<10240x128xf32, #tpu.memory_space<hbm>> -> memref<320x128xf32, #tpu.memory_space<hbm>>
      tpu.wait_dma2 semaphore(%run_scoped3A : memref<!tpu.dma_semaphore, #tpu.memory_space<semaphore_mem>>) src(%arg16 : memref<320x128xf32, #tpu.memory_space<vmem>>) dst(%dma_wait3A_58 : memref<320x128xf32, #tpu.memory_space<hbm>>)
      tpu.yield
    }) : () -> ()
    return
  }
}

module attributes {stable_mosaic.version = 14 : i64} {
  func.func @_pre_body(%arg0: i32, %arg1: memref<2000x128xf32, #tpu.memory_space<vmem>>, %arg2: memref<128x128xf32, #tpu.memory_space<vmem>>, %arg3: memref<1x128xf32, #tpu.memory_space<vmem>>, %arg4: memref<128x128xf32, #tpu.memory_space<vmem>>, %arg5: memref<1x128xf32, #tpu.memory_space<vmem>>, %arg6: memref<128x1xf32, #tpu.memory_space<vmem>>, %arg7: memref<128x64xf32, #tpu.memory_space<vmem>>, %arg8: memref<128x1xf32, #tpu.memory_space<vmem>>, %arg9: memref<2000x128xf32, #tpu.memory_space<vmem>>, %arg10: memref<2000x128xf32, #tpu.memory_space<vmem>>, %arg11: memref<2000x128xf32, #tpu.memory_space<vmem>>, %arg12: memref<2000x128xf32, #tpu.memory_space<vmem>>) attributes {dimension_semantics = [#tpu.dimension_semantics<arbitrary>], iteration_bounds = array<i64: 5>, scalar_prefetch = 0 : i64, scratch_operands = 0 : i64, tpu.core_type = #tpu.core_type<tc>, window_params = [{transform_indices = @transform_0, window_bounds = array<i64: 2000, 128>}, {pipeline_mode = #tpu.pipeline_mode<synchronous>, transform_indices = @transform_1, window_bounds = array<i64: 128, 128>}, {pipeline_mode = #tpu.pipeline_mode<synchronous>, transform_indices = @transform_2, window_bounds = array<i64: 1, 128>}, {pipeline_mode = #tpu.pipeline_mode<synchronous>, transform_indices = @transform_3, window_bounds = array<i64: 128, 128>}, {pipeline_mode = #tpu.pipeline_mode<synchronous>, transform_indices = @transform_4, window_bounds = array<i64: 1, 128>}, {pipeline_mode = #tpu.pipeline_mode<synchronous>, transform_indices = @transform_5, window_bounds = array<i64: 128, 1>}, {pipeline_mode = #tpu.pipeline_mode<synchronous>, transform_indices = @transform_6, window_bounds = array<i64: 128, 64>}, {pipeline_mode = #tpu.pipeline_mode<synchronous>, transform_indices = @transform_7, window_bounds = array<i64: 128, 1>}, {transform_indices = @transform_8, window_bounds = array<i64: 2000, 128>}, {transform_indices = @transform_9, window_bounds = array<i64: 2000, 128>}, {transform_indices = @transform_10, window_bounds = array<i64: 2000, 128>}, {transform_indices = @transform_11, window_bounds = array<i64: 2000, 128>}]} {
    %get3A = arith.constant 0 : index
    %get3A_0 = arith.constant 0 : index
    %get3A_1 = vector.load %arg1[%get3A, %get3A_0] : memref<2000x128xf32, #tpu.memory_space<vmem>>, vector<2000x128xf32>
    %get3A_2 = arith.constant 0 : index
    %get3A_3 = arith.constant 0 : index
    %get3A_4 = vector.load %arg2[%get3A_2, %get3A_3] : memref<128x128xf32, #tpu.memory_space<vmem>>, vector<128x128xf32>
    %dot_general3A = arith.constant dense<0.000000e+00> : vector<2000x128xf32>
    %dot_general3A_5 = tpu.matmul %get3A_1, %get3A_4, %dot_general3A {dimension_numbers = #tpu.dot_dimension_numbers<[1], [0], [0], [1], [0, 0, 1, 1], [], []>, transpose_lhs_hint = false} : vector<2000x128xf32>, vector<128x128xf32>, vector<2000x128xf32> -> vector<2000x128xf32>
    %get3A_6 = arith.constant 0 : index
    %get3A_7 = arith.constant 0 : index
    %get3A_8 = vector.load %arg3[%get3A_6, %get3A_7] : memref<1x128xf32, #tpu.memory_space<vmem>>, vector<1x128xf32>
    %add3A = vector.broadcast %get3A_8 : vector<1x128xf32> to vector<2000x128xf32>
    %add3A_9 = arith.addf %dot_general3A_5, %add3A : vector<2000x128xf32>
    %max3A = arith.constant 0.000000e+00 : f32
    %max3A_10 = vector.broadcast %max3A : f32 to vector<2000x128xf32>
    %max3A_11 = arith.maximumf %add3A_9, %max3A_10 : vector<2000x128xf32>
    %get3A_12 = arith.constant 0 : index
    %get3A_13 = arith.constant 0 : index
    %get3A_14 = vector.load %arg4[%get3A_12, %get3A_13] : memref<128x128xf32, #tpu.memory_space<vmem>>, vector<128x128xf32>
    %dot_general3A_15 = arith.constant dense<0.000000e+00> : vector<2000x128xf32>
    %dot_general3A_16 = tpu.matmul %get3A_1, %get3A_14, %dot_general3A_15 {dimension_numbers = #tpu.dot_dimension_numbers<[1], [0], [0], [1], [0, 0, 1, 1], [], []>, transpose_lhs_hint = false} : vector<2000x128xf32>, vector<128x128xf32>, vector<2000x128xf32> -> vector<2000x128xf32>
    %get3A_17 = arith.constant 0 : index
    %get3A_18 = arith.constant 0 : index
    %get3A_19 = vector.load %arg5[%get3A_17, %get3A_18] : memref<1x128xf32, #tpu.memory_space<vmem>>, vector<1x128xf32>
    %add3A_20 = vector.broadcast %get3A_19 : vector<1x128xf32> to vector<2000x128xf32>
    %add3A_21 = arith.addf %dot_general3A_16, %add3A_20 : vector<2000x128xf32>
    %max3A_22 = arith.constant 0.000000e+00 : f32
    %max3A_23 = vector.broadcast %max3A_22 : f32 to vector<2000x128xf32>
    %max3A_24 = arith.maximumf %add3A_21, %max3A_23 : vector<2000x128xf32>
    %get3A_25 = arith.constant 0 : index
    %get3A_26 = arith.constant 0 : index
    %get3A_27 = vector.load %arg6[%get3A_25, %get3A_26] : memref<128x1xf32, #tpu.memory_space<vmem>>, vector<128x1xf32>
    %dot_general3A_28 = arith.constant dense<0.000000e+00> : vector<2000x1xf32>
    %dot_general3A_29 = tpu.matmul %max3A_24, %get3A_27, %dot_general3A_28 {dimension_numbers = #tpu.dot_dimension_numbers<[1], [0], [0], [1], [0, 0, 1, 1], [], []>, transpose_lhs_hint = false} : vector<2000x128xf32>, vector<128x1xf32>, vector<2000x1xf32> -> vector<2000x1xf32>
    %ge3A = arith.constant 0.000000e+00 : f32
    %ge3A_30 = vector.broadcast %ge3A : f32 to vector<2000x1xf32>
    %ge3A_31 = arith.cmpf oge, %dot_general3A_29, %ge3A_30 : vector<2000x1xf32>
    %mul3A = arith.constant 2.000000e-01 : f32
    %mul3A_32 = vector.broadcast %mul3A : f32 to vector<2000x1xf32>
    %mul3A_33 = arith.mulf %mul3A_32, %dot_general3A_29 : vector<2000x1xf32>
    %select_n3A = arith.select %ge3A_31, %dot_general3A_29, %mul3A_33 : vector<2000x1xi1>, vector<2000x1xf32>
    %get3A_34 = arith.constant 0 : index
    %get3A_35 = arith.constant 0 : index
    %get3A_36 = vector.load %arg7[%get3A_34, %get3A_35] : memref<128x64xf32, #tpu.memory_space<vmem>>, vector<128x64xf32>
    %dot_general3A_37 = arith.constant dense<0.000000e+00> : vector<2000x64xf32>
    %dot_general3A_38 = tpu.matmul %get3A_1, %get3A_36, %dot_general3A_37 {dimension_numbers = #tpu.dot_dimension_numbers<[1], [0], [0], [1], [0, 0, 1, 1], [], []>, transpose_lhs_hint = false} : vector<2000x128xf32>, vector<128x64xf32>, vector<2000x64xf32> -> vector<2000x64xf32>
    %get3A_39 = arith.constant 0 : index
    %get3A_40 = arith.constant 0 : index
    %get3A_41 = vector.load %arg8[%get3A_39, %get3A_40] : memref<128x1xf32, #tpu.memory_space<vmem>>, vector<128x1xf32>
    %dot_general3A_42 = arith.constant dense<0.000000e+00> : vector<2000x1xf32>
    %dot_general3A_43 = tpu.matmul %get3A_1, %get3A_41, %dot_general3A_42 {dimension_numbers = #tpu.dot_dimension_numbers<[1], [0], [0], [1], [0, 0, 1, 1], [], []>, transpose_lhs_hint = false} : vector<2000x128xf32>, vector<128x1xf32>, vector<2000x1xf32> -> vector<2000x1xf32>
    %swap3A = arith.constant 0 : index
    %swap3A_44 = arith.constant 0 : index
    %swap3A_45 = vector.load %arg9[%swap3A, %swap3A_44] : memref<2000x128xf32, #tpu.memory_space<vmem>>, vector<2000x128xf32>
    tpu.vector_store %arg9[%swap3A, %swap3A_44], %max3A_11 {strides = array<i32>} : memref<2000x128xf32, #tpu.memory_space<vmem>>, vector<2000x128xf32>,
    %swap3A_46 = arith.constant 0 : index
    %swap3A_47 = arith.constant 0 : index
    %swap3A_48 = vector.load %arg10[%swap3A_46, %swap3A_47] : memref<2000x128xf32, #tpu.memory_space<vmem>>, vector<2000x128xf32>
    tpu.vector_store %arg10[%swap3A_46, %swap3A_47], %max3A_24 {strides = array<i32>} : memref<2000x128xf32, #tpu.memory_space<vmem>>, vector<2000x128xf32>,
    %mul3A_49 = vector.broadcast %select_n3A : vector<2000x1xf32> to vector<2000x128xf32>
    %mul3A_50 = arith.mulf %max3A_24, %mul3A_49 : vector<2000x128xf32>
    %swap3A_51 = arith.constant 0 : index
    %swap3A_52 = arith.constant 0 : index
    %swap3A_53 = vector.load %arg11[%swap3A_51, %swap3A_52] : memref<2000x128xf32, #tpu.memory_space<vmem>>, vector<2000x128xf32>
    tpu.vector_store %arg11[%swap3A_51, %swap3A_52], %mul3A_50 {strides = array<i32>} : memref<2000x128xf32, #tpu.memory_space<vmem>>, vector<2000x128xf32>,
    %broadcast_in_dim3A = arith.constant 0.000000e+00 : f32
    %broadcast_in_dim3A_54 = vector.broadcast %broadcast_in_dim3A : f32 to vector<2000x63xf32>
    %concatenate3A = tpu.concatenate %dot_general3A_38, %dot_general3A_43, %broadcast_in_dim3A_54 in 1 : vector<2000x64xf32>, vector<2000x1xf32>, vector<2000x63xf32> -> vector<2000x128xf32>
    %swap3A_55 = arith.constant 0 : index
    %swap3A_56 = arith.constant 0 : index
    %swap3A_57 = vector.load %arg12[%swap3A_55, %swap3A_56] : memref<2000x128xf32, #tpu.memory_space<vmem>>, vector<2000x128xf32>
    tpu.vector_store %arg12[%swap3A_55, %swap3A_56], %concatenate3A {strides = array<i32>} : memref<2000x128xf32, #tpu.memory_space<vmem>>, vector<2000x128xf32>,
    return
  }
  func.func @transform_0(%arg0: i32) -> (i32, i32) {
    %c0_i32 = arith.constant 0 : i32
    %c0_i32_0 = arith.constant 0 : i32
    return %arg0, %c0_i32 : i32, i32
  }
  func.func @transform_1(%arg0: i32) -> (i32, i32) {
    %c0_i32 = arith.constant 0 : i32
    %c0_i32_0 = arith.constant 0 : i32
    %c0_i32_1 = arith.constant 0 : i32
    return %c0_i32, %c0_i32_0 : i32, i32
  }
  func.func @transform_2(%arg0: i32) -> (i32, i32) {
    %c0_i32 = arith.constant 0 : i32
    %c0_i32_0 = arith.constant 0 : i32
    %c0_i32_1 = arith.constant 0 : i32
    return %c0_i32, %c0_i32_0 : i32, i32
  }
  func.func @transform_3(%arg0: i32) -> (i32, i32) {
    %c0_i32 = arith.constant 0 : i32
    %c0_i32_0 = arith.constant 0 : i32
    %c0_i32_1 = arith.constant 0 : i32
    return %c0_i32, %c0_i32_0 : i32, i32
  }
  func.func @transform_4(%arg0: i32) -> (i32, i32) {
    %c0_i32 = arith.constant 0 : i32
    %c0_i32_0 = arith.constant 0 : i32
    %c0_i32_1 = arith.constant 0 : i32
    return %c0_i32, %c0_i32_0 : i32, i32
  }
  func.func @transform_5(%arg0: i32) -> (i32, i32) {
    %c0_i32 = arith.constant 0 : i32
    %c0_i32_0 = arith.constant 0 : i32
    %c0_i32_1 = arith.constant 0 : i32
    return %c0_i32, %c0_i32_0 : i32, i32
  }
  func.func @transform_6(%arg0: i32) -> (i32, i32) {
    %c0_i32 = arith.constant 0 : i32
    %c0_i32_0 = arith.constant 0 : i32
    %c0_i32_1 = arith.constant 0 : i32
    return %c0_i32, %c0_i32_0 : i32, i32
  }
  func.func @transform_7(%arg0: i32) -> (i32, i32) {
    %c0_i32 = arith.constant 0 : i32
    %c0_i32_0 = arith.constant 0 : i32
    %c0_i32_1 = arith.constant 0 : i32
    return %c0_i32, %c0_i32_0 : i32, i32
  }
  func.func @transform_8(%arg0: i32) -> (i32, i32) {
    %c0_i32 = arith.constant 0 : i32
    %c0_i32_0 = arith.constant 0 : i32
    return %arg0, %c0_i32 : i32, i32
  }
  func.func @transform_9(%arg0: i32) -> (i32, i32) {
    %c0_i32 = arith.constant 0 : i32
    %c0_i32_0 = arith.constant 0 : i32
    return %arg0, %c0_i32 : i32, i32
  }
  func.func @transform_10(%arg0: i32) -> (i32, i32) {
    %c0_i32 = arith.constant 0 : i32
    %c0_i32_0 = arith.constant 0 : i32
    return %arg0, %c0_i32 : i32, i32
  }
  func.func @transform_11(%arg0: i32) -> (i32, i32) {
    %c0_i32 = arith.constant 0 : i32
    %c0_i32_0 = arith.constant 0 : i32
    return %arg0, %c0_i32 : i32, i32
  }
}

module attributes {stable_mosaic.version = 14 : i64} {
  func.func @_post_body(%arg0: i32, %arg1: memref<2000x128xf32, #tpu.memory_space<vmem>>, %arg2: memref<2000x128xf32, #tpu.memory_space<vmem>>, %arg3: memref<2000x128xf32, #tpu.memory_space<vmem>>, %arg4: memref<2000x128xf32, #tpu.memory_space<vmem>>, %arg5: memref<2000x128xf32, #tpu.memory_space<vmem>>, %arg6: memref<2000x128xf32, #tpu.memory_space<vmem>>, %arg7: memref<2000x128xf32, #tpu.memory_space<vmem>>, %arg8: memref<128x1xf32, #tpu.memory_space<vmem>>, %arg9: memref<128x1xf32, #tpu.memory_space<vmem>>, %arg10: memref<64x1xf32, #tpu.memory_space<vmem>>, %arg11: memref<128x1xf32, #tpu.memory_space<vmem>>, %arg12: memref<1x128xf32, #tpu.memory_space<vmem>>, %arg13: memref<1x128xf32, #tpu.memory_space<vmem>>, %arg14: memref<1x128xf32, #tpu.memory_space<vmem>>, %arg15: memref<1x128xf32, #tpu.memory_space<vmem>>, %arg16: memref<2000x128xf32, #tpu.memory_space<vmem>>) attributes {dimension_semantics = [#tpu.dimension_semantics<arbitrary>], iteration_bounds = array<i64: 5>, scalar_prefetch = 0 : i64, scratch_operands = 0 : i64, tpu.core_type = #tpu.core_type<tc>, window_params = [{transform_indices = @transform_0, window_bounds = array<i64: 2000, 128>}, {transform_indices = @transform_1, window_bounds = array<i64: 2000, 128>}, {transform_indices = @transform_2, window_bounds = array<i64: 2000, 128>}, {transform_indices = @transform_3, window_bounds = array<i64: 2000, 128>}, {transform_indices = @transform_4, window_bounds = array<i64: 2000, 128>}, {transform_indices = @transform_5, window_bounds = array<i64: 2000, 128>}, {transform_indices = @transform_6, window_bounds = array<i64: 2000, 128>}, {pipeline_mode = #tpu.pipeline_mode<synchronous>, transform_indices = @transform_7, window_bounds = array<i64: 128, 1>}, {pipeline_mode = #tpu.pipeline_mode<synchronous>, transform_indices = @transform_8, window_bounds = array<i64: 128, 1>}, {pipeline_mode = #tpu.pipeline_mode<synchronous>, transform_indices = @transform_9, window_bounds = array<i64: 64, 1>}, {pipeline_mode = #tpu.pipeline_mode<synchronous>, transform_indices = @transform_10, window_bounds = array<i64: 128, 1>}, {pipeline_mode = #tpu.pipeline_mode<synchronous>, transform_indices = @transform_11, window_bounds = array<i64: 1, 128>}, {pipeline_mode = #tpu.pipeline_mode<synchronous>, transform_indices = @transform_12, window_bounds = array<i64: 1, 128>}, {pipeline_mode = #tpu.pipeline_mode<synchronous>, transform_indices = @transform_13, window_bounds = array<i64: 1, 128>}, {pipeline_mode = #tpu.pipeline_mode<synchronous>, transform_indices = @transform_14, window_bounds = array<i64: 1, 128>}, {transform_indices = @transform_15, window_bounds = array<i64: 2000, 128>}]} {
    %get3A = arith.constant 0 : index
    %get3A_0 = arith.constant 0 : index
    %get3A_1 = vector.load %arg1[%get3A, %get3A_0] : memref<2000x128xf32, #tpu.memory_space<vmem>>, vector<2000x128xf32>
    %get3A_2 = arith.constant 0 : index
    %get3A_3 = arith.constant 0 : index
    %get3A_4 = vector.load %arg2[%get3A_2, %get3A_3] : memref<2000x128xf32, #tpu.memory_space<vmem>>, vector<2000x128xf32>
    %get3A_5 = arith.constant 0 : index
    %get3A_6 = arith.constant 0 : index
    %get3A_7 = vector.load %arg8[%get3A_5, %get3A_6] : memref<128x1xf32, #tpu.memory_space<vmem>>, vector<128x1xf32>
    %dot_general3A = arith.constant dense<0.000000e+00> : vector<2000x1xf32>
    %dot_general3A_8 = tpu.matmul %get3A_4, %get3A_7, %dot_general3A {dimension_numbers = #tpu.dot_dimension_numbers<[1], [0], [0], [1], [0, 0, 1, 1], [], []>, transpose_lhs_hint = false} : vector<2000x128xf32>, vector<128x1xf32>, vector<2000x1xf32> -> vector<2000x1xf32>
    %ge3A = arith.constant 0.000000e+00 : f32
    %ge3A_9 = vector.broadcast %ge3A : f32 to vector<2000x1xf32>
    %ge3A_10 = arith.cmpf oge, %dot_general3A_8, %ge3A_9 : vector<2000x1xf32>
    %mul3A = arith.constant 2.000000e-01 : f32
    %mul3A_11 = vector.broadcast %mul3A : f32 to vector<2000x1xf32>
    %mul3A_12 = arith.mulf %mul3A_11, %dot_general3A_8 : vector<2000x1xf32>
    %select_n3A = arith.select %ge3A_10, %dot_general3A_8, %mul3A_12 : vector<2000x1xi1>, vector<2000x1xf32>
    %get3A_13 = arith.constant 0 : index
    %get3A_14 = arith.constant 0 : index
    %get3A_15 = vector.load %arg9[%get3A_13, %get3A_14] : memref<128x1xf32, #tpu.memory_space<vmem>>, vector<128x1xf32>
    %dot_general3A_16 = arith.constant dense<0.000000e+00> : vector<2000x1xf32>
    %dot_general3A_17 = tpu.matmul %get3A_1, %get3A_15, %dot_general3A_16 {dimension_numbers = #tpu.dot_dimension_numbers<[1], [0], [0], [1], [0, 0, 1, 1], [], []>, transpose_lhs_hint = false} : vector<2000x128xf32>, vector<128x1xf32>, vector<2000x1xf32> -> vector<2000x1xf32>
    %get3A_18 = arith.constant 0 : index
    %get3A_19 = arith.constant 0 : index
    %get3A_20 = vector.load %arg5[%get3A_18, %get3A_19] : memref<2000x128xf32, #tpu.memory_space<vmem>>, vector<2000x128xf32>
    %slice3A = vector.extract_strided_slice %get3A_20 {offsets = [0, 0], sizes = [2000, 64], strides = [1, 1]} : vector<2000x128xf32> to vector<2000x64xf32>
    %slice3A_21 = vector.extract_strided_slice %get3A_20 {offsets = [0, 65], sizes = [2000, 1], strides = [1, 1]} : vector<2000x128xf32> to vector<2000x1xf32>
    %get3A_22 = arith.constant 0 : index
    %get3A_23 = arith.constant 0 : index
    %get3A_24 = vector.load %arg6[%get3A_22, %get3A_23] : memref<2000x128xf32, #tpu.memory_space<vmem>>, vector<2000x128xf32>
    %get3A_25 = arith.constant 0 : index
    %get3A_26 = arith.constant 0 : index
    %get3A_27 = vector.load %arg7[%get3A_25, %get3A_26] : memref<2000x128xf32, #tpu.memory_space<vmem>>, vector<2000x128xf32>
    %add3A = arith.addf %get3A_24, %get3A_27 : vector<2000x128xf32>
    %get3A_28 = arith.constant 0 : index
    %get3A_29 = arith.constant 0 : index
    %get3A_30 = vector.load %arg10[%get3A_28, %get3A_29] : memref<64x1xf32, #tpu.memory_space<vmem>>, vector<64x1xf32>
    %dot_general3A_31 = arith.constant dense<0.000000e+00> : vector<2000x1xf32>
    %dot_general3A_32 = tpu.matmul %slice3A, %get3A_30, %dot_general3A_31 {dimension_numbers = #tpu.dot_dimension_numbers<[1], [0], [0], [1], [0, 0, 1, 1], [], []>, transpose_lhs_hint = false} : vector<2000x64xf32>, vector<64x1xf32>, vector<2000x1xf32> -> vector<2000x1xf32>
    %get3A_33 = arith.constant 0 : index
    %get3A_34 = arith.constant 0 : index
    %get3A_35 = vector.load %arg11[%get3A_33, %get3A_34] : memref<128x1xf32, #tpu.memory_space<vmem>>, vector<128x1xf32>
    %dot_general3A_36 = arith.constant dense<0.000000e+00> : vector<2000x1xf32>
    %dot_general3A_37 = tpu.matmul %add3A, %get3A_35, %dot_general3A_36 {dimension_numbers = #tpu.dot_dimension_numbers<[1], [0], [0], [1], [0, 0, 1, 1], [], []>, transpose_lhs_hint = false} : vector<2000x128xf32>, vector<128x1xf32>, vector<2000x1xf32> -> vector<2000x1xf32>
    %gt3A = arith.constant 0.000000e+00 : f32
    %gt3A_38 = vector.broadcast %gt3A : f32 to vector<2000x1xf32>
    %gt3A_39 = arith.cmpf ogt, %slice3A_21, %gt3A_38 : vector<2000x1xf32>
    %jit3A = arith.constant 0.000000e+00 : f32
    %broadcast_in_dim3A = vector.broadcast %jit3A : f32 to vector<2000x1xf32>
    %select_n3A_40 = arith.select %gt3A_39, %dot_general3A_32, %broadcast_in_dim3A : vector<2000x1xi1>, vector<2000x1xf32>
    %add3A_41 = arith.addf %dot_general3A_17, %select_n3A_40 : vector<2000x1xf32>
    %add3A_42 = arith.addf %add3A_41, %dot_general3A_37 : vector<2000x1xf32>
    %get3A_43 = arith.constant 0 : index
    %get3A_44 = arith.constant 0 : index
    %get3A_45 = vector.load %arg3[%get3A_43, %get3A_44] : memref<2000x128xf32, #tpu.memory_space<vmem>>, vector<2000x128xf32>
    %mul3A_46 = vector.broadcast %select_n3A : vector<2000x1xf32> to vector<2000x128xf32>
    %mul3A_47 = arith.mulf %mul3A_46, %get3A_45 : vector<2000x128xf32>
    %get3A_48 = arith.constant 0 : index
    %get3A_49 = arith.constant 0 : index
    %get3A_50 = vector.load %arg4[%get3A_48, %get3A_49] : memref<2000x128xf32, #tpu.memory_space<vmem>>, vector<2000x128xf32>
    %add3A_51 = arith.addf %mul3A_47, %get3A_50 : vector<2000x128xf32>
    %mul3A_52 = vector.broadcast %add3A_42 : vector<2000x1xf32> to vector<2000x128xf32>
    %mul3A_53 = arith.mulf %mul3A_52, %add3A_51 : vector<2000x128xf32>
    %get3A_54 = arith.constant 0 : index
    %get3A_55 = arith.constant 0 : index
    %get3A_56 = vector.load %arg12[%get3A_54, %get3A_55] : memref<1x128xf32, #tpu.memory_space<vmem>>, vector<1x128xf32>
    %get3A_57 = arith.constant 0 : index
    %get3A_58 = arith.constant 0 : index
    %get3A_59 = vector.load %arg13[%get3A_57, %get3A_58] : memref<1x128xf32, #tpu.memory_space<vmem>>, vector<1x128xf32>
    %reduce_sum3A = arith.constant dense<0.000000e+00> : vector<2000xf32>
    %reduce_sum3A_60 = vector.multi_reduction <add>, %get3A_4, %reduce_sum3A [1] : vector<2000x128xf32> to vector<2000xf32>
    %broadcast_in_dim3A_61 = vector.shape_cast %reduce_sum3A_60 : vector<2000xf32> to vector<2000x1xf32>
    %div3A = arith.constant 1.280000e+02 : f32
    %div3A_62 = vector.broadcast %div3A : f32 to vector<2000x1xf32>
    %div3A_63 = arith.divf %broadcast_in_dim3A_61, %div3A_62 : vector<2000x1xf32>
    %jit3A_64 = arith.constant 0 : i32
    %reduce_sum3A_65 = arith.constant dense<0.000000e+00> : vector<2000xf32>
    %reduce_sum3A_66 = vector.multi_reduction <add>, %get3A_4, %reduce_sum3A_65 [1] : vector<2000x128xf32> to vector<2000xf32>
    %broadcast_in_dim3A_67 = vector.shape_cast %reduce_sum3A_66 : vector<2000xf32> to vector<2000x1xf32>
    %div3A_68 = arith.constant 1.280000e+02 : f32
    %div3A_69 = vector.broadcast %div3A_68 : f32 to vector<2000x1xf32>
    %div3A_70 = arith.divf %broadcast_in_dim3A_67, %div3A_69 : vector<2000x1xf32>
    %sub3A = vector.broadcast %div3A_70 : vector<2000x1xf32> to vector<2000x128xf32>
    %sub3A_71 = arith.subf %get3A_4, %sub3A : vector<2000x128xf32>
    %square3A = arith.mulf %sub3A_71, %sub3A_71 : vector<2000x128xf32>
    %convert_element_type3A = arith.sitofp %jit3A_64 : i32 to f32
    %sub3A_72 = arith.constant 1.280000e+02 : f32
    %sub3A_73 = arith.subf %sub3A_72, %convert_element_type3A : f32
    %reduce_sum3A_74 = arith.constant dense<0.000000e+00> : vector<2000xf32>
    %reduce_sum3A_75 = vector.multi_reduction <add>, %square3A, %reduce_sum3A_74 [1] : vector<2000x128xf32> to vector<2000xf32>
    %broadcast_in_dim3A_76 = vector.shape_cast %reduce_sum3A_75 : vector<2000xf32> to vector<2000x1xf32>
    %div3A_77 = vector.broadcast %sub3A_73 : f32 to vector<2000x1xf32>
    %div3A_78 = arith.divf %broadcast_in_dim3A_76, %div3A_77 : vector<2000x1xf32>
    %gt3A_79 = arith.constant 0.000000e+00 : f32
    %gt3A_80 = arith.cmpf ogt, %sub3A_73, %gt3A_79 : f32
    %jit3A_81 = arith.constant 0x7FC00000 : f32
    %broadcast_in_dim3A_82 = vector.broadcast %jit3A_81 : f32 to vector<2000x1xf32>
    %select_n3A_83 = arith.select %gt3A_80, %div3A_78, %broadcast_in_dim3A_82 : vector<2000x1xf32>
    %add3A_84 = arith.constant 9.99999971E-10 : f32
    %add3A_85 = vector.broadcast %add3A_84 : f32 to vector<2000x1xf32>
    %add3A_86 = arith.addf %select_n3A_83, %add3A_85 : vector<2000x1xf32>
    %sub3A_87 = vector.broadcast %div3A_63 : vector<2000x1xf32> to vector<2000x128xf32>
    %sub3A_88 = arith.subf %get3A_4, %sub3A_87 : vector<2000x128xf32>
    %mul3A_89 = vector.broadcast %get3A_56 : vector<1x128xf32> to vector<2000x128xf32>
    %mul3A_90 = arith.mulf %sub3A_88, %mul3A_89 : vector<2000x128xf32>
    %rsqrt3A = math.rsqrt %add3A_86 : vector<2000x1xf32>
    %mul3A_91 = vector.broadcast %rsqrt3A : vector<2000x1xf32> to vector<2000x128xf32>
    %mul3A_92 = arith.mulf %mul3A_90, %mul3A_91 : vector<2000x128xf32>
    %add3A_93 = vector.broadcast %get3A_59 : vector<1x128xf32> to vector<2000x128xf32>
    %add3A_94 = arith.addf %mul3A_92, %add3A_93 : vector<2000x128xf32>
    %get3A_95 = arith.constant 0 : index
    %get3A_96 = arith.constant 0 : index
    %get3A_97 = vector.load %arg14[%get3A_95, %get3A_96] : memref<1x128xf32, #tpu.memory_space<vmem>>, vector<1x128xf32>
    %get3A_98 = arith.constant 0 : index
    %get3A_99 = arith.constant 0 : index
    %get3A_100 = vector.load %arg15[%get3A_98, %get3A_99] : memref<1x128xf32, #tpu.memory_space<vmem>>, vector<1x128xf32>
    %reduce_sum3A_101 = arith.constant dense<0.000000e+00> : vector<2000xf32>
    %reduce_sum3A_102 = vector.multi_reduction <add>, %mul3A_53, %reduce_sum3A_101 [1] : vector<2000x128xf32> to vector<2000xf32>
    %broadcast_in_dim3A_103 = vector.shape_cast %reduce_sum3A_102 : vector<2000xf32> to vector<2000x1xf32>
    %div3A_104 = arith.constant 1.280000e+02 : f32
    %div3A_105 = vector.broadcast %div3A_104 : f32 to vector<2000x1xf32>
    %div3A_106 = arith.divf %broadcast_in_dim3A_103, %div3A_105 : vector<2000x1xf32>
    %jit3A_107 = arith.constant 0 : i32
    %reduce_sum3A_108 = arith.constant dense<0.000000e+00> : vector<2000xf32>
    %reduce_sum3A_109 = vector.multi_reduction <add>, %mul3A_53, %reduce_sum3A_108 [1] : vector<2000x128xf32> to vector<2000xf32>
    %broadcast_in_dim3A_110 = vector.shape_cast %reduce_sum3A_109 : vector<2000xf32> to vector<2000x1xf32>
    %div3A_111 = arith.constant 1.280000e+02 : f32
    %div3A_112 = vector.broadcast %div3A_111 : f32 to vector<2000x1xf32>
    %div3A_113 = arith.divf %broadcast_in_dim3A_110, %div3A_112 : vector<2000x1xf32>
    %sub3A_114 = vector.broadcast %div3A_113 : vector<2000x1xf32> to vector<2000x128xf32>
    %sub3A_115 = arith.subf %mul3A_53, %sub3A_114 : vector<2000x128xf32>
    %square3A_116 = arith.mulf %sub3A_115, %sub3A_115 : vector<2000x128xf32>
    %convert_element_type3A_117 = arith.sitofp %jit3A_107 : i32 to f32
    %sub3A_118 = arith.constant 1.280000e+02 : f32
    %sub3A_119 = arith.subf %sub3A_118, %convert_element_type3A_117 : f32
    %reduce_sum3A_120 = arith.constant dense<0.000000e+00> : vector<2000xf32>
    %reduce_sum3A_121 = vector.multi_reduction <add>, %square3A_116, %reduce_sum3A_120 [1] : vector<2000x128xf32> to vector<2000xf32>
    %broadcast_in_dim3A_122 = vector.shape_cast %reduce_sum3A_121 : vector<2000xf32> to vector<2000x1xf32>
    %div3A_123 = vector.broadcast %sub3A_119 : f32 to vector<2000x1xf32>
    %div3A_124 = arith.divf %broadcast_in_dim3A_122, %div3A_123 : vector<2000x1xf32>
    %gt3A_125 = arith.constant 0.000000e+00 : f32
    %gt3A_126 = arith.cmpf ogt, %sub3A_119, %gt3A_125 : f32
    %jit3A_127 = arith.constant 0x7FC00000 : f32
    %broadcast_in_dim3A_128 = vector.broadcast %jit3A_127 : f32 to vector<2000x1xf32>
    %select_n3A_129 = arith.select %gt3A_126, %div3A_124, %broadcast_in_dim3A_128 : vector<2000x1xf32>
    %add3A_130 = arith.constant 9.99999971E-10 : f32
    %add3A_131 = vector.broadcast %add3A_130 : f32 to vector<2000x1xf32>
    %add3A_132 = arith.addf %select_n3A_129, %add3A_131 : vector<2000x1xf32>
    %sub3A_133 = vector.broadcast %div3A_106 : vector<2000x1xf32> to vector<2000x128xf32>
    %sub3A_134 = arith.subf %mul3A_53, %sub3A_133 : vector<2000x128xf32>
    %mul3A_135 = vector.broadcast %get3A_97 : vector<1x128xf32> to vector<2000x128xf32>
    %mul3A_136 = arith.mulf %sub3A_134, %mul3A_135 : vector<2000x128xf32>
    %rsqrt3A_137 = math.rsqrt %add3A_132 : vector<2000x1xf32>
    %mul3A_138 = vector.broadcast %rsqrt3A_137 : vector<2000x1xf32> to vector<2000x128xf32>
    %mul3A_139 = arith.mulf %mul3A_136, %mul3A_138 : vector<2000x128xf32>
    %add3A_140 = vector.broadcast %get3A_100 : vector<1x128xf32> to vector<2000x128xf32>
    %add3A_141 = arith.addf %mul3A_139, %add3A_140 : vector<2000x128xf32>
    %add3A_142 = arith.addf %add3A_94, %add3A_141 : vector<2000x128xf32>
    %swap3A = arith.constant 0 : index
    %swap3A_143 = arith.constant 0 : index
    %swap3A_144 = vector.load %arg16[%swap3A, %swap3A_143] : memref<2000x128xf32, #tpu.memory_space<vmem>>, vector<2000x128xf32>
    tpu.vector_store %arg16[%swap3A, %swap3A_143], %add3A_142 {strides = array<i32>} : memref<2000x128xf32, #tpu.memory_space<vmem>>, vector<2000x128xf32>,
    return
  }
  func.func @transform_0(%arg0: i32) -> (i32, i32) {
    %c0_i32 = arith.constant 0 : i32
    %c0_i32_0 = arith.constant 0 : i32
    return %arg0, %c0_i32 : i32, i32
  }
  func.func @transform_1(%arg0: i32) -> (i32, i32) {
    %c0_i32 = arith.constant 0 : i32
    %c0_i32_0 = arith.constant 0 : i32
    return %arg0, %c0_i32 : i32, i32
  }
  func.func @transform_2(%arg0: i32) -> (i32, i32) {
    %c0_i32 = arith.constant 0 : i32
    %c0_i32_0 = arith.constant 0 : i32
    return %arg0, %c0_i32 : i32, i32
  }
  func.func @transform_3(%arg0: i32) -> (i32, i32) {
    %c0_i32 = arith.constant 0 : i32
    %c0_i32_0 = arith.constant 0 : i32
    return %arg0, %c0_i32 : i32, i32
  }
  func.func @transform_4(%arg0: i32) -> (i32, i32) {
    %c0_i32 = arith.constant 0 : i32
    %c0_i32_0 = arith.constant 0 : i32
    return %arg0, %c0_i32 : i32, i32
  }
  func.func @transform_5(%arg0: i32) -> (i32, i32) {
    %c0_i32 = arith.constant 0 : i32
    %c0_i32_0 = arith.constant 0 : i32
    return %arg0, %c0_i32 : i32, i32
  }
  func.func @transform_6(%arg0: i32) -> (i32, i32) {
    %c0_i32 = arith.constant 0 : i32
    %c0_i32_0 = arith.constant 0 : i32
    return %arg0, %c0_i32 : i32, i32
  }
  func.func @transform_7(%arg0: i32) -> (i32, i32) {
    %c0_i32 = arith.constant 0 : i32
    %c0_i32_0 = arith.constant 0 : i32
    %c0_i32_1 = arith.constant 0 : i32
    return %c0_i32, %c0_i32_0 : i32, i32
  }
  func.func @transform_8(%arg0: i32) -> (i32, i32) {
    %c0_i32 = arith.constant 0 : i32
    %c0_i32_0 = arith.constant 0 : i32
    %c0_i32_1 = arith.constant 0 : i32
    return %c0_i32, %c0_i32_0 : i32, i32
  }
  func.func @transform_9(%arg0: i32) -> (i32, i32) {
    %c0_i32 = arith.constant 0 : i32
    %c0_i32_0 = arith.constant 0 : i32
    %c0_i32_1 = arith.constant 0 : i32
    return %c0_i32, %c0_i32_0 : i32, i32
  }
  func.func @transform_10(%arg0: i32) -> (i32, i32) {
    %c0_i32 = arith.constant 0 : i32
    %c0_i32_0 = arith.constant 0 : i32
    %c0_i32_1 = arith.constant 0 : i32
    return %c0_i32, %c0_i32_0 : i32, i32
  }
  func.func @transform_11(%arg0: i32) -> (i32, i32) {
    %c0_i32 = arith.constant 0 : i32
    %c0_i32_0 = arith.constant 0 : i32
    %c0_i32_1 = arith.constant 0 : i32
    return %c0_i32, %c0_i32_0 : i32, i32
  }
  func.func @transform_12(%arg0: i32) -> (i32, i32) {
    %c0_i32 = arith.constant 0 : i32
    %c0_i32_0 = arith.constant 0 : i32
    %c0_i32_1 = arith.constant 0 : i32
    return %c0_i32, %c0_i32_0 : i32, i32
  }
  func.func @transform_13(%arg0: i32) -> (i32, i32) {
    %c0_i32 = arith.constant 0 : i32
    %c0_i32_0 = arith.constant 0 : i32
    %c0_i32_1 = arith.constant 0 : i32
    return %c0_i32, %c0_i32_0 : i32, i32
  }
  func.func @transform_14(%arg0: i32) -> (i32, i32) {
    %c0_i32 = arith.constant 0 : i32
    %c0_i32_0 = arith.constant 0 : i32
    %c0_i32_1 = arith.constant 0 : i32
    return %c0_i32, %c0_i32_0 : i32, i32
  }
  func.func @transform_15(%arg0: i32) -> (i32, i32) {
    %c0_i32 = arith.constant 0 : i32
    %c0_i32_0 = arith.constant 0 : i32
    return %arg0, %c0_i32 : i32, i32
  }
}

</mosaic_0001>

<sc_bundles>
// kernel: kernel.10.cloned.1.call-start
scs
__scs_entry_jumppad:
0x0: {  	(pc) =	sbr.rel $0x88, $3  }
0x1: {  	(tag) =	ssettag $0x0;
	lr =	simm.s32 $0x1  }
0x2: {  	[smem:$0x3F93] =	sst lr;
	_ =	strace $0xD0000000  }
0x3: {  	_ = 	snop  }
0x4: {  	_ = 	snop  }
0x5: {  	_ = 	snop  }
0x6: {  	_ = 	snop  }
0x7: {  	_ = 	snop  }
__scs_overlays_trampoline_lowered:
0x8: {  	[smem:$0x3FA2] =	sst s0  }
0x9: {  	[smem:$0x3FA3] =	sst s1  }
0xa: {  	[smem:$0x3FA4] =	sst s2  }
0xb: {  	[smem:$0x3FA5] =	sst s3  }
0xc: {  	[smem:$0x3FA6] =	sst s4  }
0xd: {  	[smem:$0x3FA7] =	sst s5  }
0xe: {  	[smem:$0x3FA8] =	sst s6  }
0xf: {  	[smem:$0x3FA9] =	sst s7  }
0x10: {  	[smem:$0x3FAA] =	sst s8  }
0x11: {  	[smem:$0x3FAB] =	sst s9;
	s0 =	simm.s32 @!p0 $0x0  }
0x12: {  	s1 =	sld [smem:$0x3F91];
	s0 =	simm.s32 @p0 $0x1  }
0x13: {  	[smem:$0x3FAC] =	sst s0;
	s0 =	simm.s32 @!p1 $0x0  }
0x14: {  	s2 =	sld [smem:$0x3F90];
	s0 =	simm.s32 @p1 $0x1  }
0x15: {  	[smem:$0x3FAD] =	sst s0;
	s0 =	simm.s32 @!p2 $0x0  }
0x16: {  	s3 =	sld [smem:$0x3FDB];
	s0 =	simm.s32 @p2 $0x1  }
0x17: {  	s4 =	simm.s32 $0x1BF5;
	[smem:$0x3FAF] =	sst s0  }
0x18: {  	s0 =	sld [smem:$0x3F92];
	_ =	swait.ge [sflag:s4], $0x0  }
0x19: {  	s7 =	sld [smem:$0x3F93]  }
0x1a: {  	s8 =	sadd.s32 $0xFFFFE003, lr  }
0x1b: {  	s9 =	sadd.s32 $0xFFFFFEF7, lr;
	s5 =	simm.s32 $0xFFFFFFFF;
	p2 =	slt.u32 s8, $0xFFFFF086  }
0x1c: {  	p1 =	slt.u32 s9, $0xF7A;
	s5 =	simm.s32 @!p2 $0x0  }
0x1d: {  	s5 =	simm.s32 @p1 $0x1;
	p0 =	seq.s32 s7, s2  }
0x1e: {  	s7 =	smul.u32 @!p0 $0xF7A, s2;
	p2 =	seq.s32 @!p0 s5, $0x0  }
0x1f: {  	s9 =	smul.u32 $0xF7A, s1;
	s8 =	simm.s32 @!p0 $0x1BF5;
	p2 =	por !p2, p0  }
0x20: {  	[sflag:s8] =	ssyncset.s32 @!p0 $0xFFFFF086;
	s6 =	sadd.s32 @!p0 s3, s7;
	s7 =	simm.s32 @!p0 $0x108  }
0x21: {  	s3 =	sadd.s32 s3, s9;
	s6 =	sadd.s32 @!p0 $0x88, s6;
	s7 =	simm.s32 @p2 $0x1082  }
0x22: {  	[simem:s7], [sflag:s8] =	dma.local @!p0 [hbm:s6], $0xF7A  }
0x23: {  	s9 =	sor.u32 $0xD0000000, s2;
	s6 =	simm.s32 $0x108;
	_ =	swait.ge @!p0 [sflag:s8], $0x0  }
0x24: {  	s3 =	sadd.s32 $0x88, s3;
	s6 =	simm.s32 @!p1 $0x1082;
	[sflag:s4] =	ssyncset.s32 $0xFFFFF086  }
0x25: {  	[simem:s6], [sflag:s4] =	dma.local [hbm:s3], $0xF7A  }
0x26: {  	[smem:$0x3F93] =	sst s1;
	(tag) =	ssettag s2;
	_ =	strace s9  }
0x27: {  	s1 =	sld [smem:$0x3FA3]  }
0x28: {  	s2 =	sld [smem:$0x3FA4]  }
0x29: {  	s4 =	sld [smem:$0x3FA6]  }
0x2a: {  	p0 =	seq.s32 s5, $0x0;
	s5 =	sld [smem:$0x3FA7]  }
0x2b: {  	s6 =	sld [smem:$0x3FA8]  }
0x2c: {  	s7 =	sld [smem:$0x3FA9]  }
0x2d: {  	s3 =	simm.s32 $0x108;
	s8 =	sld [smem:$0x3FAA]  }
0x2e: {  	s3 =	simm.s32 @!p0 $0x1082;
	s9 =	sld [smem:$0x3FAB]  }
0x2f: {  	lr =	sadd.s32 s0, s3;
	s0 =	sld [smem:$0x3FA2]  }
0x30: {  	s3 =	sld [smem:$0x3FA5]  }
0x31: {  	[smem:$0x3FAE] =	sst s10  }
0x32: {  	s10 =	sld [smem:$0x3FAC];
	_ =	sdelay $0x3  }
0x33: {  	p0 =	seq.s32 s10, $0x1;
	s10 =	sld [smem:$0x3FAE];
	_ =	sdelay $0x3  }
0x34: {  	[smem:$0x3FAE] =	sst s10  }
0x35: {  	s10 =	sld [smem:$0x3FAD];
	_ =	sdelay $0x3  }
0x36: {  	p1 =	seq.s32 s10, $0x1;
	s10 =	sld [smem:$0x3FAE];
	_ =	sdelay $0x3  }
0x37: {  	[smem:$0x3FAE] =	sst s10  }
0x38: {  	s10 =	sld [smem:$0x3FAF]  }
0x39: {  	_ = 	snop;
	(pc) =	sbr.ind lr, $3  }
0x3a: {  	_ = 	snop  }
0x3b: {  	_ = 	snop  }
0x3c: {  	p2 =	seq.s32 s10, $0x1;
	s10 =	sld [smem:$0x3FAE]  }
0x3d: {  	_ =	shalt  }
0x3e: {  	_ =	shalt  }
0x3f: {  	_ =	shalt  }
0x40: {  	_ =	shalt  }
0x41: {  	_ =	shalt  }
0x42: {  	_ =	shalt  }
0x43: {  	_ =	shalt  }
0x44: {  	_ =	shalt  }
0x45: {  	_ =	shalt  }
0x46: {  	_ =	shalt  }
0x47: {  	_ =	shalt  }
0x48: {  	_ =	shalt  }
0x49: {  	_ =	shalt  }
0x4a: {  	_ =	shalt  }
0x4b: {  	_ =	shalt  }
0x4c: {  	_ =	shalt  }
0x4d: {  	_ =	shalt  }
0x4e: {  	_ =	shalt  }
0x4f: {  	_ =	shalt  }
0x50: {  	_ =	shalt  }
0x51: {  	_ =	shalt  }
0x52: {  	_ =	shalt  }
0x53: {  	_ =	shalt  }
0x54: {  	_ =	shalt  }
0x55: {  	_ =	shalt  }
0x56: {  	_ =	shalt  }
0x57: {  	_ =	shalt  }
0x58: {  	_ =	shalt  }
0x59: {  	_ =	shalt  }
0x5a: {  	_ =	shalt  }
0x5b: {  	_ =	shalt  }
0x5c: {  	_ =	shalt  }
0x5d: {  	_ =	shalt  }
0x5e: {  	_ =	shalt  }
0x5f: {  	_ =	shalt  }
0x60: {  	_ =	shalt  }
0x61: {  	_ =	shalt  }
0x62: {  	_ =	shalt  }
0x63: {  	_ =	shalt  }
0x64: {  	_ =	shalt  }
0x65: {  	_ =	shalt  }
0x66: {  	_ =	shalt  }
0x67: {  	_ =	shalt  }
0x68: {  	_ =	shalt  }
0x69: {  	_ =	shalt  }
0x6a: {  	_ =	shalt  }
0x6b: {  	_ =	shalt  }
0x6c: {  	_ =	shalt  }
0x6d: {  	_ =	shalt  }
0x6e: {  	_ =	shalt  }
0x6f: {  	_ =	shalt  }
0x70: {  	_ =	shalt  }
0x71: {  	_ =	shalt  }
0x72: {  	_ =	shalt  }
0x73: {  	_ =	shalt  }
0x74: {  	_ =	shalt  }
0x75: {  	_ =	shalt  }
0x76: {  	_ =	shalt  }
0x77: {  	_ =	shalt  }
0x78: {  	_ =	shalt  }
0x79: {  	_ =	shalt  }
0x7a: {  	_ =	shalt  }
0x7b: {  	_ =	shalt  }
0x7c: {  	_ =	shalt  }
0x7d: {  	_ =	shalt  }
0x7e: {  	_ =	shalt  }
0x7f: {  	_ =	shalt  }
0x80: {  	_ =	shalt  }
0x81: {  	_ =	shalt  }
0x82: {  	_ =	shalt  }
0x83: {  	_ =	shalt  }
0x84: {  	_ =	shalt  }
0x85: {  	_ =	shalt  }
0x86: {  	_ =	shalt  }
0x87: {  	_ =	shalt  }
.Lfunc_end0:
.L_simem_size_0:
called_computation.1_lowered:
.L_overlay_start_0:
0x88: {  	s2 =	sld [smem:$0x3FD9]  }
0x89: {  	s3 =	sld [smem:$0x3FFE];
	_ =	sdelay $0x1  }
0x8a: {  	s1 =	srdreg.scid  }
0x8b: {  	s0 =	sand.u32 $0x1, s1  }
0x8c: {  	s17 =	sshll.u32 s0, $0xA;
	s2 =	sadd.s32 s3, s2  }
0x8d: {  	s2 =	sadd.s32 s2, s17  }
0x8e: {  	[smem:$0x3FBA] =	sst s2  }
0x8f: {  	_ = 	snop  }
0x90: {  	s18 =	sld [smem:$0x3FC9];
	(tm) =	ssettm $0x1  }
0x91: {  	s19 =	sld [smem:$0x3FFB];
	_ =	sdelay $0x3  }
0x92: {  	_ =	strace s19  }
0x93: {  	s2 =	sld [smem:$0x3FFC];
	_ =	sdelay $0x3  }
0x94: {  	_ =	strace s2  }
0x95: {  	s2 =	sld [smem:$0x3FFD];
	_ =	sdelay $0x3  }
0x96: {  	_ =	strace s2  }
0x97: {  	_ =	strace $0x8FFFFFFF  }
0x98: {  	s20 =	sld [smem:$0x3FDB];
	_ =	sdelay $0x1  }
0x99: {  	s4 =	simm.s32 $_scs_section_size  }
0x9a: {  	s5 =	simm.s32 $_size__tile_overlayer_lowered;
	s6 =	simm.s32 $_tile_overlayer_lowered  }
0x9b: {  	s7 =	simm.s32 $0x1BFF;
	s21 =	sshll.u32 s6, $0x1;
	s4 =	sadd.s32 s4, s20  }
0x9c: {  	s22 =	simm.s32 $0x0;
	s5 =	sshll.u32 s5, $0x1;
	s6 =	sadd.s32 s21, s4  }
0x9d: {  	[timem:s22], [sflag:s7] =	dma.local [hbm:s6], s5  }
0x9e: {  	_ =	swait.ge [sflag:s7], s5  }
0x9f: {  	s5 =	ssub.s32 $0x0, s5;
	[sflag:s7] =	ssyncset.done $0x0  }
0xa0: {  	[sflag:s7] =	ssyncadd.s32 s5;
	_ =	sdelay $0x1  }
0xa1: {  	s23 =	simm.s32 $0x1B8B  }
0xa2: {  	_ =	swait.ge [sflag:s23], $0x1  }
0xa3: {  	[sflag:s23] =	ssyncset.done $0x0  }
0xa4: {  	[sflag:s23] =	ssyncadd.s32 $0xFFFFFFFF  }
0xa5: {  	s5 =	sld [smem:$0x0]  }
0xa6: {  	s6 =	sand.u32 $0xFFFFFFFE, s1  }
0xa7: {  	p0 =	sne.s32 s1, s6  }
0xa8: {  	s6 =	sshll.u32 @p0 s6, $0xE  }
0xa9: {  	s6 =	sadd.s32 @p0 $0x11B8D, s6;
	s7 =	sshll.u32 @p0 s5, $0x11  }
0xaa: {  	s6 =	sor.u32 @p0 s7, s6  }
0xab: {  	[sflag:s6] =	ssyncadd.remote.s32 @p0 $0x1;
	_ =	sdelay $0x1  }
0xac: {  	s6 =	simm.s32 @p0 $0x1B8D  }
0xad: {  	_ =	swait.eq @p0 [sflag:s6], $0x1  }
0xae: {  	[sflag:s6] =	ssyncadd.s32 @p0 $0xFFFFFFFF  }
0xaf: {  	s7 =	sshll.u32 @!p0 s1, $0xE  }
0xb0: {  	s7 =	sor.u32 @!p0 $0x4000, s7;
	s6 =	simm.s32 @!p0 $0x1B8D  }
0xb1: {  	s5 =	sshll.u32 @!p0 s5, $0x11;
	s7 =	sadd.s32 @!p0 $0x11B8D, s7;
	_ =	swait.eq @!p0 [sflag:s6], $0x1  }
0xb2: {  	s5 =	sor.u32 @!p0 s5, s7;
	[sflag:s6] =	ssyncadd.s32 @!p0 $0xFFFFFFFF  }
0xb3: {  	s25 =	simm.s32 $0x1B8E;
	s24 =	sld [smem:$0x3FFE];
	[sflag:s5] =	ssyncadd.remote.s32 @!p0 $0x1  }
0xb4: {  	s26 =	simm.s32 $execute0_lowered;
	[smem:$0x3FD2] =	sst s25  }
0xb5: {  	s6 =	sshll.u32 s26, $0x1;
	_ =	strace $0x8000004C;
	[dreg:$0x1] =	wrdreg $0xFFFFFFFF  }
0xb6: {  	s28 =	simm.s32 $_size_execute0_lowered;
	s4 =	sadd.s32 s4, s6;
	[dreg:$0x0] =	wrdreg $0x0  }
0xb7: {  	s6 =	sshll.u32 s28, $0x1;
	[dreg:$0x2] =	wrdreg s4  }
0xb8: {  	[dreg:$0x3] =	wrdreg s6  }
0xb9: {  	[dreg:$0x4] =	wrdreg $0xC0  }
0xba: {  	_ =	task [dreg:s22], $0x5FFFF  }
0xbb: {  	[dreg:$0x1] =	wrdreg $0xFFFFFFFF  }
0xbc: {  	[dreg:$0x0] =	wrdreg $0x60  }
0xbd: {  	[dreg:$0x2] =	wrdreg s18  }
0xbe: {  	[dreg:$0x3] =	wrdreg s24  }
0xbf: {  	[dreg:$0x4] =	wrdreg $0x8C000  }
0xc0: {  	[dreg:$0x5] =	wrdreg $0xA  }
0xc1: {  	_ =	task.clear_ibuf [dreg:s22], $0x6FFFF;
	_ =	strace $0x9000004C  }
0xc2: {  	s29 =	simm.s32 $0xA;
	_ =	strace $0x8000004E  }
0xc3: {  	_ =	swait.ge [sflag:s29], $0x1  }
0xc4: {  	[sflag:s29] =	ssyncadd.s32 $0xFFFFFFFF  }
0xc5: {  	_ =	strace $0x9000004E  }
0xc6: {  	_ =	sfence  }
0xc7: {  	s30 =	sld [smem:$0x0];
	_ =	sdelay $0x2  }
0xc8: {  	s31 =	sshll.u32 s1, $0xD;
	s1 =	sshrl.u32 s1, $0x2  }
0xc9: {  	s4 =	sand.u32 $0x4000, s31;
	s1 =	sadd.s32 s1, s30  }
0xca: {  	s0 =	sor.u32 s4, s0;
	s1 =	sshll.u32 s1, $0x11  }
0xcb: {  	s0 =	sor.u32 s1, s0  }
0xcc: {  	s0 =	sadd.s32 $0x8F2B, s0  }
0xcd: {  	[sflag:s0] =	ssyncadd.remote.s32 $0x1  }
0xce: {  	_ =	sfence.sel $0xFFFF  }
0xcf: {  	[dreg:$0x0] =	wrdreg $0xFFFFFFFF;
	(pc) =	sbr.abs _section_cstart, $3  }
0xd0: {  	[dreg:$0x1] =	wrdreg $0xFFFFFFFF  }
0xd1: {  	_ =	task.clear_ibuf [dreg:s22], $0x2FFFF;
	_ =	strace $0x9FFFFFFF  }
0xd2: {  	(tm) =	ssettm $0x7FFFFFFF  }
0xd3: {  	_ =	shalt  }
tec
execute0_lowered:
.L_overlay_start_1:
0x0: {  	(tag) =	ssettag $0x1  }
0x1: {  	s1 =	rddreg [dreg:$0x0]  }
0x2: {  	s0 =	rddreg [dreg:$0x1]  }
0x3: {  	s2 =	rddreg [dreg:$0x2]  }
0x4: {  	s28 =	simm.s32 $0x0;
	s3 =	srdreg.scid;
	s7 =	stileid.u32  }
0x5: {  	s17 =	simm.s32 $0x5;
	s29 =	simm.s32 $0x4C00;
	s30 =	simm.s32 $0x1  }
0x6: {  	s31 =	simm.s32 $0x3;
	[smem:$0x7FF] =	sst s28;
	s4 =	sadd.s32 $0x21E00, s0  }
0x7: {  	s5 =	sadd.s32 $0x17E00, s0;
	s3 =	sand.u32 $0x1, s3;
	s6 =	sadd.s32 $0xF2200, s0  }
0x8: {  	s9 =	sadd.s32 $0x7A200, s0;
	s10 =	smul.u32 $0x50000, s7;
	s13 =	sadd.s32 $0xFC200, s0  }
0x9: {  	s14 =	sadd.s32 $0x123400, s0;
	s26 =	smul.u32 $0x4E000, s7;
	s11 =	sshll.u32 s7, $0x6  }
0xa: {  	s12 =	smul.u32 $0x2700, s7;
	s16 =	sadd.s32 $0x138000, s2;
	p1 =	sne.s32 s7, $0x0  }
0xb: {  	p2 =	seq.s32 s7, $0x0;
	_ =	strace $0x8000004D;
	[dreg:$0x5] =	wrdreg s9  }
0xc: {  	s8 =	ssub.s32 $0x2, s3;
	s24 =	sshll.u32 s3, $0x4;
	[dreg:$0x6] =	wrdreg s13  }
0xd: {  	s15 =	sor.u32 $0x1C05, s11;
	p0 =	seq.s32 s3, $0x1;
	[dreg:$0x7] =	wrdreg s14  }
0xe: {  	s22 =	sshrl.u32 s8, $0x1;
	s25 =	sshrl.u32 s10, $0x2;
	s10 =	sshrl.u32 s26, $0x2  }
0xf: {  	s13 =	sadd.s32 s13, s12;
	s18 =	sadd.s32 s14, s12;
	s26 =	sshrl.u32 s16, $0x3  }
0x10: {  	s14 =	simm.s32 $0x580;
	s12 =	simm.s32 $0x180;
	s16 =	simm.s32 $0x200  }
0x11: {  	s23 =	ssub.s32 s8, s22;
	s8 =	sor.u32 s7, s24;
	[dreg:$0xa] =	wrdreg s13  }
0x12: {  	s9 =	sadd.s32 s25, s2;
	s10 =	sadd.s32 s10, s2;
	[dreg:$0xb] =	wrdreg s18  }
0x13: {  	[dreg:$0x12] =	wrdreg s26;
	s26 =	simm.s32 $0xC00;
	s13 =	simm.s32 $0x4  }
0x14: {  	s18 =	simm.s32 $0x700;
	s7 =	simm.s32 $0x380;
	s11 =	smul.u32 $0xA, s8  }
0x15: {  	[dreg:$0x9] =	wrdreg s10;
	s0 =	smax.u32 s23, $0x1;
	s19 =	sadd.s32 $0x4000, s9  }
0x16: {  	s20 =	sadd.s32 $0x8000, s9;
	s21 =	sadd.s32 $0xC000, s9;
	s22 =	sadd.s32 $0x10000, s9  }
0x17: {  	s9 =	sshrl.u32 s9, $0x3;
	s10 =	smov.u32 s15;
	[dreg:$0xc] =	wrdreg s0  }
0x18: {  	s8 =	simm.s32 $0x100;
	s15 =	simm.s32 $0x680;
	[dreg:$0xd] =	wrdreg s9  }
0x19: {  	s0 =	sshrl.u32 s19, $0x3;
	s23 =	sshrl.u32 s20, $0x3;
	[dreg:$0x8] =	wrdreg s10  }
.Ltmp0:
0x1a: {  	s24 =	sshrl.u32 s21, $0x3;
	[dreg:$0xe] =	wrdreg s0;
	(pc) =	sbr.rel .LBB2_1-.Ltmp0, $4  }
0x1b: {  	v0 =	vlaneseq.u32;
	s25 =	sshrl.u32 s22, $0x3;
	s22 =	simm.s32 $0x400;
	[dreg:$0xf] =	wrdreg s23  }
0x1c: {  	v1 =	vor.u32 $0x10, v0;
	s9 =	simm.s32 $0x600;
	s19 =	simm.s32 $0x280;
	[dreg:$0x10] =	wrdreg s24  }
0x1d: {  	v2 =	vor.u32 $0x20, v0;
	v3 =	vor.u32 $0x30, v0;
	v4 =	vor.u32 $0x40, v0;
	s20 =	simm.s32 $0x780;
	s21 =	simm.s32 $0x300;
	[dreg:$0x11] =	wrdreg s25  }
0x1e: {  	v5 =	vor.u32 $0x50, v0;
	v6 =	vor.u32 $0x60, v0;
	v7 =	vor.u32 $0x70, v0;
	s23 =	simm.s32 $0x800;
	s24 =	simm.s32 $0x80;
	s25 =	simm.s32 $0x2  }
.LBB2_22:
0x1f: {  	s0 =	sadd.s32 $0x27000, s3;
	s3 =	rddreg [dreg:$0x12]  }
0x20: {  	[hbm:s0], [sflag:s10] =	dma.local [spmem:s3], $0x100  }
0x21: {  	_ =	swait.ge [sflag:s17], $0x100  }
0x22: {  	[sflag:s17] =	ssyncset.done $0x0  }
0x23: {  	[sflag:s17] =	ssyncadd.s32 $0xFFFFFF00  }
.LBB2_23:
0x24: {  	s28 =	sadd.s32 $0x1, s28;
	s0 =	rddreg [dreg:$0xc]  }
0x25: {  	p3 =	sne.s32 s28, s0  }
.Ltmp1:
0x26: {  	_ = 	snop;
	(pc) =	sbr.rel @!p3 .LBB2_24-.Ltmp1, $1  }
0x27: {  	_ =	sdelay $0x3  }
.LBB2_1:
0x28: {  	[dreg:$0x4] =	wrdreg s28  }
0x29: {  	s0 =	rddreg [dreg:$0x5]  }
0x2a: {  	s3 =	rddreg [dreg:$0xd]  }
0x2b: {  	[spmem:s3], [sflag:s10] =	dma.local [hbm:s0], $0x800  }
0x2c: {  	_ =	swait.ge [sflag:s17], $0x800  }
0x2d: {  	[sflag:s17] =	ssyncset.done $0x0  }
0x2e: {  	s28 =	rddreg [dreg:$0xe];
	[sflag:s17] =	ssyncadd.s32 $0xFFFFF800  }
0x2f: {  	[spmem:s28], [sflag:s10] =	dma.local [hbm:s0], $0x800  }
0x30: {  	_ =	swait.ge [sflag:s17], $0x800  }
0x31: {  	[sflag:s17] =	ssyncset.done $0x0  }
0x32: {  	s28 =	rddreg [dreg:$0xf];
	[sflag:s17] =	ssyncadd.s32 $0xFFFFF800  }
0x33: {  	[spmem:s28], [sflag:s10] =	dma.local [hbm:s0], $0x800  }
0x34: {  	_ =	swait.ge [sflag:s17], $0x800  }
0x35: {  	[sflag:s17] =	ssyncset.done $0x0  }
0x36: {  	s28 =	rddreg [dreg:$0x10];
	[sflag:s17] =	ssyncadd.s32 $0xFFFFF800  }
0x37: {  	[spmem:s28], [sflag:s10] =	dma.local [hbm:s0], $0x800  }
0x38: {  	_ =	swait.ge [sflag:s17], $0x800  }
0x39: {  	[sflag:s17] =	ssyncset.done $0x0  }
0x3a: {  	s28 =	rddreg [dreg:$0x11];
	[sflag:s17] =	ssyncadd.s32 $0xFFFFF800  }
0x3b: {  	[spmem:s28], [sflag:s10] =	dma.local [hbm:s0], $0x800  }
0x3c: {  	_ =	swait.ge [sflag:s17], $0x800  }
0x3d: {  	[sflag:s17] =	ssyncset.done $0x0  }
0x3e: {  	[sflag:s17] =	ssyncadd.s32 $0xFFFFF800  }
0x3f: {  	s10 =	simm.s32 $0x0;
	[bflag:$0x0] =	sbarrier.arrive $0xFFFF  }
.LBB2_2:
0x40: {  	s3 =	sadd.s32 s11, s10  }
0x41: {  	s3 =	sshll.u32 s3, $0x7  }
0x42: {  	s0 =	simm.s32 $0x0;
	s28 =	sadd.s32 s4, s3  }
0x43: {  	[tilespmem:s0], [sflag:$0x5] =	stream.linear.gather [hbm4b:s28+s0], $0x400, $0x38;
	[tilespmem:$0x1CC00] =	vst v63  }
0x44: {  	_ =	swait.ge [sflag:s17], $0x400  }
0x45: {  	[sflag:s17] =	ssyncset.done $0x0  }
0x46: {  	s28 =	sadd.s32 s5, s3;
	[sflag:s17] =	ssyncadd.s32 $0xFFFFFC00  }
0x47: {  	[tilespmem:s22], [sflag:$0x5] =	stream.linear.gather [hbm4b:s28+s0], $0x400, $0x38;
	[tilespmem:$0x1CC00] =	vst v63  }
0x48: {  	_ =	swait.ge [sflag:s17], $0x400  }
0x49: {  	[sflag:s17] =	ssyncset.done $0x0  }
0x4a: {  	s3 =	sadd.s32 s6, s3;
	[sflag:s17] =	ssyncadd.s32 $0xFFFFFC00  }
0x4b: {  	[tilespmem:s23], [sflag:$0x5] =	stream.linear.gather [hbm4b:s3+s0], $0x400, $0x38;
	[tilespmem:$0x1CC00] =	vst v63  }
0x4c: {  	_ =	swait.ge [sflag:s17], $0x400  }
0x4d: {  	[sflag:s17] =	ssyncset.done $0x0  }
0x4e: {  	[sflag:s17] =	ssyncadd.s32 $0xFFFFFC00  }
0x4f: {  	v8 =	vmov s0;
	[tilespmem:s26], [sflag:$0x1] =	stream.indirect.gather [hbm4b:s1+s24], $0x80, s22, s24, $0xb8;
	[tilespmem:$0x1CC00] =	vst v63  }
0x50: {  	v9 =	vshll.u32 v8, $0x7;
	s3 =	simm.s32 $0x480  }
0x51: {  	v10 =	vor.u32 v0, v9;
	[tilespmem:s29], [sflag:$0x2] =	stream.indirect.gather [hbm4b:s1+s24], $0x80, s3, s24, $0xb8;
	[tilespmem:$0x1CC00] =	vst v63  }
0x52: {  	_ =	swait.ge [sflag:s30], $0x4000  }
0x53: {  	[sflag:s30] =	ssyncset.done $0x0  }
0x54: {  	[sflag:s30] =	ssyncadd.s32 $0xFFFFC000  }
0x55: {  	v12 =	vld.idx.msk [tilespmem:v8+s23+$0x0], $0xffff  }
0x56: {  	v8 =	vld.idx.msk [tilespmem:v10+s26+$0x0], $0xffff;
	_ =	sdelay $0x2  }
0x57: {  	v11 =	vor.u32 v1, v9;
	_ =	sdelay $0x1  }
0x58: {  	v8 =	vmul.f32 v8, v12;
	_ =	sdelay $0x1  }
0x59: {  	[tilespmem:v10+s26+$0x0] =	vst.idx.msk $0xffff, v8  }
0x5a: {  	v8 =	vld.idx.msk [tilespmem:v11+s26+$0x0], $0xffff;
	_ =	sdelay $0x2  }
0x5b: {  	v10 =	vor.u32 v2, v9;
	_ =	sdelay $0x1  }
0x5c: {  	v8 =	vmul.f32 v8, v12;
	_ =	sdelay $0x1  }
0x5d: {  	[tilespmem:v11+s26+$0x0] =	vst.idx.msk $0xffff, v8  }
0x5e: {  	v8 =	vld.idx.msk [tilespmem:v10+s26+$0x0], $0xffff;
	_ =	sdelay $0x2  }
0x5f: {  	v11 =	vor.u32 v3, v9;
	_ =	sdelay $0x1  }
0x60: {  	v8 =	vmul.f32 v8, v12;
	_ =	sdelay $0x1  }
0x61: {  	[tilespmem:v10+s26+$0x0] =	vst.idx.msk $0xffff, v8  }
0x62: {  	v8 =	vld.idx.msk [tilespmem:v11+s26+$0x0], $0xffff;
	_ =	sdelay $0x2  }
0x63: {  	v10 =	vor.u32 v4, v9;
	_ =	sdelay $0x1  }
0x64: {  	v8 =	vmul.f32 v8, v12;
	_ =	sdelay $0x1  }
0x65: {  	[tilespmem:v11+s26+$0x0] =	vst.idx.msk $0xffff, v8  }
0x66: {  	v8 =	vld.idx.msk [tilespmem:v10+s26+$0x0], $0xffff;
	_ =	sdelay $0x2  }
0x67: {  	v11 =	vor.u32 v5, v9;
	_ =	sdelay $0x1  }
0x68: {  	v8 =	vmul.f32 v8, v12;
	_ =	sdelay $0x1  }
0x69: {  	[tilespmem:v10+s26+$0x0] =	vst.idx.msk $0xffff, v8  }
0x6a: {  	v8 =	vld.idx.msk [tilespmem:v11+s26+$0x0], $0xffff;
	_ =	sdelay $0x2  }
0x6b: {  	v10 =	vor.u32 v6, v9;
	_ =	sdelay $0x1  }
0x6c: {  	v8 =	vmul.f32 v8, v12;
	_ =	sdelay $0x1  }
0x6d: {  	[tilespmem:v11+s26+$0x0] =	vst.idx.msk $0xffff, v8  }
0x6e: {  	v8 =	vld.idx.msk [tilespmem:v10+s26+$0x0], $0xffff;
	_ =	sdelay $0x2  }
0x6f: {  	v9 =	vor.u32 v7, v9;
	_ =	sdelay $0x1  }
0x70: {  	v8 =	vmul.f32 v8, v12;
	_ =	sdelay $0x1  }
0x71: {  	[tilespmem:v10+s26+$0x0] =	vst.idx.msk $0xffff, v8  }
0x72: {  	v13 =	vld.idx.msk [tilespmem:v9+s26+$0x0], $0xffff  }
0x73: {  	s28 =	simm.s32 $0x1  }
0x74: {  	v11 =	vmov s28  }
0x75: {  	v8 =	vshll.u32 v11, $0x7  }
0x76: {  	v10 =	vor.u32 v0, v8  }
0x77: {  	s3 =	simm.s32 $0x2;
	v12 =	vmul.f32 v13, v12  }
.LBB2_3:
0x78: {  	_ = 	snop  }
0x79: {  	p3 =	sne.s32 s3, $0x7F;
	s28 =	smov.u32 s3;
	s3 =	sadd.s32 $0x1, s3;
	[tilespmem:v9+s26+$0x0] =	vst.idx.msk $0xffff, v12  }
0x7a: {  	v12 =	vld.idx.msk [tilespmem:v11+s23+$0x0], $0xffff  }
0x7b: {  	v9 =	vld.idx.msk [tilespmem:v10+s26+$0x0], $0xffff;
	_ =	sdelay $0x3  }
0x7c: {  	v11 =	vor.u32 v1, v8;
	_ =	sdelay $0x1  }
0x7d: {  	v9 =	vmul.f32 v9, v12;
	_ =	sdelay $0x1  }
0x7e: {  	[tilespmem:v10+s26+$0x0] =	vst.idx.msk $0xffff, v9  }
0x7f: {  	v9 =	vld.idx.msk [tilespmem:v11+s26+$0x0], $0xffff;
	_ =	sdelay $0x3  }
0x80: {  	v10 =	vor.u32 v2, v8;
	_ =	sdelay $0x1  }
0x81: {  	v9 =	vmul.f32 v9, v12;
	_ =	sdelay $0x1  }
0x82: {  	[tilespmem:v11+s26+$0x0] =	vst.idx.msk $0xffff, v9  }
0x83: {  	v9 =	vld.idx.msk [tilespmem:v10+s26+$0x0], $0xffff;
	_ =	sdelay $0x3  }
0x84: {  	v11 =	vor.u32 v3, v8;
	_ =	sdelay $0x1  }
0x85: {  	v9 =	vmul.f32 v9, v12;
	_ =	sdelay $0x1  }
0x86: {  	[tilespmem:v10+s26+$0x0] =	vst.idx.msk $0xffff, v9  }
0x87: {  	v9 =	vld.idx.msk [tilespmem:v11+s26+$0x0], $0xffff;
	_ =	sdelay $0x3  }
0x88: {  	v10 =	vor.u32 v4, v8;
	_ =	sdelay $0x1  }
0x89: {  	v9 =	vmul.f32 v9, v12;
	_ =	sdelay $0x1  }
0x8a: {  	[tilespmem:v11+s26+$0x0] =	vst.idx.msk $0xffff, v9  }
0x8b: {  	v9 =	vld.idx.msk [tilespmem:v10+s26+$0x0], $0xffff;
	_ =	sdelay $0x3  }
0x8c: {  	v11 =	vor.u32 v5, v8;
	_ =	sdelay $0x1  }
0x8d: {  	v9 =	vmul.f32 v9, v12;
	_ =	sdelay $0x1  }
0x8e: {  	[tilespmem:v10+s26+$0x0] =	vst.idx.msk $0xffff, v9  }
0x8f: {  	v9 =	vld.idx.msk [tilespmem:v11+s26+$0x0], $0xffff;
	_ =	sdelay $0x3  }
0x90: {  	v10 =	vor.u32 v6, v8;
	_ =	sdelay $0x1  }
0x91: {  	v9 =	vmul.f32 v9, v12;
	_ =	sdelay $0x1  }
0x92: {  	[tilespmem:v11+s26+$0x0] =	vst.idx.msk $0xffff, v9  }
0x93: {  	v11 =	vld.idx.msk [tilespmem:v10+s26+$0x0], $0xffff;
	_ =	sdelay $0x3  }
0x94: {  	v9 =	vor.u32 v7, v8;
	_ =	sdelay $0x1  }
0x95: {  	v8 =	vmul.f32 v11, v12;
	_ =	sdelay $0x1  }
0x96: {  	[tilespmem:v10+s26+$0x0] =	vst.idx.msk $0xffff, v8  }
0x97: {  	v13 =	vld.idx.msk [tilespmem:v9+s26+$0x0], $0xffff;
	_ =	sdelay $0x1  }
.Ltmp2:
0x98: {  	(pc) =	sbr.rel @p3 .LBB2_3-.Ltmp2, $4  }
0x99: {  	v11 =	vmov s28  }
0x9a: {  	v8 =	vshll.u32 v11, $0x7  }
0x9b: {  	v10 =	vor.u32 v0, v8  }
0x9c: {  	v12 =	vmul.f32 v13, v12  }
0x9d: {  	_ =	sdelay $0x3  }
0x9e: {  	[tilespmem:v9+s26+$0x0] =	vst.idx.msk $0xffff, v12  }
0x9f: {  	v9 =	vld.idx.msk [tilespmem:v11+s23+$0x0], $0xffff  }
0xa0: {  	v11 =	vld.idx.msk [tilespmem:v10+s26+$0x0], $0xffff;
	_ =	sdelay $0x2  }
0xa1: {  	v12 =	vor.u32 v1, v8;
	_ =	sdelay $0x1  }
0xa2: {  	v11 =	vmul.f32 v11, v9;
	_ =	sdelay $0x1  }
0xa3: {  	[tilespmem:v10+s26+$0x0] =	vst.idx.msk $0xffff, v11  }
0xa4: {  	v10 =	vld.idx.msk [tilespmem:v12+s26+$0x0], $0xffff;
	_ =	sdelay $0x2  }
0xa5: {  	v11 =	vor.u32 v2, v8;
	_ =	sdelay $0x1  }
0xa6: {  	v10 =	vmul.f32 v10, v9;
	_ =	sdelay $0x1  }
0xa7: {  	[tilespmem:v12+s26+$0x0] =	vst.idx.msk $0xffff, v10  }
0xa8: {  	v10 =	vld.idx.msk [tilespmem:v11+s26+$0x0], $0xffff;
	_ =	sdelay $0x2  }
0xa9: {  	v12 =	vor.u32 v3, v8;
	_ =	sdelay $0x1  }
0xaa: {  	v10 =	vmul.f32 v10, v9;
	_ =	sdelay $0x1  }
0xab: {  	[tilespmem:v11+s26+$0x0] =	vst.idx.msk $0xffff, v10  }
0xac: {  	v10 =	vld.idx.msk [tilespmem:v12+s26+$0x0], $0xffff;
	_ =	sdelay $0x2  }
0xad: {  	v11 =	vor.u32 v4, v8;
	_ =	sdelay $0x1  }
0xae: {  	v10 =	vmul.f32 v10, v9;
	_ =	sdelay $0x1  }
0xaf: {  	[tilespmem:v12+s26+$0x0] =	vst.idx.msk $0xffff, v10  }
0xb0: {  	v10 =	vld.idx.msk [tilespmem:v11+s26+$0x0], $0xffff;
	_ =	sdelay $0x2  }
0xb1: {  	v12 =	vor.u32 v5, v8;
	_ =	sdelay $0x1  }
0xb2: {  	v10 =	vmul.f32 v10, v9;
	_ =	sdelay $0x1  }
0xb3: {  	[tilespmem:v11+s26+$0x0] =	vst.idx.msk $0xffff, v10  }
0xb4: {  	v10 =	vld.idx.msk [tilespmem:v12+s26+$0x0], $0xffff;
	_ =	sdelay $0x2  }
0xb5: {  	v11 =	vor.u32 v6, v8;
	_ =	sdelay $0x1  }
0xb6: {  	v10 =	vmul.f32 v10, v9;
	_ =	sdelay $0x1  }
0xb7: {  	[tilespmem:v12+s26+$0x0] =	vst.idx.msk $0xffff, v10  }
0xb8: {  	v10 =	vld.idx.msk [tilespmem:v11+s26+$0x0], $0xffff;
	_ =	sdelay $0x2  }
0xb9: {  	v8 =	vor.u32 v7, v8;
	_ =	sdelay $0x1  }
0xba: {  	v10 =	vmul.f32 v10, v9;
	_ =	sdelay $0x1  }
0xbb: {  	[tilespmem:v11+s26+$0x0] =	vst.idx.msk $0xffff, v10  }
0xbc: {  	v10 =	vld.idx.msk [tilespmem:v8+s26+$0x0], $0xffff;
	_ =	sdelay $0x4  }
0xbd: {  	v9 =	vmul.f32 v10, v9;
	_ =	sdelay $0x1  }
0xbe: {  	s0 =	simm.s32 $0x0;
	[tilespmem:v8+s26+$0x0] =	vst.idx.msk $0xffff, v9  }
0xbf: {  	[spmem:s2] =	stream.indirect.scatter.add.f32 [tilespmem:s26], [sflag:$0x3], $0x80, s0, s24, $0xb8;
	[tilespmem:$0x1CC00] =	vst v63  }
0xc0: {  	_ =	swait.ge [sflag:s31], $0x4000  }
0xc1: {  	v8 =	vmov s0;
	[sflag:s31] =	ssyncset.done $0x0  }
0xc2: {  	s3 =	simm.s32 $0x500;
	v9 =	vor.u32 $0x80, v8;
	v8 =	vshll.u32 v8, $0x7;
	[sflag:s31] =	ssyncadd.s32 $0xFFFFC000  }
0xc3: {  	v10 =	vor.u32 v0, v8;
	[tilespmem:s26], [sflag:$0x1] =	stream.indirect.gather [hbm4b:s1+s24], $0x80, s3, s24, $0xb8;
	[tilespmem:$0x1CC00] =	vst v63  }
0xc4: {  	_ =	swait.ge [sflag:s25], $0x4000  }
0xc5: {  	[sflag:s25] =	ssyncset.done $0x0  }
0xc6: {  	[sflag:s25] =	ssyncadd.s32 $0xFFFFC000  }
0xc7: {  	v12 =	vld.idx.msk [tilespmem:v9+s23+$0x0], $0xffff  }
0xc8: {  	v9 =	vld.idx.msk [tilespmem:v10+s29+$0x0], $0xffff;
	_ =	sdelay $0x2  }
0xc9: {  	v11 =	vor.u32 v1, v8;
	_ =	sdelay $0x1  }
0xca: {  	v9 =	vmul.f32 v9, v12;
	_ =	sdelay $0x1  }
0xcb: {  	[tilespmem:v10+s29+$0x0] =	vst.idx.msk $0xffff, v9  }
0xcc: {  	v9 =	vld.idx.msk [tilespmem:v11+s29+$0x0], $0xffff;
	_ =	sdelay $0x2  }
0xcd: {  	v10 =	vor.u32 v2, v8;
	_ =	sdelay $0x1  }
0xce: {  	v9 =	vmul.f32 v9, v12;
	_ =	sdelay $0x1  }
0xcf: {  	[tilespmem:v11+s29+$0x0] =	vst.idx.msk $0xffff, v9  }
0xd0: {  	v9 =	vld.idx.msk [tilespmem:v10+s29+$0x0], $0xffff;
	_ =	sdelay $0x2  }
0xd1: {  	v11 =	vor.u32 v3, v8;
	_ =	sdelay $0x1  }
0xd2: {  	v9 =	vmul.f32 v9, v12;
	_ =	sdelay $0x1  }
0xd3: {  	[tilespmem:v10+s29+$0x0] =	vst.idx.msk $0xffff, v9  }
0xd4: {  	v9 =	vld.idx.msk [tilespmem:v11+s29+$0x0], $0xffff;
	_ =	sdelay $0x2  }
0xd5: {  	v10 =	vor.u32 v4, v8;
	_ =	sdelay $0x1  }
0xd6: {  	v9 =	vmul.f32 v9, v12;
	_ =	sdelay $0x1  }
0xd7: {  	[tilespmem:v11+s29+$0x0] =	vst.idx.msk $0xffff, v9  }
0xd8: {  	v9 =	vld.idx.msk [tilespmem:v10+s29+$0x0], $0xffff;
	_ =	sdelay $0x2  }
0xd9: {  	v11 =	vor.u32 v5, v8;
	_ =	sdelay $0x1  }
0xda: {  	v9 =	vmul.f32 v9, v12;
	_ =	sdelay $0x1  }
0xdb: {  	[tilespmem:v10+s29+$0x0] =	vst.idx.msk $0xffff, v9  }
0xdc: {  	v9 =	vld.idx.msk [tilespmem:v11+s29+$0x0], $0xffff;
	_ =	sdelay $0x2  }
0xdd: {  	v10 =	vor.u32 v6, v8;
	_ =	sdelay $0x1  }
0xde: {  	v9 =	vmul.f32 v9, v12;
	_ =	sdelay $0x1  }
0xdf: {  	[tilespmem:v11+s29+$0x0] =	vst.idx.msk $0xffff, v9  }
0xe0: {  	v11 =	vld.idx.msk [tilespmem:v10+s29+$0x0], $0xffff;
	_ =	sdelay $0x2  }
0xe1: {  	v9 =	vor.u32 v7, v8;
	_ =	sdelay $0x1  }
0xe2: {  	v8 =	vmul.f32 v11, v12;
	_ =	sdelay $0x1  }
0xe3: {  	[tilespmem:v10+s29+$0x0] =	vst.idx.msk $0xffff, v8  }
0xe4: {  	v13 =	vld.idx.msk [tilespmem:v9+s29+$0x0], $0xffff  }
0xe5: {  	s28 =	simm.s32 $0x1  }
0xe6: {  	v10 =	vmov s28  }
0xe7: {  	v8 =	vshll.u32 v10, $0x7;
	v11 =	vor.u32 $0x80, v10  }
0xe8: {  	v10 =	vor.u32 v0, v8  }
0xe9: {  	s3 =	simm.s32 $0x2;
	v12 =	vmul.f32 v13, v12  }
.LBB2_5:
0xea: {  	_ = 	snop  }
0xeb: {  	p3 =	sne.s32 s3, $0x7F;
	s28 =	smov.u32 s3;
	s3 =	sadd.s32 $0x1, s3;
	[tilespmem:v9+s29+$0x0] =	vst.idx.msk $0xffff, v12  }
0xec: {  	v12 =	vld.idx.msk [tilespmem:v11+s23+$0x0], $0xffff  }
0xed: {  	v9 =	vld.idx.msk [tilespmem:v10+s29+$0x0], $0xffff;
	_ =	sdelay $0x3  }
0xee: {  	v11 =	vor.u32 v1, v8;
	_ =	sdelay $0x1  }
0xef: {  	v9 =	vmul.f32 v9, v12;
	_ =	sdelay $0x1  }
0xf0: {  	[tilespmem:v10+s29+$0x0] =	vst.idx.msk $0xffff, v9  }
0xf1: {  	v9 =	vld.idx.msk [tilespmem:v11+s29+$0x0], $0xffff;
	_ =	sdelay $0x3  }
0xf2: {  	v10 =	vor.u32 v2, v8;
	_ =	sdelay $0x1  }
0xf3: {  	v9 =	vmul.f32 v9, v12;
	_ =	sdelay $0x1  }
0xf4: {  	[tilespmem:v11+s29+$0x0] =	vst.idx.msk $0xffff, v9  }
0xf5: {  	v9 =	vld.idx.msk [tilespmem:v10+s29+$0x0], $0xffff;
	_ =	sdelay $0x3  }
0xf6: {  	v11 =	vor.u32 v3, v8;
	_ =	sdelay $0x1  }
0xf7: {  	v9 =	vmul.f32 v9, v12;
	_ =	sdelay $0x1  }
0xf8: {  	[tilespmem:v10+s29+$0x0] =	vst.idx.msk $0xffff, v9  }
0xf9: {  	v9 =	vld.idx.msk [tilespmem:v11+s29+$0x0], $0xffff;
	_ =	sdelay $0x3  }
0xfa: {  	v10 =	vor.u32 v4, v8;
	_ =	sdelay $0x1  }
0xfb: {  	v9 =	vmul.f32 v9, v12;
	_ =	sdelay $0x1  }
0xfc: {  	[tilespmem:v11+s29+$0x0] =	vst.idx.msk $0xffff, v9  }
0xfd: {  	v9 =	vld.idx.msk [tilespmem:v10+s29+$0x0], $0xffff;
	_ =	sdelay $0x3  }
0xfe: {  	v11 =	vor.u32 v5, v8;
	_ =	sdelay $0x1  }
0xff: {  	v9 =	vmul.f32 v9, v12;
	_ =	sdelay $0x1  }
0x100: {  	[tilespmem:v10+s29+$0x0] =	vst.idx.msk $0xffff, v9  }
0x101: {  	v9 =	vld.idx.msk [tilespmem:v11+s29+$0x0], $0xffff;
	_ =	sdelay $0x3  }
0x102: {  	v10 =	vor.u32 v6, v8;
	_ =	sdelay $0x1  }
0x103: {  	v9 =	vmul.f32 v9, v12;
	_ =	sdelay $0x1  }
0x104: {  	[tilespmem:v11+s29+$0x0] =	vst.idx.msk $0xffff, v9  }
0x105: {  	v11 =	vld.idx.msk [tilespmem:v10+s29+$0x0], $0xffff;
	_ =	sdelay $0x3  }
0x106: {  	v9 =	vor.u32 v7, v8;
	_ =	sdelay $0x1  }
0x107: {  	v8 =	vmul.f32 v11, v12;
	_ =	sdelay $0x1  }
0x108: {  	[tilespmem:v10+s29+$0x0] =	vst.idx.msk $0xffff, v8  }
0x109: {  	v13 =	vld.idx.msk [tilespmem:v9+s29+$0x0], $0xffff;
	_ =	sdelay $0x1  }
.Ltmp3:
0x10a: {  	(pc) =	sbr.rel @p3 .LBB2_5-.Ltmp3, $4  }
0x10b: {  	v8 =	vmov s28  }
0x10c: {  	v11 =	vor.u32 $0x80, v8;
	v8 =	vshll.u32 v8, $0x7  }
0x10d: {  	v10 =	vor.u32 v0, v8  }
0x10e: {  	v12 =	vmul.f32 v13, v12  }
0x10f: {  	_ =	sdelay $0x3  }
0x110: {  	[tilespmem:v9+s29+$0x0] =	vst.idx.msk $0xffff, v12  }
0x111: {  	v9 =	vld.idx.msk [tilespmem:v11+s23+$0x0], $0xffff  }
0x112: {  	v11 =	vld.idx.msk [tilespmem:v10+s29+$0x0], $0xffff;
	_ =	sdelay $0x2  }
0x113: {  	v12 =	vor.u32 v1, v8;
	_ =	sdelay $0x1  }
0x114: {  	v11 =	vmul.f32 v11, v9;
	_ =	sdelay $0x1  }
0x115: {  	[tilespmem:v10+s29+$0x0] =	vst.idx.msk $0xffff, v11  }
0x116: {  	v10 =	vld.idx.msk [tilespmem:v12+s29+$0x0], $0xffff;
	_ =	sdelay $0x2  }
0x117: {  	v11 =	vor.u32 v2, v8;
	_ =	sdelay $0x1  }
0x118: {  	v10 =	vmul.f32 v10, v9;
	_ =	sdelay $0x1  }
0x119: {  	[tilespmem:v12+s29+$0x0] =	vst.idx.msk $0xffff, v10  }
0x11a: {  	v10 =	vld.idx.msk [tilespmem:v11+s29+$0x0], $0xffff;
	_ =	sdelay $0x2  }
0x11b: {  	v12 =	vor.u32 v3, v8;
	_ =	sdelay $0x1  }
0x11c: {  	v10 =	vmul.f32 v10, v9;
	_ =	sdelay $0x1  }
0x11d: {  	[tilespmem:v11+s29+$0x0] =	vst.idx.msk $0xffff, v10  }
0x11e: {  	v10 =	vld.idx.msk [tilespmem:v12+s29+$0x0], $0xffff;
	_ =	sdelay $0x2  }
0x11f: {  	v11 =	vor.u32 v4, v8;
	_ =	sdelay $0x1  }
0x120: {  	v10 =	vmul.f32 v10, v9;
	_ =	sdelay $0x1  }
0x121: {  	[tilespmem:v12+s29+$0x0] =	vst.idx.msk $0xffff, v10  }
0x122: {  	v10 =	vld.idx.msk [tilespmem:v11+s29+$0x0], $0xffff;
	_ =	sdelay $0x2  }
0x123: {  	v12 =	vor.u32 v5, v8;
	_ =	sdelay $0x1  }
0x124: {  	v10 =	vmul.f32 v10, v9;
	_ =	sdelay $0x1  }
0x125: {  	[tilespmem:v11+s29+$0x0] =	vst.idx.msk $0xffff, v10  }
0x126: {  	v10 =	vld.idx.msk [tilespmem:v12+s29+$0x0], $0xffff;
	_ =	sdelay $0x2  }
0x127: {  	v11 =	vor.u32 v6, v8;
	_ =	sdelay $0x1  }
0x128: {  	v10 =	vmul.f32 v10, v9;
	_ =	sdelay $0x1  }
0x129: {  	[tilespmem:v12+s29+$0x0] =	vst.idx.msk $0xffff, v10  }
0x12a: {  	v10 =	vld.idx.msk [tilespmem:v11+s29+$0x0], $0xffff;
	_ =	sdelay $0x2  }
0x12b: {  	v8 =	vor.u32 v7, v8;
	_ =	sdelay $0x1  }
0x12c: {  	v10 =	vmul.f32 v10, v9;
	_ =	sdelay $0x1  }
0x12d: {  	[tilespmem:v11+s29+$0x0] =	vst.idx.msk $0xffff, v10  }
0x12e: {  	v10 =	vld.idx.msk [tilespmem:v8+s29+$0x0], $0xffff;
	_ =	sdelay $0x4  }
0x12f: {  	v9 =	vmul.f32 v10, v9;
	_ =	sdelay $0x1  }
0x130: {  	[tilespmem:v8+s29+$0x0] =	vst.idx.msk $0xffff, v9  }
0x131: {  	[spmem:s2] =	stream.indirect.scatter.add.f32 [tilespmem:s29], [sflag:$0x4], $0x80, s24, s24, $0xb8;
	[tilespmem:$0x1CC00] =	vst v63  }
0x132: {  	s0 =	simm.s32 $0x0;
	_ =	swait.ge [sflag:s13], $0x4000  }
0x133: {  	v8 =	vmov s0;
	[sflag:s13] =	ssyncset.done $0x0  }
0x134: {  	v9 =	vor.u32 $0x100, v8;
	v8 =	vshll.u32 v8, $0x7;
	[sflag:s13] =	ssyncadd.s32 $0xFFFFC000  }
0x135: {  	v10 =	vor.u32 v0, v8;
	[tilespmem:s29], [sflag:$0x2] =	stream.indirect.gather [hbm4b:s1+s24], $0x80, s14, s24, $0xb8;
	[tilespmem:$0x1CC00] =	vst v63  }
0x136: {  	_ =	swait.ge [sflag:s30], $0x4000  }
0x137: {  	[sflag:s30] =	ssyncset.done $0x0  }
0x138: {  	[sflag:s30] =	ssyncadd.s32 $0xFFFFC000  }
0x139: {  	v12 =	vld.idx.msk [tilespmem:v9+s23+$0x0], $0xffff  }
0x13a: {  	v9 =	vld.idx.msk [tilespmem:v10+s26+$0x0], $0xffff;
	_ =	sdelay $0x2  }
0x13b: {  	v11 =	vor.u32 v1, v8;
	_ =	sdelay $0x1  }
0x13c: {  	v9 =	vmul.f32 v9, v12;
	_ =	sdelay $0x1  }
0x13d: {  	[tilespmem:v10+s26+$0x0] =	vst.idx.msk $0xffff, v9  }
0x13e: {  	v9 =	vld.idx.msk [tilespmem:v11+s26+$0x0], $0xffff;
	_ =	sdelay $0x2  }
0x13f: {  	v10 =	vor.u32 v2, v8;
	_ =	sdelay $0x1  }
0x140: {  	v9 =	vmul.f32 v9, v12;
	_ =	sdelay $0x1  }
0x141: {  	[tilespmem:v11+s26+$0x0] =	vst.idx.msk $0xffff, v9  }
0x142: {  	v9 =	vld.idx.msk [tilespmem:v10+s26+$0x0], $0xffff;
	_ =	sdelay $0x2  }
0x143: {  	v11 =	vor.u32 v3, v8;
	_ =	sdelay $0x1  }
0x144: {  	v9 =	vmul.f32 v9, v12;
	_ =	sdelay $0x1  }
0x145: {  	[tilespmem:v10+s26+$0x0] =	vst.idx.msk $0xffff, v9  }
0x146: {  	v9 =	vld.idx.msk [tilespmem:v11+s26+$0x0], $0xffff;
	_ =	sdelay $0x2  }
0x147: {  	v10 =	vor.u32 v4, v8;
	_ =	sdelay $0x1  }
0x148: {  	v9 =	vmul.f32 v9, v12;
	_ =	sdelay $0x1  }
0x149: {  	[tilespmem:v11+s26+$0x0] =	vst.idx.msk $0xffff, v9  }
0x14a: {  	v9 =	vld.idx.msk [tilespmem:v10+s26+$0x0], $0xffff;
	_ =	sdelay $0x2  }
0x14b: {  	v11 =	vor.u32 v5, v8;
	_ =	sdelay $0x1  }
0x14c: {  	v9 =	vmul.f32 v9, v12;
	_ =	sdelay $0x1  }
0x14d: {  	[tilespmem:v10+s26+$0x0] =	vst.idx.msk $0xffff, v9  }
0x14e: {  	v9 =	vld.idx.msk [tilespmem:v11+s26+$0x0], $0xffff;
	_ =	sdelay $0x2  }
0x14f: {  	v10 =	vor.u32 v6, v8;
	_ =	sdelay $0x1  }
0x150: {  	v9 =	vmul.f32 v9, v12;
	_ =	sdelay $0x1  }
0x151: {  	[tilespmem:v11+s26+$0x0] =	vst.idx.msk $0xffff, v9  }
0x152: {  	v11 =	vld.idx.msk [tilespmem:v10+s26+$0x0], $0xffff;
	_ =	sdelay $0x2  }
0x153: {  	v9 =	vor.u32 v7, v8;
	_ =	sdelay $0x1  }
0x154: {  	v8 =	vmul.f32 v11, v12;
	_ =	sdelay $0x1  }
0x155: {  	[tilespmem:v10+s26+$0x0] =	vst.idx.msk $0xffff, v8  }
0x156: {  	v13 =	vld.idx.msk [tilespmem:v9+s26+$0x0], $0xffff  }
0x157: {  	s28 =	simm.s32 $0x1  }
0x158: {  	v10 =	vmov s28  }
0x159: {  	v8 =	vshll.u32 v10, $0x7;
	v11 =	vor.u32 $0x100, v10  }
0x15a: {  	v10 =	vor.u32 v0, v8  }
0x15b: {  	s3 =	simm.s32 $0x2;
	v12 =	vmul.f32 v13, v12  }
.LBB2_7:
0x15c: {  	_ = 	snop  }
0x15d: {  	p3 =	sne.s32 s3, $0x7F;
	s28 =	smov.u32 s3;
	s3 =	sadd.s32 $0x1, s3;
	[tilespmem:v9+s26+$0x0] =	vst.idx.msk $0xffff, v12  }
0x15e: {  	v12 =	vld.idx.msk [tilespmem:v11+s23+$0x0], $0xffff  }
0x15f: {  	v9 =	vld.idx.msk [tilespmem:v10+s26+$0x0], $0xffff;
	_ =	sdelay $0x3  }
0x160: {  	v11 =	vor.u32 v1, v8;
	_ =	sdelay $0x1  }
0x161: {  	v9 =	vmul.f32 v9, v12;
	_ =	sdelay $0x1  }
0x162: {  	[tilespmem:v10+s26+$0x0] =	vst.idx.msk $0xffff, v9  }
0x163: {  	v9 =	vld.idx.msk [tilespmem:v11+s26+$0x0], $0xffff;
	_ =	sdelay $0x3  }
0x164: {  	v10 =	vor.u32 v2, v8;
	_ =	sdelay $0x1  }
0x165: {  	v9 =	vmul.f32 v9, v12;
	_ =	sdelay $0x1  }
0x166: {  	[tilespmem:v11+s26+$0x0] =	vst.idx.msk $0xffff, v9  }
0x167: {  	v9 =	vld.idx.msk [tilespmem:v10+s26+$0x0], $0xffff;
	_ =	sdelay $0x3  }
0x168: {  	v11 =	vor.u32 v3, v8;
	_ =	sdelay $0x1  }
0x169: {  	v9 =	vmul.f32 v9, v12;
	_ =	sdelay $0x1  }
0x16a: {  	[tilespmem:v10+s26+$0x0] =	vst.idx.msk $0xffff, v9  }
0x16b: {  	v9 =	vld.idx.msk [tilespmem:v11+s26+$0x0], $0xffff;
	_ =	sdelay $0x3  }
0x16c: {  	v10 =	vor.u32 v4, v8;
	_ =	sdelay $0x1  }
0x16d: {  	v9 =	vmul.f32 v9, v12;
	_ =	sdelay $0x1  }
0x16e: {  	[tilespmem:v11+s26+$0x0] =	vst.idx.msk $0xffff, v9  }
0x16f: {  	v9 =	vld.idx.msk [tilespmem:v10+s26+$0x0], $0xffff;
	_ =	sdelay $0x3  }
0x170: {  	v11 =	vor.u32 v5, v8;
	_ =	sdelay $0x1  }
0x171: {  	v9 =	vmul.f32 v9, v12;
	_ =	sdelay $0x1  }
0x172: {  	[tilespmem:v10+s26+$0x0] =	vst.idx.msk $0xffff, v9  }
0x173: {  	v9 =	vld.idx.msk [tilespmem:v11+s26+$0x0], $0xffff;
	_ =	sdelay $0x3  }
0x174: {  	v10 =	vor.u32 v6, v8;
	_ =	sdelay $0x1  }
0x175: {  	v9 =	vmul.f32 v9, v12;
	_ =	sdelay $0x1  }
0x176: {  	[tilespmem:v11+s26+$0x0] =	vst.idx.msk $0xffff, v9  }
0x177: {  	v11 =	vld.idx.msk [tilespmem:v10+s26+$0x0], $0xffff;
	_ =	sdelay $0x3  }
0x178: {  	v9 =	vor.u32 v7, v8;
	_ =	sdelay $0x1  }
0x179: {  	v8 =	vmul.f32 v11, v12;
	_ =	sdelay $0x1  }
0x17a: {  	[tilespmem:v10+s26+$0x0] =	vst.idx.msk $0xffff, v8  }
0x17b: {  	v13 =	vld.idx.msk [tilespmem:v9+s26+$0x0], $0xffff;
	_ =	sdelay $0x1  }
.Ltmp4:
0x17c: {  	(pc) =	sbr.rel @p3 .LBB2_7-.Ltmp4, $4  }
0x17d: {  	v8 =	vmov s28  }
0x17e: {  	v11 =	vor.u32 $0x100, v8;
	v8 =	vshll.u32 v8, $0x7  }
0x17f: {  	v10 =	vor.u32 v0, v8  }
0x180: {  	v12 =	vmul.f32 v13, v12  }
0x181: {  	_ =	sdelay $0x3  }
0x182: {  	[tilespmem:v9+s26+$0x0] =	vst.idx.msk $0xffff, v12  }
0x183: {  	v9 =	vld.idx.msk [tilespmem:v11+s23+$0x0], $0xffff  }
0x184: {  	v11 =	vld.idx.msk [tilespmem:v10+s26+$0x0], $0xffff;
	_ =	sdelay $0x2  }
0x185: {  	v12 =	vor.u32 v1, v8;
	_ =	sdelay $0x1  }
0x186: {  	v11 =	vmul.f32 v11, v9;
	_ =	sdelay $0x1  }
0x187: {  	[tilespmem:v10+s26+$0x0] =	vst.idx.msk $0xffff, v11  }
0x188: {  	v10 =	vld.idx.msk [tilespmem:v12+s26+$0x0], $0xffff;
	_ =	sdelay $0x2  }
0x189: {  	v11 =	vor.u32 v2, v8;
	_ =	sdelay $0x1  }
0x18a: {  	v10 =	vmul.f32 v10, v9;
	_ =	sdelay $0x1  }
0x18b: {  	[tilespmem:v12+s26+$0x0] =	vst.idx.msk $0xffff, v10  }
0x18c: {  	v10 =	vld.idx.msk [tilespmem:v11+s26+$0x0], $0xffff;
	_ =	sdelay $0x2  }
0x18d: {  	v12 =	vor.u32 v3, v8;
	_ =	sdelay $0x1  }
0x18e: {  	v10 =	vmul.f32 v10, v9;
	_ =	sdelay $0x1  }
0x18f: {  	[tilespmem:v11+s26+$0x0] =	vst.idx.msk $0xffff, v10  }
0x190: {  	v10 =	vld.idx.msk [tilespmem:v12+s26+$0x0], $0xffff;
	_ =	sdelay $0x2  }
0x191: {  	v11 =	vor.u32 v4, v8;
	_ =	sdelay $0x1  }
0x192: {  	v10 =	vmul.f32 v10, v9;
	_ =	sdelay $0x1  }
0x193: {  	[tilespmem:v12+s26+$0x0] =	vst.idx.msk $0xffff, v10  }
0x194: {  	v10 =	vld.idx.msk [tilespmem:v11+s26+$0x0], $0xffff;
	_ =	sdelay $0x2  }
0x195: {  	v12 =	vor.u32 v5, v8;
	_ =	sdelay $0x1  }
0x196: {  	v10 =	vmul.f32 v10, v9;
	_ =	sdelay $0x1  }
0x197: {  	[tilespmem:v11+s26+$0x0] =	vst.idx.msk $0xffff, v10  }
0x198: {  	v10 =	vld.idx.msk [tilespmem:v12+s26+$0x0], $0xffff;
	_ =	sdelay $0x2  }
0x199: {  	v11 =	vor.u32 v6, v8;
	_ =	sdelay $0x1  }
0x19a: {  	v10 =	vmul.f32 v10, v9;
	_ =	sdelay $0x1  }
0x19b: {  	[tilespmem:v12+s26+$0x0] =	vst.idx.msk $0xffff, v10  }
0x19c: {  	v10 =	vld.idx.msk [tilespmem:v11+s26+$0x0], $0xffff;
	_ =	sdelay $0x2  }
0x19d: {  	v8 =	vor.u32 v7, v8;
	_ =	sdelay $0x1  }
0x19e: {  	v10 =	vmul.f32 v10, v9;
	_ =	sdelay $0x1  }
0x19f: {  	[tilespmem:v11+s26+$0x0] =	vst.idx.msk $0xffff, v10  }
0x1a0: {  	v10 =	vld.idx.msk [tilespmem:v8+s26+$0x0], $0xffff;
	_ =	sdelay $0x4  }
0x1a1: {  	v9 =	vmul.f32 v10, v9;
	_ =	sdelay $0x1  }
0x1a2: {  	[tilespmem:v8+s26+$0x0] =	vst.idx.msk $0xffff, v9  }
0x1a3: {  	[spmem:s2] =	stream.indirect.scatter.add.f32 [tilespmem:s26], [sflag:$0x3], $0x80, s8, s24, $0xb8;
	[tilespmem:$0x1CC00] =	vst v63  }
0x1a4: {  	s0 =	simm.s32 $0x0;
	_ =	swait.ge [sflag:s31], $0x4000  }
0x1a5: {  	v8 =	vmov s0;
	[sflag:s31] =	ssyncset.done $0x0  }
0x1a6: {  	v9 =	vor.u32 $0x180, v8;
	v8 =	vshll.u32 v8, $0x7;
	[sflag:s31] =	ssyncadd.s32 $0xFFFFC000  }
0x1a7: {  	v10 =	vor.u32 v0, v8;
	[tilespmem:s26], [sflag:$0x1] =	stream.indirect.gather [hbm4b:s1+s24], $0x80, s9, s24, $0xb8;
	[tilespmem:$0x1CC00] =	vst v63  }
0x1a8: {  	_ =	swait.ge [sflag:s25], $0x4000  }
0x1a9: {  	[sflag:s25] =	ssyncset.done $0x0  }
0x1aa: {  	[sflag:s25] =	ssyncadd.s32 $0xFFFFC000  }
0x1ab: {  	v12 =	vld.idx.msk [tilespmem:v9+s23+$0x0], $0xffff  }
0x1ac: {  	v9 =	vld.idx.msk [tilespmem:v10+s29+$0x0], $0xffff;
	_ =	sdelay $0x2  }
0x1ad: {  	v11 =	vor.u32 v1, v8;
	_ =	sdelay $0x1  }
0x1ae: {  	v9 =	vmul.f32 v9, v12;
	_ =	sdelay $0x1  }
0x1af: {  	[tilespmem:v10+s29+$0x0] =	vst.idx.msk $0xffff, v9  }
0x1b0: {  	v9 =	vld.idx.msk [tilespmem:v11+s29+$0x0], $0xffff;
	_ =	sdelay $0x2  }
0x1b1: {  	v10 =	vor.u32 v2, v8;
	_ =	sdelay $0x1  }
0x1b2: {  	v9 =	vmul.f32 v9, v12;
	_ =	sdelay $0x1  }
0x1b3: {  	[tilespmem:v11+s29+$0x0] =	vst.idx.msk $0xffff, v9  }
0x1b4: {  	v9 =	vld.idx.msk [tilespmem:v10+s29+$0x0], $0xffff;
	_ =	sdelay $0x2  }
0x1b5: {  	v11 =	vor.u32 v3, v8;
	_ =	sdelay $0x1  }
0x1b6: {  	v9 =	vmul.f32 v9, v12;
	_ =	sdelay $0x1  }
0x1b7: {  	[tilespmem:v10+s29+$0x0] =	vst.idx.msk $0xffff, v9  }
0x1b8: {  	v9 =	vld.idx.msk [tilespmem:v11+s29+$0x0], $0xffff;
	_ =	sdelay $0x2  }
0x1b9: {  	v10 =	vor.u32 v4, v8;
	_ =	sdelay $0x1  }
0x1ba: {  	v9 =	vmul.f32 v9, v12;
	_ =	sdelay $0x1  }
0x1bb: {  	[tilespmem:v11+s29+$0x0] =	vst.idx.msk $0xffff, v9  }
0x1bc: {  	v9 =	vld.idx.msk [tilespmem:v10+s29+$0x0], $0xffff;
	_ =	sdelay $0x2  }
0x1bd: {  	v11 =	vor.u32 v5, v8;
	_ =	sdelay $0x1  }
0x1be: {  	v9 =	vmul.f32 v9, v12;
	_ =	sdelay $0x1  }
0x1bf: {  	[tilespmem:v10+s29+$0x0] =	vst.idx.msk $0xffff, v9  }
0x1c0: {  	v9 =	vld.idx.msk [tilespmem:v11+s29+$0x0], $0xffff;
	_ =	sdelay $0x2  }
0x1c1: {  	v10 =	vor.u32 v6, v8;
	_ =	sdelay $0x1  }
0x1c2: {  	v9 =	vmul.f32 v9, v12;
	_ =	sdelay $0x1  }
0x1c3: {  	[tilespmem:v11+s29+$0x0] =	vst.idx.msk $0xffff, v9  }
0x1c4: {  	v11 =	vld.idx.msk [tilespmem:v10+s29+$0x0], $0xffff;
	_ =	sdelay $0x2  }
0x1c5: {  	v9 =	vor.u32 v7, v8;
	_ =	sdelay $0x1  }
0x1c6: {  	v8 =	vmul.f32 v11, v12;
	_ =	sdelay $0x1  }
0x1c7: {  	[tilespmem:v10+s29+$0x0] =	vst.idx.msk $0xffff, v8  }
0x1c8: {  	v13 =	vld.idx.msk [tilespmem:v9+s29+$0x0], $0xffff  }
0x1c9: {  	s28 =	simm.s32 $0x1  }
0x1ca: {  	v10 =	vmov s28  }
0x1cb: {  	v8 =	vshll.u32 v10, $0x7;
	v11 =	vor.u32 $0x180, v10  }
0x1cc: {  	v10 =	vor.u32 v0, v8  }
0x1cd: {  	s3 =	simm.s32 $0x2;
	v12 =	vmul.f32 v13, v12  }
.LBB2_9:
0x1ce: {  	_ = 	snop  }
0x1cf: {  	p3 =	sne.s32 s3, $0x7F;
	s28 =	smov.u32 s3;
	s3 =	sadd.s32 $0x1, s3;
	[tilespmem:v9+s29+$0x0] =	vst.idx.msk $0xffff, v12  }
0x1d0: {  	v12 =	vld.idx.msk [tilespmem:v11+s23+$0x0], $0xffff  }
0x1d1: {  	v9 =	vld.idx.msk [tilespmem:v10+s29+$0x0], $0xffff;
	_ =	sdelay $0x3  }
0x1d2: {  	v11 =	vor.u32 v1, v8;
	_ =	sdelay $0x1  }
0x1d3: {  	v9 =	vmul.f32 v9, v12;
	_ =	sdelay $0x1  }
0x1d4: {  	[tilespmem:v10+s29+$0x0] =	vst.idx.msk $0xffff, v9  }
0x1d5: {  	v9 =	vld.idx.msk [tilespmem:v11+s29+$0x0], $0xffff;
	_ =	sdelay $0x3  }
0x1d6: {  	v10 =	vor.u32 v2, v8;
	_ =	sdelay $0x1  }
0x1d7: {  	v9 =	vmul.f32 v9, v12;
	_ =	sdelay $0x1  }
0x1d8: {  	[tilespmem:v11+s29+$0x0] =	vst.idx.msk $0xffff, v9  }
0x1d9: {  	v9 =	vld.idx.msk [tilespmem:v10+s29+$0x0], $0xffff;
	_ =	sdelay $0x3  }
0x1da: {  	v11 =	vor.u32 v3, v8;
	_ =	sdelay $0x1  }
0x1db: {  	v9 =	vmul.f32 v9, v12;
	_ =	sdelay $0x1  }
0x1dc: {  	[tilespmem:v10+s29+$0x0] =	vst.idx.msk $0xffff, v9  }
0x1dd: {  	v9 =	vld.idx.msk [tilespmem:v11+s29+$0x0], $0xffff;
	_ =	sdelay $0x3  }
0x1de: {  	v10 =	vor.u32 v4, v8;
	_ =	sdelay $0x1  }
0x1df: {  	v9 =	vmul.f32 v9, v12;
	_ =	sdelay $0x1  }
0x1e0: {  	[tilespmem:v11+s29+$0x0] =	vst.idx.msk $0xffff, v9  }
0x1e1: {  	v9 =	vld.idx.msk [tilespmem:v10+s29+$0x0], $0xffff;
	_ =	sdelay $0x3  }
0x1e2: {  	v11 =	vor.u32 v5, v8;
	_ =	sdelay $0x1  }
0x1e3: {  	v9 =	vmul.f32 v9, v12;
	_ =	sdelay $0x1  }
0x1e4: {  	[tilespmem:v10+s29+$0x0] =	vst.idx.msk $0xffff, v9  }
0x1e5: {  	v9 =	vld.idx.msk [tilespmem:v11+s29+$0x0], $0xffff;
	_ =	sdelay $0x3  }
0x1e6: {  	v10 =	vor.u32 v6, v8;
	_ =	sdelay $0x1  }
0x1e7: {  	v9 =	vmul.f32 v9, v12;
	_ =	sdelay $0x1  }
0x1e8: {  	[tilespmem:v11+s29+$0x0] =	vst.idx.msk $0xffff, v9  }
0x1e9: {  	v11 =	vld.idx.msk [tilespmem:v10+s29+$0x0], $0xffff;
	_ =	sdelay $0x3  }
0x1ea: {  	v9 =	vor.u32 v7, v8;
	_ =	sdelay $0x1  }
0x1eb: {  	v8 =	vmul.f32 v11, v12;
	_ =	sdelay $0x1  }
0x1ec: {  	[tilespmem:v10+s29+$0x0] =	vst.idx.msk $0xffff, v8  }
0x1ed: {  	v13 =	vld.idx.msk [tilespmem:v9+s29+$0x0], $0xffff;
	_ =	sdelay $0x1  }
.Ltmp5:
0x1ee: {  	(pc) =	sbr.rel @p3 .LBB2_9-.Ltmp5, $4  }
0x1ef: {  	v8 =	vmov s28  }
0x1f0: {  	v11 =	vor.u32 $0x180, v8;
	v8 =	vshll.u32 v8, $0x7  }
0x1f1: {  	v10 =	vor.u32 v0, v8  }
0x1f2: {  	v12 =	vmul.f32 v13, v12  }
0x1f3: {  	_ =	sdelay $0x3  }
0x1f4: {  	[tilespmem:v9+s29+$0x0] =	vst.idx.msk $0xffff, v12  }
0x1f5: {  	v9 =	vld.idx.msk [tilespmem:v11+s23+$0x0], $0xffff  }
0x1f6: {  	v11 =	vld.idx.msk [tilespmem:v10+s29+$0x0], $0xffff;
	_ =	sdelay $0x2  }
0x1f7: {  	v12 =	vor.u32 v1, v8;
	_ =	sdelay $0x1  }
0x1f8: {  	v11 =	vmul.f32 v11, v9;
	_ =	sdelay $0x1  }
0x1f9: {  	[tilespmem:v10+s29+$0x0] =	vst.idx.msk $0xffff, v11  }
0x1fa: {  	v10 =	vld.idx.msk [tilespmem:v12+s29+$0x0], $0xffff;
	_ =	sdelay $0x2  }
0x1fb: {  	v11 =	vor.u32 v2, v8;
	_ =	sdelay $0x1  }
0x1fc: {  	v10 =	vmul.f32 v10, v9;
	_ =	sdelay $0x1  }
0x1fd: {  	[tilespmem:v12+s29+$0x0] =	vst.idx.msk $0xffff, v10  }
0x1fe: {  	v10 =	vld.idx.msk [tilespmem:v11+s29+$0x0], $0xffff;
	_ =	sdelay $0x2  }
0x1ff: {  	v12 =	vor.u32 v3, v8;
	_ =	sdelay $0x1  }
0x200: {  	v10 =	vmul.f32 v10, v9;
	_ =	sdelay $0x1  }
0x201: {  	[tilespmem:v11+s29+$0x0] =	vst.idx.msk $0xffff, v10  }
0x202: {  	v10 =	vld.idx.msk [tilespmem:v12+s29+$0x0], $0xffff;
	_ =	sdelay $0x2  }
0x203: {  	v11 =	vor.u32 v4, v8;
	_ =	sdelay $0x1  }
0x204: {  	v10 =	vmul.f32 v10, v9;
	_ =	sdelay $0x1  }
0x205: {  	[tilespmem:v12+s29+$0x0] =	vst.idx.msk $0xffff, v10  }
0x206: {  	v10 =	vld.idx.msk [tilespmem:v11+s29+$0x0], $0xffff;
	_ =	sdelay $0x2  }
0x207: {  	v12 =	vor.u32 v5, v8;
	_ =	sdelay $0x1  }
0x208: {  	v10 =	vmul.f32 v10, v9;
	_ =	sdelay $0x1  }
0x209: {  	[tilespmem:v11+s29+$0x0] =	vst.idx.msk $0xffff, v10  }
0x20a: {  	v10 =	vld.idx.msk [tilespmem:v12+s29+$0x0], $0xffff;
	_ =	sdelay $0x2  }
0x20b: {  	v11 =	vor.u32 v6, v8;
	_ =	sdelay $0x1  }
0x20c: {  	v10 =	vmul.f32 v10, v9;
	_ =	sdelay $0x1  }
0x20d: {  	[tilespmem:v12+s29+$0x0] =	vst.idx.msk $0xffff, v10  }
0x20e: {  	v10 =	vld.idx.msk [tilespmem:v11+s29+$0x0], $0xffff;
	_ =	sdelay $0x2  }
0x20f: {  	v8 =	vor.u32 v7, v8;
	_ =	sdelay $0x1  }
0x210: {  	v10 =	vmul.f32 v10, v9;
	_ =	sdelay $0x1  }
0x211: {  	[tilespmem:v11+s29+$0x0] =	vst.idx.msk $0xffff, v10  }
0x212: {  	v10 =	vld.idx.msk [tilespmem:v8+s29+$0x0], $0xffff;
	_ =	sdelay $0x4  }
0x213: {  	v9 =	vmul.f32 v10, v9;
	_ =	sdelay $0x1  }
0x214: {  	[tilespmem:v8+s29+$0x0] =	vst.idx.msk $0xffff, v9  }
0x215: {  	[spmem:s2] =	stream.indirect.scatter.add.f32 [tilespmem:s29], [sflag:$0x4], $0x80, s12, s24, $0xb8;
	[tilespmem:$0x1CC00] =	vst v63  }
0x216: {  	s0 =	simm.s32 $0x0;
	_ =	swait.ge [sflag:s13], $0x4000  }
0x217: {  	v8 =	vmov s0;
	[sflag:s13] =	ssyncset.done $0x0  }
0x218: {  	v9 =	vor.u32 $0x200, v8;
	v8 =	vshll.u32 v8, $0x7;
	[sflag:s13] =	ssyncadd.s32 $0xFFFFC000  }
0x219: {  	v10 =	vor.u32 v0, v8;
	[tilespmem:s29], [sflag:$0x2] =	stream.indirect.gather [hbm4b:s1+s24], $0x80, s15, s24, $0xb8;
	[tilespmem:$0x1CC00] =	vst v63  }
0x21a: {  	_ =	swait.ge [sflag:s30], $0x4000  }
0x21b: {  	[sflag:s30] =	ssyncset.done $0x0  }
0x21c: {  	[sflag:s30] =	ssyncadd.s32 $0xFFFFC000  }
0x21d: {  	v12 =	vld.idx.msk [tilespmem:v9+s23+$0x0], $0xffff  }
0x21e: {  	v9 =	vld.idx.msk [tilespmem:v10+s26+$0x0], $0xffff;
	_ =	sdelay $0x2  }
0x21f: {  	v11 =	vor.u32 v1, v8;
	_ =	sdelay $0x1  }
0x220: {  	v9 =	vmul.f32 v9, v12;
	_ =	sdelay $0x1  }
0x221: {  	[tilespmem:v10+s26+$0x0] =	vst.idx.msk $0xffff, v9  }
0x222: {  	v9 =	vld.idx.msk [tilespmem:v11+s26+$0x0], $0xffff;
	_ =	sdelay $0x2  }
0x223: {  	v10 =	vor.u32 v2, v8;
	_ =	sdelay $0x1  }
0x224: {  	v9 =	vmul.f32 v9, v12;
	_ =	sdelay $0x1  }
0x225: {  	[tilespmem:v11+s26+$0x0] =	vst.idx.msk $0xffff, v9  }
0x226: {  	v9 =	vld.idx.msk [tilespmem:v10+s26+$0x0], $0xffff;
	_ =	sdelay $0x2  }
0x227: {  	v11 =	vor.u32 v3, v8;
	_ =	sdelay $0x1  }
0x228: {  	v9 =	vmul.f32 v9, v12;
	_ =	sdelay $0x1  }
0x229: {  	[tilespmem:v10+s26+$0x0] =	vst.idx.msk $0xffff, v9  }
0x22a: {  	v9 =	vld.idx.msk [tilespmem:v11+s26+$0x0], $0xffff;
	_ =	sdelay $0x2  }
0x22b: {  	v10 =	vor.u32 v4, v8;
	_ =	sdelay $0x1  }
0x22c: {  	v9 =	vmul.f32 v9, v12;
	_ =	sdelay $0x1  }
0x22d: {  	[tilespmem:v11+s26+$0x0] =	vst.idx.msk $0xffff, v9  }
0x22e: {  	v9 =	vld.idx.msk [tilespmem:v10+s26+$0x0], $0xffff;
	_ =	sdelay $0x2  }
0x22f: {  	v11 =	vor.u32 v5, v8;
	_ =	sdelay $0x1  }
0x230: {  	v9 =	vmul.f32 v9, v12;
	_ =	sdelay $0x1  }
0x231: {  	[tilespmem:v10+s26+$0x0] =	vst.idx.msk $0xffff, v9  }
0x232: {  	v9 =	vld.idx.msk [tilespmem:v11+s26+$0x0], $0xffff;
	_ =	sdelay $0x2  }
0x233: {  	v10 =	vor.u32 v6, v8;
	_ =	sdelay $0x1  }
0x234: {  	v9 =	vmul.f32 v9, v12;
	_ =	sdelay $0x1  }
0x235: {  	[tilespmem:v11+s26+$0x0] =	vst.idx.msk $0xffff, v9  }
0x236: {  	v11 =	vld.idx.msk [tilespmem:v10+s26+$0x0], $0xffff;
	_ =	sdelay $0x2  }
0x237: {  	v9 =	vor.u32 v7, v8;
	_ =	sdelay $0x1  }
0x238: {  	v8 =	vmul.f32 v11, v12;
	_ =	sdelay $0x1  }
0x239: {  	[tilespmem:v10+s26+$0x0] =	vst.idx.msk $0xffff, v8  }
0x23a: {  	v13 =	vld.idx.msk [tilespmem:v9+s26+$0x0], $0xffff  }
0x23b: {  	s28 =	simm.s32 $0x1  }
0x23c: {  	v10 =	vmov s28  }
0x23d: {  	v8 =	vshll.u32 v10, $0x7;
	v11 =	vor.u32 $0x200, v10  }
0x23e: {  	v10 =	vor.u32 v0, v8  }
0x23f: {  	s3 =	simm.s32 $0x2;
	v12 =	vmul.f32 v13, v12  }
.LBB2_11:
0x240: {  	_ = 	snop  }
0x241: {  	p3 =	sne.s32 s3, $0x7F;
	s28 =	smov.u32 s3;
	s3 =	sadd.s32 $0x1, s3;
	[tilespmem:v9+s26+$0x0] =	vst.idx.msk $0xffff, v12  }
0x242: {  	v12 =	vld.idx.msk [tilespmem:v11+s23+$0x0], $0xffff  }
0x243: {  	v9 =	vld.idx.msk [tilespmem:v10+s26+$0x0], $0xffff;
	_ =	sdelay $0x3  }
0x244: {  	v11 =	vor.u32 v1, v8;
	_ =	sdelay $0x1  }
0x245: {  	v9 =	vmul.f32 v9, v12;
	_ =	sdelay $0x1  }
0x246: {  	[tilespmem:v10+s26+$0x0] =	vst.idx.msk $0xffff, v9  }
0x247: {  	v9 =	vld.idx.msk [tilespmem:v11+s26+$0x0], $0xffff;
	_ =	sdelay $0x3  }
0x248: {  	v10 =	vor.u32 v2, v8;
	_ =	sdelay $0x1  }
0x249: {  	v9 =	vmul.f32 v9, v12;
	_ =	sdelay $0x1  }
0x24a: {  	[tilespmem:v11+s26+$0x0] =	vst.idx.msk $0xffff, v9  }
0x24b: {  	v9 =	vld.idx.msk [tilespmem:v10+s26+$0x0], $0xffff;
	_ =	sdelay $0x3  }
0x24c: {  	v11 =	vor.u32 v3, v8;
	_ =	sdelay $0x1  }
0x24d: {  	v9 =	vmul.f32 v9, v12;
	_ =	sdelay $0x1  }
0x24e: {  	[tilespmem:v10+s26+$0x0] =	vst.idx.msk $0xffff, v9  }
0x24f: {  	v9 =	vld.idx.msk [tilespmem:v11+s26+$0x0], $0xffff;
	_ =	sdelay $0x3  }
0x250: {  	v10 =	vor.u32 v4, v8;
	_ =	sdelay $0x1  }
0x251: {  	v9 =	vmul.f32 v9, v12;
	_ =	sdelay $0x1  }
0x252: {  	[tilespmem:v11+s26+$0x0] =	vst.idx.msk $0xffff, v9  }
0x253: {  	v9 =	vld.idx.msk [tilespmem:v10+s26+$0x0], $0xffff;
	_ =	sdelay $0x3  }
0x254: {  	v11 =	vor.u32 v5, v8;
	_ =	sdelay $0x1  }
0x255: {  	v9 =	vmul.f32 v9, v12;
	_ =	sdelay $0x1  }
0x256: {  	[tilespmem:v10+s26+$0x0] =	vst.idx.msk $0xffff, v9  }
0x257: {  	v9 =	vld.idx.msk [tilespmem:v11+s26+$0x0], $0xffff;
	_ =	sdelay $0x3  }
0x258: {  	v10 =	vor.u32 v6, v8;
	_ =	sdelay $0x1  }
0x259: {  	v9 =	vmul.f32 v9, v12;
	_ =	sdelay $0x1  }
0x25a: {  	[tilespmem:v11+s26+$0x0] =	vst.idx.msk $0xffff, v9  }
0x25b: {  	v11 =	vld.idx.msk [tilespmem:v10+s26+$0x0], $0xffff;
	_ =	sdelay $0x3  }
0x25c: {  	v9 =	vor.u32 v7, v8;
	_ =	sdelay $0x1  }
0x25d: {  	v8 =	vmul.f32 v11, v12;
	_ =	sdelay $0x1  }
0x25e: {  	[tilespmem:v10+s26+$0x0] =	vst.idx.msk $0xffff, v8  }
0x25f: {  	v13 =	vld.idx.msk [tilespmem:v9+s26+$0x0], $0xffff;
	_ =	sdelay $0x1  }
.Ltmp6:
0x260: {  	(pc) =	sbr.rel @p3 .LBB2_11-.Ltmp6, $4  }
0x261: {  	v8 =	vmov s28  }
0x262: {  	v11 =	vor.u32 $0x200, v8;
	v8 =	vshll.u32 v8, $0x7  }
0x263: {  	v10 =	vor.u32 v0, v8  }
0x264: {  	v12 =	vmul.f32 v13, v12  }
0x265: {  	_ =	sdelay $0x3  }
0x266: {  	[tilespmem:v9+s26+$0x0] =	vst.idx.msk $0xffff, v12  }
0x267: {  	v9 =	vld.idx.msk [tilespmem:v11+s23+$0x0], $0xffff  }
0x268: {  	v11 =	vld.idx.msk [tilespmem:v10+s26+$0x0], $0xffff;
	_ =	sdelay $0x2  }
0x269: {  	v12 =	vor.u32 v1, v8;
	_ =	sdelay $0x1  }
0x26a: {  	v11 =	vmul.f32 v11, v9;
	_ =	sdelay $0x1  }
0x26b: {  	[tilespmem:v10+s26+$0x0] =	vst.idx.msk $0xffff, v11  }
0x26c: {  	v10 =	vld.idx.msk [tilespmem:v12+s26+$0x0], $0xffff;
	_ =	sdelay $0x2  }
0x26d: {  	v11 =	vor.u32 v2, v8;
	_ =	sdelay $0x1  }
0x26e: {  	v10 =	vmul.f32 v10, v9;
	_ =	sdelay $0x1  }
0x26f: {  	[tilespmem:v12+s26+$0x0] =	vst.idx.msk $0xffff, v10  }
0x270: {  	v10 =	vld.idx.msk [tilespmem:v11+s26+$0x0], $0xffff;
	_ =	sdelay $0x2  }
0x271: {  	v12 =	vor.u32 v3, v8;
	_ =	sdelay $0x1  }
0x272: {  	v10 =	vmul.f32 v10, v9;
	_ =	sdelay $0x1  }
0x273: {  	[tilespmem:v11+s26+$0x0] =	vst.idx.msk $0xffff, v10  }
0x274: {  	v10 =	vld.idx.msk [tilespmem:v12+s26+$0x0], $0xffff;
	_ =	sdelay $0x2  }
0x275: {  	v11 =	vor.u32 v4, v8;
	_ =	sdelay $0x1  }
0x276: {  	v10 =	vmul.f32 v10, v9;
	_ =	sdelay $0x1  }
0x277: {  	[tilespmem:v12+s26+$0x0] =	vst.idx.msk $0xffff, v10  }
0x278: {  	v10 =	vld.idx.msk [tilespmem:v11+s26+$0x0], $0xffff;
	_ =	sdelay $0x2  }
0x279: {  	v12 =	vor.u32 v5, v8;
	_ =	sdelay $0x1  }
0x27a: {  	v10 =	vmul.f32 v10, v9;
	_ =	sdelay $0x1  }
0x27b: {  	[tilespmem:v11+s26+$0x0] =	vst.idx.msk $0xffff, v10  }
0x27c: {  	v10 =	vld.idx.msk [tilespmem:v12+s26+$0x0], $0xffff;
	_ =	sdelay $0x2  }
0x27d: {  	v11 =	vor.u32 v6, v8;
	_ =	sdelay $0x1  }
0x27e: {  	v10 =	vmul.f32 v10, v9;
	_ =	sdelay $0x1  }
0x27f: {  	[tilespmem:v12+s26+$0x0] =	vst.idx.msk $0xffff, v10  }
0x280: {  	v10 =	vld.idx.msk [tilespmem:v11+s26+$0x0], $0xffff;
	_ =	sdelay $0x2  }
0x281: {  	v8 =	vor.u32 v7, v8;
	_ =	sdelay $0x1  }
0x282: {  	v10 =	vmul.f32 v10, v9;
	_ =	sdelay $0x1  }
0x283: {  	[tilespmem:v11+s26+$0x0] =	vst.idx.msk $0xffff, v10  }
0x284: {  	v10 =	vld.idx.msk [tilespmem:v8+s26+$0x0], $0xffff;
	_ =	sdelay $0x4  }
0x285: {  	v9 =	vmul.f32 v10, v9;
	_ =	sdelay $0x1  }
0x286: {  	[tilespmem:v8+s26+$0x0] =	vst.idx.msk $0xffff, v9  }
0x287: {  	[spmem:s2] =	stream.indirect.scatter.add.f32 [tilespmem:s26], [sflag:$0x3], $0x80, s16, s24, $0xb8;
	[tilespmem:$0x1CC00] =	vst v63  }
0x288: {  	s0 =	simm.s32 $0x0;
	_ =	swait.ge [sflag:s31], $0x4000  }
0x289: {  	v8 =	vmov s0;
	[sflag:s31] =	ssyncset.done $0x0  }
0x28a: {  	v9 =	vor.u32 $0x280, v8;
	v8 =	vshll.u32 v8, $0x7;
	[sflag:s31] =	ssyncadd.s32 $0xFFFFC000  }
0x28b: {  	v10 =	vor.u32 v0, v8;
	[tilespmem:s26], [sflag:$0x1] =	stream.indirect.gather [hbm4b:s1+s24], $0x80, s18, s24, $0xb8;
	[tilespmem:$0x1CC00] =	vst v63  }
0x28c: {  	_ =	swait.ge [sflag:s25], $0x4000  }
0x28d: {  	[sflag:s25] =	ssyncset.done $0x0  }
0x28e: {  	[sflag:s25] =	ssyncadd.s32 $0xFFFFC000  }
0x28f: {  	v12 =	vld.idx.msk [tilespmem:v9+s23+$0x0], $0xffff  }
0x290: {  	v9 =	vld.idx.msk [tilespmem:v10+s29+$0x0], $0xffff;
	_ =	sdelay $0x2  }
0x291: {  	v11 =	vor.u32 v1, v8;
	_ =	sdelay $0x1  }
0x292: {  	v9 =	vmul.f32 v9, v12;
	_ =	sdelay $0x1  }
0x293: {  	[tilespmem:v10+s29+$0x0] =	vst.idx.msk $0xffff, v9  }
0x294: {  	v9 =	vld.idx.msk [tilespmem:v11+s29+$0x0], $0xffff;
	_ =	sdelay $0x2  }
0x295: {  	v10 =	vor.u32 v2, v8;
	_ =	sdelay $0x1  }
0x296: {  	v9 =	vmul.f32 v9, v12;
	_ =	sdelay $0x1  }
0x297: {  	[tilespmem:v11+s29+$0x0] =	vst.idx.msk $0xffff, v9  }
0x298: {  	v9 =	vld.idx.msk [tilespmem:v10+s29+$0x0], $0xffff;
	_ =	sdelay $0x2  }
0x299: {  	v11 =	vor.u32 v3, v8;
	_ =	sdelay $0x1  }
0x29a: {  	v9 =	vmul.f32 v9, v12;
	_ =	sdelay $0x1  }
0x29b: {  	[tilespmem:v10+s29+$0x0] =	vst.idx.msk $0xffff, v9  }
0x29c: {  	v9 =	vld.idx.msk [tilespmem:v11+s29+$0x0], $0xffff;
	_ =	sdelay $0x2  }
0x29d: {  	v10 =	vor.u32 v4, v8;
	_ =	sdelay $0x1  }
0x29e: {  	v9 =	vmul.f32 v9, v12;
	_ =	sdelay $0x1  }
0x29f: {  	[tilespmem:v11+s29+$0x0] =	vst.idx.msk $0xffff, v9  }
0x2a0: {  	v9 =	vld.idx.msk [tilespmem:v10+s29+$0x0], $0xffff;
	_ =	sdelay $0x2  }
0x2a1: {  	v11 =	vor.u32 v5, v8;
	_ =	sdelay $0x1  }
0x2a2: {  	v9 =	vmul.f32 v9, v12;
	_ =	sdelay $0x1  }
0x2a3: {  	[tilespmem:v10+s29+$0x0] =	vst.idx.msk $0xffff, v9  }
0x2a4: {  	v9 =	vld.idx.msk [tilespmem:v11+s29+$0x0], $0xffff;
	_ =	sdelay $0x2  }
0x2a5: {  	v10 =	vor.u32 v6, v8;
	_ =	sdelay $0x1  }
0x2a6: {  	v9 =	vmul.f32 v9, v12;
	_ =	sdelay $0x1  }
0x2a7: {  	[tilespmem:v11+s29+$0x0] =	vst.idx.msk $0xffff, v9  }
0x2a8: {  	v11 =	vld.idx.msk [tilespmem:v10+s29+$0x0], $0xffff;
	_ =	sdelay $0x2  }
0x2a9: {  	v9 =	vor.u32 v7, v8;
	_ =	sdelay $0x1  }
0x2aa: {  	v8 =	vmul.f32 v11, v12;
	_ =	sdelay $0x1  }
0x2ab: {  	[tilespmem:v10+s29+$0x0] =	vst.idx.msk $0xffff, v8  }
0x2ac: {  	v13 =	vld.idx.msk [tilespmem:v9+s29+$0x0], $0xffff  }
0x2ad: {  	s28 =	simm.s32 $0x1  }
0x2ae: {  	v10 =	vmov s28  }
0x2af: {  	v8 =	vshll.u32 v10, $0x7;
	v11 =	vor.u32 $0x280, v10  }
0x2b0: {  	v10 =	vor.u32 v0, v8  }
0x2b1: {  	s3 =	simm.s32 $0x2;
	v12 =	vmul.f32 v13, v12  }
.LBB2_13:
0x2b2: {  	_ = 	snop  }
0x2b3: {  	p3 =	sne.s32 s3, $0x7F;
	s28 =	smov.u32 s3;
	s3 =	sadd.s32 $0x1, s3;
	[tilespmem:v9+s29+$0x0] =	vst.idx.msk $0xffff, v12  }
0x2b4: {  	v12 =	vld.idx.msk [tilespmem:v11+s23+$0x0], $0xffff  }
0x2b5: {  	v9 =	vld.idx.msk [tilespmem:v10+s29+$0x0], $0xffff;
	_ =	sdelay $0x3  }
0x2b6: {  	v11 =	vor.u32 v1, v8;
	_ =	sdelay $0x1  }
0x2b7: {  	v9 =	vmul.f32 v9, v12;
	_ =	sdelay $0x1  }
0x2b8: {  	[tilespmem:v10+s29+$0x0] =	vst.idx.msk $0xffff, v9  }
0x2b9: {  	v9 =	vld.idx.msk [tilespmem:v11+s29+$0x0], $0xffff;
	_ =	sdelay $0x3  }
0x2ba: {  	v10 =	vor.u32 v2, v8;
	_ =	sdelay $0x1  }
0x2bb: {  	v9 =	vmul.f32 v9, v12;
	_ =	sdelay $0x1  }
0x2bc: {  	[tilespmem:v11+s29+$0x0] =	vst.idx.msk $0xffff, v9  }
0x2bd: {  	v9 =	vld.idx.msk [tilespmem:v10+s29+$0x0], $0xffff;
	_ =	sdelay $0x3  }
0x2be: {  	v11 =	vor.u32 v3, v8;
	_ =	sdelay $0x1  }
0x2bf: {  	v9 =	vmul.f32 v9, v12;
	_ =	sdelay $0x1  }
0x2c0: {  	[tilespmem:v10+s29+$0x0] =	vst.idx.msk $0xffff, v9  }
0x2c1: {  	v9 =	vld.idx.msk [tilespmem:v11+s29+$0x0], $0xffff;
	_ =	sdelay $0x3  }
0x2c2: {  	v10 =	vor.u32 v4, v8;
	_ =	sdelay $0x1  }
0x2c3: {  	v9 =	vmul.f32 v9, v12;
	_ =	sdelay $0x1  }
0x2c4: {  	[tilespmem:v11+s29+$0x0] =	vst.idx.msk $0xffff, v9  }
0x2c5: {  	v9 =	vld.idx.msk [tilespmem:v10+s29+$0x0], $0xffff;
	_ =	sdelay $0x3  }
0x2c6: {  	v11 =	vor.u32 v5, v8;
	_ =	sdelay $0x1  }
0x2c7: {  	v9 =	vmul.f32 v9, v12;
	_ =	sdelay $0x1  }
0x2c8: {  	[tilespmem:v10+s29+$0x0] =	vst.idx.msk $0xffff, v9  }
0x2c9: {  	v9 =	vld.idx.msk [tilespmem:v11+s29+$0x0], $0xffff;
	_ =	sdelay $0x3  }
0x2ca: {  	v10 =	vor.u32 v6, v8;
	_ =	sdelay $0x1  }
0x2cb: {  	v9 =	vmul.f32 v9, v12;
	_ =	sdelay $0x1  }
0x2cc: {  	[tilespmem:v11+s29+$0x0] =	vst.idx.msk $0xffff, v9  }
0x2cd: {  	v11 =	vld.idx.msk [tilespmem:v10+s29+$0x0], $0xffff;
	_ =	sdelay $0x3  }
0x2ce: {  	v9 =	vor.u32 v7, v8;
	_ =	sdelay $0x1  }
0x2cf: {  	v8 =	vmul.f32 v11, v12;
	_ =	sdelay $0x1  }
0x2d0: {  	[tilespmem:v10+s29+$0x0] =	vst.idx.msk $0xffff, v8  }
0x2d1: {  	v13 =	vld.idx.msk [tilespmem:v9+s29+$0x0], $0xffff;
	_ =	sdelay $0x1  }
.Ltmp7:
0x2d2: {  	(pc) =	sbr.rel @p3 .LBB2_13-.Ltmp7, $4  }
0x2d3: {  	v8 =	vmov s28  }
0x2d4: {  	v11 =	vor.u32 $0x280, v8;
	v8 =	vshll.u32 v8, $0x7  }
0x2d5: {  	v10 =	vor.u32 v0, v8  }
0x2d6: {  	v12 =	vmul.f32 v13, v12  }
0x2d7: {  	_ =	sdelay $0x3  }
0x2d8: {  	[tilespmem:v9+s29+$0x0] =	vst.idx.msk $0xffff, v12  }
0x2d9: {  	v9 =	vld.idx.msk [tilespmem:v11+s23+$0x0], $0xffff  }
0x2da: {  	v11 =	vld.idx.msk [tilespmem:v10+s29+$0x0], $0xffff;
	_ =	sdelay $0x2  }
0x2db: {  	v12 =	vor.u32 v1, v8;
	_ =	sdelay $0x1  }
0x2dc: {  	v11 =	vmul.f32 v11, v9;
	_ =	sdelay $0x1  }
0x2dd: {  	[tilespmem:v10+s29+$0x0] =	vst.idx.msk $0xffff, v11  }
0x2de: {  	v10 =	vld.idx.msk [tilespmem:v12+s29+$0x0], $0xffff;
	_ =	sdelay $0x2  }
0x2df: {  	v11 =	vor.u32 v2, v8;
	_ =	sdelay $0x1  }
0x2e0: {  	v10 =	vmul.f32 v10, v9;
	_ =	sdelay $0x1  }
0x2e1: {  	[tilespmem:v12+s29+$0x0] =	vst.idx.msk $0xffff, v10  }
0x2e2: {  	v10 =	vld.idx.msk [tilespmem:v11+s29+$0x0], $0xffff;
	_ =	sdelay $0x2  }
0x2e3: {  	v12 =	vor.u32 v3, v8;
	_ =	sdelay $0x1  }
0x2e4: {  	v10 =	vmul.f32 v10, v9;
	_ =	sdelay $0x1  }
0x2e5: {  	[tilespmem:v11+s29+$0x0] =	vst.idx.msk $0xffff, v10  }
0x2e6: {  	v10 =	vld.idx.msk [tilespmem:v12+s29+$0x0], $0xffff;
	_ =	sdelay $0x2  }
0x2e7: {  	v11 =	vor.u32 v4, v8;
	_ =	sdelay $0x1  }
0x2e8: {  	v10 =	vmul.f32 v10, v9;
	_ =	sdelay $0x1  }
0x2e9: {  	[tilespmem:v12+s29+$0x0] =	vst.idx.msk $0xffff, v10  }
0x2ea: {  	v10 =	vld.idx.msk [tilespmem:v11+s29+$0x0], $0xffff;
	_ =	sdelay $0x2  }
0x2eb: {  	v12 =	vor.u32 v5, v8;
	_ =	sdelay $0x1  }
0x2ec: {  	v10 =	vmul.f32 v10, v9;
	_ =	sdelay $0x1  }
0x2ed: {  	[tilespmem:v11+s29+$0x0] =	vst.idx.msk $0xffff, v10  }
0x2ee: {  	v10 =	vld.idx.msk [tilespmem:v12+s29+$0x0], $0xffff;
	_ =	sdelay $0x2  }
0x2ef: {  	v11 =	vor.u32 v6, v8;
	_ =	sdelay $0x1  }
0x2f0: {  	v10 =	vmul.f32 v10, v9;
	_ =	sdelay $0x1  }
0x2f1: {  	[tilespmem:v12+s29+$0x0] =	vst.idx.msk $0xffff, v10  }
0x2f2: {  	v10 =	vld.idx.msk [tilespmem:v11+s29+$0x0], $0xffff;
	_ =	sdelay $0x2  }
0x2f3: {  	v8 =	vor.u32 v7, v8;
	_ =	sdelay $0x1  }
0x2f4: {  	v10 =	vmul.f32 v10, v9;
	_ =	sdelay $0x1  }
0x2f5: {  	[tilespmem:v11+s29+$0x0] =	vst.idx.msk $0xffff, v10  }
0x2f6: {  	v10 =	vld.idx.msk [tilespmem:v8+s29+$0x0], $0xffff;
	_ =	sdelay $0x4  }
0x2f7: {  	v9 =	vmul.f32 v10, v9;
	_ =	sdelay $0x1  }
0x2f8: {  	[tilespmem:v8+s29+$0x0] =	vst.idx.msk $0xffff, v9  }
0x2f9: {  	[spmem:s2] =	stream.indirect.scatter.add.f32 [tilespmem:s29], [sflag:$0x4], $0x80, s19, s24, $0xb8;
	[tilespmem:$0x1CC00] =	vst v63  }
0x2fa: {  	s0 =	simm.s32 $0x0;
	_ =	swait.ge [sflag:s13], $0x4000  }
0x2fb: {  	v8 =	vmov s0;
	[sflag:s13] =	ssyncset.done $0x0  }
0x2fc: {  	v9 =	vor.u32 $0x300, v8;
	v8 =	vshll.u32 v8, $0x7;
	[sflag:s13] =	ssyncadd.s32 $0xFFFFC000  }
0x2fd: {  	v10 =	vor.u32 v0, v8;
	[tilespmem:s29], [sflag:$0x2] =	stream.indirect.gather [hbm4b:s1+s24], $0x80, s20, s24, $0xb8;
	[tilespmem:$0x1CC00] =	vst v63  }
0x2fe: {  	_ =	swait.ge [sflag:s30], $0x4000  }
0x2ff: {  	[sflag:s30] =	ssyncset.done $0x0  }
0x300: {  	[sflag:s30] =	ssyncadd.s32 $0xFFFFC000  }
0x301: {  	v12 =	vld.idx.msk [tilespmem:v9+s23+$0x0], $0xffff  }
0x302: {  	v9 =	vld.idx.msk [tilespmem:v10+s26+$0x0], $0xffff;
	_ =	sdelay $0x2  }
0x303: {  	v11 =	vor.u32 v1, v8;
	_ =	sdelay $0x1  }
0x304: {  	v9 =	vmul.f32 v9, v12;
	_ =	sdelay $0x1  }
0x305: {  	[tilespmem:v10+s26+$0x0] =	vst.idx.msk $0xffff, v9  }
0x306: {  	v9 =	vld.idx.msk [tilespmem:v11+s26+$0x0], $0xffff;
	_ =	sdelay $0x2  }
0x307: {  	v10 =	vor.u32 v2, v8;
	_ =	sdelay $0x1  }
0x308: {  	v9 =	vmul.f32 v9, v12;
	_ =	sdelay $0x1  }
0x309: {  	[tilespmem:v11+s26+$0x0] =	vst.idx.msk $0xffff, v9  }
0x30a: {  	v9 =	vld.idx.msk [tilespmem:v10+s26+$0x0], $0xffff;
	_ =	sdelay $0x2  }
0x30b: {  	v11 =	vor.u32 v3, v8;
	_ =	sdelay $0x1  }
0x30c: {  	v9 =	vmul.f32 v9, v12;
	_ =	sdelay $0x1  }
0x30d: {  	[tilespmem:v10+s26+$0x0] =	vst.idx.msk $0xffff, v9  }
0x30e: {  	v9 =	vld.idx.msk [tilespmem:v11+s26+$0x0], $0xffff;
	_ =	sdelay $0x2  }
0x30f: {  	v10 =	vor.u32 v4, v8;
	_ =	sdelay $0x1  }
0x310: {  	v9 =	vmul.f32 v9, v12;
	_ =	sdelay $0x1  }
0x311: {  	[tilespmem:v11+s26+$0x0] =	vst.idx.msk $0xffff, v9  }
0x312: {  	v9 =	vld.idx.msk [tilespmem:v10+s26+$0x0], $0xffff;
	_ =	sdelay $0x2  }
0x313: {  	v11 =	vor.u32 v5, v8;
	_ =	sdelay $0x1  }
0x314: {  	v9 =	vmul.f32 v9, v12;
	_ =	sdelay $0x1  }
0x315: {  	[tilespmem:v10+s26+$0x0] =	vst.idx.msk $0xffff, v9  }
0x316: {  	v9 =	vld.idx.msk [tilespmem:v11+s26+$0x0], $0xffff;
	_ =	sdelay $0x2  }
0x317: {  	v10 =	vor.u32 v6, v8;
	_ =	sdelay $0x1  }
0x318: {  	v9 =	vmul.f32 v9, v12;
	_ =	sdelay $0x1  }
0x319: {  	[tilespmem:v11+s26+$0x0] =	vst.idx.msk $0xffff, v9  }
0x31a: {  	v11 =	vld.idx.msk [tilespmem:v10+s26+$0x0], $0xffff;
	_ =	sdelay $0x2  }
0x31b: {  	v9 =	vor.u32 v7, v8;
	_ =	sdelay $0x1  }
0x31c: {  	v8 =	vmul.f32 v11, v12;
	_ =	sdelay $0x1  }
0x31d: {  	[tilespmem:v10+s26+$0x0] =	vst.idx.msk $0xffff, v8  }
0x31e: {  	v13 =	vld.idx.msk [tilespmem:v9+s26+$0x0], $0xffff  }
0x31f: {  	s28 =	simm.s32 $0x1  }
0x320: {  	v10 =	vmov s28  }
0x321: {  	v8 =	vshll.u32 v10, $0x7;
	v11 =	vor.u32 $0x300, v10  }
0x322: {  	v10 =	vor.u32 v0, v8  }
0x323: {  	s3 =	simm.s32 $0x2;
	v12 =	vmul.f32 v13, v12  }
.LBB2_15:
0x324: {  	_ = 	snop  }
0x325: {  	p3 =	sne.s32 s3, $0x7F;
	s28 =	smov.u32 s3;
	s3 =	sadd.s32 $0x1, s3;
	[tilespmem:v9+s26+$0x0] =	vst.idx.msk $0xffff, v12  }
0x326: {  	v12 =	vld.idx.msk [tilespmem:v11+s23+$0x0], $0xffff  }
0x327: {  	v9 =	vld.idx.msk [tilespmem:v10+s26+$0x0], $0xffff;
	_ =	sdelay $0x3  }
0x328: {  	v11 =	vor.u32 v1, v8;
	_ =	sdelay $0x1  }
0x329: {  	v9 =	vmul.f32 v9, v12;
	_ =	sdelay $0x1  }
0x32a: {  	[tilespmem:v10+s26+$0x0] =	vst.idx.msk $0xffff, v9  }
0x32b: {  	v9 =	vld.idx.msk [tilespmem:v11+s26+$0x0], $0xffff;
	_ =	sdelay $0x3  }
0x32c: {  	v10 =	vor.u32 v2, v8;
	_ =	sdelay $0x1  }
0x32d: {  	v9 =	vmul.f32 v9, v12;
	_ =	sdelay $0x1  }
0x32e: {  	[tilespmem:v11+s26+$0x0] =	vst.idx.msk $0xffff, v9  }
0x32f: {  	v9 =	vld.idx.msk [tilespmem:v10+s26+$0x0], $0xffff;
	_ =	sdelay $0x3  }
0x330: {  	v11 =	vor.u32 v3, v8;
	_ =	sdelay $0x1  }
0x331: {  	v9 =	vmul.f32 v9, v12;
	_ =	sdelay $0x1  }
0x332: {  	[tilespmem:v10+s26+$0x0] =	vst.idx.msk $0xffff, v9  }
0x333: {  	v9 =	vld.idx.msk [tilespmem:v11+s26+$0x0], $0xffff;
	_ =	sdelay $0x3  }
0x334: {  	v10 =	vor.u32 v4, v8;
	_ =	sdelay $0x1  }
0x335: {  	v9 =	vmul.f32 v9, v12;
	_ =	sdelay $0x1  }
0x336: {  	[tilespmem:v11+s26+$0x0] =	vst.idx.msk $0xffff, v9  }
0x337: {  	v9 =	vld.idx.msk [tilespmem:v10+s26+$0x0], $0xffff;
	_ =	sdelay $0x3  }
0x338: {  	v11 =	vor.u32 v5, v8;
	_ =	sdelay $0x1  }
0x339: {  	v9 =	vmul.f32 v9, v12;
	_ =	sdelay $0x1  }
0x33a: {  	[tilespmem:v10+s26+$0x0] =	vst.idx.msk $0xffff, v9  }
0x33b: {  	v9 =	vld.idx.msk [tilespmem:v11+s26+$0x0], $0xffff;
	_ =	sdelay $0x3  }
0x33c: {  	v10 =	vor.u32 v6, v8;
	_ =	sdelay $0x1  }
0x33d: {  	v9 =	vmul.f32 v9, v12;
	_ =	sdelay $0x1  }
0x33e: {  	[tilespmem:v11+s26+$0x0] =	vst.idx.msk $0xffff, v9  }
0x33f: {  	v11 =	vld.idx.msk [tilespmem:v10+s26+$0x0], $0xffff;
	_ =	sdelay $0x3  }
0x340: {  	v9 =	vor.u32 v7, v8;
	_ =	sdelay $0x1  }
0x341: {  	v8 =	vmul.f32 v11, v12;
	_ =	sdelay $0x1  }
0x342: {  	[tilespmem:v10+s26+$0x0] =	vst.idx.msk $0xffff, v8  }
0x343: {  	v13 =	vld.idx.msk [tilespmem:v9+s26+$0x0], $0xffff;
	_ =	sdelay $0x1  }
.Ltmp8:
0x344: {  	(pc) =	sbr.rel @p3 .LBB2_15-.Ltmp8, $4  }
0x345: {  	v8 =	vmov s28  }
0x346: {  	v11 =	vor.u32 $0x300, v8;
	v8 =	vshll.u32 v8, $0x7  }
0x347: {  	v10 =	vor.u32 v0, v8  }
0x348: {  	v12 =	vmul.f32 v13, v12  }
0x349: {  	_ =	sdelay $0x3  }
0x34a: {  	[tilespmem:v9+s26+$0x0] =	vst.idx.msk $0xffff, v12  }
0x34b: {  	v9 =	vld.idx.msk [tilespmem:v11+s23+$0x0], $0xffff  }
0x34c: {  	v11 =	vld.idx.msk [tilespmem:v10+s26+$0x0], $0xffff;
	_ =	sdelay $0x2  }
0x34d: {  	v12 =	vor.u32 v1, v8;
	_ =	sdelay $0x1  }
0x34e: {  	v11 =	vmul.f32 v11, v9;
	_ =	sdelay $0x1  }
0x34f: {  	[tilespmem:v10+s26+$0x0] =	vst.idx.msk $0xffff, v11  }
0x350: {  	v10 =	vld.idx.msk [tilespmem:v12+s26+$0x0], $0xffff;
	_ =	sdelay $0x2  }
0x351: {  	v11 =	vor.u32 v2, v8;
	_ =	sdelay $0x1  }
0x352: {  	v10 =	vmul.f32 v10, v9;
	_ =	sdelay $0x1  }
0x353: {  	[tilespmem:v12+s26+$0x0] =	vst.idx.msk $0xffff, v10  }
0x354: {  	v10 =	vld.idx.msk [tilespmem:v11+s26+$0x0], $0xffff;
	_ =	sdelay $0x2  }
0x355: {  	v12 =	vor.u32 v3, v8;
	_ =	sdelay $0x1  }
0x356: {  	v10 =	vmul.f32 v10, v9;
	_ =	sdelay $0x1  }
0x357: {  	[tilespmem:v11+s26+$0x0] =	vst.idx.msk $0xffff, v10  }
0x358: {  	v10 =	vld.idx.msk [tilespmem:v12+s26+$0x0], $0xffff;
	_ =	sdelay $0x2  }
0x359: {  	v11 =	vor.u32 v4, v8;
	_ =	sdelay $0x1  }
0x35a: {  	v10 =	vmul.f32 v10, v9;
	_ =	sdelay $0x1  }
0x35b: {  	[tilespmem:v12+s26+$0x0] =	vst.idx.msk $0xffff, v10  }
0x35c: {  	v10 =	vld.idx.msk [tilespmem:v11+s26+$0x0], $0xffff;
	_ =	sdelay $0x2  }
0x35d: {  	v12 =	vor.u32 v5, v8;
	_ =	sdelay $0x1  }
0x35e: {  	v10 =	vmul.f32 v10, v9;
	_ =	sdelay $0x1  }
0x35f: {  	[tilespmem:v11+s26+$0x0] =	vst.idx.msk $0xffff, v10  }
0x360: {  	v10 =	vld.idx.msk [tilespmem:v12+s26+$0x0], $0xffff;
	_ =	sdelay $0x2  }
0x361: {  	v11 =	vor.u32 v6, v8;
	_ =	sdelay $0x1  }
0x362: {  	v10 =	vmul.f32 v10, v9;
	_ =	sdelay $0x1  }
0x363: {  	[tilespmem:v12+s26+$0x0] =	vst.idx.msk $0xffff, v10  }
0x364: {  	v10 =	vld.idx.msk [tilespmem:v11+s26+$0x0], $0xffff;
	_ =	sdelay $0x2  }
0x365: {  	v8 =	vor.u32 v7, v8;
	_ =	sdelay $0x1  }
0x366: {  	v10 =	vmul.f32 v10, v9;
	_ =	sdelay $0x1  }
0x367: {  	[tilespmem:v11+s26+$0x0] =	vst.idx.msk $0xffff, v10  }
0x368: {  	v10 =	vld.idx.msk [tilespmem:v8+s26+$0x0], $0xffff;
	_ =	sdelay $0x4  }
0x369: {  	s0 =	simm.s32 $0x0;
	v9 =	vmul.f32 v10, v9  }
0x36a: {  	v10 =	vmov s0  }
0x36b: {  	[tilespmem:v8+s26+$0x0] =	vst.idx.msk $0xffff, v9;
	v8 =	vor.u32 $0x380, v10;
	v9 =	vshll.u32 v10, $0x7  }
0x36c: {  	[spmem:s2] =	stream.indirect.scatter.add.f32 [tilespmem:s26], [sflag:$0x3], $0x80, s21, s24, $0xb8;
	v10 =	vor.u32 v0, v9;
	[tilespmem:$0x1CC00] =	vst v63  }
0x36d: {  	_ =	swait.ge [sflag:s25], $0x4000  }
0x36e: {  	[sflag:s25] =	ssyncset.done $0x0  }
0x36f: {  	[sflag:s25] =	ssyncadd.s32 $0xFFFFC000  }
0x370: {  	v12 =	vld.idx.msk [tilespmem:v8+s23+$0x0], $0xffff  }
0x371: {  	v8 =	vld.idx.msk [tilespmem:v10+s29+$0x0], $0xffff;
	_ =	sdelay $0x2  }
0x372: {  	v11 =	vor.u32 v1, v9;
	_ =	sdelay $0x1  }
0x373: {  	v8 =	vmul.f32 v8, v12;
	_ =	sdelay $0x1  }
0x374: {  	[tilespmem:v10+s29+$0x0] =	vst.idx.msk $0xffff, v8  }
0x375: {  	v8 =	vld.idx.msk [tilespmem:v11+s29+$0x0], $0xffff;
	_ =	sdelay $0x2  }
0x376: {  	v10 =	vor.u32 v2, v9;
	_ =	sdelay $0x1  }
0x377: {  	v8 =	vmul.f32 v8, v12;
	_ =	sdelay $0x1  }
0x378: {  	[tilespmem:v11+s29+$0x0] =	vst.idx.msk $0xffff, v8  }
0x379: {  	v8 =	vld.idx.msk [tilespmem:v10+s29+$0x0], $0xffff;
	_ =	sdelay $0x2  }
0x37a: {  	v11 =	vor.u32 v3, v9;
	_ =	sdelay $0x1  }
0x37b: {  	v8 =	vmul.f32 v8, v12;
	_ =	sdelay $0x1  }
0x37c: {  	[tilespmem:v10+s29+$0x0] =	vst.idx.msk $0xffff, v8  }
0x37d: {  	v8 =	vld.idx.msk [tilespmem:v11+s29+$0x0], $0xffff;
	_ =	sdelay $0x2  }
0x37e: {  	v10 =	vor.u32 v4, v9;
	_ =	sdelay $0x1  }
0x37f: {  	v8 =	vmul.f32 v8, v12;
	_ =	sdelay $0x1  }
0x380: {  	[tilespmem:v11+s29+$0x0] =	vst.idx.msk $0xffff, v8  }
0x381: {  	v8 =	vld.idx.msk [tilespmem:v10+s29+$0x0], $0xffff;
	_ =	sdelay $0x2  }
0x382: {  	v11 =	vor.u32 v5, v9;
	_ =	sdelay $0x1  }
0x383: {  	v8 =	vmul.f32 v8, v12;
	_ =	sdelay $0x1  }
0x384: {  	[tilespmem:v10+s29+$0x0] =	vst.idx.msk $0xffff, v8  }
0x385: {  	v8 =	vld.idx.msk [tilespmem:v11+s29+$0x0], $0xffff;
	_ =	sdelay $0x2  }
0x386: {  	v10 =	vor.u32 v6, v9;
	_ =	sdelay $0x1  }
0x387: {  	v8 =	vmul.f32 v8, v12;
	_ =	sdelay $0x1  }
0x388: {  	[tilespmem:v11+s29+$0x0] =	vst.idx.msk $0xffff, v8  }
0x389: {  	v8 =	vld.idx.msk [tilespmem:v10+s29+$0x0], $0xffff;
	_ =	sdelay $0x2  }
0x38a: {  	v9 =	vor.u32 v7, v9;
	_ =	sdelay $0x1  }
0x38b: {  	v8 =	vmul.f32 v8, v12;
	_ =	sdelay $0x1  }
0x38c: {  	[tilespmem:v10+s29+$0x0] =	vst.idx.msk $0xffff, v8  }
0x38d: {  	v13 =	vld.idx.msk [tilespmem:v9+s29+$0x0], $0xffff  }
0x38e: {  	s28 =	simm.s32 $0x1  }
0x38f: {  	v10 =	vmov s28  }
0x390: {  	v8 =	vshll.u32 v10, $0x7;
	v11 =	vor.u32 $0x380, v10  }
0x391: {  	v10 =	vor.u32 v0, v8  }
0x392: {  	s3 =	simm.s32 $0x2;
	v12 =	vmul.f32 v13, v12  }
.LBB2_17:
0x393: {  	_ = 	snop  }
0x394: {  	p3 =	sne.s32 s3, $0x7F;
	s28 =	smov.u32 s3;
	s3 =	sadd.s32 $0x1, s3;
	[tilespmem:v9+s29+$0x0] =	vst.idx.msk $0xffff, v12  }
0x395: {  	v12 =	vld.idx.msk [tilespmem:v11+s23+$0x0], $0xffff  }
0x396: {  	v9 =	vld.idx.msk [tilespmem:v10+s29+$0x0], $0xffff;
	_ =	sdelay $0x3  }
0x397: {  	v11 =	vor.u32 v1, v8;
	_ =	sdelay $0x1  }
0x398: {  	v9 =	vmul.f32 v9, v12;
	_ =	sdelay $0x1  }
0x399: {  	[tilespmem:v10+s29+$0x0] =	vst.idx.msk $0xffff, v9  }
0x39a: {  	v9 =	vld.idx.msk [tilespmem:v11+s29+$0x0], $0xffff;
	_ =	sdelay $0x3  }
0x39b: {  	v10 =	vor.u32 v2, v8;
	_ =	sdelay $0x1  }
0x39c: {  	v9 =	vmul.f32 v9, v12;
	_ =	sdelay $0x1  }
0x39d: {  	[tilespmem:v11+s29+$0x0] =	vst.idx.msk $0xffff, v9  }
0x39e: {  	v9 =	vld.idx.msk [tilespmem:v10+s29+$0x0], $0xffff;
	_ =	sdelay $0x3  }
0x39f: {  	v11 =	vor.u32 v3, v8;
	_ =	sdelay $0x1  }
0x3a0: {  	v9 =	vmul.f32 v9, v12;
	_ =	sdelay $0x1  }
0x3a1: {  	[tilespmem:v10+s29+$0x0] =	vst.idx.msk $0xffff, v9  }
0x3a2: {  	v9 =	vld.idx.msk [tilespmem:v11+s29+$0x0], $0xffff;
	_ =	sdelay $0x3  }
0x3a3: {  	v10 =	vor.u32 v4, v8;
	_ =	sdelay $0x1  }
0x3a4: {  	v9 =	vmul.f32 v9, v12;
	_ =	sdelay $0x1  }
0x3a5: {  	[tilespmem:v11+s29+$0x0] =	vst.idx.msk $0xffff, v9  }
0x3a6: {  	v9 =	vld.idx.msk [tilespmem:v10+s29+$0x0], $0xffff;
	_ =	sdelay $0x3  }
0x3a7: {  	v11 =	vor.u32 v5, v8;
	_ =	sdelay $0x1  }
0x3a8: {  	v9 =	vmul.f32 v9, v12;
	_ =	sdelay $0x1  }
0x3a9: {  	[tilespmem:v10+s29+$0x0] =	vst.idx.msk $0xffff, v9  }
0x3aa: {  	v9 =	vld.idx.msk [tilespmem:v11+s29+$0x0], $0xffff;
	_ =	sdelay $0x3  }
0x3ab: {  	v10 =	vor.u32 v6, v8;
	_ =	sdelay $0x1  }
0x3ac: {  	v9 =	vmul.f32 v9, v12;
	_ =	sdelay $0x1  }
0x3ad: {  	[tilespmem:v11+s29+$0x0] =	vst.idx.msk $0xffff, v9  }
0x3ae: {  	v11 =	vld.idx.msk [tilespmem:v10+s29+$0x0], $0xffff;
	_ =	sdelay $0x3  }
0x3af: {  	v9 =	vor.u32 v7, v8;
	_ =	sdelay $0x1  }
0x3b0: {  	v8 =	vmul.f32 v11, v12;
	_ =	sdelay $0x1  }
0x3b1: {  	[tilespmem:v10+s29+$0x0] =	vst.idx.msk $0xffff, v8  }
0x3b2: {  	v13 =	vld.idx.msk [tilespmem:v9+s29+$0x0], $0xffff;
	_ =	sdelay $0x1  }
.Ltmp9:
0x3b3: {  	(pc) =	sbr.rel @p3 .LBB2_17-.Ltmp9, $4  }
0x3b4: {  	v8 =	vmov s28  }
0x3b5: {  	v11 =	vor.u32 $0x380, v8;
	v8 =	vshll.u32 v8, $0x7  }
0x3b6: {  	v10 =	vor.u32 v0, v8  }
0x3b7: {  	v12 =	vmul.f32 v13, v12  }
0x3b8: {  	_ =	sdelay $0x3  }
0x3b9: {  	[tilespmem:v9+s29+$0x0] =	vst.idx.msk $0xffff, v12  }
0x3ba: {  	v9 =	vld.idx.msk [tilespmem:v11+s23+$0x0], $0xffff  }
0x3bb: {  	v57 =	vld.idx.msk [tilespmem:v10+s29+$0x0], $0xffff;
	_ =	sdelay $0x2  }
0x3bc: {  	v58 =	vor.u32 v1, v8;
	_ =	sdelay $0x1  }
0x3bd: {  	v11 =	vmul.f32 v57, v9;
	_ =	sdelay $0x1  }
0x3be: {  	[tilespmem:v10+s29+$0x0] =	vst.idx.msk $0xffff, v11  }
0x3bf: {  	v10 =	vld.idx.msk [tilespmem:v58+s29+$0x0], $0xffff;
	_ =	sdelay $0x2  }
0x3c0: {  	v59 =	vor.u32 v2, v8;
	_ =	sdelay $0x1  }
0x3c1: {  	v10 =	vmul.f32 v10, v9;
	_ =	sdelay $0x1  }
0x3c2: {  	[tilespmem:v58+s29+$0x0] =	vst.idx.msk $0xffff, v10  }
0x3c3: {  	v10 =	vld.idx.msk [tilespmem:v59+s29+$0x0], $0xffff;
	_ =	sdelay $0x2  }
0x3c4: {  	v60 =	vor.u32 v3, v8;
	_ =	sdelay $0x1  }
0x3c5: {  	v10 =	vmul.f32 v10, v9;
	_ =	sdelay $0x1  }
0x3c6: {  	[tilespmem:v59+s29+$0x0] =	vst.idx.msk $0xffff, v10  }
0x3c7: {  	v10 =	vld.idx.msk [tilespmem:v60+s29+$0x0], $0xffff;
	_ =	sdelay $0x2  }
0x3c8: {  	v61 =	vor.u32 v4, v8;
	_ =	sdelay $0x1  }
0x3c9: {  	v10 =	vmul.f32 v10, v9;
	_ =	sdelay $0x1  }
0x3ca: {  	[tilespmem:v60+s29+$0x0] =	vst.idx.msk $0xffff, v10  }
0x3cb: {  	v10 =	vld.idx.msk [tilespmem:v61+s29+$0x0], $0xffff;
	_ =	sdelay $0x2  }
0x3cc: {  	v62 =	vor.u32 v5, v8;
	_ =	sdelay $0x1  }
0x3cd: {  	v10 =	vmul.f32 v10, v9;
	_ =	sdelay $0x1  }
0x3ce: {  	[tilespmem:v61+s29+$0x0] =	vst.idx.msk $0xffff, v10  }
0x3cf: {  	v10 =	vld.idx.msk [tilespmem:v62+s29+$0x0], $0xffff;
	_ =	sdelay $0x2  }
0x3d0: {  	v63 =	vor.u32 v6, v8;
	_ =	sdelay $0x1  }
0x3d1: {  	v10 =	vmul.f32 v10, v9;
	_ =	sdelay $0x1  }
0x3d2: {  	[tilespmem:v62+s29+$0x0] =	vst.idx.msk $0xffff, v10  }
0x3d3: {  	v10 =	vld.idx.msk [tilespmem:v63+s29+$0x0], $0xffff;
	_ =	sdelay $0x2  }
0x3d4: {  	v8 =	vor.u32 v7, v8;
	_ =	sdelay $0x1  }
0x3d5: {  	v10 =	vmul.f32 v10, v9;
	_ =	sdelay $0x1  }
0x3d6: {  	[tilespmem:v63+s29+$0x0] =	vst.idx.msk $0xffff, v10  }
0x3d7: {  	v10 =	vld.idx.msk [tilespmem:v8+s29+$0x0], $0xffff;
	_ =	sdelay $0x4  }
0x3d8: {  	v9 =	vmul.f32 v10, v9;
	_ =	sdelay $0x1  }
0x3d9: {  	s10 =	sadd.s32 $0x1, s10;
	[tilespmem:v8+s29+$0x0] =	vst.idx.msk $0xffff, v9  }
0x3da: {  	[spmem:s2] =	stream.indirect.scatter.add.f32 [tilespmem:s29], [sflag:$0x4], $0x80, s7, s24, $0xb8;
	[tilespmem:$0x1CC00] =	vst v63  }
0x3db: {  	p3 =	sne.s32 s10, $0xA;
	_ =	swait.ge [sflag:s31], $0x4000  }
.Ltmp10:
0x3dc: {  	[sflag:s31] =	ssyncset.done $0x0;
	(pc) =	sbr.rel @p3 .LBB2_2-.Ltmp10, $4  }
0x3dd: {  	[sflag:s31] =	ssyncadd.s32 $0xFFFFC000  }
0x3de: {  	_ =	swait.ge [sflag:s13], $0x4000  }
0x3df: {  	[sflag:s13] =	ssyncset.done $0x0  }
0x3e0: {  	[sflag:s13] =	ssyncadd.s32 $0xFFFFC000  }
.Ltmp11:
0x3e1: {  	(pc) =	sbr.rel @!p0 .LBB2_20-.Ltmp11, $4  }
0x3e2: {  	_ = 	snop  }
0x3e3: {  	[bflag:$0x0] =	sbarrier.arrive $0xFFFF  }
0x3e4: {  	s0 =	rddreg [dreg:$0x9]  }
0x3e5: {  	s3 =	sshrl.u32 s0, $0x3  }
0x3e6: {  	s10 =	rddreg [dreg:$0x8]  }
0x3e7: {  	s0 =	rddreg [dreg:$0xb]  }
0x3e8: {  	[hbm:s0], [sflag:s10] =	dma.local [spmem:s3], $0x2700  }
.Ltmp12:
0x3e9: {  	_ = 	snop;
	(pc) =	sbr.rel @p1 .LBB2_23-.Ltmp12, $4  }
.Ltmp13:
0x3ea: {  	_ = 	snop;
	(pc) =	sbr.rel @!p1 .LBB2_22-.Ltmp13, $4  }
0x3eb: {  	_ =	swait.ge [sflag:s17], $0x2700  }
0x3ec: {  	[sflag:s17] =	ssyncset.done $0x0;
	s3 =	rddreg [dreg:$0x7]  }
0x3ed: {  	s28 =	rddreg [dreg:$0x4];
	[sflag:s17] =	ssyncadd.s32 $0xFFFFD900  }
0x3ee: {  	_ = 	snop  }
.LBB2_20:
0x3ef: {  	s10 =	rddreg [dreg:$0x8]  }
0x3f0: {  	s0 =	rddreg [dreg:$0xa]  }
0x3f1: {  	[hbm:s0], [sflag:s10] =	dma.local [spmem:s3], $0x2700  }
.Ltmp14:
0x3f2: {  	_ = 	snop;
	(pc) =	sbr.rel @!p2 .LBB2_23-.Ltmp14, $4  }
.Ltmp15:
0x3f3: {  	_ = 	snop;
	(pc) =	sbr.rel @p2 .LBB2_22-.Ltmp15, $4  }
0x3f4: {  	_ =	swait.ge [sflag:s17], $0x2700  }
0x3f5: {  	[sflag:s17] =	ssyncset.done $0x0;
	s3 =	rddreg [dreg:$0x6]  }
0x3f6: {  	s28 =	rddreg [dreg:$0x4];
	[sflag:s17] =	ssyncadd.s32 $0xFFFFD900  }
0x3f7: {  	_ = 	snop  }
.LBB2_24:
0x3f8: {  	_ =	sfence.sel $0x180000  }
0x3f9: {  	[bflag:$0x0] =	sbarrier.arrive $0xFFFF  }
0x3fa: {  	_ =	strace $0x9000004D  }
0x3fb: {  	[bflag:$0x2] =	sbarrier.arrive $0xFFFF  }
0x3fc: {  	s0 =	rddreg [dreg:$0x3]  }
0x3fd: {  	s0 =	sadd.s32 @!p1 $0x100000, s0  }
0x3fe: {  	[sflag:s0] =	ssyncadd.tile.s32 @!p1 $0x1;
	_ =	shalt  }
.Lfunc_end2:
_tile_overlayer_lowered:
.L_overlay_start_2:
0x3ff: {  	(tag) =	ssettag $0x2  }
0x400: {  	s0 =	rddreg [dreg:$0x0];
	s2 =	stileid.u32  }
0x401: {  	s1 =	rddreg [dreg:$0x1];
	p0 =	sne.s32 s2, $0x0  }
0x402: {  	s3 =	rddreg [dreg:$0x2];
	[bflag:$0x3] =	sbarrier.arrive $0xFFFF;
	s2 =	simm.s32 @!p0 $0x1C05  }
0x403: {  	[timem:s3], [sflag:s2] =	dma.local @!p0 [hbm:s0], s1  }
0x404: {  	s0 =	simm.s32 @!p0 $0x5  }
0x405: {  	_ =	swait.ge @!p0 [sflag:s0], s1  }
0x406: {  	s1 =	ssub.s32 @!p0 $0x0, s1;
	[sflag:s0] =	ssyncset.done @!p0 $0x0  }
0x407: {  	[sflag:s0] =	ssyncadd.s32 @!p0 s1  }
0x408: {  	[bflag:$0x3] =	sbarrier.arrive $0xFFFF  }
0x409: {  	_ =	shalt  }

// kernel: kernel.13.cloned.1.call-start
scs
__scs_entry_jumppad:
0x0: {  	(pc) =	sbr.rel $0x88, $3  }
0x1: {  	(tag) =	ssettag $0x0;
	lr =	simm.s32 $0x1  }
0x2: {  	[smem:$0x3F93] =	sst lr;
	_ =	strace $0xD0000000  }
0x3: {  	_ = 	snop  }
0x4: {  	_ = 	snop  }
0x5: {  	_ = 	snop  }
0x6: {  	_ = 	snop  }
0x7: {  	_ = 	snop  }
__scs_overlays_trampoline_lowered:
0x8: {  	[smem:$0x3FA2] =	sst s0  }
0x9: {  	[smem:$0x3FA3] =	sst s1  }
0xa: {  	[smem:$0x3FA4] =	sst s2  }
0xb: {  	[smem:$0x3FA5] =	sst s3  }
0xc: {  	[smem:$0x3FA6] =	sst s4  }
0xd: {  	[smem:$0x3FA7] =	sst s5  }
0xe: {  	[smem:$0x3FA8] =	sst s6  }
0xf: {  	[smem:$0x3FA9] =	sst s7  }
0x10: {  	[smem:$0x3FAA] =	sst s8  }
0x11: {  	[smem:$0x3FAB] =	sst s9;
	s0 =	simm.s32 @!p0 $0x0  }
0x12: {  	s1 =	sld [smem:$0x3F91];
	s0 =	simm.s32 @p0 $0x1  }
0x13: {  	[smem:$0x3FAC] =	sst s0;
	s0 =	simm.s32 @!p1 $0x0  }
0x14: {  	s2 =	sld [smem:$0x3F90];
	s0 =	simm.s32 @p1 $0x1  }
0x15: {  	[smem:$0x3FAD] =	sst s0;
	s0 =	simm.s32 @!p2 $0x0  }
0x16: {  	s3 =	sld [smem:$0x3FDB];
	s0 =	simm.s32 @p2 $0x1  }
0x17: {  	s4 =	simm.s32 $0x1BF5;
	[smem:$0x3FAF] =	sst s0  }
0x18: {  	s0 =	sld [smem:$0x3F92];
	_ =	swait.ge [sflag:s4], $0x0  }
0x19: {  	s7 =	sld [smem:$0x3F93]  }
0x1a: {  	s8 =	sadd.s32 $0xFFFFE003, lr  }
0x1b: {  	s9 =	sadd.s32 $0xFFFFFEF7, lr;
	s5 =	simm.s32 $0xFFFFFFFF;
	p2 =	slt.u32 s8, $0xFFFFF086  }
0x1c: {  	p1 =	slt.u32 s9, $0xF7A;
	s5 =	simm.s32 @!p2 $0x0  }
0x1d: {  	s5 =	simm.s32 @p1 $0x1;
	p0 =	seq.s32 s7, s2  }
0x1e: {  	s7 =	smul.u32 @!p0 $0xF7A, s2;
	p2 =	seq.s32 @!p0 s5, $0x0  }
0x1f: {  	s9 =	smul.u32 $0xF7A, s1;
	s8 =	simm.s32 @!p0 $0x1BF5;
	p2 =	por !p2, p0  }
0x20: {  	[sflag:s8] =	ssyncset.s32 @!p0 $0xFFFFF086;
	s6 =	sadd.s32 @!p0 s3, s7;
	s7 =	simm.s32 @!p0 $0x108  }
0x21: {  	s3 =	sadd.s32 s3, s9;
	s6 =	sadd.s32 @!p0 $0x88, s6;
	s7 =	simm.s32 @p2 $0x1082  }
0x22: {  	[simem:s7], [sflag:s8] =	dma.local @!p0 [hbm:s6], $0xF7A  }
0x23: {  	s9 =	sor.u32 $0xD0000000, s2;
	s6 =	simm.s32 $0x108;
	_ =	swait.ge @!p0 [sflag:s8], $0x0  }
0x24: {  	s3 =	sadd.s32 $0x88, s3;
	s6 =	simm.s32 @!p1 $0x1082;
	[sflag:s4] =	ssyncset.s32 $0xFFFFF086  }
0x25: {  	[simem:s6], [sflag:s4] =	dma.local [hbm:s3], $0xF7A  }
0x26: {  	[smem:$0x3F93] =	sst s1;
	(tag) =	ssettag s2;
	_ =	strace s9  }
0x27: {  	s1 =	sld [smem:$0x3FA3]  }
0x28: {  	s2 =	sld [smem:$0x3FA4]  }
0x29: {  	s4 =	sld [smem:$0x3FA6]  }
0x2a: {  	p0 =	seq.s32 s5, $0x0;
	s5 =	sld [smem:$0x3FA7]  }
0x2b: {  	s6 =	sld [smem:$0x3FA8]  }
0x2c: {  	s7 =	sld [smem:$0x3FA9]  }
0x2d: {  	s3 =	simm.s32 $0x108;
	s8 =	sld [smem:$0x3FAA]  }
0x2e: {  	s3 =	simm.s32 @!p0 $0x1082;
	s9 =	sld [smem:$0x3FAB]  }
0x2f: {  	lr =	sadd.s32 s0, s3;
	s0 =	sld [smem:$0x3FA2]  }
0x30: {  	s3 =	sld [smem:$0x3FA5]  }
0x31: {  	[smem:$0x3FAE] =	sst s10  }
0x32: {  	s10 =	sld [smem:$0x3FAC];
	_ =	sdelay $0x3  }
0x33: {  	p0 =	seq.s32 s10, $0x1;
	s10 =	sld [smem:$0x3FAE];
	_ =	sdelay $0x3  }
0x34: {  	[smem:$0x3FAE] =	sst s10  }
0x35: {  	s10 =	sld [smem:$0x3FAD];
	_ =	sdelay $0x3  }
0x36: {  	p1 =	seq.s32 s10, $0x1;
	s10 =	sld [smem:$0x3FAE];
	_ =	sdelay $0x3  }
0x37: {  	[smem:$0x3FAE] =	sst s10  }
0x38: {  	s10 =	sld [smem:$0x3FAF]  }
0x39: {  	_ = 	snop;
	(pc) =	sbr.ind lr, $3  }
0x3a: {  	_ = 	snop  }
0x3b: {  	_ = 	snop  }
0x3c: {  	p2 =	seq.s32 s10, $0x1;
	s10 =	sld [smem:$0x3FAE]  }
0x3d: {  	_ =	shalt  }
0x3e: {  	_ =	shalt  }
0x3f: {  	_ =	shalt  }
0x40: {  	_ =	shalt  }
0x41: {  	_ =	shalt  }
0x42: {  	_ =	shalt  }
0x43: {  	_ =	shalt  }
0x44: {  	_ =	shalt  }
0x45: {  	_ =	shalt  }
0x46: {  	_ =	shalt  }
0x47: {  	_ =	shalt  }
0x48: {  	_ =	shalt  }
0x49: {  	_ =	shalt  }
0x4a: {  	_ =	shalt  }
0x4b: {  	_ =	shalt  }
0x4c: {  	_ =	shalt  }
0x4d: {  	_ =	shalt  }
0x4e: {  	_ =	shalt  }
0x4f: {  	_ =	shalt  }
0x50: {  	_ =	shalt  }
0x51: {  	_ =	shalt  }
0x52: {  	_ =	shalt  }
0x53: {  	_ =	shalt  }
0x54: {  	_ =	shalt  }
0x55: {  	_ =	shalt  }
0x56: {  	_ =	shalt  }
0x57: {  	_ =	shalt  }
0x58: {  	_ =	shalt  }
0x59: {  	_ =	shalt  }
0x5a: {  	_ =	shalt  }
0x5b: {  	_ =	shalt  }
0x5c: {  	_ =	shalt  }
0x5d: {  	_ =	shalt  }
0x5e: {  	_ =	shalt  }
0x5f: {  	_ =	shalt  }
0x60: {  	_ =	shalt  }
0x61: {  	_ =	shalt  }
0x62: {  	_ =	shalt  }
0x63: {  	_ =	shalt  }
0x64: {  	_ =	shalt  }
0x65: {  	_ =	shalt  }
0x66: {  	_ =	shalt  }
0x67: {  	_ =	shalt  }
0x68: {  	_ =	shalt  }
0x69: {  	_ =	shalt  }
0x6a: {  	_ =	shalt  }
0x6b: {  	_ =	shalt  }
0x6c: {  	_ =	shalt  }
0x6d: {  	_ =	shalt  }
0x6e: {  	_ =	shalt  }
0x6f: {  	_ =	shalt  }
0x70: {  	_ =	shalt  }
0x71: {  	_ =	shalt  }
0x72: {  	_ =	shalt  }
0x73: {  	_ =	shalt  }
0x74: {  	_ =	shalt  }
0x75: {  	_ =	shalt  }
0x76: {  	_ =	shalt  }
0x77: {  	_ =	shalt  }
0x78: {  	_ =	shalt  }
0x79: {  	_ =	shalt  }
0x7a: {  	_ =	shalt  }
0x7b: {  	_ =	shalt  }
0x7c: {  	_ =	shalt  }
0x7d: {  	_ =	shalt  }
0x7e: {  	_ =	shalt  }
0x7f: {  	_ =	shalt  }
0x80: {  	_ =	shalt  }
0x81: {  	_ =	shalt  }
0x82: {  	_ =	shalt  }
0x83: {  	_ =	shalt  }
0x84: {  	_ =	shalt  }
0x85: {  	_ =	shalt  }
0x86: {  	_ =	shalt  }
0x87: {  	_ =	shalt  }
.Lfunc_end0:
.L_simem_size_0:
called_computation.2_lowered:
.L_overlay_start_0:
0x88: {  	s2 =	sld [smem:$0x3FD9]  }
0x89: {  	s3 =	sld [smem:$0x3FFE];
	_ =	sdelay $0x1  }
0x8a: {  	s1 =	srdreg.scid  }
0x8b: {  	s0 =	sand.u32 $0x1, s1  }
0x8c: {  	s17 =	sshll.u32 s0, $0xA;
	s2 =	sadd.s32 s3, s2  }
0x8d: {  	s2 =	sadd.s32 s2, s17  }
0x8e: {  	[smem:$0x3FBA] =	sst s2  }
0x8f: {  	_ = 	snop  }
0x90: {  	s18 =	sld [smem:$0x3FC7];
	(tm) =	ssettm $0x1  }
0x91: {  	s19 =	sld [smem:$0x3FFB];
	_ =	sdelay $0x3  }
0x92: {  	_ =	strace s19  }
0x93: {  	s2 =	sld [smem:$0x3FFC];
	_ =	sdelay $0x3  }
0x94: {  	_ =	strace s2  }
0x95: {  	s2 =	sld [smem:$0x3FFD];
	_ =	sdelay $0x3  }
0x96: {  	_ =	strace s2  }
0x97: {  	_ =	strace $0x8FFFFFFF  }
0x98: {  	s20 =	sld [smem:$0x3FDB];
	_ =	sdelay $0x1  }
0x99: {  	s4 =	simm.s32 $_scs_section_size  }
0x9a: {  	s5 =	simm.s32 $_size__tile_overlayer_lowered;
	s6 =	simm.s32 $_tile_overlayer_lowered  }
0x9b: {  	s7 =	simm.s32 $0x1BFF;
	s21 =	sshll.u32 s6, $0x1;
	s4 =	sadd.s32 s4, s20  }
0x9c: {  	s22 =	simm.s32 $0x0;
	s5 =	sshll.u32 s5, $0x1;
	s6 =	sadd.s32 s21, s4  }
0x9d: {  	[timem:s22], [sflag:s7] =	dma.local [hbm:s6], s5  }
0x9e: {  	_ =	swait.ge [sflag:s7], s5  }
0x9f: {  	s5 =	ssub.s32 $0x0, s5;
	[sflag:s7] =	ssyncset.done $0x0  }
0xa0: {  	[sflag:s7] =	ssyncadd.s32 s5;
	_ =	sdelay $0x1  }
0xa1: {  	s23 =	simm.s32 $0x1B8B  }
0xa2: {  	_ =	swait.ge [sflag:s23], $0x1  }
0xa3: {  	[sflag:s23] =	ssyncset.done $0x0  }
0xa4: {  	[sflag:s23] =	ssyncadd.s32 $0xFFFFFFFF  }
0xa5: {  	s5 =	sld [smem:$0x0]  }
0xa6: {  	s6 =	sand.u32 $0xFFFFFFFE, s1  }
0xa7: {  	p0 =	sne.s32 s1, s6  }
0xa8: {  	s6 =	sshll.u32 @p0 s6, $0xE  }
0xa9: {  	s6 =	sadd.s32 @p0 $0x11B8D, s6;
	s7 =	sshll.u32 @p0 s5, $0x11  }
0xaa: {  	s6 =	sor.u32 @p0 s7, s6  }
0xab: {  	[sflag:s6] =	ssyncadd.remote.s32 @p0 $0x1;
	_ =	sdelay $0x1  }
0xac: {  	s6 =	simm.s32 @p0 $0x1B8D  }
0xad: {  	_ =	swait.eq @p0 [sflag:s6], $0x1  }
0xae: {  	[sflag:s6] =	ssyncadd.s32 @p0 $0xFFFFFFFF  }
0xaf: {  	s7 =	sshll.u32 @!p0 s1, $0xE  }
0xb0: {  	s7 =	sor.u32 @!p0 $0x4000, s7;
	s6 =	simm.s32 @!p0 $0x1B8D  }
0xb1: {  	s5 =	sshll.u32 @!p0 s5, $0x11;
	s7 =	sadd.s32 @!p0 $0x11B8D, s7;
	_ =	swait.eq @!p0 [sflag:s6], $0x1  }
0xb2: {  	s5 =	sor.u32 @!p0 s5, s7;
	[sflag:s6] =	ssyncadd.s32 @!p0 $0xFFFFFFFF  }
0xb3: {  	s25 =	simm.s32 $0x1B8E;
	s24 =	sld [smem:$0x3FFE];
	[sflag:s5] =	ssyncadd.remote.s32 @!p0 $0x1  }
0xb4: {  	s26 =	simm.s32 $execute0_lowered;
	[smem:$0x3FD2] =	sst s25  }
0xb5: {  	s6 =	sshll.u32 s26, $0x1;
	_ =	strace $0x80000049;
	[dreg:$0x1] =	wrdreg $0xFFFFFFFF  }
0xb6: {  	s28 =	simm.s32 $_size_execute0_lowered;
	s4 =	sadd.s32 s4, s6;
	[dreg:$0x0] =	wrdreg $0x0  }
0xb7: {  	s6 =	sshll.u32 s28, $0x1;
	[dreg:$0x2] =	wrdreg s4  }
0xb8: {  	[dreg:$0x3] =	wrdreg s6  }
0xb9: {  	[dreg:$0x4] =	wrdreg $0xC0  }
0xba: {  	_ =	task [dreg:s22], $0x5FFFF  }
0xbb: {  	[dreg:$0x1] =	wrdreg $0xFFFFFFFF  }
0xbc: {  	[dreg:$0x0] =	wrdreg $0x60  }
0xbd: {  	[dreg:$0x2] =	wrdreg s24  }
0xbe: {  	[dreg:$0x3] =	wrdreg s18  }
0xbf: {  	[dreg:$0x4] =	wrdreg $0xB  }
0xc0: {  	_ =	task.clear_ibuf [dreg:s22], $0x5FFFF;
	_ =	strace $0x90000049  }
0xc1: {  	s29 =	simm.s32 $0xB;
	_ =	strace $0x8000004B  }
0xc2: {  	_ =	swait.ge [sflag:s29], $0x1  }
0xc3: {  	[sflag:s29] =	ssyncadd.s32 $0xFFFFFFFF  }
0xc4: {  	_ =	strace $0x9000004B  }
0xc5: {  	_ =	sfence  }
0xc6: {  	s30 =	sld [smem:$0x0];
	_ =	sdelay $0x2  }
0xc7: {  	s31 =	sshll.u32 s1, $0xD;
	s1 =	sshrl.u32 s1, $0x2  }
0xc8: {  	s4 =	sand.u32 $0x4000, s31;
	s1 =	sadd.s32 s1, s30  }
0xc9: {  	s0 =	sor.u32 s4, s0;
	s1 =	sshll.u32 s1, $0x11  }
0xca: {  	s0 =	sor.u32 s1, s0  }
0xcb: {  	s0 =	sadd.s32 $0x8F2B, s0  }
0xcc: {  	[sflag:s0] =	ssyncadd.remote.s32 $0x1  }
0xcd: {  	_ =	sfence.sel $0xFFFF  }
0xce: {  	[dreg:$0x0] =	wrdreg $0xFFFFFFFF;
	(pc) =	sbr.abs _section_cstart, $3  }
0xcf: {  	[dreg:$0x1] =	wrdreg $0xFFFFFFFF  }
0xd0: {  	_ =	task.clear_ibuf [dreg:s22], $0x2FFFF;
	_ =	strace $0x9FFFFFFF  }
0xd1: {  	(tm) =	ssettm $0x7FFFFFFF  }
tec
execute0_lowered:
.L_overlay_start_1:
0x0: {  	(tag) =	ssettag $0x1  }
0x1: {  	s8 =	rddreg [dreg:$0x0]  }
0x2: {  	s2 =	rddreg [dreg:$0x1];
	s3 =	simm.s32 $0x0  }
0x3: {  	s4 =	srdreg.scid;
	s1 =	stileid.u32;
	s13 =	simm.s32 $0x3F00  }
0x4: {  	s14 =	simm.s32 $0x1;
	s15 =	simm.s32 $0x8A80;
	s16 =	simm.s32 $0x5E80  }
0x5: {  	s17 =	simm.s32 $0xB680;
	s18 =	simm.s32 $0x80;
	s19 =	simm.s32 $0xE280  }
0x6: {  	s20 =	simm.s32 $0x2;
	s6 =	sand.u32 $0x1, s4;
	s5 =	sshll.u32 s1, $0x1  }
0x7: {  	s21 =	simm.s32 $0x0;
	[smem:$0x7FF] =	sst s3;
	s7 =	sor.u32 s6, s5  }
0x8: {  	s4 =	sadd.s32 $0x53000, s8;
	_ =	strace $0x8000004A;
	s9 =	smul.u32 $0x1400, s7  }
.Ltmp0:
0x9: {  	v2 =	vimm.s32 $0x0;
	s5 =	sadd.s32 $0xE000, s8;
	s10 =	ssub.s32 $0x2, s6;
	(pc) =	sbr.rel .LBB2_1-.Ltmp0, $4  }
0xa: {  	v3 =	vlaneseq.u32;
	v4 =	vimm.s32 $0xF;
	v9 =	vimm.f32 $0.0e+00;
	s6 =	sadd.s32 $0x4200, s8;
	s11 =	sshrl.u32 s10, $0x1;
	s12 =	smul.u32 $0x140, s7  }
0xb: {  	vm0 =	vcmask $0x704;
	v5 =	vor.u32 $0x10, v3;
	v6 =	vor.u32 $0x20, v3;
	s7 =	sadd.s32 $0xC8E00, s8;
	s30 =	ssub.s32 s10, s11;
	s10 =	simm.s32 $0x12280  }
0xc: {  	v7 =	vor.u32 $0x30, v3;
	v8 =	vor.u32 $0x40, v3;
	v9 =	vsel vm0, $0x3F800000, v9;
	s11 =	simm.s32 $0x3;
	s8 =	sadd.s32 s9, s8;
	s31 =	sadd.s32 $0x140, s12  }
0xd: {  	vm0 =	vmmov $0x1;
	v0 =	vmov s12;
	s9 =	smax.u32 s30, $0x1;
	s12 =	simm.s32 $0x1F80;
	s8 =	sadd.s32 $0xCA200, s8;
	v1 =	vmov s31  }
.LBB2_17:
0xe: {  	s21 =	sadd.s32 $0x1, s21  }
0xf: {  	p0 =	sne.s32 s21, s9  }
.Ltmp1:
0x10: {  	_ = 	snop;
	(pc) =	sbr.rel @!p0 .LBB2_18-.Ltmp1, $4  }
0x11: {  	[hbm4b:s8+s3] =	stream.linear.scatter [tilespmem:s10], [sflag:$0x3], $0xA000, $0x38;
	[tilespmem:$0x1C280] =	vst v63  }
0x12: {  	_ =	swait.ge [sflag:s11], $0xA000  }
0x13: {  	[sflag:s11] =	ssyncset.done $0x0  }
0x14: {  	[sflag:s11] =	ssyncadd.s32 $0xFFFF6000  }
.LBB2_1:
0x15: {  	[tilespmem:s10], [sflag:$0x3] =	stream.linear.gather [hbm4b:s7+s3], $0xA000, $0x38;
	[tilespmem:$0x1C280] =	vst v63  }
0x16: {  	_ =	swait.ge [sflag:s11], $0xA000  }
0x17: {  	[sflag:s11] =	ssyncset.done $0x0  }
0x18: {  	s22 =	simm.s32 $0x40;
	s23 =	simm.s32 $0x0;
	v10 =	vimm.s32 $0x0;
	[sflag:s11] =	ssyncadd.s32 $0xFFFF6000  }
.LBB2_2:
0x19: {  	p0 =	sne.s32 s22, $0xAFC0;
	[tilespmem:s23+$0x5E80] =	vst v10;
	s23 =	smov.u32 s22;
	s22 =	sadd.s32 $0x40, s22  }
.Ltmp2:
0x1a: {  	(pc) =	sbr.rel @p0 .LBB2_2-.Ltmp2, $2  }
0x1b: {  	_ =	sdelay $0x2  }
0x1c: {  	v10 =	vimm.s32 $0x0;
	s23 =	sshra.s32 s23, $0x2  }
0x1d: {  	[tilespmem:s23+$0x5E80] =	vst v10;
	s22 =	simm.s32 $0x0;
	s23 =	simm.s32 $0x0  }
.LBB2_4:
0x1e: {  	s24 =	smul.u32 $0x3E8, s23;
	_ =	sdelay $0x1  }
0x1f: {  	s25 =	sadd.s32 s5, s24  }
0x20: {  	[tilespmem:s22], [sflag:$0x1] =	stream.linear.gather [hbm4b:s25+s22], $0x1F40, $0x38;
	[tilespmem:$0x1C280] =	vst v63  }
0x21: {  	s30 =	sadd.s32 s6, s24  }
0x22: {  	[tilespmem:s12], [sflag:$0x1] =	stream.linear.gather [hbm4b:s30+s22], $0x1F40, $0x38;
	[tilespmem:$0x1C280] =	vst v63  }
0x23: {  	s24 =	sadd.s32 s2, s24  }
0x24: {  	[tilespmem:s13], [sflag:$0x1] =	stream.linear.gather [hbm4b:s24+s22], $0x1F40, $0x38;
	[tilespmem:$0x1C280] =	vst v63  }
0x25: {  	_ =	swait.ge [sflag:s14], $0x1F40  }
0x26: {  	[sflag:s14] =	ssyncset.done $0x0  }
0x27: {  	[sflag:s14] =	ssyncadd.s32 $0xFFFFE0C0  }
0x28: {  	_ =	swait.ge [sflag:s14], $0x1F40  }
0x29: {  	[sflag:s14] =	ssyncset.done $0x0  }
0x2a: {  	[sflag:s14] =	ssyncadd.s32 $0xFFFFE0C0  }
0x2b: {  	_ =	swait.ge [sflag:s14], $0x1F40  }
0x2c: {  	[sflag:s14] =	ssyncset.done $0x0  }
0x2d: {  	s31 =	simm.s32 $0x0;
	[sflag:s14] =	ssyncadd.s32 $0xFFFFE0C0  }
0x2e: {  	v13 =	vld [tilespmem:s31+$0x0];
	_ =	sdelay $0x2  }
0x2f: {  	v14 =	vld [tilespmem:s31+$0x10];
	_ =	sdelay $0x1  }
0x30: {  	vm1 =	vge.s32 v13, v0;
	vm2 =	vlt.s32 v13, v1  }
0x31: {  	vm1 =	vmand vm1, vm2  }
0x32: {  	v11 =	vsel vm1, $0x1, v2  }
0x33: {  	vm3 =	vlt.s32 v14, v1;
	vm2 =	vge.s32 v14, v0;
	(xrf0) =	vadd.scan.msk.s32 $0xffff, v11  }
0x34: {  	vm2 =	vmand vm2, vm3  }
0x35: {  	v11 =	vsel vm2, $0x1, v2  }
0x36: {  	(xrf0) =	vadd.scan.msk.s32 $0xffff, v11;
	_ =	sdelay $0x2  }
0x37: {  	v11, _, _ =	vpop (xrf0)  }
0x38: {  	v12 =	vperm.xlane v11, v4;
	v11 =	vadd.s32 v11, v10  }
0x39: {  	v15 =	vadd.s32 $0xFFFFFFFF, v11  }
0x3a: {  	v16, _, _ =	vpop (xrf0);
	v10 =	vadd.s32 v10, v12;
	vm3 =	vlt.s32 v15, $0x2C00  }
0x3b: {  	v11 =	vadd.s32 v10, v16;
	vm3 =	vmand vm1, vm3  }
0x3c: {  	v11 =	vadd.s32 $0xFFFFFFFF, v11  }
0x3d: {  	v17 =	vld [tilespmem:s31+$0x1F80];
	vm1 =	vlt.s32 v11, $0x2C00  }
0x3e: {  	v18 =	vld [tilespmem:s31+$0x3F00];
	vm1 =	vmand vm2, vm1;
	_ =	sdelay $0x1  }
0x3f: {  	v19 =	vld [tilespmem:s31+$0x1F90]  }
0x40: {  	v12 =	vld [tilespmem:s31+$0x3F10];
	[tilespmem:v15+s15+$0x0] =	vst.idx.msk vm3, v13  }
0x41: {  	[tilespmem:v15+s16+$0x0] =	vst.idx.msk vm3, v17  }
0x42: {  	v13 =	vperm.xlane v16, v4;
	[tilespmem:v15+s17+$0x0] =	vst.idx.msk vm3, v18  }
0x43: {  	[tilespmem:v11+s15+$0x0] =	vst.idx.msk vm1, v14  }
0x44: {  	s25 =	simm.s32 $0x100;
	s24 =	simm.s32 $0x80;
	v10 =	vadd.s32 v10, v13;
	[tilespmem:v11+s16+$0x0] =	vst.idx.msk vm1, v19  }
.LBB2_5:
0x45: {  	p0 =	sne.s32 s25, $0x7C80  }
0x46: {  	s26 =	sshra.s32 s24, $0x2;
	[tilespmem:v11+s17+$0x0] =	vst.idx.msk vm1, v12;
	s24 =	smov.u32 s25;
	s25 =	sadd.s32 $0x80, s25  }
0x47: {  	v13 =	vld [tilespmem:s26+$0x0];
	_ =	sdelay $0x2  }
0x48: {  	v14 =	vld [tilespmem:s26+$0x10];
	_ =	sdelay $0x1  }
0x49: {  	vm1 =	vge.s32 v13, v0;
	vm2 =	vlt.s32 v13, v1  }
0x4a: {  	vm1 =	vmand vm1, vm2  }
0x4b: {  	v11 =	vsel vm1, $0x1, v2  }
0x4c: {  	vm2 =	vge.s32 v14, v0;
	vm3 =	vlt.s32 v14, v1;
	(xrf0) =	vadd.scan.msk.s32 $0xffff, v11  }
0x4d: {  	vm2 =	vmand vm2, vm3  }
0x4e: {  	v11 =	vsel vm2, $0x1, v2  }
0x4f: {  	(xrf0) =	vadd.scan.msk.s32 $0xffff, v11;
	_ =	sdelay $0x2  }
0x50: {  	v11, _, _ =	vpop (xrf0)  }
0x51: {  	v12 =	vperm.xlane v11, v4;
	v16 =	vadd.s32 v11, v10  }
0x52: {  	v15 =	vadd.s32 $0xFFFFFFFF, v16  }
0x53: {  	v10 =	vadd.s32 v10, v12;
	vm3 =	vlt.s32 v15, $0x2C00;
	v11, _, _ =	vpop (xrf0)  }
0x54: {  	v12 =	vadd.s32 v10, v11;
	vm3 =	vmand vm1, vm3;
	v16 =	vperm.xlane v11, v4  }
0x55: {  	v11 =	vadd.s32 $0xFFFFFFFF, v12  }
0x56: {  	v17 =	vld [tilespmem:s26+$0x1F80];
	vm1 =	vlt.s32 v11, $0x2C00;
	v10 =	vadd.s32 v10, v16  }
0x57: {  	v16 =	vld [tilespmem:s26+$0x3F00];
	vm1 =	vmand vm2, vm1  }
0x58: {  	v12 =	vld [tilespmem:s26+$0x3F10]  }
0x59: {  	v18 =	vld [tilespmem:s26+$0x1F90]  }
.Ltmp3:
0x5a: {  	[tilespmem:v15+s15+$0x0] =	vst.idx.msk vm3, v13;
	(pc) =	sbr.rel @p0 .LBB2_5-.Ltmp3, $4  }
0x5b: {  	[tilespmem:v15+s16+$0x0] =	vst.idx.msk vm3, v17  }
0x5c: {  	[tilespmem:v15+s17+$0x0] =	vst.idx.msk vm3, v16  }
0x5d: {  	[tilespmem:v11+s15+$0x0] =	vst.idx.msk vm1, v14  }
0x5e: {  	[tilespmem:v11+s16+$0x0] =	vst.idx.msk vm1, v18  }
0x5f: {  	_ =	sdelay $0x4  }
0x60: {  	s24 =	sshra.s32 s24, $0x2;
	[tilespmem:v11+s17+$0x0] =	vst.idx.msk vm1, v12  }
0x61: {  	v11 =	vld [tilespmem:s24+$0x0];
	_ =	sdelay $0x2  }
0x62: {  	v12 =	vld [tilespmem:s24+$0x10];
	_ =	sdelay $0x1  }
0x63: {  	vm1 =	vge.s32 v11, v0;
	vm2 =	vlt.s32 v11, v1  }
0x64: {  	vm1 =	vmand vm1, vm2  }
0x65: {  	v13 =	vsel vm1, $0x1, v2  }
0x66: {  	vm3 =	vlt.s32 v12, v1;
	vm2 =	vge.s32 v12, v0;
	(xrf0) =	vadd.scan.msk.s32 $0xffff, v13  }
0x67: {  	vm2 =	vmand vm2, vm3  }
0x68: {  	v61 =	vsel vm2, $0x1, v2  }
0x69: {  	(xrf0) =	vadd.scan.msk.s32 $0xffff, v61;
	_ =	sdelay $0x2  }
0x6a: {  	v62, _, _ =	vpop (xrf0)  }
0x6b: {  	v14 =	vperm.xlane v62, v4;
	v13 =	vadd.s32 v62, v10  }
0x6c: {  	v13 =	vadd.s32 $0xFFFFFFFF, v13  }
0x6d: {  	v63, _, _ =	vpop (xrf0);
	v10 =	vadd.s32 v10, v14;
	vm3 =	vlt.s32 v13, $0x2C00  }
0x6e: {  	v15 =	vadd.s32 v10, v63;
	vm1 =	vmand vm1, vm3  }
0x6f: {  	v15 =	vadd.s32 $0xFFFFFFFF, v15  }
0x70: {  	v16 =	vld [tilespmem:s24+$0x1F80];
	vm3 =	vlt.s32 v15, $0x2C00  }
0x71: {  	v17 =	vld [tilespmem:s24+$0x3F00];
	vm2 =	vmand vm2, vm3;
	_ =	sdelay $0x1  }
0x72: {  	s23 =	sadd.s32 $0x1, s23;
	v19 =	vld [tilespmem:s24+$0x1F90]  }
0x73: {  	v18 =	vld [tilespmem:s24+$0x3F10];
	p0 =	sne.s32 s23, $0x28;
	[tilespmem:v13+s15+$0x0] =	vst.idx.msk vm1, v11  }
.Ltmp4:
0x74: {  	[tilespmem:v13+s16+$0x0] =	vst.idx.msk vm1, v16;
	(pc) =	sbr.rel @p0 .LBB2_4-.Ltmp4, $4  }
0x75: {  	[tilespmem:v13+s17+$0x0] =	vst.idx.msk vm1, v17  }
0x76: {  	v11 =	vperm.xlane v63, v4;
	[tilespmem:v15+s15+$0x0] =	vst.idx.msk vm2, v12  }
0x77: {  	[tilespmem:v15+s16+$0x0] =	vst.idx.msk vm2, v19  }
0x78: {  	v10 =	vadd.s32 v10, v11;
	[tilespmem:v15+s17+$0x0] =	vst.idx.msk vm2, v18  }
0x79: {  	[bflag:$0x0] =	sbarrier.arrive $0xFFFF;
	v10 =	vxor.u32 $0x80000000, v10  }
0x7a: {  	(xrf0) =	vmax.scan.msk.u32 $0xffff, v10;
	_ =	sdelay $0x5  }
0x7b: {  	v10, _, _ =	vpop (xrf0)  }
0x7c: {  	(v2sf) =	vpush v10, $0xF;
	_ =	sdelay $0xe  }
0x7d: {  	s23 =	spop (v2sf)  }
0x7e: {  	s22 =	sadd.s32 $0x8000007F, s23  }
0x7f: {  	s24 =	sand.u32 $0x7F, s22  }
0x80: {  	s31 =	sshra.s32 s22, $0x1F;
	p1 =	slt.s32 s22, $0x1;
	p0 =	sne.s32 s24, $0x0  }
0x81: {  	s24 =	sshrl.u32 s31, $0x19;
	p0 =	por !p1, !p0  }
0x82: {  	s22 =	sadd.s32 s24, s22;
	s24 =	simm.s32 $0x1;
	p0 =	por !p0, !p0  }
0x83: {  	s22 =	sshra.s32 s22, $0x7;
	s24 =	simm.s32 @!p0 $0x0  }
0x84: {  	s22 =	ssub.s32 s22, s24  }
0x85: {  	p0 =	sgt.s32 s22, $0x0  }
.Ltmp5:
0x86: {  	_ = 	snop;
	(pc) =	sbr.rel @!p0 .LBB2_17-.Ltmp5, $1  }
0x87: {  	_ =	sdelay $0x3  }
.Ltmp6:
0x88: {  	(pc) =	sbr.rel .LBB2_10-.Ltmp6, $2  }
0x89: {  	_ =	sdelay $0x2  }
0x8a: {  	s23 =	sxor.u32 $0x80000000, s23;
	s24 =	simm.s32 $0x0;
	s25 =	simm.s32 $0x80  }
.LBB2_13:
0x8b: {  	s30 =	smov.u32 s29  }
.LBB2_16:
0x8c: {  	_ =	sdelay $0x1  }
0x8d: {  	v12 =	vmul.f32 @p0 v13, v12  }
0x8e: {  	v53 =	vmov s30  }
0x8f: {  	v12 =	vsel @p0 vm0, v12, v9  }
0x90: {  	v11 =	vadd.f32 @p0 v12, v11;
	_ =	sdelay $0x1  }
0x91: {  	[tilespmem:v10+s10+$0x0] =	vst.idx.msk @p0 $0xffff, v11  }
0x92: {  	v10 =	vld.idx.msk [tilespmem:v53+s15+$0x0], $0xffff;
	_ =	sdelay $0x3  }
0x93: {  	s0 =	ssub.s32 s30, s26  }
0x94: {  	s0 =	sshll.u32 s0, $0x7;
	v10 =	vsub.s32 v10, v0  }
0x95: {  	v11 =	vor.u32 s0, v3;
	v10 =	vshll.u32 v10, $0x7  }
0x96: {  	v54 =	vor.u32 v3, v10;
	_ =	sdelay $0x3  }
0x97: {  	v11 =	vld.idx.msk [tilespmem:v11+s19+$0x0], $0xffff  }
0x98: {  	v14 =	vld.idx.msk [tilespmem:v54+s10+$0x0], $0xffff;
	_ =	sdelay $0x1  }
0x99: {  	v15 =	vor.u32 s0, v5  }
0x9a: {  	v16 =	vor.u32 v5, v10;
	_ =	sdelay $0x1  }
0x9b: {  	v11 =	vmax.f32 v14, v11  }
0x9c: {  	[tilespmem:v54+s10+$0x0] =	vst.idx.msk $0xffff, v11  }
0x9d: {  	v11 =	vld.idx.msk [tilespmem:v15+s19+$0x0], $0xffff  }
0x9e: {  	v12 =	vld.idx.msk [tilespmem:v16+s10+$0x0], $0xffff;
	_ =	sdelay $0x1  }
0x9f: {  	v55 =	vor.u32 s0, v6  }
0xa0: {  	v56 =	vor.u32 v6, v10;
	_ =	sdelay $0x1  }
0xa1: {  	v11 =	vmax.f32 v12, v11  }
0xa2: {  	[tilespmem:v16+s10+$0x0] =	vst.idx.msk $0xffff, v11  }
0xa3: {  	v11 =	vld.idx.msk [tilespmem:v55+s19+$0x0], $0xffff  }
0xa4: {  	v57 =	vld.idx.msk [tilespmem:v56+s10+$0x0], $0xffff;
	_ =	sdelay $0x1  }
0xa5: {  	v58 =	vor.u32 s0, v7  }
0xa6: {  	v59 =	vor.u32 v7, v10;
	_ =	sdelay $0x1  }
0xa7: {  	v11 =	vmax.f32 v57, v11  }
0xa8: {  	[tilespmem:v56+s10+$0x0] =	vst.idx.msk $0xffff, v11  }
0xa9: {  	v11 =	vld.idx.msk [tilespmem:v58+s19+$0x0], $0xffff  }
0xaa: {  	v60 =	vld.idx.msk [tilespmem:v59+s10+$0x0], $0xffff;
	_ =	sdelay $0x2  }
0xab: {  	v61 =	vor.u32 s0, v8;
	_ =	sdelay $0x1  }
0xac: {  	v11 =	vmax.f32 v60, v11  }
0xad: {  	v10 =	vor.u32 v8, v10;
	[tilespmem:v59+s10+$0x0] =	vst.idx.msk $0xffff, v11  }
0xae: {  	v11 =	vld.idx.msk [tilespmem:v53+s17+$0x0], $0xffff  }
0xaf: {  	v62 =	vld.idx.msk [tilespmem:v61+s19+$0x0], $0xffff;
	_ =	sdelay $0x2  }
0xb0: {  	v63 =	vld.idx.msk [tilespmem:v10+s10+$0x0], $0xffff;
	_ =	sdelay $0x1  }
0xb1: {  	v11 =	vmul.f32 v62, v11;
	_ =	sdelay $0x1  }
0xb2: {  	v11 =	vsel vm0, v11, v9  }
0xb3: {  	v11 =	vadd.f32 v11, v63;
	_ =	sdelay $0x1  }
0xb4: {  	[tilespmem:v10+s10+$0x0] =	vst.idx.msk $0xffff, v11  }
.LBB2_9:
0xb5: {  	p0 =	seq.s32 s24, s22  }
.Ltmp7:
0xb6: {  	_ = 	snop;
	(pc) =	sbr.rel @p0 .LBB2_17-.Ltmp7, $2  }
0xb7: {  	_ =	sdelay $0x2  }
0xb8: {  	s25 =	sadd.s32 $0x80, s25  }
.LBB2_10:
0xb9: {  	s26 =	sshll.u32 s24, $0x9  }
0xba: {  	s28 =	sshra.s32 s26, $0x2  }
0xbb: {  	s26 =	sshll.u32 s24, $0x7;
	s24 =	sadd.s32 $0x1, s24;
	s28 =	sadd.s32 $0x5E80, s28  }
0xbc: {  	[tilespmem:s19], [sflag:$0x2] =	stream.indirect.gather [hbm4b:s4+s18], $0x80, s28, s18, $0xb8;
	[tilespmem:$0x1C280] =	vst v63  }
0xbd: {  	s28 =	sshll.u32 s24, $0x7  }
0xbe: {  	p0 =	slt.s32 s23, s28  }
0xbf: {  	s28 =	smov.u32 @p0 s23  }
0xc0: {  	p0 =	sge.s32 s26, s28  }
.Ltmp8:
0xc1: {  	_ = 	snop;
	(pc) =	sbr.rel @p0 .LBB2_9-.Ltmp8, $4  }
0xc2: {  	_ = 	snop  }
0xc3: {  	_ =	swait.ge [sflag:s20], $0x4000  }
0xc4: {  	[sflag:s20] =	ssyncset.done $0x0  }
0xc5: {  	[sflag:s20] =	ssyncadd.s32 $0xFFFFC000  }
0xc6: {  	p0 =	slt.s32 s25, s23;
	s28 =	smov.u32 s23  }
0xc7: {  	s29 =	sadd.s32 $0x1, s26;
	s28 =	smov.u32 @p0 s25  }
0xc8: {  	p1 =	seq.s32 s28, s29  }
.Ltmp9:
0xc9: {  	_ = 	snop;
	(pc) =	sbr.rel @p1 .LBB2_16-.Ltmp9, $2  }
0xca: {  	_ =	sdelay $0x2  }
0xcb: {  	s30 =	smov.u32 s26;
	p0 =	por $0x0, $0x0  }
0xcc: {  	v11 =	vmov s26;
	_ =	sdelay $0x4  }
0xcd: {  	v10 =	vld.idx.msk [tilespmem:v11+s15+$0x0], $0xffff;
	_ =	sdelay $0x3  }
0xce: {  	s30 =	ssub.s32 s26, s26  }
0xcf: {  	s30 =	sshll.u32 s30, $0x7;
	v10 =	vsub.s32 v10, v0  }
0xd0: {  	v12 =	vor.u32 s30, v3;
	v10 =	vshll.u32 v10, $0x7  }
0xd1: {  	v13 =	vor.u32 v3, v10;
	_ =	sdelay $0x3  }
0xd2: {  	v12 =	vld.idx.msk [tilespmem:v12+s19+$0x0], $0xffff  }
0xd3: {  	v14 =	vld.idx.msk [tilespmem:v13+s10+$0x0], $0xffff;
	_ =	sdelay $0x1  }
0xd4: {  	v15 =	vor.u32 s30, v5  }
0xd5: {  	v16 =	vor.u32 v5, v10;
	_ =	sdelay $0x1  }
0xd6: {  	v12 =	vmax.f32 v14, v12  }
0xd7: {  	[tilespmem:v13+s10+$0x0] =	vst.idx.msk $0xffff, v12  }
0xd8: {  	v12 =	vld.idx.msk [tilespmem:v15+s19+$0x0], $0xffff  }
0xd9: {  	v13 =	vld.idx.msk [tilespmem:v16+s10+$0x0], $0xffff;
	_ =	sdelay $0x1  }
0xda: {  	v14 =	vor.u32 s30, v6  }
0xdb: {  	v15 =	vor.u32 v6, v10;
	_ =	sdelay $0x1  }
0xdc: {  	v12 =	vmax.f32 v13, v12  }
0xdd: {  	[tilespmem:v16+s10+$0x0] =	vst.idx.msk $0xffff, v12  }
0xde: {  	v12 =	vld.idx.msk [tilespmem:v14+s19+$0x0], $0xffff  }
0xdf: {  	v13 =	vld.idx.msk [tilespmem:v15+s10+$0x0], $0xffff;
	_ =	sdelay $0x1  }
0xe0: {  	v14 =	vor.u32 s30, v7  }
0xe1: {  	v63 =	vor.u32 v7, v10;
	_ =	sdelay $0x1  }
0xe2: {  	v12 =	vmax.f32 v13, v12  }
0xe3: {  	[tilespmem:v15+s10+$0x0] =	vst.idx.msk $0xffff, v12  }
0xe4: {  	v12 =	vld.idx.msk [tilespmem:v14+s19+$0x0], $0xffff  }
0xe5: {  	v13 =	vld.idx.msk [tilespmem:v63+s10+$0x0], $0xffff;
	_ =	sdelay $0x2  }
0xe6: {  	v14 =	vor.u32 s30, v8  }
0xe7: {  	s30 =	sadd.s32 $0x1, s29  }
0xe8: {  	v10 =	vor.u32 v8, v10;
	p1 =	seq.s32 s28, s30;
	v12 =	vmax.f32 v13, v12  }
.Ltmp10:
0xe9: {  	[tilespmem:v63+s10+$0x0] =	vst.idx.msk $0xffff, v12;
	(pc) =	sbr.rel @p1 .LBB2_13-.Ltmp10, $3  }
0xea: {  	v12 =	vld.idx.msk [tilespmem:v11+s17+$0x0], $0xffff  }
0xeb: {  	v13 =	vld.idx.msk [tilespmem:v14+s19+$0x0], $0xffff;
	_ =	sdelay $0x1  }
0xec: {  	p0 =	por $0x1, $0x1;
	v11 =	vld.idx.msk [tilespmem:v10+s10+$0x0], $0xffff  }
.LBB2_14:
0xed: {  	_ =	sdelay $0x2  }
0xee: {  	v14 =	vmov s29;
	s31 =	smov.u32 s30;
	s30 =	sadd.s32 $0x1, s30;
	v12 =	vmul.f32 v13, v12  }
0xef: {  	p1 =	seq.s32 s28, s30  }
0xf0: {  	v12 =	vsel vm0, v12, v9  }
0xf1: {  	v11 =	vadd.f32 v12, v11;
	_ =	sdelay $0x1  }
0xf2: {  	[tilespmem:v10+s10+$0x0] =	vst.idx.msk $0xffff, v11  }
0xf3: {  	v10 =	vld.idx.msk [tilespmem:v14+s15+$0x0], $0xffff;
	_ =	sdelay $0x4  }
0xf4: {  	s0 =	ssub.s32 s29, s26;
	s29 =	smov.u32 s31  }
0xf5: {  	s0 =	sshll.u32 s0, $0x7;
	v10 =	vsub.s32 v10, v0  }
0xf6: {  	v11 =	vor.u32 s0, v3;
	v10 =	vshll.u32 v10, $0x7  }
0xf7: {  	v12 =	vor.u32 v3, v10;
	_ =	sdelay $0x3  }
0xf8: {  	v11 =	vld.idx.msk [tilespmem:v11+s19+$0x0], $0xffff  }
0xf9: {  	v13 =	vld.idx.msk [tilespmem:v12+s10+$0x0], $0xffff;
	_ =	sdelay $0x2  }
0xfa: {  	v15 =	vor.u32 s0, v5  }
0xfb: {  	v16 =	vor.u32 v5, v10;
	_ =	sdelay $0x1  }
0xfc: {  	v11 =	vmax.f32 v13, v11  }
0xfd: {  	[tilespmem:v12+s10+$0x0] =	vst.idx.msk $0xffff, v11  }
0xfe: {  	v11 =	vld.idx.msk [tilespmem:v15+s19+$0x0], $0xffff  }
0xff: {  	v12 =	vld.idx.msk [tilespmem:v16+s10+$0x0], $0xffff;
	_ =	sdelay $0x2  }
0x100: {  	v13 =	vor.u32 s0, v6  }
0x101: {  	v15 =	vor.u32 v6, v10;
	_ =	sdelay $0x1  }
0x102: {  	v11 =	vmax.f32 v12, v11  }
0x103: {  	[tilespmem:v16+s10+$0x0] =	vst.idx.msk $0xffff, v11  }
0x104: {  	v11 =	vld.idx.msk [tilespmem:v13+s19+$0x0], $0xffff  }
0x105: {  	v12 =	vld.idx.msk [tilespmem:v15+s10+$0x0], $0xffff;
	_ =	sdelay $0x2  }
0x106: {  	v13 =	vor.u32 s0, v7  }
0x107: {  	v16 =	vor.u32 v7, v10;
	_ =	sdelay $0x1  }
0x108: {  	v11 =	vmax.f32 v12, v11  }
0x109: {  	[tilespmem:v15+s10+$0x0] =	vst.idx.msk $0xffff, v11  }
0x10a: {  	v11 =	vld.idx.msk [tilespmem:v13+s19+$0x0], $0xffff  }
0x10b: {  	v12 =	vld.idx.msk [tilespmem:v16+s10+$0x0], $0xffff;
	_ =	sdelay $0x3  }
0x10c: {  	v13 =	vor.u32 s0, v8  }
0x10d: {  	v10 =	vor.u32 v8, v10  }
.Ltmp11:
0x10e: {  	v11 =	vmax.f32 v12, v11;
	(pc) =	sbr.rel @!p1 .LBB2_14-.Ltmp11, $4  }
0x10f: {  	[tilespmem:v16+s10+$0x0] =	vst.idx.msk $0xffff, v11  }
0x110: {  	v12 =	vld.idx.msk [tilespmem:v14+s17+$0x0], $0xffff  }
0x111: {  	v13 =	vld.idx.msk [tilespmem:v13+s19+$0x0], $0xffff  }
0x112: {  	v11 =	vld.idx.msk [tilespmem:v10+s10+$0x0], $0xffff  }
.Ltmp12:
0x113: {  	(pc) =	sbr.rel .LBB2_16-.Ltmp12, $2  }
0x114: {  	_ =	sdelay $0x2  }
0x115: {  	s30 =	smov.u32 s29  }
.LBB2_18:
0x116: {  	_ =	sfence.sel $0x180000  }
0x117: {  	[bflag:$0x0] =	sbarrier.arrive $0xFFFF  }
0x118: {  	_ =	strace $0x9000004A  }
0x119: {  	[bflag:$0x2] =	sbarrier.arrive $0xFFFF  }
0x11a: {  	p0 =	sne.s32 s1, $0x0;
	s0 =	rddreg [dreg:$0x2]  }
0x11b: {  	s0 =	sadd.s32 @!p0 $0x100000, s0  }
0x11c: {  	[sflag:s0] =	ssyncadd.tile.s32 @!p0 $0x1;
	_ =	shalt  }
.Lfunc_end2:
_tile_overlayer_lowered:
.L_overlay_start_2:
0x11d: {  	(tag) =	ssettag $0x2  }
0x11e: {  	s0 =	rddreg [dreg:$0x0];
	s2 =	stileid.u32  }
0x11f: {  	s1 =	rddreg [dreg:$0x1];
	p0 =	sne.s32 s2, $0x0  }
0x120: {  	s3 =	rddreg [dreg:$0x2];
	[bflag:$0x3] =	sbarrier.arrive $0xFFFF;
	s2 =	simm.s32 @!p0 $0x1C03  }
0x121: {  	[timem:s3], [sflag:s2] =	dma.local @!p0 [hbm:s0], s1  }
0x122: {  	s0 =	simm.s32 @!p0 $0x3  }
0x123: {  	_ =	swait.ge @!p0 [sflag:s0], s1  }
0x124: {  	s1 =	ssub.s32 @!p0 $0x0, s1;
	[sflag:s0] =	ssyncset.done @!p0 $0x0  }
0x125: {  	[sflag:s0] =	ssyncadd.s32 @!p0 s1  }
0x126: {  	[bflag:$0x3] =	sbarrier.arrive $0xFFFF  }
0x127: {  	_ =	shalt  }

// kernel: kernel.7.cloned.1.call-start
scs
__scs_entry_jumppad:
0x0: {  	(pc) =	sbr.rel $0x88, $3  }
0x1: {  	(tag) =	ssettag $0x0;
	lr =	simm.s32 $0x1  }
0x2: {  	[smem:$0x3F93] =	sst lr;
	_ =	strace $0xD0000000  }
0x3: {  	_ = 	snop  }
0x4: {  	_ = 	snop  }
0x5: {  	_ = 	snop  }
0x6: {  	_ = 	snop  }
0x7: {  	_ = 	snop  }
__scs_overlays_trampoline_lowered:
0x8: {  	[smem:$0x3FA2] =	sst s0  }
0x9: {  	[smem:$0x3FA3] =	sst s1  }
0xa: {  	[smem:$0x3FA4] =	sst s2  }
0xb: {  	[smem:$0x3FA5] =	sst s3  }
0xc: {  	[smem:$0x3FA6] =	sst s4  }
0xd: {  	[smem:$0x3FA7] =	sst s5  }
0xe: {  	[smem:$0x3FA8] =	sst s6  }
0xf: {  	[smem:$0x3FA9] =	sst s7  }
0x10: {  	[smem:$0x3FAA] =	sst s8  }
0x11: {  	[smem:$0x3FAB] =	sst s9;
	s0 =	simm.s32 @!p0 $0x0  }
0x12: {  	s1 =	sld [smem:$0x3F91];
	s0 =	simm.s32 @p0 $0x1  }
0x13: {  	[smem:$0x3FAC] =	sst s0;
	s0 =	simm.s32 @!p1 $0x0  }
0x14: {  	s2 =	sld [smem:$0x3F90];
	s0 =	simm.s32 @p1 $0x1  }
0x15: {  	[smem:$0x3FAD] =	sst s0;
	s0 =	simm.s32 @!p2 $0x0  }
0x16: {  	s3 =	sld [smem:$0x3FDB];
	s0 =	simm.s32 @p2 $0x1  }
0x17: {  	s4 =	simm.s32 $0x1BF5;
	[smem:$0x3FAF] =	sst s0  }
0x18: {  	s0 =	sld [smem:$0x3F92];
	_ =	swait.ge [sflag:s4], $0x0  }
0x19: {  	s7 =	sld [smem:$0x3F93]  }
0x1a: {  	s8 =	sadd.s32 $0xFFFFE003, lr  }
0x1b: {  	s9 =	sadd.s32 $0xFFFFFEF7, lr;
	s5 =	simm.s32 $0xFFFFFFFF;
	p2 =	slt.u32 s8, $0xFFFFF086  }
0x1c: {  	p1 =	slt.u32 s9, $0xF7A;
	s5 =	simm.s32 @!p2 $0x0  }
0x1d: {  	s5 =	simm.s32 @p1 $0x1;
	p0 =	seq.s32 s7, s2  }
0x1e: {  	s7 =	smul.u32 @!p0 $0xF7A, s2;
	p2 =	seq.s32 @!p0 s5, $0x0  }
0x1f: {  	s9 =	smul.u32 $0xF7A, s1;
	s8 =	simm.s32 @!p0 $0x1BF5;
	p2 =	por !p2, p0  }
0x20: {  	[sflag:s8] =	ssyncset.s32 @!p0 $0xFFFFF086;
	s6 =	sadd.s32 @!p0 s3, s7;
	s7 =	simm.s32 @!p0 $0x108  }
0x21: {  	s3 =	sadd.s32 s3, s9;
	s6 =	sadd.s32 @!p0 $0x88, s6;
	s7 =	simm.s32 @p2 $0x1082  }
0x22: {  	[simem:s7], [sflag:s8] =	dma.local @!p0 [hbm:s6], $0xF7A  }
0x23: {  	s9 =	sor.u32 $0xD0000000, s2;
	s6 =	simm.s32 $0x108;
	_ =	swait.ge @!p0 [sflag:s8], $0x0  }
0x24: {  	s3 =	sadd.s32 $0x88, s3;
	s6 =	simm.s32 @!p1 $0x1082;
	[sflag:s4] =	ssyncset.s32 $0xFFFFF086  }
0x25: {  	[simem:s6], [sflag:s4] =	dma.local [hbm:s3], $0xF7A  }
0x26: {  	[smem:$0x3F93] =	sst s1;
	(tag) =	ssettag s2;
	_ =	strace s9  }
0x27: {  	s1 =	sld [smem:$0x3FA3]  }
0x28: {  	s2 =	sld [smem:$0x3FA4]  }
0x29: {  	s4 =	sld [smem:$0x3FA6]  }
0x2a: {  	p0 =	seq.s32 s5, $0x0;
	s5 =	sld [smem:$0x3FA7]  }
0x2b: {  	s6 =	sld [smem:$0x3FA8]  }
0x2c: {  	s7 =	sld [smem:$0x3FA9]  }
0x2d: {  	s3 =	simm.s32 $0x108;
	s8 =	sld [smem:$0x3FAA]  }
0x2e: {  	s3 =	simm.s32 @!p0 $0x1082;
	s9 =	sld [smem:$0x3FAB]  }
0x2f: {  	lr =	sadd.s32 s0, s3;
	s0 =	sld [smem:$0x3FA2]  }
0x30: {  	s3 =	sld [smem:$0x3FA5]  }
0x31: {  	[smem:$0x3FAE] =	sst s10  }
0x32: {  	s10 =	sld [smem:$0x3FAC];
	_ =	sdelay $0x3  }
0x33: {  	p0 =	seq.s32 s10, $0x1;
	s10 =	sld [smem:$0x3FAE];
	_ =	sdelay $0x3  }
0x34: {  	[smem:$0x3FAE] =	sst s10  }
0x35: {  	s10 =	sld [smem:$0x3FAD];
	_ =	sdelay $0x3  }
0x36: {  	p1 =	seq.s32 s10, $0x1;
	s10 =	sld [smem:$0x3FAE];
	_ =	sdelay $0x3  }
0x37: {  	[smem:$0x3FAE] =	sst s10  }
0x38: {  	s10 =	sld [smem:$0x3FAF]  }
0x39: {  	_ = 	snop;
	(pc) =	sbr.ind lr, $3  }
0x3a: {  	_ = 	snop  }
0x3b: {  	_ = 	snop  }
0x3c: {  	p2 =	seq.s32 s10, $0x1;
	s10 =	sld [smem:$0x3FAE]  }
0x3d: {  	_ =	shalt  }
0x3e: {  	_ =	shalt  }
0x3f: {  	_ =	shalt  }
0x40: {  	_ =	shalt  }
0x41: {  	_ =	shalt  }
0x42: {  	_ =	shalt  }
0x43: {  	_ =	shalt  }
0x44: {  	_ =	shalt  }
0x45: {  	_ =	shalt  }
0x46: {  	_ =	shalt  }
0x47: {  	_ =	shalt  }
0x48: {  	_ =	shalt  }
0x49: {  	_ =	shalt  }
0x4a: {  	_ =	shalt  }
0x4b: {  	_ =	shalt  }
0x4c: {  	_ =	shalt  }
0x4d: {  	_ =	shalt  }
0x4e: {  	_ =	shalt  }
0x4f: {  	_ =	shalt  }
0x50: {  	_ =	shalt  }
0x51: {  	_ =	shalt  }
0x52: {  	_ =	shalt  }
0x53: {  	_ =	shalt  }
0x54: {  	_ =	shalt  }
0x55: {  	_ =	shalt  }
0x56: {  	_ =	shalt  }
0x57: {  	_ =	shalt  }
0x58: {  	_ =	shalt  }
0x59: {  	_ =	shalt  }
0x5a: {  	_ =	shalt  }
0x5b: {  	_ =	shalt  }
0x5c: {  	_ =	shalt  }
0x5d: {  	_ =	shalt  }
0x5e: {  	_ =	shalt  }
0x5f: {  	_ =	shalt  }
0x60: {  	_ =	shalt  }
0x61: {  	_ =	shalt  }
0x62: {  	_ =	shalt  }
0x63: {  	_ =	shalt  }
0x64: {  	_ =	shalt  }
0x65: {  	_ =	shalt  }
0x66: {  	_ =	shalt  }
0x67: {  	_ =	shalt  }
0x68: {  	_ =	shalt  }
0x69: {  	_ =	shalt  }
0x6a: {  	_ =	shalt  }
0x6b: {  	_ =	shalt  }
0x6c: {  	_ =	shalt  }
0x6d: {  	_ =	shalt  }
0x6e: {  	_ =	shalt  }
0x6f: {  	_ =	shalt  }
0x70: {  	_ =	shalt  }
0x71: {  	_ =	shalt  }
0x72: {  	_ =	shalt  }
0x73: {  	_ =	shalt  }
0x74: {  	_ =	shalt  }
0x75: {  	_ =	shalt  }
0x76: {  	_ =	shalt  }
0x77: {  	_ =	shalt  }
0x78: {  	_ =	shalt  }
0x79: {  	_ =	shalt  }
0x7a: {  	_ =	shalt  }
0x7b: {  	_ =	shalt  }
0x7c: {  	_ =	shalt  }
0x7d: {  	_ =	shalt  }
0x7e: {  	_ =	shalt  }
0x7f: {  	_ =	shalt  }
0x80: {  	_ =	shalt  }
0x81: {  	_ =	shalt  }
0x82: {  	_ =	shalt  }
0x83: {  	_ =	shalt  }
0x84: {  	_ =	shalt  }
0x85: {  	_ =	shalt  }
0x86: {  	_ =	shalt  }
0x87: {  	_ =	shalt  }
.Lfunc_end0:
.L_simem_size_0:
called_computation_lowered:
.L_overlay_start_0:
0x88: {  	s2 =	sld [smem:$0x3FD9]  }
0x89: {  	s3 =	sld [smem:$0x3FFE];
	_ =	sdelay $0x1  }
0x8a: {  	s1 =	srdreg.scid  }
0x8b: {  	s0 =	sand.u32 $0x1, s1  }
0x8c: {  	s17 =	sshll.u32 s0, $0xA;
	s2 =	sadd.s32 s3, s2  }
0x8d: {  	s2 =	sadd.s32 s2, s17  }
0x8e: {  	[smem:$0x3FBA] =	sst s2  }
0x8f: {  	_ = 	snop  }
0x90: {  	s2 =	sld [smem:$0x3FD0];
	(tm) =	ssettm $0x1  }
0x91: {  	s18 =	sld [smem:$0x3FFB];
	_ =	sdelay $0x3  }
0x92: {  	_ =	strace s18  }
0x93: {  	s3 =	sld [smem:$0x3FFC];
	_ =	sdelay $0x3  }
0x94: {  	_ =	strace s3  }
0x95: {  	s3 =	sld [smem:$0x3FFD];
	_ =	sdelay $0x3  }
0x96: {  	_ =	strace s3  }
0x97: {  	_ =	strace $0x8FFFFFFF  }
0x98: {  	s19 =	sld [smem:$0x3FDB];
	_ =	sdelay $0x1  }
0x99: {  	s4 =	simm.s32 $_scs_section_size  }
0x9a: {  	s5 =	simm.s32 $_size__tile_overlayer_lowered;
	s6 =	simm.s32 $_tile_overlayer_lowered  }
0x9b: {  	s22 =	simm.s32 $0x1BFF;
	s21 =	sshll.u32 s6, $0x1;
	s3 =	sadd.s32 s4, s19  }
0x9c: {  	s7 =	simm.s32 $0x0;
	s20 =	sshll.u32 s5, $0x1;
	s5 =	sadd.s32 s21, s3  }
0x9d: {  	[timem:s7], [sflag:s22] =	dma.local [hbm:s5], s20  }
0x9e: {  	_ =	swait.ge [sflag:s22], s20  }
0x9f: {  	s4 =	ssub.s32 $0x0, s20;
	[sflag:s22] =	ssyncset.done $0x0  }
0xa0: {  	[sflag:s22] =	ssyncadd.s32 s4;
	_ =	sdelay $0x1  }
0xa1: {  	s23 =	simm.s32 $0x1B8B  }
0xa2: {  	_ =	swait.ge [sflag:s23], $0x1  }
0xa3: {  	[sflag:s23] =	ssyncset.done $0x0  }
0xa4: {  	s25 =	simm.s32 $0x1B8E;
	s24 =	sld [smem:$0x3FFE];
	[sflag:s23] =	ssyncadd.s32 $0xFFFFFFFF  }
0xa5: {  	s26 =	simm.s32 $execute0_lowered;
	[smem:$0x3FD2] =	sst s25  }
0xa6: {  	s5 =	sshll.u32 s26, $0x1;
	_ =	strace $0x80000046;
	[dreg:$0x1] =	wrdreg $0xFFFFFFFF  }
0xa7: {  	s28 =	simm.s32 $_size_execute0_lowered;
	s3 =	sadd.s32 s3, s5;
	[dreg:$0x0] =	wrdreg $0x0  }
0xa8: {  	s5 =	sshll.u32 s28, $0x1;
	[dreg:$0x2] =	wrdreg s3  }
0xa9: {  	[dreg:$0x3] =	wrdreg s5  }
0xaa: {  	[dreg:$0x4] =	wrdreg $0xC0  }
0xab: {  	_ =	task [dreg:s7], $0x5FFFF  }
0xac: {  	[dreg:$0x1] =	wrdreg $0xFFFFFFFF  }
0xad: {  	[dreg:$0x0] =	wrdreg $0x60  }
0xae: {  	[dreg:$0x2] =	wrdreg s2  }
0xaf: {  	[dreg:$0x3] =	wrdreg s24  }
0xb0: {  	[dreg:$0x4] =	wrdreg $0x88000  }
0xb1: {  	[dreg:$0x5] =	wrdreg $0x9  }
0xb2: {  	_ =	task.clear_ibuf [dreg:s7], $0x6FFFF;
	_ =	strace $0x90000046  }
0xb3: {  	s29 =	simm.s32 $0x9;
	_ =	strace $0x80000048  }
0xb4: {  	_ =	swait.ge [sflag:s29], $0x1  }
0xb5: {  	[sflag:s29] =	ssyncadd.s32 $0xFFFFFFFF  }
0xb6: {  	_ =	strace $0x90000048  }
0xb7: {  	_ =	sfence  }
0xb8: {  	s30 =	sld [smem:$0x0];
	_ =	sdelay $0x2  }
0xb9: {  	s31 =	sshll.u32 s1, $0xD;
	s1 =	sshrl.u32 s1, $0x2  }
0xba: {  	s3 =	sand.u32 $0x4000, s31;
	s1 =	sadd.s32 s1, s30  }
0xbb: {  	s0 =	sor.u32 s3, s0;
	s1 =	sshll.u32 s1, $0x11  }
0xbc: {  	s0 =	sor.u32 s1, s0  }
0xbd: {  	s0 =	sadd.s32 $0x8F2B, s0  }
0xbe: {  	[sflag:s0] =	ssyncadd.remote.s32 $0x1  }
0xbf: {  	_ =	sfence.sel $0xFFFF  }
0xc0: {  	[dreg:$0x0] =	wrdreg $0xFFFFFFFF;
	(pc) =	sbr.abs _section_cstart, $3  }
0xc1: {  	[dreg:$0x1] =	wrdreg $0xFFFFFFFF  }
0xc2: {  	_ =	task.clear_ibuf [dreg:s7], $0x2FFFF;
	_ =	strace $0x9FFFFFFF  }
0xc3: {  	(tm) =	ssettm $0x7FFFFFFF  }
tec
execute0_lowered:
.L_overlay_start_1:
0x0: {  	(tag) =	ssettag $0x1  }
0x1: {  	s1 =	rddreg [dreg:$0x0]  }
0x2: {  	s0 =	rddreg [dreg:$0x1]  }
0x3: {  	s2 =	rddreg [dreg:$0x2]  }
0x4: {  	s3 =	simm.s32 $0x0;
	s5 =	stileid.u32;
	s7 =	srdreg.scid  }
0x5: {  	s16 =	simm.s32 $0x5;
	s28 =	simm.s32 $0x1;
	s29 =	simm.s32 $0x3  }
0x6: {  	s30 =	simm.s32 $0x500;
	s31 =	simm.s32 $0x2;
	[smem:$0x7FF] =	sst s3  }
0x7: {  	s6 =	smul.u32 $0xA00, s5;
	s4 =	sadd.s32 $0x2BE00, s0;
	s7 =	sand.u32 $0x1, s7  }
0x8: {  	s8 =	sadd.s32 $0x7A200, s0;
	s9 =	smul.u32 $0x50000, s5;
	s12 =	sadd.s32 $0x7AA00, s0  }
0x9: {  	s11 =	smul.u32 $0x4E000, s5;
	s13 =	sadd.s32 $0xA1C00, s0;
	s24 =	sshll.u32 s5, $0x6  }
0xa: {  	s26 =	smul.u32 $0x2700, s5;
	_ =	strace $0x80000047;
	[dreg:$0x4] =	wrdreg s8  }
0xb: {  	s15 =	sadd.s32 $0x138000, s2;
	p2 =	seq.s32 s5, $0x0;
	[dreg:$0x6] =	wrdreg s13  }
0xc: {  	p1 =	sne.s32 s5, $0x0;
	s21 =	ssub.s32 $0x2, s7;
	[dreg:$0x5] =	wrdreg s12  }
0xd: {  	p0 =	sne.s32 s7, $0x0;
	s7 =	simm.s32 $0x680;
	s6 =	sadd.s32 s6, s0  }
0xe: {  	s10 =	sshrl.u32 s21, $0x1;
	s23 =	sshrl.u32 s9, $0x2;
	s25 =	sshrl.u32 s11, $0x2  }
0xf: {  	s9 =	sor.u32 $0x1C05, s24;
	s14 =	sadd.s32 s13, s26;
	s17 =	sadd.s32 s12, s26  }
0x10: {  	s26 =	sshrl.u32 s15, $0x3;
	s11 =	simm.s32 $0x600;
	s12 =	simm.s32 $0x700  }
0x11: {  	s15 =	simm.s32 $0x280;
	s22 =	ssub.s32 s21, s10;
	[dreg:$0x7] =	wrdreg s9  }
0x12: {  	s8 =	sadd.s32 s23, s2;
	s10 =	sadd.s32 s25, s2;
	[dreg:$0x9] =	wrdreg s14  }
0x13: {  	[dreg:$0xa] =	wrdreg s17;
	s13 =	sadd.s32 $0x17E00, s6;
	s14 =	sadd.s32 $0x21E00, s6  }
0x14: {  	[dreg:$0x11] =	wrdreg s26;
	s26 =	simm.s32 $0x4800;
	s6 =	simm.s32 $0x180  }
0x15: {  	s9 =	simm.s32 $0x200;
	s17 =	simm.s32 $0x780;
	[dreg:$0x8] =	wrdreg s10  }
0x16: {  	s0 =	smax.u32 s22, $0x1;
	s18 =	sadd.s32 $0x4000, s8;
	s19 =	sadd.s32 $0x8000, s8  }
0x17: {  	s20 =	sadd.s32 $0xC000, s8;
	s22 =	sshrl.u32 s8, $0x3;
	[dreg:$0xb] =	wrdreg s0  }
0x18: {  	s21 =	sadd.s32 $0x10000, s8;
	s10 =	simm.s32 $0x100;
	[dreg:$0xc] =	wrdreg s22  }
0x19: {  	s0 =	sshrl.u32 s18, $0x3;
	s23 =	sshrl.u32 s19, $0x3;
	s24 =	sshrl.u32 s20, $0x3  }
.Ltmp0:
0x1a: {  	s25 =	sshrl.u32 s21, $0x3;
	[dreg:$0xd] =	wrdreg s0;
	(pc) =	sbr.rel .LBB2_1-.Ltmp0, $4  }
0x1b: {  	s21 =	simm.s32 $0x400;
	s22 =	simm.s32 $0x80;
	[dreg:$0xe] =	wrdreg s23  }
0x1c: {  	s18 =	simm.s32 $0x300;
	s19 =	simm.s32 $0x380;
	[dreg:$0xf] =	wrdreg s24  }
0x1d: {  	s20 =	simm.s32 $0x0;
	[dreg:$0x10] =	wrdreg s25;
	s23 =	simm.s32 $0x800  }
0x1e: {  	s24 =	simm.s32 $0x480;
	s0 =	simm.s32 $0x4;
	s25 =	simm.s32 $0x580  }
.LBB2_8:
0x1f: {  	s8 =	rddreg [dreg:$0x11]  }
0x20: {  	s5 =	sadd.s32 $0x27000, s5;
	s20 =	rddreg [dreg:$0x7]  }
0x21: {  	[hbm:s5], [sflag:s20] =	dma.local [spmem:s8], $0x100  }
0x22: {  	s20 =	rddreg [dreg:$0x12];
	_ =	swait.ge [sflag:s16], $0x100  }
0x23: {  	[sflag:s16] =	ssyncset.done $0x0  }
0x24: {  	[sflag:s16] =	ssyncadd.s32 $0xFFFFFF00  }
.LBB2_9:
0x25: {  	s20 =	sadd.s32 $0x1, s20;
	s5 =	rddreg [dreg:$0xb]  }
0x26: {  	p3 =	sne.s32 s20, s5  }
.Ltmp1:
0x27: {  	_ = 	snop;
	(pc) =	sbr.rel @!p3 .LBB2_10-.Ltmp1, $1  }
0x28: {  	_ =	sdelay $0x3  }
.LBB2_1:
0x29: {  	[dreg:$0x12] =	wrdreg s20  }
0x2a: {  	s5 =	rddreg [dreg:$0x4]  }
0x2b: {  	s8 =	rddreg [dreg:$0xc]  }
0x2c: {  	s20 =	rddreg [dreg:$0x7]  }
0x2d: {  	[spmem:s8], [sflag:s20] =	dma.local [hbm:s5], $0x800  }
0x2e: {  	_ =	swait.ge [sflag:s16], $0x800  }
0x2f: {  	[sflag:s16] =	ssyncset.done $0x0  }
0x30: {  	s8 =	rddreg [dreg:$0xd];
	[sflag:s16] =	ssyncadd.s32 $0xFFFFF800  }
0x31: {  	[spmem:s8], [sflag:s20] =	dma.local [hbm:s5], $0x800  }
0x32: {  	_ =	swait.ge [sflag:s16], $0x800  }
0x33: {  	[sflag:s16] =	ssyncset.done $0x0  }
0x34: {  	s8 =	rddreg [dreg:$0xe];
	[sflag:s16] =	ssyncadd.s32 $0xFFFFF800  }
0x35: {  	[spmem:s8], [sflag:s20] =	dma.local [hbm:s5], $0x800  }
0x36: {  	_ =	swait.ge [sflag:s16], $0x800  }
0x37: {  	[sflag:s16] =	ssyncset.done $0x0  }
0x38: {  	s8 =	rddreg [dreg:$0xf];
	[sflag:s16] =	ssyncadd.s32 $0xFFFFF800  }
0x39: {  	[spmem:s8], [sflag:s20] =	dma.local [hbm:s5], $0x800  }
0x3a: {  	_ =	swait.ge [sflag:s16], $0x800  }
0x3b: {  	[sflag:s16] =	ssyncset.done $0x0  }
0x3c: {  	s8 =	rddreg [dreg:$0x10];
	[sflag:s16] =	ssyncadd.s32 $0xFFFFF800  }
0x3d: {  	[spmem:s8], [sflag:s20] =	dma.local [hbm:s5], $0x800  }
.Ltmp2:
0x3e: {  	_ =	swait.ge [sflag:s16], $0x800;
	(pc) =	sbr.rel @p0 .LBB2_5-.Ltmp2, $4  }
0x3f: {  	[sflag:s16] =	ssyncset.done $0x0  }
0x40: {  	[sflag:s16] =	ssyncadd.s32 $0xFFFFF800  }
0x41: {  	[bflag:$0x0] =	sbarrier.arrive $0xFFFF  }
0x42: {  	s5 =	sadd.s32 $0x0, s14  }
0x43: {  	[tilespmem:s3], [sflag:$0x5] =	stream.linear.gather [hbm4b:s5+s3], $0x400, $0x38;
	[tilespmem:$0x1C800] =	vst v63  }
0x44: {  	_ =	swait.ge [sflag:s16], $0x400  }
0x45: {  	[sflag:s16] =	ssyncset.done $0x0  }
0x46: {  	s20 =	sadd.s32 $0x0, s13;
	[sflag:s16] =	ssyncadd.s32 $0xFFFFFC00  }
0x47: {  	[tilespmem:s21], [sflag:$0x5] =	stream.linear.gather [hbm4b:s20+s3], $0x400, $0x38;
	[tilespmem:$0x1C800] =	vst v63  }
0x48: {  	_ =	swait.ge [sflag:s16], $0x400  }
0x49: {  	[sflag:s16] =	ssyncset.done $0x0  }
0x4a: {  	[sflag:s16] =	ssyncadd.s32 $0xFFFFFC00  }
0x4b: {  	[tilespmem:s23], [sflag:$0x1] =	stream.indirect.gather [hbm4b:s1+s22], $0x80, s21, s22, $0xb8;
	[tilespmem:$0x1C800] =	vst v63  }
0x4c: {  	_ = 	snop  }
0x4d: {  	[tilespmem:s26], [sflag:$0x2] =	stream.indirect.gather [hbm4b:s1+s22], $0x80, s24, s22, $0xb8;
	[tilespmem:$0x1C800] =	vst v63  }
0x4e: {  	_ =	swait.ge [sflag:s28], $0x4000  }
0x4f: {  	[sflag:s28] =	ssyncset.done $0x0  }
0x50: {  	[sflag:s28] =	ssyncadd.s32 $0xFFFFC000  }
0x51: {  	[spmem:s2] =	stream.indirect.scatter.add.f32 [tilespmem:s23], [sflag:$0x3], $0x80, s3, s22, $0xb8;
	[tilespmem:$0x1C800] =	vst v63  }
0x52: {  	_ =	swait.ge [sflag:s29], $0x4000  }
0x53: {  	[sflag:s29] =	ssyncset.done $0x0  }
0x54: {  	[sflag:s29] =	ssyncadd.s32 $0xFFFFC000  }
0x55: {  	[tilespmem:s23], [sflag:$0x1] =	stream.indirect.gather [hbm4b:s1+s22], $0x80, s30, s22, $0xb8;
	[tilespmem:$0x1C800] =	vst v63  }
0x56: {  	_ =	swait.ge [sflag:s31], $0x4000  }
0x57: {  	[sflag:s31] =	ssyncset.done $0x0  }
0x58: {  	[sflag:s31] =	ssyncadd.s32 $0xFFFFC000  }
0x59: {  	[spmem:s2] =	stream.indirect.scatter.add.f32 [tilespmem:s26], [sflag:$0x4], $0x80, s22, s22, $0xb8;
	[tilespmem:$0x1C800] =	vst v63  }
0x5a: {  	_ =	swait.ge [sflag:s0], $0x4000  }
0x5b: {  	[sflag:s0] =	ssyncset.done $0x0  }
0x5c: {  	[sflag:s0] =	ssyncadd.s32 $0xFFFFC000  }
0x5d: {  	[tilespmem:s26], [sflag:$0x2] =	stream.indirect.gather [hbm4b:s1+s22], $0x80, s25, s22, $0xb8;
	[tilespmem:$0x1C800] =	vst v63  }
0x5e: {  	_ =	swait.ge [sflag:s28], $0x4000  }
0x5f: {  	[sflag:s28] =	ssyncset.done $0x0  }
0x60: {  	[sflag:s28] =	ssyncadd.s32 $0xFFFFC000  }
0x61: {  	[spmem:s2] =	stream.indirect.scatter.add.f32 [tilespmem:s23], [sflag:$0x3], $0x80, s10, s22, $0xb8;
	[tilespmem:$0x1C800] =	vst v63  }
0x62: {  	_ =	swait.ge [sflag:s29], $0x4000  }
0x63: {  	[sflag:s29] =	ssyncset.done $0x0  }
0x64: {  	[sflag:s29] =	ssyncadd.s32 $0xFFFFC000  }
0x65: {  	[tilespmem:s23], [sflag:$0x1] =	stream.indirect.gather [hbm4b:s1+s22], $0x80, s11, s22, $0xb8;
	[tilespmem:$0x1C800] =	vst v63  }
0x66: {  	_ =	swait.ge [sflag:s31], $0x4000  }
0x67: {  	[sflag:s31] =	ssyncset.done $0x0  }
0x68: {  	[sflag:s31] =	ssyncadd.s32 $0xFFFFC000  }
0x69: {  	[spmem:s2] =	stream.indirect.scatter.add.f32 [tilespmem:s26], [sflag:$0x4], $0x80, s6, s22, $0xb8;
	[tilespmem:$0x1C800] =	vst v63  }
0x6a: {  	_ =	swait.ge [sflag:s0], $0x4000  }
0x6b: {  	[sflag:s0] =	ssyncset.done $0x0  }
0x6c: {  	[sflag:s0] =	ssyncadd.s32 $0xFFFFC000  }
0x6d: {  	[tilespmem:s26], [sflag:$0x2] =	stream.indirect.gather [hbm4b:s1+s22], $0x80, s7, s22, $0xb8;
	[tilespmem:$0x1C800] =	vst v63  }
0x6e: {  	_ =	swait.ge [sflag:s28], $0x4000  }
0x6f: {  	[sflag:s28] =	ssyncset.done $0x0  }
0x70: {  	[sflag:s28] =	ssyncadd.s32 $0xFFFFC000  }
0x71: {  	[spmem:s2] =	stream.indirect.scatter.add.f32 [tilespmem:s23], [sflag:$0x3], $0x80, s9, s22, $0xb8;
	[tilespmem:$0x1C800] =	vst v63  }
0x72: {  	_ =	swait.ge [sflag:s29], $0x4000  }
0x73: {  	[sflag:s29] =	ssyncset.done $0x0  }
0x74: {  	[sflag:s29] =	ssyncadd.s32 $0xFFFFC000  }
0x75: {  	[tilespmem:s23], [sflag:$0x1] =	stream.indirect.gather [hbm4b:s1+s22], $0x80, s12, s22, $0xb8;
	[tilespmem:$0x1C800] =	vst v63  }
0x76: {  	_ =	swait.ge [sflag:s31], $0x4000  }
0x77: {  	[sflag:s31] =	ssyncset.done $0x0  }
0x78: {  	[sflag:s31] =	ssyncadd.s32 $0xFFFFC000  }
0x79: {  	[spmem:s2] =	stream.indirect.scatter.add.f32 [tilespmem:s26], [sflag:$0x4], $0x80, s15, s22, $0xb8;
	[tilespmem:$0x1C800] =	vst v63  }
0x7a: {  	_ =	swait.ge [sflag:s0], $0x4000  }
0x7b: {  	[sflag:s0] =	ssyncset.done $0x0  }
0x7c: {  	[sflag:s0] =	ssyncadd.s32 $0xFFFFC000  }
0x7d: {  	[tilespmem:s26], [sflag:$0x2] =	stream.indirect.gather [hbm4b:s1+s22], $0x80, s17, s22, $0xb8;
	[tilespmem:$0x1C800] =	vst v63  }
0x7e: {  	_ =	swait.ge [sflag:s28], $0x4000  }
0x7f: {  	[sflag:s28] =	ssyncset.done $0x0  }
0x80: {  	[sflag:s28] =	ssyncadd.s32 $0xFFFFC000  }
0x81: {  	[spmem:s2] =	stream.indirect.scatter.add.f32 [tilespmem:s23], [sflag:$0x3], $0x80, s18, s22, $0xb8;
	[tilespmem:$0x1C800] =	vst v63  }
0x82: {  	_ =	swait.ge [sflag:s31], $0x4000  }
0x83: {  	[sflag:s31] =	ssyncset.done $0x0  }
0x84: {  	[sflag:s31] =	ssyncadd.s32 $0xFFFFC000  }
0x85: {  	[spmem:s2] =	stream.indirect.scatter.add.f32 [tilespmem:s26], [sflag:$0x4], $0x80, s19, s22, $0xb8;
	[tilespmem:$0x1C800] =	vst v63  }
0x86: {  	_ =	swait.ge [sflag:s29], $0x4000  }
0x87: {  	[sflag:s29] =	ssyncset.done $0x0  }
0x88: {  	[sflag:s29] =	ssyncadd.s32 $0xFFFFC000  }
0x89: {  	_ =	swait.ge [sflag:s0], $0x4000  }
0x8a: {  	s5 =	simm.s32 $0x80;
	s8 =	simm.s32 $0x100;
	[sflag:s0] =	ssyncset.done $0x0  }
.LBB2_3:
0x8b: {  	s24 =	sadd.s32 s5, s14  }
0x8c: {  	[sflag:s0] =	ssyncadd.s32 $0xFFFFC000;
	s30 =	smov.u32 s8;
	s20 =	sadd.s32 $0x80, s8  }
0x8d: {  	[tilespmem:s3], [sflag:$0x5] =	stream.linear.gather [hbm4b:s24+s3], $0x400, $0x38;
	[tilespmem:$0x1C800] =	vst v63  }
0x8e: {  	s24 =	simm.s32 $0x480  }
0x8f: {  	p3 =	sne.s32 s8, $0x980;
	_ =	swait.ge [sflag:s16], $0x400  }
0x90: {  	s8 =	sadd.s32 s5, s13;
	[sflag:s16] =	ssyncset.done $0x0  }
0x91: {  	s5 =	smov.u32 s30;
	s30 =	simm.s32 $0x500;
	[sflag:s16] =	ssyncadd.s32 $0xFFFFFC00  }
0x92: {  	[tilespmem:s21], [sflag:$0x5] =	stream.linear.gather [hbm4b:s8+s3], $0x400, $0x38;
	[tilespmem:$0x1C800] =	vst v63  }
0x93: {  	_ =	swait.ge [sflag:s16], $0x400  }
0x94: {  	[sflag:s16] =	ssyncset.done $0x0  }
0x95: {  	[sflag:s16] =	ssyncadd.s32 $0xFFFFFC00  }
0x96: {  	[tilespmem:s23], [sflag:$0x1] =	stream.indirect.gather [hbm4b:s1+s22], $0x80, s21, s22, $0xb8;
	[tilespmem:$0x1C800] =	vst v63  }
0x97: {  	_ = 	snop  }
0x98: {  	[tilespmem:s26], [sflag:$0x2] =	stream.indirect.gather [hbm4b:s1+s22], $0x80, s24, s22, $0xb8;
	[tilespmem:$0x1C800] =	vst v63  }
0x99: {  	_ =	swait.ge [sflag:s28], $0x4000  }
0x9a: {  	[sflag:s28] =	ssyncset.done $0x0  }
0x9b: {  	[sflag:s28] =	ssyncadd.s32 $0xFFFFC000  }
0x9c: {  	[spmem:s2] =	stream.indirect.scatter.add.f32 [tilespmem:s23], [sflag:$0x3], $0x80, s3, s22, $0xb8;
	[tilespmem:$0x1C800] =	vst v63  }
0x9d: {  	_ =	swait.ge [sflag:s29], $0x4000  }
0x9e: {  	[sflag:s29] =	ssyncset.done $0x0  }
0x9f: {  	[sflag:s29] =	ssyncadd.s32 $0xFFFFC000  }
0xa0: {  	[tilespmem:s23], [sflag:$0x1] =	stream.indirect.gather [hbm4b:s1+s22], $0x80, s30, s22, $0xb8;
	[tilespmem:$0x1C800] =	vst v63  }
0xa1: {  	_ =	swait.ge [sflag:s31], $0x4000  }
0xa2: {  	[sflag:s31] =	ssyncset.done $0x0  }
0xa3: {  	[sflag:s31] =	ssyncadd.s32 $0xFFFFC000  }
0xa4: {  	[spmem:s2] =	stream.indirect.scatter.add.f32 [tilespmem:s26], [sflag:$0x4], $0x80, s22, s22, $0xb8;
	[tilespmem:$0x1C800] =	vst v63  }
0xa5: {  	_ =	swait.ge [sflag:s0], $0x4000  }
0xa6: {  	[sflag:s0] =	ssyncset.done $0x0  }
0xa7: {  	[sflag:s0] =	ssyncadd.s32 $0xFFFFC000  }
0xa8: {  	[tilespmem:s26], [sflag:$0x2] =	stream.indirect.gather [hbm4b:s1+s22], $0x80, s25, s22, $0xb8;
	[tilespmem:$0x1C800] =	vst v63  }
0xa9: {  	_ =	swait.ge [sflag:s28], $0x4000  }
0xaa: {  	[sflag:s28] =	ssyncset.done $0x0  }
0xab: {  	[sflag:s28] =	ssyncadd.s32 $0xFFFFC000  }
0xac: {  	[spmem:s2] =	stream.indirect.scatter.add.f32 [tilespmem:s23], [sflag:$0x3], $0x80, s10, s22, $0xb8;
	[tilespmem:$0x1C800] =	vst v63  }
0xad: {  	_ =	swait.ge [sflag:s29], $0x4000  }
0xae: {  	[sflag:s29] =	ssyncset.done $0x0  }
0xaf: {  	[sflag:s29] =	ssyncadd.s32 $0xFFFFC000  }
0xb0: {  	[tilespmem:s23], [sflag:$0x1] =	stream.indirect.gather [hbm4b:s1+s22], $0x80, s11, s22, $0xb8;
	[tilespmem:$0x1C800] =	vst v63  }
0xb1: {  	_ =	swait.ge [sflag:s31], $0x4000  }
0xb2: {  	[sflag:s31] =	ssyncset.done $0x0  }
0xb3: {  	[sflag:s31] =	ssyncadd.s32 $0xFFFFC000  }
0xb4: {  	[spmem:s2] =	stream.indirect.scatter.add.f32 [tilespmem:s26], [sflag:$0x4], $0x80, s6, s22, $0xb8;
	[tilespmem:$0x1C800] =	vst v63  }
0xb5: {  	_ =	swait.ge [sflag:s0], $0x4000  }
0xb6: {  	[sflag:s0] =	ssyncset.done $0x0  }
0xb7: {  	[sflag:s0] =	ssyncadd.s32 $0xFFFFC000  }
0xb8: {  	[tilespmem:s26], [sflag:$0x2] =	stream.indirect.gather [hbm4b:s1+s22], $0x80, s7, s22, $0xb8;
	[tilespmem:$0x1C800] =	vst v63  }
0xb9: {  	_ =	swait.ge [sflag:s28], $0x4000  }
0xba: {  	[sflag:s28] =	ssyncset.done $0x0  }
0xbb: {  	[sflag:s28] =	ssyncadd.s32 $0xFFFFC000  }
0xbc: {  	[spmem:s2] =	stream.indirect.scatter.add.f32 [tilespmem:s23], [sflag:$0x3], $0x80, s9, s22, $0xb8;
	[tilespmem:$0x1C800] =	vst v63  }
0xbd: {  	_ =	swait.ge [sflag:s29], $0x4000  }
0xbe: {  	[sflag:s29] =	ssyncset.done $0x0  }
0xbf: {  	[sflag:s29] =	ssyncadd.s32 $0xFFFFC000  }
0xc0: {  	[tilespmem:s23], [sflag:$0x1] =	stream.indirect.gather [hbm4b:s1+s22], $0x80, s12, s22, $0xb8;
	[tilespmem:$0x1C800] =	vst v63  }
0xc1: {  	_ =	swait.ge [sflag:s31], $0x4000  }
0xc2: {  	[sflag:s31] =	ssyncset.done $0x0  }
0xc3: {  	[sflag:s31] =	ssyncadd.s32 $0xFFFFC000  }
0xc4: {  	[spmem:s2] =	stream.indirect.scatter.add.f32 [tilespmem:s26], [sflag:$0x4], $0x80, s15, s22, $0xb8;
	[tilespmem:$0x1C800] =	vst v63  }
0xc5: {  	_ =	swait.ge [sflag:s0], $0x4000  }
0xc6: {  	[sflag:s0] =	ssyncset.done $0x0  }
0xc7: {  	[sflag:s0] =	ssyncadd.s32 $0xFFFFC000  }
0xc8: {  	[tilespmem:s26], [sflag:$0x2] =	stream.indirect.gather [hbm4b:s1+s22], $0x80, s17, s22, $0xb8;
	[tilespmem:$0x1C800] =	vst v63  }
0xc9: {  	_ =	swait.ge [sflag:s28], $0x4000  }
0xca: {  	[sflag:s28] =	ssyncset.done $0x0  }
0xcb: {  	[sflag:s28] =	ssyncadd.s32 $0xFFFFC000  }
0xcc: {  	[spmem:s2] =	stream.indirect.scatter.add.f32 [tilespmem:s23], [sflag:$0x3], $0x80, s18, s22, $0xb8;
	[tilespmem:$0x1C800] =	vst v63  }
0xcd: {  	_ =	swait.ge [sflag:s31], $0x4000  }
0xce: {  	[sflag:s31] =	ssyncset.done $0x0  }
0xcf: {  	[sflag:s31] =	ssyncadd.s32 $0xFFFFC000  }
0xd0: {  	[spmem:s2] =	stream.indirect.scatter.add.f32 [tilespmem:s26], [sflag:$0x4], $0x80, s19, s22, $0xb8;
	[tilespmem:$0x1C800] =	vst v63  }
.Ltmp3:
0xd1: {  	_ =	swait.ge [sflag:s29], $0x4000;
	(pc) =	sbr.rel @p3 .LBB2_3-.Ltmp3, $4  }
0xd2: {  	[sflag:s29] =	ssyncset.done $0x0  }
0xd3: {  	[sflag:s29] =	ssyncadd.s32 $0xFFFFC000  }
0xd4: {  	_ =	swait.ge [sflag:s0], $0x4000  }
0xd5: {  	s8 =	smov.u32 s20;
	[sflag:s0] =	ssyncset.done $0x0  }
0xd6: {  	s8 =	sadd.s32 s5, s14;
	[sflag:s0] =	ssyncadd.s32 $0xFFFFC000  }
0xd7: {  	[tilespmem:s3], [sflag:$0x5] =	stream.linear.gather [hbm4b:s8+s3], $0x400, $0x38;
	[tilespmem:$0x1C800] =	vst v63  }
0xd8: {  	_ =	swait.ge [sflag:s16], $0x400  }
0xd9: {  	[sflag:s16] =	ssyncset.done $0x0  }
0xda: {  	s8 =	sadd.s32 s5, s13;
	[sflag:s16] =	ssyncadd.s32 $0xFFFFFC00  }
0xdb: {  	[tilespmem:s21], [sflag:$0x5] =	stream.linear.gather [hbm4b:s8+s3], $0x400, $0x38;
	[tilespmem:$0x1C800] =	vst v63  }
0xdc: {  	_ =	swait.ge [sflag:s16], $0x400  }
0xdd: {  	[sflag:s16] =	ssyncset.done $0x0  }
0xde: {  	[sflag:s16] =	ssyncadd.s32 $0xFFFFFC00  }
0xdf: {  	[tilespmem:s23], [sflag:$0x1] =	stream.indirect.gather [hbm4b:s1+s22], $0x80, s21, s22, $0xb8;
	[tilespmem:$0x1C800] =	vst v63  }
0xe0: {  	_ = 	snop  }
0xe1: {  	[tilespmem:s26], [sflag:$0x2] =	stream.indirect.gather [hbm4b:s1+s22], $0x80, s24, s22, $0xb8;
	[tilespmem:$0x1C800] =	vst v63  }
0xe2: {  	_ =	swait.ge [sflag:s28], $0x4000  }
0xe3: {  	[sflag:s28] =	ssyncset.done $0x0  }
0xe4: {  	[sflag:s28] =	ssyncadd.s32 $0xFFFFC000  }
0xe5: {  	[spmem:s2] =	stream.indirect.scatter.add.f32 [tilespmem:s23], [sflag:$0x3], $0x80, s3, s22, $0xb8;
	[tilespmem:$0x1C800] =	vst v63  }
0xe6: {  	_ =	swait.ge [sflag:s29], $0x4000  }
0xe7: {  	[sflag:s29] =	ssyncset.done $0x0  }
0xe8: {  	[sflag:s29] =	ssyncadd.s32 $0xFFFFC000  }
0xe9: {  	[tilespmem:s23], [sflag:$0x1] =	stream.indirect.gather [hbm4b:s1+s22], $0x80, s30, s22, $0xb8;
	[tilespmem:$0x1C800] =	vst v63  }
0xea: {  	_ =	swait.ge [sflag:s31], $0x4000  }
0xeb: {  	[sflag:s31] =	ssyncset.done $0x0  }
0xec: {  	[sflag:s31] =	ssyncadd.s32 $0xFFFFC000  }
0xed: {  	[spmem:s2] =	stream.indirect.scatter.add.f32 [tilespmem:s26], [sflag:$0x4], $0x80, s22, s22, $0xb8;
	[tilespmem:$0x1C800] =	vst v63  }
0xee: {  	_ =	swait.ge [sflag:s0], $0x4000  }
0xef: {  	[sflag:s0] =	ssyncset.done $0x0  }
0xf0: {  	[sflag:s0] =	ssyncadd.s32 $0xFFFFC000  }
0xf1: {  	[tilespmem:s26], [sflag:$0x2] =	stream.indirect.gather [hbm4b:s1+s22], $0x80, s25, s22, $0xb8;
	[tilespmem:$0x1C800] =	vst v63  }
0xf2: {  	_ =	swait.ge [sflag:s28], $0x4000  }
0xf3: {  	[sflag:s28] =	ssyncset.done $0x0  }
0xf4: {  	[sflag:s28] =	ssyncadd.s32 $0xFFFFC000  }
0xf5: {  	[spmem:s2] =	stream.indirect.scatter.add.f32 [tilespmem:s23], [sflag:$0x3], $0x80, s10, s22, $0xb8;
	[tilespmem:$0x1C800] =	vst v63  }
0xf6: {  	_ =	swait.ge [sflag:s29], $0x4000  }
0xf7: {  	[sflag:s29] =	ssyncset.done $0x0  }
0xf8: {  	[sflag:s29] =	ssyncadd.s32 $0xFFFFC000  }
0xf9: {  	[tilespmem:s23], [sflag:$0x1] =	stream.indirect.gather [hbm4b:s1+s22], $0x80, s11, s22, $0xb8;
	[tilespmem:$0x1C800] =	vst v63  }
0xfa: {  	_ =	swait.ge [sflag:s31], $0x4000  }
0xfb: {  	[sflag:s31] =	ssyncset.done $0x0  }
0xfc: {  	[sflag:s31] =	ssyncadd.s32 $0xFFFFC000  }
0xfd: {  	[spmem:s2] =	stream.indirect.scatter.add.f32 [tilespmem:s26], [sflag:$0x4], $0x80, s6, s22, $0xb8;
	[tilespmem:$0x1C800] =	vst v63  }
0xfe: {  	_ =	swait.ge [sflag:s0], $0x4000  }
0xff: {  	[sflag:s0] =	ssyncset.done $0x0  }
0x100: {  	[sflag:s0] =	ssyncadd.s32 $0xFFFFC000  }
0x101: {  	[tilespmem:s26], [sflag:$0x2] =	stream.indirect.gather [hbm4b:s1+s22], $0x80, s7, s22, $0xb8;
	[tilespmem:$0x1C800] =	vst v63  }
0x102: {  	_ =	swait.ge [sflag:s28], $0x4000  }
0x103: {  	[sflag:s28] =	ssyncset.done $0x0  }
0x104: {  	[sflag:s28] =	ssyncadd.s32 $0xFFFFC000  }
0x105: {  	[spmem:s2] =	stream.indirect.scatter.add.f32 [tilespmem:s23], [sflag:$0x3], $0x80, s9, s22, $0xb8;
	[tilespmem:$0x1C800] =	vst v63  }
0x106: {  	_ =	swait.ge [sflag:s29], $0x4000  }
0x107: {  	[sflag:s29] =	ssyncset.done $0x0  }
0x108: {  	[sflag:s29] =	ssyncadd.s32 $0xFFFFC000  }
0x109: {  	[tilespmem:s23], [sflag:$0x1] =	stream.indirect.gather [hbm4b:s1+s22], $0x80, s12, s22, $0xb8;
	[tilespmem:$0x1C800] =	vst v63  }
0x10a: {  	_ =	swait.ge [sflag:s31], $0x4000  }
0x10b: {  	[sflag:s31] =	ssyncset.done $0x0  }
0x10c: {  	[sflag:s31] =	ssyncadd.s32 $0xFFFFC000  }
0x10d: {  	[spmem:s2] =	stream.indirect.scatter.add.f32 [tilespmem:s26], [sflag:$0x4], $0x80, s15, s22, $0xb8;
	[tilespmem:$0x1C800] =	vst v63  }
0x10e: {  	_ =	swait.ge [sflag:s0], $0x4000  }
0x10f: {  	[sflag:s0] =	ssyncset.done $0x0  }
0x110: {  	[sflag:s0] =	ssyncadd.s32 $0xFFFFC000  }
0x111: {  	[tilespmem:s26], [sflag:$0x2] =	stream.indirect.gather [hbm4b:s1+s22], $0x80, s17, s22, $0xb8;
	[tilespmem:$0x1C800] =	vst v63  }
0x112: {  	_ =	swait.ge [sflag:s28], $0x4000  }
0x113: {  	[sflag:s28] =	ssyncset.done $0x0  }
0x114: {  	[sflag:s28] =	ssyncadd.s32 $0xFFFFC000  }
0x115: {  	[spmem:s2] =	stream.indirect.scatter.add.f32 [tilespmem:s23], [sflag:$0x3], $0x80, s18, s22, $0xb8;
	[tilespmem:$0x1C800] =	vst v63  }
0x116: {  	_ =	swait.ge [sflag:s31], $0x4000  }
0x117: {  	[sflag:s31] =	ssyncset.done $0x0  }
0x118: {  	[sflag:s31] =	ssyncadd.s32 $0xFFFFC000  }
0x119: {  	[spmem:s2] =	stream.indirect.scatter.add.f32 [tilespmem:s26], [sflag:$0x4], $0x80, s19, s22, $0xb8;
	[tilespmem:$0x1C800] =	vst v63  }
0x11a: {  	_ =	swait.ge [sflag:s29], $0x4000  }
0x11b: {  	[sflag:s29] =	ssyncset.done $0x0  }
0x11c: {  	[sflag:s29] =	ssyncadd.s32 $0xFFFFC000  }
0x11d: {  	_ =	swait.ge [sflag:s0], $0x4000  }
0x11e: {  	[sflag:s0] =	ssyncset.done $0x0  }
0x11f: {  	[sflag:s0] =	ssyncadd.s32 $0xFFFFC000  }
0x120: {  	[bflag:$0x0] =	sbarrier.arrive $0xFFFF  }
0x121: {  	s20 =	rddreg [dreg:$0x8]  }
0x122: {  	s8 =	rddreg [dreg:$0xa]  }
0x123: {  	s5 =	sshrl.u32 s20, $0x3;
	s20 =	rddreg [dreg:$0x7]  }
0x124: {  	[hbm:s8], [sflag:s20] =	dma.local [spmem:s5], $0x2700  }
.Ltmp4:
0x125: {  	_ = 	snop;
	(pc) =	sbr.rel @!p2 .LBB2_9-.Ltmp4, $4  }
.Ltmp5:
0x126: {  	_ = 	snop;
	(pc) =	sbr.rel @p2 .LBB2_8-.Ltmp5, $4  }
0x127: {  	_ =	swait.ge [sflag:s16], $0x2700  }
0x128: {  	[sflag:s16] =	ssyncset.done $0x0;
	s5 =	rddreg [dreg:$0x5]  }
0x129: {  	s20 =	rddreg [dreg:$0x12];
	[sflag:s16] =	ssyncadd.s32 $0xFFFFD900  }
0x12a: {  	_ = 	snop  }
.LBB2_5:
0x12b: {  	[tilespmem:s3], [sflag:$0x5] =	stream.linear.gather [hbm4b:s5+s3], $0x400, $0x38;
	[tilespmem:$0x1C800] =	vst v63  }
0x12c: {  	_ =	swait.ge [sflag:s16], $0x400  }
0x12d: {  	[sflag:s16] =	ssyncset.done $0x0  }
0x12e: {  	s20 =	sadd.s32 $0x0, s13;
	[sflag:s16] =	ssyncadd.s32 $0xFFFFFC00  }
0x12f: {  	[tilespmem:s21], [sflag:$0x5] =	stream.linear.gather [hbm4b:s20+s3], $0x400, $0x38;
	[tilespmem:$0x1C800] =	vst v63  }
0x130: {  	_ =	swait.ge [sflag:s16], $0x400  }
0x131: {  	[sflag:s16] =	ssyncset.done $0x0  }
0x132: {  	[sflag:s16] =	ssyncadd.s32 $0xFFFFFC00  }
0x133: {  	[tilespmem:s23], [sflag:$0x1] =	stream.indirect.gather [hbm4b:s4+s22], $0x80, s21, s22, $0xb8;
	[tilespmem:$0x1C800] =	vst v63  }
0x134: {  	_ = 	snop  }
0x135: {  	[tilespmem:s26], [sflag:$0x2] =	stream.indirect.gather [hbm4b:s4+s22], $0x80, s24, s22, $0xb8;
	[tilespmem:$0x1C800] =	vst v63  }
0x136: {  	_ =	swait.ge [sflag:s28], $0x4000  }
0x137: {  	[sflag:s28] =	ssyncset.done $0x0  }
0x138: {  	[sflag:s28] =	ssyncadd.s32 $0xFFFFC000  }
0x139: {  	[spmem:s2] =	stream.indirect.scatter.add.f32 [tilespmem:s23], [sflag:$0x3], $0x80, s3, s22, $0xb8;
	[tilespmem:$0x1C800] =	vst v63  }
0x13a: {  	_ =	swait.ge [sflag:s29], $0x4000  }
0x13b: {  	[sflag:s29] =	ssyncset.done $0x0  }
0x13c: {  	[sflag:s29] =	ssyncadd.s32 $0xFFFFC000  }
0x13d: {  	[tilespmem:s23], [sflag:$0x1] =	stream.indirect.gather [hbm4b:s4+s22], $0x80, s30, s22, $0xb8;
	[tilespmem:$0x1C800] =	vst v63  }
0x13e: {  	_ =	swait.ge [sflag:s31], $0x4000  }
0x13f: {  	[sflag:s31] =	ssyncset.done $0x0  }
0x140: {  	[sflag:s31] =	ssyncadd.s32 $0xFFFFC000  }
0x141: {  	[spmem:s2] =	stream.indirect.scatter.add.f32 [tilespmem:s26], [sflag:$0x4], $0x80, s22, s22, $0xb8;
	[tilespmem:$0x1C800] =	vst v63  }
0x142: {  	_ =	swait.ge [sflag:s0], $0x4000  }
0x143: {  	[sflag:s0] =	ssyncset.done $0x0  }
0x144: {  	[sflag:s0] =	ssyncadd.s32 $0xFFFFC000  }
0x145: {  	[tilespmem:s26], [sflag:$0x2] =	stream.indirect.gather [hbm4b:s4+s22], $0x80, s25, s22, $0xb8;
	[tilespmem:$0x1C800] =	vst v63  }
0x146: {  	_ =	swait.ge [sflag:s28], $0x4000  }
0x147: {  	[sflag:s28] =	ssyncset.done $0x0  }
0x148: {  	[sflag:s28] =	ssyncadd.s32 $0xFFFFC000  }
0x149: {  	[spmem:s2] =	stream.indirect.scatter.add.f32 [tilespmem:s23], [sflag:$0x3], $0x80, s10, s22, $0xb8;
	[tilespmem:$0x1C800] =	vst v63  }
0x14a: {  	_ =	swait.ge [sflag:s29], $0x4000  }
0x14b: {  	[sflag:s29] =	ssyncset.done $0x0  }
0x14c: {  	[sflag:s29] =	ssyncadd.s32 $0xFFFFC000  }
0x14d: {  	[tilespmem:s23], [sflag:$0x1] =	stream.indirect.gather [hbm4b:s4+s22], $0x80, s11, s22, $0xb8;
	[tilespmem:$0x1C800] =	vst v63  }
0x14e: {  	_ =	swait.ge [sflag:s31], $0x4000  }
0x14f: {  	[sflag:s31] =	ssyncset.done $0x0  }
0x150: {  	[sflag:s31] =	ssyncadd.s32 $0xFFFFC000  }
0x151: {  	[spmem:s2] =	stream.indirect.scatter.add.f32 [tilespmem:s26], [sflag:$0x4], $0x80, s6, s22, $0xb8;
	[tilespmem:$0x1C800] =	vst v63  }
0x152: {  	_ =	swait.ge [sflag:s0], $0x4000  }
0x153: {  	[sflag:s0] =	ssyncset.done $0x0  }
0x154: {  	[sflag:s0] =	ssyncadd.s32 $0xFFFFC000  }
0x155: {  	[tilespmem:s26], [sflag:$0x2] =	stream.indirect.gather [hbm4b:s4+s22], $0x80, s7, s22, $0xb8;
	[tilespmem:$0x1C800] =	vst v63  }
0x156: {  	_ =	swait.ge [sflag:s28], $0x4000  }
0x157: {  	[sflag:s28] =	ssyncset.done $0x0  }
0x158: {  	[sflag:s28] =	ssyncadd.s32 $0xFFFFC000  }
0x159: {  	[spmem:s2] =	stream.indirect.scatter.add.f32 [tilespmem:s23], [sflag:$0x3], $0x80, s9, s22, $0xb8;
	[tilespmem:$0x1C800] =	vst v63  }
0x15a: {  	_ =	swait.ge [sflag:s29], $0x4000  }
0x15b: {  	[sflag:s29] =	ssyncset.done $0x0  }
0x15c: {  	[sflag:s29] =	ssyncadd.s32 $0xFFFFC000  }
0x15d: {  	[tilespmem:s23], [sflag:$0x1] =	stream.indirect.gather [hbm4b:s4+s22], $0x80, s12, s22, $0xb8;
	[tilespmem:$0x1C800] =	vst v63  }
0x15e: {  	_ =	swait.ge [sflag:s31], $0x4000  }
0x15f: {  	[sflag:s31] =	ssyncset.done $0x0  }
0x160: {  	[sflag:s31] =	ssyncadd.s32 $0xFFFFC000  }
0x161: {  	[spmem:s2] =	stream.indirect.scatter.add.f32 [tilespmem:s26], [sflag:$0x4], $0x80, s15, s22, $0xb8;
	[tilespmem:$0x1C800] =	vst v63  }
0x162: {  	_ =	swait.ge [sflag:s0], $0x4000  }
0x163: {  	[sflag:s0] =	ssyncset.done $0x0  }
0x164: {  	[sflag:s0] =	ssyncadd.s32 $0xFFFFC000  }
0x165: {  	[tilespmem:s26], [sflag:$0x2] =	stream.indirect.gather [hbm4b:s4+s22], $0x80, s17, s22, $0xb8;
	[tilespmem:$0x1C800] =	vst v63  }
0x166: {  	_ =	swait.ge [sflag:s28], $0x4000  }
0x167: {  	[sflag:s28] =	ssyncset.done $0x0  }
0x168: {  	[sflag:s28] =	ssyncadd.s32 $0xFFFFC000  }
0x169: {  	[spmem:s2] =	stream.indirect.scatter.add.f32 [tilespmem:s23], [sflag:$0x3], $0x80, s18, s22, $0xb8;
	[tilespmem:$0x1C800] =	vst v63  }
0x16a: {  	_ =	swait.ge [sflag:s31], $0x4000  }
0x16b: {  	[sflag:s31] =	ssyncset.done $0x0  }
0x16c: {  	[sflag:s31] =	ssyncadd.s32 $0xFFFFC000  }
0x16d: {  	[spmem:s2] =	stream.indirect.scatter.add.f32 [tilespmem:s26], [sflag:$0x4], $0x80, s19, s22, $0xb8;
	[tilespmem:$0x1C800] =	vst v63  }
0x16e: {  	_ =	swait.ge [sflag:s29], $0x4000  }
0x16f: {  	[sflag:s29] =	ssyncset.done $0x0  }
0x170: {  	[sflag:s29] =	ssyncadd.s32 $0xFFFFC000  }
0x171: {  	_ =	swait.ge [sflag:s0], $0x4000  }
0x172: {  	s5 =	simm.s32 $0x80;
	s20 =	simm.s32 $0x100;
	[sflag:s0] =	ssyncset.done $0x0  }
.LBB2_6:
0x173: {  	s24 =	sadd.s32 s5, s14  }
0x174: {  	[sflag:s0] =	ssyncadd.s32 $0xFFFFC000;
	s30 =	smov.u32 s20;
	s8 =	sadd.s32 $0x80, s20  }
0x175: {  	[tilespmem:s3], [sflag:$0x5] =	stream.linear.gather [hbm4b:s24+s3], $0x400, $0x38;
	[tilespmem:$0x1C800] =	vst v63  }
0x176: {  	s24 =	simm.s32 $0x480  }
0x177: {  	p3 =	sne.s32 s20, $0x980;
	_ =	swait.ge [sflag:s16], $0x400  }
0x178: {  	s20 =	sadd.s32 s5, s13;
	[sflag:s16] =	ssyncset.done $0x0  }
0x179: {  	s5 =	smov.u32 s30;
	s30 =	simm.s32 $0x500;
	[sflag:s16] =	ssyncadd.s32 $0xFFFFFC00  }
0x17a: {  	[tilespmem:s21], [sflag:$0x5] =	stream.linear.gather [hbm4b:s20+s3], $0x400, $0x38;
	[tilespmem:$0x1C800] =	vst v63  }
0x17b: {  	_ =	swait.ge [sflag:s16], $0x400  }
0x17c: {  	[sflag:s16] =	ssyncset.done $0x0  }
0x17d: {  	[sflag:s16] =	ssyncadd.s32 $0xFFFFFC00  }
0x17e: {  	[tilespmem:s23], [sflag:$0x1] =	stream.indirect.gather [hbm4b:s4+s22], $0x80, s21, s22, $0xb8;
	[tilespmem:$0x1C800] =	vst v63  }
0x17f: {  	_ = 	snop  }
0x180: {  	[tilespmem:s26], [sflag:$0x2] =	stream.indirect.gather [hbm4b:s4+s22], $0x80, s24, s22, $0xb8;
	[tilespmem:$0x1C800] =	vst v63  }
0x181: {  	_ =	swait.ge [sflag:s28], $0x4000  }
0x182: {  	[sflag:s28] =	ssyncset.done $0x0  }
0x183: {  	[sflag:s28] =	ssyncadd.s32 $0xFFFFC000  }
0x184: {  	[spmem:s2] =	stream.indirect.scatter.add.f32 [tilespmem:s23], [sflag:$0x3], $0x80, s3, s22, $0xb8;
	[tilespmem:$0x1C800] =	vst v63  }
0x185: {  	_ =	swait.ge [sflag:s29], $0x4000  }
0x186: {  	[sflag:s29] =	ssyncset.done $0x0  }
0x187: {  	[sflag:s29] =	ssyncadd.s32 $0xFFFFC000  }
0x188: {  	[tilespmem:s23], [sflag:$0x1] =	stream.indirect.gather [hbm4b:s4+s22], $0x80, s30, s22, $0xb8;
	[tilespmem:$0x1C800] =	vst v63  }
0x189: {  	_ =	swait.ge [sflag:s31], $0x4000  }
0x18a: {  	[sflag:s31] =	ssyncset.done $0x0  }
0x18b: {  	[sflag:s31] =	ssyncadd.s32 $0xFFFFC000  }
0x18c: {  	[spmem:s2] =	stream.indirect.scatter.add.f32 [tilespmem:s26], [sflag:$0x4], $0x80, s22, s22, $0xb8;
	[tilespmem:$0x1C800] =	vst v63  }
0x18d: {  	_ =	swait.ge [sflag:s0], $0x4000  }
0x18e: {  	[sflag:s0] =	ssyncset.done $0x0  }
0x18f: {  	[sflag:s0] =	ssyncadd.s32 $0xFFFFC000  }
0x190: {  	[tilespmem:s26], [sflag:$0x2] =	stream.indirect.gather [hbm4b:s4+s22], $0x80, s25, s22, $0xb8;
	[tilespmem:$0x1C800] =	vst v63  }
0x191: {  	_ =	swait.ge [sflag:s28], $0x4000  }
0x192: {  	[sflag:s28] =	ssyncset.done $0x0  }
0x193: {  	[sflag:s28] =	ssyncadd.s32 $0xFFFFC000  }
0x194: {  	[spmem:s2] =	stream.indirect.scatter.add.f32 [tilespmem:s23], [sflag:$0x3], $0x80, s10, s22, $0xb8;
	[tilespmem:$0x1C800] =	vst v63  }
0x195: {  	_ =	swait.ge [sflag:s29], $0x4000  }
0x196: {  	[sflag:s29] =	ssyncset.done $0x0  }
0x197: {  	[sflag:s29] =	ssyncadd.s32 $0xFFFFC000  }
0x198: {  	[tilespmem:s23], [sflag:$0x1] =	stream.indirect.gather [hbm4b:s4+s22], $0x80, s11, s22, $0xb8;
	[tilespmem:$0x1C800] =	vst v63  }
0x199: {  	_ =	swait.ge [sflag:s31], $0x4000  }
0x19a: {  	[sflag:s31] =	ssyncset.done $0x0  }
0x19b: {  	[sflag:s31] =	ssyncadd.s32 $0xFFFFC000  }
0x19c: {  	[spmem:s2] =	stream.indirect.scatter.add.f32 [tilespmem:s26], [sflag:$0x4], $0x80, s6, s22, $0xb8;
	[tilespmem:$0x1C800] =	vst v63  }
0x19d: {  	_ =	swait.ge [sflag:s0], $0x4000  }
0x19e: {  	[sflag:s0] =	ssyncset.done $0x0  }
0x19f: {  	[sflag:s0] =	ssyncadd.s32 $0xFFFFC000  }
0x1a0: {  	[tilespmem:s26], [sflag:$0x2] =	stream.indirect.gather [hbm4b:s4+s22], $0x80, s7, s22, $0xb8;
	[tilespmem:$0x1C800] =	vst v63  }
0x1a1: {  	_ =	swait.ge [sflag:s28], $0x4000  }
0x1a2: {  	[sflag:s28] =	ssyncset.done $0x0  }
0x1a3: {  	[sflag:s28] =	ssyncadd.s32 $0xFFFFC000  }
0x1a4: {  	[spmem:s2] =	stream.indirect.scatter.add.f32 [tilespmem:s23], [sflag:$0x3], $0x80, s9, s22, $0xb8;
	[tilespmem:$0x1C800] =	vst v63  }
0x1a5: {  	_ =	swait.ge [sflag:s29], $0x4000  }
0x1a6: {  	[sflag:s29] =	ssyncset.done $0x0  }
0x1a7: {  	[sflag:s29] =	ssyncadd.s32 $0xFFFFC000  }
0x1a8: {  	[tilespmem:s23], [sflag:$0x1] =	stream.indirect.gather [hbm4b:s4+s22], $0x80, s12, s22, $0xb8;
	[tilespmem:$0x1C800] =	vst v63  }
0x1a9: {  	_ =	swait.ge [sflag:s31], $0x4000  }
0x1aa: {  	[sflag:s31] =	ssyncset.done $0x0  }
0x1ab: {  	[sflag:s31] =	ssyncadd.s32 $0xFFFFC000  }
0x1ac: {  	[spmem:s2] =	stream.indirect.scatter.add.f32 [tilespmem:s26], [sflag:$0x4], $0x80, s15, s22, $0xb8;
	[tilespmem:$0x1C800] =	vst v63  }
0x1ad: {  	_ =	swait.ge [sflag:s0], $0x4000  }
0x1ae: {  	[sflag:s0] =	ssyncset.done $0x0  }
0x1af: {  	[sflag:s0] =	ssyncadd.s32 $0xFFFFC000  }
0x1b0: {  	[tilespmem:s26], [sflag:$0x2] =	stream.indirect.gather [hbm4b:s4+s22], $0x80, s17, s22, $0xb8;
	[tilespmem:$0x1C800] =	vst v63  }
0x1b1: {  	_ =	swait.ge [sflag:s28], $0x4000  }
0x1b2: {  	[sflag:s28] =	ssyncset.done $0x0  }
0x1b3: {  	[sflag:s28] =	ssyncadd.s32 $0xFFFFC000  }
0x1b4: {  	[spmem:s2] =	stream.indirect.scatter.add.f32 [tilespmem:s23], [sflag:$0x3], $0x80, s18, s22, $0xb8;
	[tilespmem:$0x1C800] =	vst v63  }
0x1b5: {  	_ =	swait.ge [sflag:s31], $0x4000  }
0x1b6: {  	[sflag:s31] =	ssyncset.done $0x0  }
0x1b7: {  	[sflag:s31] =	ssyncadd.s32 $0xFFFFC000  }
0x1b8: {  	[spmem:s2] =	stream.indirect.scatter.add.f32 [tilespmem:s26], [sflag:$0x4], $0x80, s19, s22, $0xb8;
	[tilespmem:$0x1C800] =	vst v63  }
.Ltmp6:
0x1b9: {  	_ =	swait.ge [sflag:s29], $0x4000;
	(pc) =	sbr.rel @p3 .LBB2_6-.Ltmp6, $4  }
0x1ba: {  	[sflag:s29] =	ssyncset.done $0x0  }
0x1bb: {  	[sflag:s29] =	ssyncadd.s32 $0xFFFFC000  }
0x1bc: {  	_ =	swait.ge [sflag:s0], $0x4000  }
0x1bd: {  	s20 =	smov.u32 s8;
	[sflag:s0] =	ssyncset.done $0x0  }
0x1be: {  	s8 =	sadd.s32 s5, s14;
	[sflag:s0] =	ssyncadd.s32 $0xFFFFC000  }
0x1bf: {  	[tilespmem:s3], [sflag:$0x5] =	stream.linear.gather [hbm4b:s8+s3], $0x400, $0x38;
	[tilespmem:$0x1C800] =	vst v63  }
0x1c0: {  	_ =	swait.ge [sflag:s16], $0x400  }
0x1c1: {  	[sflag:s16] =	ssyncset.done $0x0  }
0x1c2: {  	s8 =	sadd.s32 s5, s13;
	[sflag:s16] =	ssyncadd.s32 $0xFFFFFC00  }
0x1c3: {  	[tilespmem:s21], [sflag:$0x5] =	stream.linear.gather [hbm4b:s8+s3], $0x400, $0x38;
	[tilespmem:$0x1C800] =	vst v63  }
0x1c4: {  	_ =	swait.ge [sflag:s16], $0x400  }
0x1c5: {  	[sflag:s16] =	ssyncset.done $0x0  }
0x1c6: {  	[sflag:s16] =	ssyncadd.s32 $0xFFFFFC00  }
0x1c7: {  	[tilespmem:s23], [sflag:$0x1] =	stream.indirect.gather [hbm4b:s4+s22], $0x80, s21, s22, $0xb8;
	[tilespmem:$0x1C800] =	vst v63  }
0x1c8: {  	_ = 	snop  }
0x1c9: {  	[tilespmem:s26], [sflag:$0x2] =	stream.indirect.gather [hbm4b:s4+s22], $0x80, s24, s22, $0xb8;
	[tilespmem:$0x1C800] =	vst v63  }
0x1ca: {  	_ =	swait.ge [sflag:s28], $0x4000  }
0x1cb: {  	[sflag:s28] =	ssyncset.done $0x0  }
0x1cc: {  	[sflag:s28] =	ssyncadd.s32 $0xFFFFC000  }
0x1cd: {  	[spmem:s2] =	stream.indirect.scatter.add.f32 [tilespmem:s23], [sflag:$0x3], $0x80, s3, s22, $0xb8;
	[tilespmem:$0x1C800] =	vst v63  }
0x1ce: {  	_ =	swait.ge [sflag:s29], $0x4000  }
0x1cf: {  	[sflag:s29] =	ssyncset.done $0x0  }
0x1d0: {  	[sflag:s29] =	ssyncadd.s32 $0xFFFFC000  }
0x1d1: {  	[tilespmem:s23], [sflag:$0x1] =	stream.indirect.gather [hbm4b:s4+s22], $0x80, s30, s22, $0xb8;
	[tilespmem:$0x1C800] =	vst v63  }
0x1d2: {  	_ =	swait.ge [sflag:s31], $0x4000  }
0x1d3: {  	[sflag:s31] =	ssyncset.done $0x0  }
0x1d4: {  	[sflag:s31] =	ssyncadd.s32 $0xFFFFC000  }
0x1d5: {  	[spmem:s2] =	stream.indirect.scatter.add.f32 [tilespmem:s26], [sflag:$0x4], $0x80, s22, s22, $0xb8;
	[tilespmem:$0x1C800] =	vst v63  }
0x1d6: {  	_ =	swait.ge [sflag:s0], $0x4000  }
0x1d7: {  	[sflag:s0] =	ssyncset.done $0x0  }
0x1d8: {  	[sflag:s0] =	ssyncadd.s32 $0xFFFFC000  }
0x1d9: {  	[tilespmem:s26], [sflag:$0x2] =	stream.indirect.gather [hbm4b:s4+s22], $0x80, s25, s22, $0xb8;
	[tilespmem:$0x1C800] =	vst v63  }
0x1da: {  	_ =	swait.ge [sflag:s28], $0x4000  }
0x1db: {  	[sflag:s28] =	ssyncset.done $0x0  }
0x1dc: {  	[sflag:s28] =	ssyncadd.s32 $0xFFFFC000  }
0x1dd: {  	[spmem:s2] =	stream.indirect.scatter.add.f32 [tilespmem:s23], [sflag:$0x3], $0x80, s10, s22, $0xb8;
	[tilespmem:$0x1C800] =	vst v63  }
0x1de: {  	_ =	swait.ge [sflag:s29], $0x4000  }
0x1df: {  	[sflag:s29] =	ssyncset.done $0x0  }
0x1e0: {  	[sflag:s29] =	ssyncadd.s32 $0xFFFFC000  }
0x1e1: {  	[tilespmem:s23], [sflag:$0x1] =	stream.indirect.gather [hbm4b:s4+s22], $0x80, s11, s22, $0xb8;
	[tilespmem:$0x1C800] =	vst v63  }
0x1e2: {  	_ =	swait.ge [sflag:s31], $0x4000  }
0x1e3: {  	[sflag:s31] =	ssyncset.done $0x0  }
0x1e4: {  	[sflag:s31] =	ssyncadd.s32 $0xFFFFC000  }
0x1e5: {  	[spmem:s2] =	stream.indirect.scatter.add.f32 [tilespmem:s26], [sflag:$0x4], $0x80, s6, s22, $0xb8;
	[tilespmem:$0x1C800] =	vst v63  }
0x1e6: {  	_ =	swait.ge [sflag:s0], $0x4000  }
0x1e7: {  	[sflag:s0] =	ssyncset.done $0x0  }
0x1e8: {  	[sflag:s0] =	ssyncadd.s32 $0xFFFFC000  }
0x1e9: {  	[tilespmem:s26], [sflag:$0x2] =	stream.indirect.gather [hbm4b:s4+s22], $0x80, s7, s22, $0xb8;
	[tilespmem:$0x1C800] =	vst v63  }
0x1ea: {  	_ =	swait.ge [sflag:s28], $0x4000  }
0x1eb: {  	[sflag:s28] =	ssyncset.done $0x0  }
0x1ec: {  	[sflag:s28] =	ssyncadd.s32 $0xFFFFC000  }
0x1ed: {  	[spmem:s2] =	stream.indirect.scatter.add.f32 [tilespmem:s23], [sflag:$0x3], $0x80, s9, s22, $0xb8;
	[tilespmem:$0x1C800] =	vst v63  }
0x1ee: {  	_ =	swait.ge [sflag:s29], $0x4000  }
0x1ef: {  	[sflag:s29] =	ssyncset.done $0x0  }
0x1f0: {  	[sflag:s29] =	ssyncadd.s32 $0xFFFFC000  }
0x1f1: {  	[tilespmem:s23], [sflag:$0x1] =	stream.indirect.gather [hbm4b:s4+s22], $0x80, s12, s22, $0xb8;
	[tilespmem:$0x1C800] =	vst v63  }
0x1f2: {  	_ =	swait.ge [sflag:s31], $0x4000  }
0x1f3: {  	[sflag:s31] =	ssyncset.done $0x0  }
0x1f4: {  	[sflag:s31] =	ssyncadd.s32 $0xFFFFC000  }
0x1f5: {  	[spmem:s2] =	stream.indirect.scatter.add.f32 [tilespmem:s26], [sflag:$0x4], $0x80, s15, s22, $0xb8;
	[tilespmem:$0x1C800] =	vst v63  }
0x1f6: {  	_ =	swait.ge [sflag:s0], $0x4000  }
0x1f7: {  	[sflag:s0] =	ssyncset.done $0x0  }
0x1f8: {  	[sflag:s0] =	ssyncadd.s32 $0xFFFFC000  }
0x1f9: {  	[tilespmem:s26], [sflag:$0x2] =	stream.indirect.gather [hbm4b:s4+s22], $0x80, s17, s22, $0xb8;
	[tilespmem:$0x1C800] =	vst v63  }
0x1fa: {  	_ =	swait.ge [sflag:s28], $0x4000  }
0x1fb: {  	[sflag:s28] =	ssyncset.done $0x0  }
0x1fc: {  	[sflag:s28] =	ssyncadd.s32 $0xFFFFC000  }
0x1fd: {  	[spmem:s2] =	stream.indirect.scatter.add.f32 [tilespmem:s23], [sflag:$0x3], $0x80, s18, s22, $0xb8;
	[tilespmem:$0x1C800] =	vst v63  }
0x1fe: {  	_ =	swait.ge [sflag:s31], $0x4000  }
0x1ff: {  	[sflag:s31] =	ssyncset.done $0x0  }
0x200: {  	[sflag:s31] =	ssyncadd.s32 $0xFFFFC000  }
0x201: {  	[spmem:s2] =	stream.indirect.scatter.add.f32 [tilespmem:s26], [sflag:$0x4], $0x80, s19, s22, $0xb8;
	[tilespmem:$0x1C800] =	vst v63  }
0x202: {  	_ =	swait.ge [sflag:s29], $0x4000  }
0x203: {  	[sflag:s29] =	ssyncset.done $0x0  }
0x204: {  	[sflag:s29] =	ssyncadd.s32 $0xFFFFC000  }
0x205: {  	_ =	swait.ge [sflag:s0], $0x4000  }
0x206: {  	[sflag:s0] =	ssyncset.done $0x0  }
0x207: {  	[sflag:s0] =	ssyncadd.s32 $0xFFFFC000  }
0x208: {  	[bflag:$0x0] =	sbarrier.arrive $0xFFFF  }
0x209: {  	s20 =	rddreg [dreg:$0x8]  }
0x20a: {  	s8 =	rddreg [dreg:$0x9]  }
0x20b: {  	s5 =	sshrl.u32 s20, $0x3;
	s20 =	rddreg [dreg:$0x7]  }
0x20c: {  	[hbm:s8], [sflag:s20] =	dma.local [spmem:s5], $0x2700  }
.Ltmp7:
0x20d: {  	_ = 	snop;
	(pc) =	sbr.rel @p1 .LBB2_9-.Ltmp7, $4  }
.Ltmp8:
0x20e: {  	_ = 	snop;
	(pc) =	sbr.rel @!p1 .LBB2_8-.Ltmp8, $4  }
0x20f: {  	_ =	swait.ge [sflag:s16], $0x2700  }
0x210: {  	[sflag:s16] =	ssyncset.done $0x0;
	s5 =	rddreg [dreg:$0x6]  }
0x211: {  	s20 =	rddreg [dreg:$0x12];
	[sflag:s16] =	ssyncadd.s32 $0xFFFFD900  }
0x212: {  	_ = 	snop  }
.LBB2_10:
0x213: {  	_ =	sfence.sel $0x180000  }
0x214: {  	[bflag:$0x0] =	sbarrier.arrive $0xFFFF  }
0x215: {  	_ =	strace $0x90000047  }
0x216: {  	[bflag:$0x2] =	sbarrier.arrive $0xFFFF  }
0x217: {  	s0 =	rddreg [dreg:$0x3]  }
0x218: {  	s0 =	sadd.s32 @!p1 $0x100000, s0  }
0x219: {  	[sflag:s0] =	ssyncadd.tile.s32 @!p1 $0x1;
	_ =	shalt  }
.Lfunc_end2:
_tile_overlayer_lowered:
.L_overlay_start_2:
0x21a: {  	(tag) =	ssettag $0x2  }
0x21b: {  	s0 =	rddreg [dreg:$0x0];
	s2 =	stileid.u32  }
0x21c: {  	s1 =	rddreg [dreg:$0x1];
	p0 =	sne.s32 s2, $0x0  }
0x21d: {  	s3 =	rddreg [dreg:$0x2];
	[bflag:$0x3] =	sbarrier.arrive $0xFFFF;
	s2 =	simm.s32 @!p0 $0x1C05  }
0x21e: {  	[timem:s3], [sflag:s2] =	dma.local @!p0 [hbm:s0], s1  }
0x21f: {  	s0 =	simm.s32 @!p0 $0x5  }
0x220: {  	_ =	swait.ge @!p0 [sflag:s0], s1  }
0x221: {  	s1 =	ssub.s32 @!p0 $0x0, s1;
	[sflag:s0] =	ssyncset.done @!p0 $0x0  }
0x222: {  	[sflag:s0] =	ssyncadd.s32 @!p0 s1  }
0x223: {  	[bflag:$0x3] =	sbarrier.arrive $0xFFFF  }
0x224: {  	_ =	shalt  }

</sc_bundles>
